<compile_context>
chip_gen: v7x
topology: tpu7x:2x2x1
jax: 0.10.2.dev20260603
libtpu: 0.0.44.dev20260713+nightly
codegen_flags: <defaults>
</compile_context>

<pallas_src>
import functools

import jax
import jax.numpy as jnp
import numpy as np
from jax import lax
from jax.experimental import pallas as pl
from jax.experimental.pallas import tpu as pltpu
from jax.experimental.pallas import tpu_sc as plsc

N = 10000
D = 128
E = 320000

NUM_TILES = 16
NUM_WORKERS = 32
EDGES_PER_WORKER = E // NUM_WORKERS
CHUNK = 80
NFULL = EDGES_PER_WORKER // CHUNK
NPAIR = (NFULL - 1) // 2
ROWS_PER_TILE = 624
ZCHUNK = 48
NZ = ROWS_PER_TILE // ZCHUNK
TAIL_ROWS = N - NUM_TILES * ROWS_PER_TILE

_F32 = jnp.float32
_BF16 = jnp.bfloat16

_PERM = np.empty((D,), np.int32)
for _g in range(D // 32):
    for _i in range(16):
        _PERM[32 * _g + _i] = 32 * _g + 2 * _i
        _PERM[32 * _g + 16 + _i] = 32 * _g + 2 * _i + 1



def _hx_body(x_ref, ws_ref, bs_ref, wa_ref, ba_ref, hs_ref, ha_ref):
    xv = x_ref[...].astype(_BF16)
    hs_ref[...] = jnp.tanh(
        jnp.dot(xv, ws_ref[...], preferred_element_type=_F32) + bs_ref[...])
    ha_ref[...] = jnp.tanh(
        jnp.dot(xv, wa_ref[...], preferred_element_type=_F32) + ba_ref[...])


_BN = 2000

_hx_call = pl.pallas_call(
    _hx_body,
    grid=(N // _BN,),
    in_specs=[
        pl.BlockSpec((_BN, D), lambda i: (i, 0)),
        pl.BlockSpec((D, D), lambda i: (0, 0)),
        pl.BlockSpec((1, D), lambda i: (0, 0)),
        pl.BlockSpec((D, D), lambda i: (0, 0)),
        pl.BlockSpec((1, D), lambda i: (0, 0)),
    ],
    out_specs=[
        pl.BlockSpec((_BN, D), lambda i: (i, 0)),
        pl.BlockSpec((_BN, D), lambda i: (i, 0)),
    ],
    out_shape=[
        jax.ShapeDtypeStruct((N, D), _F32),
        jax.ShapeDtypeStruct((N, D), _F32),
    ],
)


def _we_body(f_ref, wu_ref, bu_ref, we_ref, be_ref, wo_ref, bo_ref, o_ref):
    fb = f_ref[...]
    f = jnp.tanh(
        jnp.dot(fb.astype(_BF16), wu_ref[...], preferred_element_type=_F32)
        + bu_ref[...]) + fb
    f16 = f.astype(_BF16)
    ve = jnp.tanh(jnp.dot(f16, we_ref[...], preferred_element_type=_F32)
                  + be_ref[...]).astype(_BF16).astype(_F32)
    vo = jnp.tanh(jnp.dot(f16, wo_ref[...], preferred_element_type=_F32)
                  + bo_ref[...]).astype(_BF16).astype(_F32)
    i32 = jnp.int32
    ebits = jax.lax.shift_right_logical(
        jax.lax.bitcast_convert_type(ve, i32), 16)
    obits = jax.lax.bitcast_convert_type(vo, i32) & jnp.int32(-65536)
    o_ref[...] = obits | ebits


_BE = 5000

_we_call = pl.pallas_call(
    _we_body,
    grid=(E // _BE,),
    in_specs=[
        pl.BlockSpec((_BE, D), lambda i: (i, 0)),
        pl.BlockSpec((D, D), lambda i: (0, 0)),
        pl.BlockSpec((1, D), lambda i: (0, 0)),
        pl.BlockSpec((D, D // 2), lambda i: (0, 0)),
        pl.BlockSpec((1, D // 2), lambda i: (0, 0)),
        pl.BlockSpec((D, D // 2), lambda i: (0, 0)),
        pl.BlockSpec((1, D // 2), lambda i: (0, 0)),
    ],
    out_specs=pl.BlockSpec((_BE, D // 2), lambda i: (i, 0)),
    out_shape=jax.ShapeDtypeStruct((E, D // 2), jnp.int32),
)


def _upd_body(x_ref, zs0_ref, zs1_ref, za0_ref, za1_ref, wg_ref, bg_ref,
              o_ref):
    xv = x_ref[...]
    acc = jnp.dot(xv, wg_ref[0:D, :], preferred_element_type=_F32)
    acc = acc + jnp.dot(zs0_ref[...] + zs1_ref[...], wg_ref[D:2 * D, :],
                        preferred_element_type=_F32)
    acc = acc + jnp.dot(za0_ref[...] + za1_ref[...], wg_ref[2 * D:3 * D, :],
                        preferred_element_type=_F32)
    o_ref[...] = xv + jnp.tanh(acc + bg_ref[...])


_upd_call = pl.pallas_call(
    _upd_body,
    grid=(N // _BN,),
    in_specs=[
        pl.BlockSpec((_BN, D), lambda i: (i, 0)),
        pl.BlockSpec((_BN, D), lambda i: (i, 0)),
        pl.BlockSpec((_BN, D), lambda i: (i, 0)),
        pl.BlockSpec((_BN, D), lambda i: (i, 0)),
        pl.BlockSpec((_BN, D), lambda i: (i, 0)),
        pl.BlockSpec((3 * D, D), lambda i: (0, 0)),
        pl.BlockSpec((1, D), lambda i: (0, 0)),
    ],
    out_specs=pl.BlockSpec((_BN, D), lambda i: (i, 0)),
    out_shape=jax.ShapeDtypeStruct((N, D), _F32),
)



@functools.partial(
    pl.kernel,
    out_type=(
        jax.ShapeDtypeStruct((N, D), _F32),
        jax.ShapeDtypeStruct((N, D), _F32),
    ),
    mesh=plsc.VectorSubcoreMesh(core_axis_name="c", subcore_axis_name="s"),
    scratch_types=[
        pltpu.VMEM((2, CHUNK), jnp.int32),
        pltpu.VMEM((2, CHUNK), jnp.int32),
        pltpu.VMEM((CHUNK, D), _F32),
        pltpu.VMEM((CHUNK, D), _F32),
        pltpu.VMEM((CHUNK, D // 2), jnp.int32),
        pltpu.VMEM((CHUNK, D // 2), jnp.int32),
        pltpu.VMEM((ZCHUNK, D), _F32),
        pltpu.VMEM_SHARED((N, D), _F32),
        pltpu.SemaphoreType.DMA,
        pltpu.SemaphoreType.DMA,
        pltpu.SemaphoreType.DMA,
        pltpu.SemaphoreType.DMA,
        pltpu.SemaphoreType.DMA,
        pltpu.SemaphoreType.DMA,
        pltpu.SemaphoreType.DMA,
        pltpu.SemaphoreType.DMA,
        pltpu.SemaphoreType.DMA,
    ],
)
def _sc_aggregate(hx_hbm, we_hbm, idx_hbm,
                  z0_hbm, z1_hbm, idx0, idx1, hx0, hx1,
                  we0, we1, zbuf, z_sh, gsem0, gsem1,
                  wsem0, wsem1, ssem0, ssem1, isem0, isem1, zwsem):
    c = lax.axis_index("c")
    s = lax.axis_index("s")
    w = c * NUM_TILES + s
    bufs = ((idx0, hx0, we0, gsem0, wsem0, ssem0, isem0),
            (idx1, hx1, we1, gsem1, wsem1, ssem1, isem1))

    zeros16 = jnp.zeros((16,), _F32)

    def _zrow(r, carry):
        for g in range(D // 16):
            zbuf[r, pl.ds(g * 16, 16)] = zeros16
        return carry

    lax.fori_loop(0, ZCHUNK, _zrow, 0)
    for j in range(NZ):
        pltpu.async_copy(
            zbuf, z_sh.at[pl.ds(s * ROWS_PER_TILE + j * ZCHUNK, ZCHUNK)],
            zwsem)

    @pl.when(s == 0)
    def _():
        pltpu.async_copy(zbuf.at[pl.ds(0, TAIL_ROWS)],
                         z_sh.at[pl.ds(NUM_TILES * ROWS_PER_TILE, TAIL_ROWS)],
                         zwsem)

    for j in range(NZ):
        pltpu.make_async_copy(
            zbuf, z_sh.at[pl.ds(s * ROWS_PER_TILE + j * ZCHUNK, ZCHUNK)],
            zwsem).wait()

    @pl.when(s == 0)
    def _():
        pltpu.make_async_copy(
            zbuf.at[pl.ds(0, TAIL_ROWS)],
            z_sh.at[pl.ds(NUM_TILES * ROWS_PER_TILE, TAIL_ROWS)],
            zwsem).wait()

    plsc.subcore_barrier()

    def _base(k):
        return w * EDGES_PER_WORKER + k * CHUNK

    def _start(k, b):
        ib, hxb, web, gsem, wsem, ssem, isem = bufs[b]
        base = _base(k)

        @pl.when(k >= 2)
        def _():
            pltpu.make_async_copy(hxb, z_sh.at[ib.at[1]], ssem).wait()

        pltpu.make_async_copy(
            idx_hbm.at[w * NFULL + k], ib, isem).wait()
        pltpu.async_copy(hx_hbm.at[ib.at[0]], hxb, gsem)
        pltpu.async_copy(we_hbm.at[pl.ds(base, CHUNK)], web, wsem)

    def _finish(k, b):
        ib, hxb, web, gsem, wsem, ssem, isem = bufs[b]
        base = _base(k)
        pltpu.make_async_copy(hx_hbm.at[ib.at[0]], hxb, gsem).wait()
        pltpu.make_async_copy(
            we_hbm.at[pl.ds(base, CHUNK)], web, wsem).wait()

        def _unpk(iv):
            lo = jax.lax.bitcast_convert_type(iv << 16, _F32)
            hi = jax.lax.bitcast_convert_type(iv & jnp.int32(-65536), _F32)
            return lo, hi

        @plsc.parallel_loop(0, CHUNK, unroll=8)
        def _mul(r):
            for g in range(D // 32):
                wa, wb = _unpk(web[r, pl.ds(g * 16, 16)])
                sl_a = pl.ds(g * 32, 16)
                sl_b = pl.ds(g * 32 + 16, 16)
                hxb[r, sl_a] = wa * hxb[r, sl_a]
                hxb[r, sl_b] = wb * hxb[r, sl_b]

        pltpu.async_copy(hxb, z_sh.at[ib.at[1]], ssem, add=True)

        @pl.when(k < NFULL - 2)
        def _():
            pltpu.async_copy(idx_hbm.at[w * NFULL + k + 2], ib, isem)

    pltpu.async_copy(idx_hbm.at[w * NFULL], idx0, isem0)
    pltpu.async_copy(idx_hbm.at[w * NFULL + 1], idx1, isem1)
    _start(0, 0)

    def _pair(i, carry):
        _start(2 * i + 1, 1)
        _finish(2 * i, 0)
        _start(2 * i + 2, 0)
        _finish(2 * i + 1, 1)
        return carry

    lax.fori_loop(0, NPAIR, _pair, 0)
    _finish(NFULL - 1, 0)
    pltpu.make_async_copy(hx1, z_sh.at[idx1.at[1]], ssem1).wait()
    pltpu.make_async_copy(hx0, z_sh.at[idx0.at[1]], ssem0).wait()
    plsc.subcore_barrier()

    def _writeout(z_out):
        sl = pl.ds(s * ROWS_PER_TILE, ROWS_PER_TILE)
        pltpu.sync_copy(z_sh.at[sl], z_out.at[sl])

        @pl.when(s == 0)
        def _():
            sl = pl.ds(NUM_TILES * ROWS_PER_TILE, TAIL_ROWS)
            pltpu.sync_copy(z_sh.at[sl], z_out.at[sl])

    @pl.when(c == 0)
    def _():
        _writeout(z0_hbm)

    @pl.when(c == 1)
    def _():
        _writeout(z1_hbm)



def kernel(x, feat_same, feat_anti, senders_same, receivers_same, senders_anti,
           receivers_anti, W_u_same, b_u_same, W_u_anti, b_u_anti, W_w_same,
           b_w_same, W_w_anti, b_w_anti, W_h_same, b_h_same, W_h_anti,
           b_h_anti, W_g, b_g):
    r = lambda b: b.reshape(1, D)
    i32 = jnp.int32
    perm = jnp.asarray(_PERM)
    W_g_fix = jnp.concatenate(
        [W_g[0:D], W_g[D:2 * D][perm], W_g[2 * D:3 * D][perm]], axis=0)
    bf = lambda a: a.astype(jnp.bfloat16)
    hx_s, hx_a = _hx_call(x, bf(W_h_same[:, perm]), r(b_h_same[perm]),
                          bf(W_h_anti[:, perm]), r(b_h_anti[perm]))
    r2 = lambda b: b.reshape(1, D // 2)
    we_s = _we_call(feat_same, bf(W_u_same), r(b_u_same),
                    bf(W_w_same[:, 0::2]), r2(b_w_same[0::2]),
                    bf(W_w_same[:, 1::2]), r2(b_w_same[1::2]))
    stk = lambda a, b: jnp.stack(
        [a.astype(i32).reshape(E // CHUNK, CHUNK),
         b.astype(i32).reshape(E // CHUNK, CHUNK)], axis=1)
    zs0, zs1 = _sc_aggregate(hx_s, we_s, stk(senders_same, receivers_same))
    we_a = _we_call(feat_anti, bf(W_u_anti), r(b_u_anti),
                    bf(W_w_anti[:, 0::2]), r2(b_w_anti[0::2]),
                    bf(W_w_anti[:, 1::2]), r2(b_w_anti[1::2]))
    za0, za1 = _sc_aggregate(hx_a, we_a, stk(senders_anti, receivers_anti))
    return _upd_call(x, zs0, zs1, za0, za1, W_g_fix, r(b_g))

# --- scband reference (transcript-rebuilt; emitter-appended) ---
"""Pipeline reference for scband-electron-gnnlayer-22600117911703 (READ-ONLY COPY).

The authoritative reference and input builder live on the scoring server;
editing this copy changes nothing except your own understanding.
"""

import jax, jax.numpy as jnp
import numpy as np

N_UP, N_DOWN = 5000, 5000
N = N_UP + N_DOWN
D = 128
E = 320000


def setup_inputs(seed: int = 0) -> dict:
    key = jax.random.key(seed)
    ks = jax.random.split(key, 32)
    inp = {}
    inp['x'] = jax.random.normal(ks[0], (N, D), jnp.float32)
    inp['feat_same'] = jax.random.normal(ks[1], (E, D), jnp.float32)
    inp['feat_anti'] = jax.random.normal(ks[2], (E, D), jnp.float32)
    inp['senders_same'] = jax.random.randint(ks[3], (E,), 0, N)
    inp['receivers_same'] = jax.random.randint(ks[4], (E,), 0, N)
    inp['senders_anti'] = jax.random.randint(ks[5], (E,), 0, N)
    inp['receivers_anti'] = jax.random.randint(ks[6], (E,), 0, N)
    # learned params: per-edge-type subnets u (deep edge features), w (message weights),
    # h (sender-node transform), and node-update subnet g (concatenate rule: 3*D -> D)
    names = ['u_same', 'u_anti', 'w_same', 'w_anti', 'h_same', 'h_anti']
    for i, nm in enumerate(names):
        inp['W_' + nm] = jax.random.normal(ks[7 + 2 * i], (D, D), jnp.float32) / np.sqrt(D)
        inp['b_' + nm] = jnp.zeros((D,), jnp.float32)
    inp['W_g'] = jax.random.normal(ks[20], (3 * D, D), jnp.float32) / np.sqrt(3 * D)
    inp['b_g'] = jnp.zeros((D,), jnp.float32)
    return inp


def reference(x, feat_same, feat_anti, senders_same, receivers_same, senders_anti,
              receivers_anti, W_u_same, b_u_same, W_u_anti, b_u_anti, W_w_same, b_w_same,
              W_w_anti, b_w_anti, W_h_same, b_h_same, W_h_anti, b_h_anti, W_g, b_g):
    # update_edges: deep_features='separate' -> u_typ(features), two_particle_residual add
    f_same = jnp.tanh(feat_same @ W_u_same + b_u_same) + feat_same
    f_anti = jnp.tanh(feat_anti @ W_u_anti + b_u_anti) + feat_anti
    # aggregate_edges_for_nodes: convolution=True -> message = w(edge_feat) * h(sender_emb)[senders]
    we_s = jnp.tanh(f_same @ W_w_same + b_w_same)
    hx_s = jnp.tanh(x @ W_h_same + b_h_same)[senders_same]
    z_same = jax.ops.segment_sum(we_s * hx_s, receivers_same, num_segments=N)
    we_a = jnp.tanh(f_anti @ W_w_anti + b_w_anti)
    hx_a = jnp.tanh(x @ W_h_anti + b_h_anti)[senders_anti]
    z_anti = jax.ops.segment_sum(we_a * hx_a, receivers_anti, num_segments=N)
    # update_nodes: update_features=['residual','edge_same','edge_anti'], rule='concatenate'
    # mean_aggregate_edges=False -> one_or(...)=1, so z is used unscaled
    feats = jnp.concatenate([x, z_same, z_anti], axis=-1)
    x_new = x + jnp.tanh(feats @ W_g + b_g)  # one_particle_residual
    return x_new

if __name__ == "__main__":
    import jax
    _d = setup_inputs()
    print(jax.jit(kernel)(*tuple(_d.values())))

</pallas_src>

<mosaic_0001>
#map = affine_map<(d0, d1) -> (0, 0)>
#map1 = affine_map<(d0, d1) -> (0, 0, 0)>
module attributes {stable_mosaic.version = 14 : i64} {
  func.func @_sc_aggregate(%arg0: i32, %arg1: i32, %arg2: memref<10000x128xf32, #tpu.memory_space<hbm>>, %arg3: memref<320000x64xi32, #tpu.memory_space<hbm>>, %arg4: memref<4000x2x80xi32, #tpu.memory_space<hbm>>, %arg5: memref<10000x128xf32, #tpu.memory_space<hbm>>, %arg6: memref<10000x128xf32, #tpu.memory_space<hbm>>, %arg7: memref<2x80xi32, #tpu.memory_space<vmem>>, %arg8: memref<2x80xi32, #tpu.memory_space<vmem>>, %arg9: memref<80x128xf32, #tpu.memory_space<vmem>>, %arg10: memref<80x128xf32, #tpu.memory_space<vmem>>, %arg11: memref<80x64xi32, #tpu.memory_space<vmem>>, %arg12: memref<80x64xi32, #tpu.memory_space<vmem>>, %arg13: memref<48x128xf32, #tpu.memory_space<vmem>>, %arg14: memref<10000x128xf32, #tpu.memory_space<vmem_shared>>, %arg15: memref<!tpu.dma_semaphore, #tpu.memory_space<semaphore_mem>>, %arg16: memref<!tpu.dma_semaphore, #tpu.memory_space<semaphore_mem>>, %arg17: memref<!tpu.dma_semaphore, #tpu.memory_space<semaphore_mem>>, %arg18: memref<!tpu.dma_semaphore, #tpu.memory_space<semaphore_mem>>, %arg19: memref<!tpu.dma_semaphore, #tpu.memory_space<semaphore_mem>>, %arg20: memref<!tpu.dma_semaphore, #tpu.memory_space<semaphore_mem>>, %arg21: memref<!tpu.dma_semaphore, #tpu.memory_space<semaphore_mem>>, %arg22: memref<!tpu.dma_semaphore, #tpu.memory_space<semaphore_mem>>, %arg23: memref<!tpu.dma_semaphore, #tpu.memory_space<semaphore_mem>>) attributes {dimension_semantics = [#tpu.dimension_semantics<core_parallel>, #tpu.dimension_semantics<subcore_parallel>], iteration_bounds = array<i64: 2, 16>, scalar_prefetch = 0 : i64, scratch_operands = 17 : i64, tpu.core_type = #tpu.core_type<sc_vector_subcore>, window_params = [{transform_indices = #map}, {transform_indices = #map}, {transform_indices = #map1}, {transform_indices = #map}, {transform_indices = #map}]} {
    %mul3A = arith.constant 16 : i32
    %mul3A_0 = arith.muli %arg0, %mul3A : i32
    %add3A = arith.addi %mul3A_0, %arg1 : i32
    %broadcast_in_dim3A = arith.constant 0.000000e+00 : f32
    %broadcast_in_dim3A_1 = vector.broadcast %broadcast_in_dim3A : f32 to vector<16xf32>
    %scan3A = arith.constant 0 : i32
    %scan3A_2 = arith.constant 0 : i32
    %scan3A_3 = arith.constant 48 : i32
    %scan3A_4 = arith.addi %scan3A_2, %scan3A_3 : i32
    %scan3A_5 = arith.constant 1 : i32
    scf.for %scan3A_324 = %scan3A_2 to %scan3A_4 step %scan3A_5  : i32 {
      %swap3A = arith.index_cast %scan3A_324 : i32 to index
      %swap3A_325 = arith.constant 0 : index
      %swap3A_326 = tpu.vector_load %arg13[%swap3A, %swap3A_325] {strides = array<i32>} : memref<48x128xf32, #tpu.memory_space<vmem>>, vector<1x16xf32>,
      %swap3A_327 = vector.shape_cast %swap3A_326 : vector<1x16xf32> to vector<16xf32>
      %swap3A_328 = vector.shape_cast %broadcast_in_dim3A_1 : vector<16xf32> to vector<1x16xf32>
      tpu.vector_store %arg13[%swap3A, %swap3A_325], %swap3A_328 {strides = array<i32>} : memref<48x128xf32, #tpu.memory_space<vmem>>, vector<1x16xf32>,
      %swap3A_329 = arith.index_cast %scan3A_324 : i32 to index
      %swap3A_330 = arith.constant 16 : index
      %swap3A_331 = tpu.vector_load %arg13[%swap3A_329, %swap3A_330] {strides = array<i32>} : memref<48x128xf32, #tpu.memory_space<vmem>>, vector<1x16xf32>,
      %swap3A_332 = vector.shape_cast %swap3A_331 : vector<1x16xf32> to vector<16xf32>
      %swap3A_333 = vector.shape_cast %broadcast_in_dim3A_1 : vector<16xf32> to vector<1x16xf32>
      tpu.vector_store %arg13[%swap3A_329, %swap3A_330], %swap3A_333 {strides = array<i32>} : memref<48x128xf32, #tpu.memory_space<vmem>>, vector<1x16xf32>,
      %swap3A_334 = arith.index_cast %scan3A_324 : i32 to index
      %swap3A_335 = arith.constant 32 : index
      %swap3A_336 = tpu.vector_load %arg13[%swap3A_334, %swap3A_335] {strides = array<i32>} : memref<48x128xf32, #tpu.memory_space<vmem>>, vector<1x16xf32>,
      %swap3A_337 = vector.shape_cast %swap3A_336 : vector<1x16xf32> to vector<16xf32>
      %swap3A_338 = vector.shape_cast %broadcast_in_dim3A_1 : vector<16xf32> to vector<1x16xf32>
      tpu.vector_store %arg13[%swap3A_334, %swap3A_335], %swap3A_338 {strides = array<i32>} : memref<48x128xf32, #tpu.memory_space<vmem>>, vector<1x16xf32>,
      %swap3A_339 = arith.index_cast %scan3A_324 : i32 to index
      %swap3A_340 = arith.constant 48 : index
      %swap3A_341 = tpu.vector_load %arg13[%swap3A_339, %swap3A_340] {strides = array<i32>} : memref<48x128xf32, #tpu.memory_space<vmem>>, vector<1x16xf32>,
      %swap3A_342 = vector.shape_cast %swap3A_341 : vector<1x16xf32> to vector<16xf32>
      %swap3A_343 = vector.shape_cast %broadcast_in_dim3A_1 : vector<16xf32> to vector<1x16xf32>
      tpu.vector_store %arg13[%swap3A_339, %swap3A_340], %swap3A_343 {strides = array<i32>} : memref<48x128xf32, #tpu.memory_space<vmem>>, vector<1x16xf32>,
      %swap3A_344 = arith.index_cast %scan3A_324 : i32 to index
      %swap3A_345 = arith.constant 64 : index
      %swap3A_346 = tpu.vector_load %arg13[%swap3A_344, %swap3A_345] {strides = array<i32>} : memref<48x128xf32, #tpu.memory_space<vmem>>, vector<1x16xf32>,
      %swap3A_347 = vector.shape_cast %swap3A_346 : vector<1x16xf32> to vector<16xf32>
      %swap3A_348 = vector.shape_cast %broadcast_in_dim3A_1 : vector<16xf32> to vector<1x16xf32>
      tpu.vector_store %arg13[%swap3A_344, %swap3A_345], %swap3A_348 {strides = array<i32>} : memref<48x128xf32, #tpu.memory_space<vmem>>, vector<1x16xf32>,
      %swap3A_349 = arith.index_cast %scan3A_324 : i32 to index
      %swap3A_350 = arith.constant 80 : index
      %swap3A_351 = tpu.vector_load %arg13[%swap3A_349, %swap3A_350] {strides = array<i32>} : memref<48x128xf32, #tpu.memory_space<vmem>>, vector<1x16xf32>,
      %swap3A_352 = vector.shape_cast %swap3A_351 : vector<1x16xf32> to vector<16xf32>
      %swap3A_353 = vector.shape_cast %broadcast_in_dim3A_1 : vector<16xf32> to vector<1x16xf32>
      tpu.vector_store %arg13[%swap3A_349, %swap3A_350], %swap3A_353 {strides = array<i32>} : memref<48x128xf32, #tpu.memory_space<vmem>>, vector<1x16xf32>,
      %swap3A_354 = arith.index_cast %scan3A_324 : i32 to index
      %swap3A_355 = arith.constant 96 : index
      %swap3A_356 = tpu.vector_load %arg13[%swap3A_354, %swap3A_355] {strides = array<i32>} : memref<48x128xf32, #tpu.memory_space<vmem>>, vector<1x16xf32>,
      %swap3A_357 = vector.shape_cast %swap3A_356 : vector<1x16xf32> to vector<16xf32>
      %swap3A_358 = vector.shape_cast %broadcast_in_dim3A_1 : vector<16xf32> to vector<1x16xf32>
      tpu.vector_store %arg13[%swap3A_354, %swap3A_355], %swap3A_358 {strides = array<i32>} : memref<48x128xf32, #tpu.memory_space<vmem>>, vector<1x16xf32>,
      %swap3A_359 = arith.index_cast %scan3A_324 : i32 to index
      %swap3A_360 = arith.constant 112 : index
      %swap3A_361 = tpu.vector_load %arg13[%swap3A_359, %swap3A_360] {strides = array<i32>} : memref<48x128xf32, #tpu.memory_space<vmem>>, vector<1x16xf32>,
      %swap3A_362 = vector.shape_cast %swap3A_361 : vector<1x16xf32> to vector<16xf32>
      %swap3A_363 = vector.shape_cast %broadcast_in_dim3A_1 : vector<16xf32> to vector<1x16xf32>
      tpu.vector_store %arg13[%swap3A_359, %swap3A_360], %swap3A_363 {strides = array<i32>} : memref<48x128xf32, #tpu.memory_space<vmem>>, vector<1x16xf32>,
    }
    %scan3A_6 = arith.constant 48 : i32
    %mul3A_7 = arith.constant 624 : i32
    %mul3A_8 = arith.muli %arg1, %mul3A_7 : i32
    %add3A_9 = arith.constant 0 : i32
    %add3A_10 = arith.addi %mul3A_8, %add3A_9 : i32
    %dma_start3A = arith.constant 0 : i32
    %dma_start3A_11 = tpu.memref_slice %arg14[%add3A_10, %dma_start3A] : memref<10000x128xf32, #tpu.memory_space<vmem_shared>> -> memref<48x128xf32, #tpu.memory_space<vmem_shared>>
    %dma_start3A_12 = arith.constant 0 : i32
    %dma_start3A_13 = tpu.memref_slice %arg14[%add3A_10, %dma_start3A_12] : memref<10000x128xf32, #tpu.memory_space<vmem_shared>> -> memref<48x128xf32, #tpu.memory_space<vmem_shared>>
    tpu.enqueue_dma source(%arg13 : memref<48x128xf32, #tpu.memory_space<vmem>>) target(%dma_start3A_13 : memref<48x128xf32, #tpu.memory_space<vmem_shared>>) target_semaphore(%arg23 : memref<!tpu.dma_semaphore, #tpu.memory_space<semaphore_mem>>)
    %mul3A_14 = arith.constant 624 : i32
    %mul3A_15 = arith.muli %arg1, %mul3A_14 : i32
    %add3A_16 = arith.constant 48 : i32
    %add3A_17 = arith.addi %mul3A_15, %add3A_16 : i32
    %dma_start3A_18 = arith.constant 0 : i32
    %dma_start3A_19 = tpu.memref_slice %arg14[%add3A_17, %dma_start3A_18] : memref<10000x128xf32, #tpu.memory_space<vmem_shared>> -> memref<48x128xf32, #tpu.memory_space<vmem_shared>>
    %dma_start3A_20 = arith.constant 0 : i32
    %dma_start3A_21 = tpu.memref_slice %arg14[%add3A_17, %dma_start3A_20] : memref<10000x128xf32, #tpu.memory_space<vmem_shared>> -> memref<48x128xf32, #tpu.memory_space<vmem_shared>>
    tpu.enqueue_dma source(%arg13 : memref<48x128xf32, #tpu.memory_space<vmem>>) target(%dma_start3A_21 : memref<48x128xf32, #tpu.memory_space<vmem_shared>>) target_semaphore(%arg23 : memref<!tpu.dma_semaphore, #tpu.memory_space<semaphore_mem>>)
    %mul3A_22 = arith.constant 624 : i32
    %mul3A_23 = arith.muli %arg1, %mul3A_22 : i32
    %add3A_24 = arith.constant 96 : i32
    %add3A_25 = arith.addi %mul3A_23, %add3A_24 : i32
    %dma_start3A_26 = arith.constant 0 : i32
    %dma_start3A_27 = tpu.memref_slice %arg14[%add3A_25, %dma_start3A_26] : memref<10000x128xf32, #tpu.memory_space<vmem_shared>> -> memref<48x128xf32, #tpu.memory_space<vmem_shared>>
    %dma_start3A_28 = arith.constant 0 : i32
    %dma_start3A_29 = tpu.memref_slice %arg14[%add3A_25, %dma_start3A_28] : memref<10000x128xf32, #tpu.memory_space<vmem_shared>> -> memref<48x128xf32, #tpu.memory_space<vmem_shared>>
    tpu.enqueue_dma source(%arg13 : memref<48x128xf32, #tpu.memory_space<vmem>>) target(%dma_start3A_29 : memref<48x128xf32, #tpu.memory_space<vmem_shared>>) target_semaphore(%arg23 : memref<!tpu.dma_semaphore, #tpu.memory_space<semaphore_mem>>)
    %mul3A_30 = arith.constant 624 : i32
    %mul3A_31 = arith.muli %arg1, %mul3A_30 : i32
    %add3A_32 = arith.constant 144 : i32
    %add3A_33 = arith.addi %mul3A_31, %add3A_32 : i32
    %dma_start3A_34 = arith.constant 0 : i32
    %dma_start3A_35 = tpu.memref_slice %arg14[%add3A_33, %dma_start3A_34] : memref<10000x128xf32, #tpu.memory_space<vmem_shared>> -> memref<48x128xf32, #tpu.memory_space<vmem_shared>>
    %dma_start3A_36 = arith.constant 0 : i32
    %dma_start3A_37 = tpu.memref_slice %arg14[%add3A_33, %dma_start3A_36] : memref<10000x128xf32, #tpu.memory_space<vmem_shared>> -> memref<48x128xf32, #tpu.memory_space<vmem_shared>>
    tpu.enqueue_dma source(%arg13 : memref<48x128xf32, #tpu.memory_space<vmem>>) target(%dma_start3A_37 : memref<48x128xf32, #tpu.memory_space<vmem_shared>>) target_semaphore(%arg23 : memref<!tpu.dma_semaphore, #tpu.memory_space<semaphore_mem>>)
    %mul3A_38 = arith.constant 624 : i32
    %mul3A_39 = arith.muli %arg1, %mul3A_38 : i32
    %add3A_40 = arith.constant 192 : i32
    %add3A_41 = arith.addi %mul3A_39, %add3A_40 : i32
    %dma_start3A_42 = arith.constant 0 : i32
    %dma_start3A_43 = tpu.memref_slice %arg14[%add3A_41, %dma_start3A_42] : memref<10000x128xf32, #tpu.memory_space<vmem_shared>> -> memref<48x128xf32, #tpu.memory_space<vmem_shared>>
    %dma_start3A_44 = arith.constant 0 : i32
    %dma_start3A_45 = tpu.memref_slice %arg14[%add3A_41, %dma_start3A_44] : memref<10000x128xf32, #tpu.memory_space<vmem_shared>> -> memref<48x128xf32, #tpu.memory_space<vmem_shared>>
    tpu.enqueue_dma source(%arg13 : memref<48x128xf32, #tpu.memory_space<vmem>>) target(%dma_start3A_45 : memref<48x128xf32, #tpu.memory_space<vmem_shared>>) target_semaphore(%arg23 : memref<!tpu.dma_semaphore, #tpu.memory_space<semaphore_mem>>)
    %mul3A_46 = arith.constant 624 : i32
    %mul3A_47 = arith.muli %arg1, %mul3A_46 : i32
    %add3A_48 = arith.constant 240 : i32
    %add3A_49 = arith.addi %mul3A_47, %add3A_48 : i32
    %dma_start3A_50 = arith.constant 0 : i32
    %dma_start3A_51 = tpu.memref_slice %arg14[%add3A_49, %dma_start3A_50] : memref<10000x128xf32, #tpu.memory_space<vmem_shared>> -> memref<48x128xf32, #tpu.memory_space<vmem_shared>>
    %dma_start3A_52 = arith.constant 0 : i32
    %dma_start3A_53 = tpu.memref_slice %arg14[%add3A_49, %dma_start3A_52] : memref<10000x128xf32, #tpu.memory_space<vmem_shared>> -> memref<48x128xf32, #tpu.memory_space<vmem_shared>>
    tpu.enqueue_dma source(%arg13 : memref<48x128xf32, #tpu.memory_space<vmem>>) target(%dma_start3A_53 : memref<48x128xf32, #tpu.memory_space<vmem_shared>>) target_semaphore(%arg23 : memref<!tpu.dma_semaphore, #tpu.memory_space<semaphore_mem>>)
    %mul3A_54 = arith.constant 624 : i32
    %mul3A_55 = arith.muli %arg1, %mul3A_54 : i32
    %add3A_56 = arith.constant 288 : i32
    %add3A_57 = arith.addi %mul3A_55, %add3A_56 : i32
    %dma_start3A_58 = arith.constant 0 : i32
    %dma_start3A_59 = tpu.memref_slice %arg14[%add3A_57, %dma_start3A_58] : memref<10000x128xf32, #tpu.memory_space<vmem_shared>> -> memref<48x128xf32, #tpu.memory_space<vmem_shared>>
    %dma_start3A_60 = arith.constant 0 : i32
    %dma_start3A_61 = tpu.memref_slice %arg14[%add3A_57, %dma_start3A_60] : memref<10000x128xf32, #tpu.memory_space<vmem_shared>> -> memref<48x128xf32, #tpu.memory_space<vmem_shared>>
    tpu.enqueue_dma source(%arg13 : memref<48x128xf32, #tpu.memory_space<vmem>>) target(%dma_start3A_61 : memref<48x128xf32, #tpu.memory_space<vmem_shared>>) target_semaphore(%arg23 : memref<!tpu.dma_semaphore, #tpu.memory_space<semaphore_mem>>)
    %mul3A_62 = arith.constant 624 : i32
    %mul3A_63 = arith.muli %arg1, %mul3A_62 : i32
    %add3A_64 = arith.constant 336 : i32
    %add3A_65 = arith.addi %mul3A_63, %add3A_64 : i32
    %dma_start3A_66 = arith.constant 0 : i32
    %dma_start3A_67 = tpu.memref_slice %arg14[%add3A_65, %dma_start3A_66] : memref<10000x128xf32, #tpu.memory_space<vmem_shared>> -> memref<48x128xf32, #tpu.memory_space<vmem_shared>>
    %dma_start3A_68 = arith.constant 0 : i32
    %dma_start3A_69 = tpu.memref_slice %arg14[%add3A_65, %dma_start3A_68] : memref<10000x128xf32, #tpu.memory_space<vmem_shared>> -> memref<48x128xf32, #tpu.memory_space<vmem_shared>>
    tpu.enqueue_dma source(%arg13 : memref<48x128xf32, #tpu.memory_space<vmem>>) target(%dma_start3A_69 : memref<48x128xf32, #tpu.memory_space<vmem_shared>>) target_semaphore(%arg23 : memref<!tpu.dma_semaphore, #tpu.memory_space<semaphore_mem>>)
    %mul3A_70 = arith.constant 624 : i32
    %mul3A_71 = arith.muli %arg1, %mul3A_70 : i32
    %add3A_72 = arith.constant 384 : i32
    %add3A_73 = arith.addi %mul3A_71, %add3A_72 : i32
    %dma_start3A_74 = arith.constant 0 : i32
    %dma_start3A_75 = tpu.memref_slice %arg14[%add3A_73, %dma_start3A_74] : memref<10000x128xf32, #tpu.memory_space<vmem_shared>> -> memref<48x128xf32, #tpu.memory_space<vmem_shared>>
    %dma_start3A_76 = arith.constant 0 : i32
    %dma_start3A_77 = tpu.memref_slice %arg14[%add3A_73, %dma_start3A_76] : memref<10000x128xf32, #tpu.memory_space<vmem_shared>> -> memref<48x128xf32, #tpu.memory_space<vmem_shared>>
    tpu.enqueue_dma source(%arg13 : memref<48x128xf32, #tpu.memory_space<vmem>>) target(%dma_start3A_77 : memref<48x128xf32, #tpu.memory_space<vmem_shared>>) target_semaphore(%arg23 : memref<!tpu.dma_semaphore, #tpu.memory_space<semaphore_mem>>)
    %mul3A_78 = arith.constant 624 : i32
    %mul3A_79 = arith.muli %arg1, %mul3A_78 : i32
    %add3A_80 = arith.constant 432 : i32
    %add3A_81 = arith.addi %mul3A_79, %add3A_80 : i32
    %dma_start3A_82 = arith.constant 0 : i32
    %dma_start3A_83 = tpu.memref_slice %arg14[%add3A_81, %dma_start3A_82] : memref<10000x128xf32, #tpu.memory_space<vmem_shared>> -> memref<48x128xf32, #tpu.memory_space<vmem_shared>>
    %dma_start3A_84 = arith.constant 0 : i32
    %dma_start3A_85 = tpu.memref_slice %arg14[%add3A_81, %dma_start3A_84] : memref<10000x128xf32, #tpu.memory_space<vmem_shared>> -> memref<48x128xf32, #tpu.memory_space<vmem_shared>>
    tpu.enqueue_dma source(%arg13 : memref<48x128xf32, #tpu.memory_space<vmem>>) target(%dma_start3A_85 : memref<48x128xf32, #tpu.memory_space<vmem_shared>>) target_semaphore(%arg23 : memref<!tpu.dma_semaphore, #tpu.memory_space<semaphore_mem>>)
    %mul3A_86 = arith.constant 624 : i32
    %mul3A_87 = arith.muli %arg1, %mul3A_86 : i32
    %add3A_88 = arith.constant 480 : i32
    %add3A_89 = arith.addi %mul3A_87, %add3A_88 : i32
    %dma_start3A_90 = arith.constant 0 : i32
    %dma_start3A_91 = tpu.memref_slice %arg14[%add3A_89, %dma_start3A_90] : memref<10000x128xf32, #tpu.memory_space<vmem_shared>> -> memref<48x128xf32, #tpu.memory_space<vmem_shared>>
    %dma_start3A_92 = arith.constant 0 : i32
    %dma_start3A_93 = tpu.memref_slice %arg14[%add3A_89, %dma_start3A_92] : memref<10000x128xf32, #tpu.memory_space<vmem_shared>> -> memref<48x128xf32, #tpu.memory_space<vmem_shared>>
    tpu.enqueue_dma source(%arg13 : memref<48x128xf32, #tpu.memory_space<vmem>>) target(%dma_start3A_93 : memref<48x128xf32, #tpu.memory_space<vmem_shared>>) target_semaphore(%arg23 : memref<!tpu.dma_semaphore, #tpu.memory_space<semaphore_mem>>)
    %mul3A_94 = arith.constant 624 : i32
    %mul3A_95 = arith.muli %arg1, %mul3A_94 : i32
    %add3A_96 = arith.constant 528 : i32
    %add3A_97 = arith.addi %mul3A_95, %add3A_96 : i32
    %dma_start3A_98 = arith.constant 0 : i32
    %dma_start3A_99 = tpu.memref_slice %arg14[%add3A_97, %dma_start3A_98] : memref<10000x128xf32, #tpu.memory_space<vmem_shared>> -> memref<48x128xf32, #tpu.memory_space<vmem_shared>>
    %dma_start3A_100 = arith.constant 0 : i32
    %dma_start3A_101 = tpu.memref_slice %arg14[%add3A_97, %dma_start3A_100] : memref<10000x128xf32, #tpu.memory_space<vmem_shared>> -> memref<48x128xf32, #tpu.memory_space<vmem_shared>>
    tpu.enqueue_dma source(%arg13 : memref<48x128xf32, #tpu.memory_space<vmem>>) target(%dma_start3A_101 : memref<48x128xf32, #tpu.memory_space<vmem_shared>>) target_semaphore(%arg23 : memref<!tpu.dma_semaphore, #tpu.memory_space<semaphore_mem>>)
    %mul3A_102 = arith.constant 624 : i32
    %mul3A_103 = arith.muli %arg1, %mul3A_102 : i32
    %add3A_104 = arith.constant 576 : i32
    %add3A_105 = arith.addi %mul3A_103, %add3A_104 : i32
    %dma_start3A_106 = arith.constant 0 : i32
    %dma_start3A_107 = tpu.memref_slice %arg14[%add3A_105, %dma_start3A_106] : memref<10000x128xf32, #tpu.memory_space<vmem_shared>> -> memref<48x128xf32, #tpu.memory_space<vmem_shared>>
    %dma_start3A_108 = arith.constant 0 : i32
    %dma_start3A_109 = tpu.memref_slice %arg14[%add3A_105, %dma_start3A_108] : memref<10000x128xf32, #tpu.memory_space<vmem_shared>> -> memref<48x128xf32, #tpu.memory_space<vmem_shared>>
    tpu.enqueue_dma source(%arg13 : memref<48x128xf32, #tpu.memory_space<vmem>>) target(%dma_start3A_109 : memref<48x128xf32, #tpu.memory_space<vmem_shared>>) target_semaphore(%arg23 : memref<!tpu.dma_semaphore, #tpu.memory_space<semaphore_mem>>)
    %eq3A = arith.constant 0 : i32
    %eq3A_110 = arith.cmpi eq, %arg1, %eq3A : i32
    %convert_element_type3A = arith.extui %eq3A_110 : i1 to i32
    %cond3A = arith.constant 0 : i32
    %cond3A_111 = arith.cmpi ne, %convert_element_type3A, %cond3A : i32
    scf.if %cond3A_111 {
      %dma_start3A_324 = arith.constant 0 : i32
      %dma_start3A_325 = arith.constant 0 : i32
      %dma_start3A_326 = tpu.memref_slice %arg13[%dma_start3A_324, %dma_start3A_325] : memref<48x128xf32, #tpu.memory_space<vmem>> -> memref<16x128xf32, #tpu.memory_space<vmem>>
      %dma_start3A_327 = arith.constant 9984 : i32
      %dma_start3A_328 = arith.constant 0 : i32
      %dma_start3A_329 = tpu.memref_slice %arg14[%dma_start3A_327, %dma_start3A_328] : memref<10000x128xf32, #tpu.memory_space<vmem_shared>> -> memref<16x128xf32, #tpu.memory_space<vmem_shared>>
      %dma_start3A_330 = arith.constant 9984 : i32
      %dma_start3A_331 = arith.constant 0 : i32
      %dma_start3A_332 = tpu.memref_slice %arg14[%dma_start3A_330, %dma_start3A_331] : memref<10000x128xf32, #tpu.memory_space<vmem_shared>> -> memref<16x128xf32, #tpu.memory_space<vmem_shared>>
      %dma_start3A_333 = arith.constant 0 : i32
      %dma_start3A_334 = arith.constant 0 : i32
      %dma_start3A_335 = tpu.memref_slice %arg13[%dma_start3A_333, %dma_start3A_334] : memref<48x128xf32, #tpu.memory_space<vmem>> -> memref<16x128xf32, #tpu.memory_space<vmem>>
      tpu.enqueue_dma source(%dma_start3A_335 : memref<16x128xf32, #tpu.memory_space<vmem>>) target(%dma_start3A_332 : memref<16x128xf32, #tpu.memory_space<vmem_shared>>) target_semaphore(%arg23 : memref<!tpu.dma_semaphore, #tpu.memory_space<semaphore_mem>>)
    } else {
    }
    %mul3A_112 = arith.constant 624 : i32
    %mul3A_113 = arith.muli %arg1, %mul3A_112 : i32
    %add3A_114 = arith.constant 0 : i32
    %add3A_115 = arith.addi %mul3A_113, %add3A_114 : i32
    %dma_wait3A = arith.constant 0 : i32
    %dma_wait3A_116 = tpu.memref_slice %arg14[%add3A_115, %dma_wait3A] : memref<10000x128xf32, #tpu.memory_space<vmem_shared>> -> memref<48x128xf32, #tpu.memory_space<vmem_shared>>
    %dma_wait3A_117 = arith.constant 0 : i32
    %dma_wait3A_118 = tpu.memref_slice %arg14[%add3A_115, %dma_wait3A_117] : memref<10000x128xf32, #tpu.memory_space<vmem_shared>> -> memref<48x128xf32, #tpu.memory_space<vmem_shared>>
    tpu.wait_dma2 semaphore(%arg23 : memref<!tpu.dma_semaphore, #tpu.memory_space<semaphore_mem>>) src(%arg13 : memref<48x128xf32, #tpu.memory_space<vmem>>) dst(%dma_wait3A_118 : memref<48x128xf32, #tpu.memory_space<vmem_shared>>)
    %mul3A_119 = arith.constant 624 : i32
    %mul3A_120 = arith.muli %arg1, %mul3A_119 : i32
    %add3A_121 = arith.constant 48 : i32
    %add3A_122 = arith.addi %mul3A_120, %add3A_121 : i32
    %dma_wait3A_123 = arith.constant 0 : i32
    %dma_wait3A_124 = tpu.memref_slice %arg14[%add3A_122, %dma_wait3A_123] : memref<10000x128xf32, #tpu.memory_space<vmem_shared>> -> memref<48x128xf32, #tpu.memory_space<vmem_shared>>
    %dma_wait3A_125 = arith.constant 0 : i32
    %dma_wait3A_126 = tpu.memref_slice %arg14[%add3A_122, %dma_wait3A_125] : memref<10000x128xf32, #tpu.memory_space<vmem_shared>> -> memref<48x128xf32, #tpu.memory_space<vmem_shared>>
    tpu.wait_dma2 semaphore(%arg23 : memref<!tpu.dma_semaphore, #tpu.memory_space<semaphore_mem>>) src(%arg13 : memref<48x128xf32, #tpu.memory_space<vmem>>) dst(%dma_wait3A_126 : memref<48x128xf32, #tpu.memory_space<vmem_shared>>)
    %mul3A_127 = arith.constant 624 : i32
    %mul3A_128 = arith.muli %arg1, %mul3A_127 : i32
    %add3A_129 = arith.constant 96 : i32
    %add3A_130 = arith.addi %mul3A_128, %add3A_129 : i32
    %dma_wait3A_131 = arith.constant 0 : i32
    %dma_wait3A_132 = tpu.memref_slice %arg14[%add3A_130, %dma_wait3A_131] : memref<10000x128xf32, #tpu.memory_space<vmem_shared>> -> memref<48x128xf32, #tpu.memory_space<vmem_shared>>
    %dma_wait3A_133 = arith.constant 0 : i32
    %dma_wait3A_134 = tpu.memref_slice %arg14[%add3A_130, %dma_wait3A_133] : memref<10000x128xf32, #tpu.memory_space<vmem_shared>> -> memref<48x128xf32, #tpu.memory_space<vmem_shared>>
    tpu.wait_dma2 semaphore(%arg23 : memref<!tpu.dma_semaphore, #tpu.memory_space<semaphore_mem>>) src(%arg13 : memref<48x128xf32, #tpu.memory_space<vmem>>) dst(%dma_wait3A_134 : memref<48x128xf32, #tpu.memory_space<vmem_shared>>)
    %mul3A_135 = arith.constant 624 : i32
    %mul3A_136 = arith.muli %arg1, %mul3A_135 : i32
    %add3A_137 = arith.constant 144 : i32
    %add3A_138 = arith.addi %mul3A_136, %add3A_137 : i32
    %dma_wait3A_139 = arith.constant 0 : i32
    %dma_wait3A_140 = tpu.memref_slice %arg14[%add3A_138, %dma_wait3A_139] : memref<10000x128xf32, #tpu.memory_space<vmem_shared>> -> memref<48x128xf32, #tpu.memory_space<vmem_shared>>
    %dma_wait3A_141 = arith.constant 0 : i32
    %dma_wait3A_142 = tpu.memref_slice %arg14[%add3A_138, %dma_wait3A_141] : memref<10000x128xf32, #tpu.memory_space<vmem_shared>> -> memref<48x128xf32, #tpu.memory_space<vmem_shared>>
    tpu.wait_dma2 semaphore(%arg23 : memref<!tpu.dma_semaphore, #tpu.memory_space<semaphore_mem>>) src(%arg13 : memref<48x128xf32, #tpu.memory_space<vmem>>) dst(%dma_wait3A_142 : memref<48x128xf32, #tpu.memory_space<vmem_shared>>)
    %mul3A_143 = arith.constant 624 : i32
    %mul3A_144 = arith.muli %arg1, %mul3A_143 : i32
    %add3A_145 = arith.constant 192 : i32
    %add3A_146 = arith.addi %mul3A_144, %add3A_145 : i32
    %dma_wait3A_147 = arith.constant 0 : i32
    %dma_wait3A_148 = tpu.memref_slice %arg14[%add3A_146, %dma_wait3A_147] : memref<10000x128xf32, #tpu.memory_space<vmem_shared>> -> memref<48x128xf32, #tpu.memory_space<vmem_shared>>
    %dma_wait3A_149 = arith.constant 0 : i32
    %dma_wait3A_150 = tpu.memref_slice %arg14[%add3A_146, %dma_wait3A_149] : memref<10000x128xf32, #tpu.memory_space<vmem_shared>> -> memref<48x128xf32, #tpu.memory_space<vmem_shared>>
    tpu.wait_dma2 semaphore(%arg23 : memref<!tpu.dma_semaphore, #tpu.memory_space<semaphore_mem>>) src(%arg13 : memref<48x128xf32, #tpu.memory_space<vmem>>) dst(%dma_wait3A_150 : memref<48x128xf32, #tpu.memory_space<vmem_shared>>)
    %mul3A_151 = arith.constant 624 : i32
    %mul3A_152 = arith.muli %arg1, %mul3A_151 : i32
    %add3A_153 = arith.constant 240 : i32
    %add3A_154 = arith.addi %mul3A_152, %add3A_153 : i32
    %dma_wait3A_155 = arith.constant 0 : i32
    %dma_wait3A_156 = tpu.memref_slice %arg14[%add3A_154, %dma_wait3A_155] : memref<10000x128xf32, #tpu.memory_space<vmem_shared>> -> memref<48x128xf32, #tpu.memory_space<vmem_shared>>
    %dma_wait3A_157 = arith.constant 0 : i32
    %dma_wait3A_158 = tpu.memref_slice %arg14[%add3A_154, %dma_wait3A_157] : memref<10000x128xf32, #tpu.memory_space<vmem_shared>> -> memref<48x128xf32, #tpu.memory_space<vmem_shared>>
    tpu.wait_dma2 semaphore(%arg23 : memref<!tpu.dma_semaphore, #tpu.memory_space<semaphore_mem>>) src(%arg13 : memref<48x128xf32, #tpu.memory_space<vmem>>) dst(%dma_wait3A_158 : memref<48x128xf32, #tpu.memory_space<vmem_shared>>)
    %mul3A_159 = arith.constant 624 : i32
    %mul3A_160 = arith.muli %arg1, %mul3A_159 : i32
    %add3A_161 = arith.constant 288 : i32
    %add3A_162 = arith.addi %mul3A_160, %add3A_161 : i32
    %dma_wait3A_163 = arith.constant 0 : i32
    %dma_wait3A_164 = tpu.memref_slice %arg14[%add3A_162, %dma_wait3A_163] : memref<10000x128xf32, #tpu.memory_space<vmem_shared>> -> memref<48x128xf32, #tpu.memory_space<vmem_shared>>
    %dma_wait3A_165 = arith.constant 0 : i32
    %dma_wait3A_166 = tpu.memref_slice %arg14[%add3A_162, %dma_wait3A_165] : memref<10000x128xf32, #tpu.memory_space<vmem_shared>> -> memref<48x128xf32, #tpu.memory_space<vmem_shared>>
    tpu.wait_dma2 semaphore(%arg23 : memref<!tpu.dma_semaphore, #tpu.memory_space<semaphore_mem>>) src(%arg13 : memref<48x128xf32, #tpu.memory_space<vmem>>) dst(%dma_wait3A_166 : memref<48x128xf32, #tpu.memory_space<vmem_shared>>)
    %mul3A_167 = arith.constant 624 : i32
    %mul3A_168 = arith.muli %arg1, %mul3A_167 : i32
    %add3A_169 = arith.constant 336 : i32
    %add3A_170 = arith.addi %mul3A_168, %add3A_169 : i32
    %dma_wait3A_171 = arith.constant 0 : i32
    %dma_wait3A_172 = tpu.memref_slice %arg14[%add3A_170, %dma_wait3A_171] : memref<10000x128xf32, #tpu.memory_space<vmem_shared>> -> memref<48x128xf32, #tpu.memory_space<vmem_shared>>
    %dma_wait3A_173 = arith.constant 0 : i32
    %dma_wait3A_174 = tpu.memref_slice %arg14[%add3A_170, %dma_wait3A_173] : memref<10000x128xf32, #tpu.memory_space<vmem_shared>> -> memref<48x128xf32, #tpu.memory_space<vmem_shared>>
    tpu.wait_dma2 semaphore(%arg23 : memref<!tpu.dma_semaphore, #tpu.memory_space<semaphore_mem>>) src(%arg13 : memref<48x128xf32, #tpu.memory_space<vmem>>) dst(%dma_wait3A_174 : memref<48x128xf32, #tpu.memory_space<vmem_shared>>)
    %mul3A_175 = arith.constant 624 : i32
    %mul3A_176 = arith.muli %arg1, %mul3A_175 : i32
    %add3A_177 = arith.constant 384 : i32
    %add3A_178 = arith.addi %mul3A_176, %add3A_177 : i32
    %dma_wait3A_179 = arith.constant 0 : i32
    %dma_wait3A_180 = tpu.memref_slice %arg14[%add3A_178, %dma_wait3A_179] : memref<10000x128xf32, #tpu.memory_space<vmem_shared>> -> memref<48x128xf32, #tpu.memory_space<vmem_shared>>
    %dma_wait3A_181 = arith.constant 0 : i32
    %dma_wait3A_182 = tpu.memref_slice %arg14[%add3A_178, %dma_wait3A_181] : memref<10000x128xf32, #tpu.memory_space<vmem_shared>> -> memref<48x128xf32, #tpu.memory_space<vmem_shared>>
    tpu.wait_dma2 semaphore(%arg23 : memref<!tpu.dma_semaphore, #tpu.memory_space<semaphore_mem>>) src(%arg13 : memref<48x128xf32, #tpu.memory_space<vmem>>) dst(%dma_wait3A_182 : memref<48x128xf32, #tpu.memory_space<vmem_shared>>)
    %mul3A_183 = arith.constant 624 : i32
    %mul3A_184 = arith.muli %arg1, %mul3A_183 : i32
    %add3A_185 = arith.constant 432 : i32
    %add3A_186 = arith.addi %mul3A_184, %add3A_185 : i32
    %dma_wait3A_187 = arith.constant 0 : i32
    %dma_wait3A_188 = tpu.memref_slice %arg14[%add3A_186, %dma_wait3A_187] : memref<10000x128xf32, #tpu.memory_space<vmem_shared>> -> memref<48x128xf32, #tpu.memory_space<vmem_shared>>
    %dma_wait3A_189 = arith.constant 0 : i32
    %dma_wait3A_190 = tpu.memref_slice %arg14[%add3A_186, %dma_wait3A_189] : memref<10000x128xf32, #tpu.memory_space<vmem_shared>> -> memref<48x128xf32, #tpu.memory_space<vmem_shared>>
    tpu.wait_dma2 semaphore(%arg23 : memref<!tpu.dma_semaphore, #tpu.memory_space<semaphore_mem>>) src(%arg13 : memref<48x128xf32, #tpu.memory_space<vmem>>) dst(%dma_wait3A_190 : memref<48x128xf32, #tpu.memory_space<vmem_shared>>)
    %mul3A_191 = arith.constant 624 : i32
    %mul3A_192 = arith.muli %arg1, %mul3A_191 : i32
    %add3A_193 = arith.constant 480 : i32
    %add3A_194 = arith.addi %mul3A_192, %add3A_193 : i32
    %dma_wait3A_195 = arith.constant 0 : i32
    %dma_wait3A_196 = tpu.memref_slice %arg14[%add3A_194, %dma_wait3A_195] : memref<10000x128xf32, #tpu.memory_space<vmem_shared>> -> memref<48x128xf32, #tpu.memory_space<vmem_shared>>
    %dma_wait3A_197 = arith.constant 0 : i32
    %dma_wait3A_198 = tpu.memref_slice %arg14[%add3A_194, %dma_wait3A_197] : memref<10000x128xf32, #tpu.memory_space<vmem_shared>> -> memref<48x128xf32, #tpu.memory_space<vmem_shared>>
    tpu.wait_dma2 semaphore(%arg23 : memref<!tpu.dma_semaphore, #tpu.memory_space<semaphore_mem>>) src(%arg13 : memref<48x128xf32, #tpu.memory_space<vmem>>) dst(%dma_wait3A_198 : memref<48x128xf32, #tpu.memory_space<vmem_shared>>)
    %mul3A_199 = arith.constant 624 : i32
    %mul3A_200 = arith.muli %arg1, %mul3A_199 : i32
    %add3A_201 = arith.constant 528 : i32
    %add3A_202 = arith.addi %mul3A_200, %add3A_201 : i32
    %dma_wait3A_203 = arith.constant 0 : i32
    %dma_wait3A_204 = tpu.memref_slice %arg14[%add3A_202, %dma_wait3A_203] : memref<10000x128xf32, #tpu.memory_space<vmem_shared>> -> memref<48x128xf32, #tpu.memory_space<vmem_shared>>
    %dma_wait3A_205 = arith.constant 0 : i32
    %dma_wait3A_206 = tpu.memref_slice %arg14[%add3A_202, %dma_wait3A_205] : memref<10000x128xf32, #tpu.memory_space<vmem_shared>> -> memref<48x128xf32, #tpu.memory_space<vmem_shared>>
    tpu.wait_dma2 semaphore(%arg23 : memref<!tpu.dma_semaphore, #tpu.memory_space<semaphore_mem>>) src(%arg13 : memref<48x128xf32, #tpu.memory_space<vmem>>) dst(%dma_wait3A_206 : memref<48x128xf32, #tpu.memory_space<vmem_shared>>)
    %mul3A_207 = arith.constant 624 : i32
    %mul3A_208 = arith.muli %arg1, %mul3A_207 : i32
    %add3A_209 = arith.constant 576 : i32
    %add3A_210 = arith.addi %mul3A_208, %add3A_209 : i32
    %dma_wait3A_211 = arith.constant 0 : i32
    %dma_wait3A_212 = tpu.memref_slice %arg14[%add3A_210, %dma_wait3A_211] : memref<10000x128xf32, #tpu.memory_space<vmem_shared>> -> memref<48x128xf32, #tpu.memory_space<vmem_shared>>
    %dma_wait3A_213 = arith.constant 0 : i32
    %dma_wait3A_214 = tpu.memref_slice %arg14[%add3A_210, %dma_wait3A_213] : memref<10000x128xf32, #tpu.memory_space<vmem_shared>> -> memref<48x128xf32, #tpu.memory_space<vmem_shared>>
    tpu.wait_dma2 semaphore(%arg23 : memref<!tpu.dma_semaphore, #tpu.memory_space<semaphore_mem>>) src(%arg13 : memref<48x128xf32, #tpu.memory_space<vmem>>) dst(%dma_wait3A_214 : memref<48x128xf32, #tpu.memory_space<vmem_shared>>)
    %eq3A_215 = arith.constant 0 : i32
    %eq3A_216 = arith.cmpi eq, %arg1, %eq3A_215 : i32
    %convert_element_type3A_217 = arith.extui %eq3A_216 : i1 to i32
    %cond3A_218 = arith.constant 0 : i32
    %cond3A_219 = arith.cmpi ne, %convert_element_type3A_217, %cond3A_218 : i32
    scf.if %cond3A_219 {
      %dma_wait3A_324 = arith.constant 0 : i32
      %dma_wait3A_325 = arith.constant 0 : i32
      %dma_wait3A_326 = tpu.memref_slice %arg13[%dma_wait3A_324, %dma_wait3A_325] : memref<48x128xf32, #tpu.memory_space<vmem>> -> memref<16x128xf32, #tpu.memory_space<vmem>>
      %dma_wait3A_327 = arith.constant 9984 : i32
      %dma_wait3A_328 = arith.constant 0 : i32
      %dma_wait3A_329 = tpu.memref_slice %arg14[%dma_wait3A_327, %dma_wait3A_328] : memref<10000x128xf32, #tpu.memory_space<vmem_shared>> -> memref<16x128xf32, #tpu.memory_space<vmem_shared>>
      %dma_wait3A_330 = arith.constant 9984 : i32
      %dma_wait3A_331 = arith.constant 0 : i32
      %dma_wait3A_332 = tpu.memref_slice %arg14[%dma_wait3A_330, %dma_wait3A_331] : memref<10000x128xf32, #tpu.memory_space<vmem_shared>> -> memref<16x128xf32, #tpu.memory_space<vmem_shared>>
      %dma_wait3A_333 = arith.constant 0 : i32
      %dma_wait3A_334 = arith.constant 0 : i32
      %dma_wait3A_335 = tpu.memref_slice %arg13[%dma_wait3A_333, %dma_wait3A_334] : memref<48x128xf32, #tpu.memory_space<vmem>> -> memref<16x128xf32, #tpu.memory_space<vmem>>
      tpu.wait_dma2 semaphore(%arg23 : memref<!tpu.dma_semaphore, #tpu.memory_space<semaphore_mem>>) src(%dma_wait3A_335 : memref<16x128xf32, #tpu.memory_space<vmem>>) dst(%dma_wait3A_332 : memref<16x128xf32, #tpu.memory_space<vmem_shared>>)
    } else {
    }
    %barrier3A = arith.constant 0 : index
    tpu.barrier barrier_id(%barrier3A)
    %mul3A_220 = arith.constant 125 : i32
    %mul3A_221 = arith.muli %add3A, %mul3A_220 : i32
    %dma_start3A_222 = arith.constant 0 : i32
    %dma_start3A_223 = arith.constant 0 : i32
    %dma_start3A_224 = tpu.memref_slice %arg4[%mul3A_221, %dma_start3A_222, %dma_start3A_223] : memref<4000x2x80xi32, #tpu.memory_space<hbm>> -> memref<1x2x80xi32, #tpu.memory_space<hbm>>
    %dma_start3A_225 = tpu.memref_squeeze %dma_start3A_224 : memref<1x2x80xi32, #tpu.memory_space<hbm>> -> memref<2x80xi32, #tpu.memory_space<hbm>>
    %dma_start3A_226 = arith.constant 0 : i32
    %dma_start3A_227 = arith.constant 0 : i32
    %dma_start3A_228 = tpu.memref_slice %arg4[%mul3A_221, %dma_start3A_226, %dma_start3A_227] : memref<4000x2x80xi32, #tpu.memory_space<hbm>> -> memref<1x2x80xi32, #tpu.memory_space<hbm>>
    %dma_start3A_229 = tpu.memref_squeeze %dma_start3A_228 : memref<1x2x80xi32, #tpu.memory_space<hbm>> -> memref<2x80xi32, #tpu.memory_space<hbm>>
    tpu.enqueue_dma source(%dma_start3A_229 : memref<2x80xi32, #tpu.memory_space<hbm>>) target(%arg7 : memref<2x80xi32, #tpu.memory_space<vmem>>) target_semaphore(%arg21 : memref<!tpu.dma_semaphore, #tpu.memory_space<semaphore_mem>>)
    %mul3A_230 = arith.constant 125 : i32
    %mul3A_231 = arith.muli %add3A, %mul3A_230 : i32
    %add3A_232 = arith.constant 1 : i32
    %add3A_233 = arith.addi %mul3A_231, %add3A_232 : i32
    %dma_start3A_234 = arith.constant 0 : i32
    %dma_start3A_235 = arith.constant 0 : i32
    %dma_start3A_236 = tpu.memref_slice %arg4[%add3A_233, %dma_start3A_234, %dma_start3A_235] : memref<4000x2x80xi32, #tpu.memory_space<hbm>> -> memref<1x2x80xi32, #tpu.memory_space<hbm>>
    %dma_start3A_237 = tpu.memref_squeeze %dma_start3A_236 : memref<1x2x80xi32, #tpu.memory_space<hbm>> -> memref<2x80xi32, #tpu.memory_space<hbm>>
    %dma_start3A_238 = arith.constant 0 : i32
    %dma_start3A_239 = arith.constant 0 : i32
    %dma_start3A_240 = tpu.memref_slice %arg4[%add3A_233, %dma_start3A_238, %dma_start3A_239] : memref<4000x2x80xi32, #tpu.memory_space<hbm>> -> memref<1x2x80xi32, #tpu.memory_space<hbm>>
    %dma_start3A_241 = tpu.memref_squeeze %dma_start3A_240 : memref<1x2x80xi32, #tpu.memory_space<hbm>> -> memref<2x80xi32, #tpu.memory_space<hbm>>
    tpu.enqueue_dma source(%dma_start3A_241 : memref<2x80xi32, #tpu.memory_space<hbm>>) target(%arg8 : memref<2x80xi32, #tpu.memory_space<vmem>>) target_semaphore(%arg22 : memref<!tpu.dma_semaphore, #tpu.memory_space<semaphore_mem>>)
    %mul3A_242 = arith.constant 10000 : i32
    %mul3A_243 = arith.muli %add3A, %mul3A_242 : i32
    %add3A_244 = arith.constant 0 : i32
    %add3A_245 = arith.addi %mul3A_243, %add3A_244 : i32
    %mul3A_246 = arith.constant 125 : i32
    %mul3A_247 = arith.muli %add3A, %mul3A_246 : i32
    %add3A_248 = arith.constant 0 : i32
    %add3A_249 = arith.addi %mul3A_247, %add3A_248 : i32
    %dma_wait3A_250 = arith.constant 0 : i32
    %dma_wait3A_251 = arith.constant 0 : i32
    %dma_wait3A_252 = tpu.memref_slice %arg4[%add3A_249, %dma_wait3A_250, %dma_wait3A_251] : memref<4000x2x80xi32, #tpu.memory_space<hbm>> -> memref<1x2x80xi32, #tpu.memory_space<hbm>>
    %dma_wait3A_253 = tpu.memref_squeeze %dma_wait3A_252 : memref<1x2x80xi32, #tpu.memory_space<hbm>> -> memref<2x80xi32, #tpu.memory_space<hbm>>
    %dma_wait3A_254 = arith.constant 0 : i32
    %dma_wait3A_255 = arith.constant 0 : i32
    %dma_wait3A_256 = tpu.memref_slice %arg4[%add3A_249, %dma_wait3A_254, %dma_wait3A_255] : memref<4000x2x80xi32, #tpu.memory_space<hbm>> -> memref<1x2x80xi32, #tpu.memory_space<hbm>>
    %dma_wait3A_257 = tpu.memref_squeeze %dma_wait3A_256 : memref<1x2x80xi32, #tpu.memory_space<hbm>> -> memref<2x80xi32, #tpu.memory_space<hbm>>
    tpu.wait_dma2 semaphore(%arg21 : memref<!tpu.dma_semaphore, #tpu.memory_space<semaphore_mem>>) src(%dma_wait3A_257 : memref<2x80xi32, #tpu.memory_space<hbm>>) dst(%arg7 : memref<2x80xi32, #tpu.memory_space<vmem>>)
    %dma_start3A_258 = arith.constant 0 : i32
    %dma_start3A_259 = arith.constant 0 : i32
    %dma_start3A_260 = tpu.memref_slice %arg7[%dma_start3A_258, %dma_start3A_259] : memref<2x80xi32, #tpu.memory_space<vmem>> -> memref<1x80xi32, #tpu.memory_space<vmem>>
    %dma_start3A_261 = tpu.memref_squeeze %dma_start3A_260 : memref<1x80xi32, #tpu.memory_space<vmem>> -> memref<80xi32, #tpu.memory_space<vmem>>
    %dma_start3A_262 = arith.constant 0 : i32
    %dma_start3A_263 = arith.constant 0 : i32
    %dma_start3A_264 = tpu.memref_slice %arg2[%dma_start3A_262, %dma_start3A_263] : memref<10000x128xf32, #tpu.memory_space<hbm>> -> memref<10000x128xf32, #tpu.memory_space<hbm>>
    tpu.enqueue_indirect_dma source(%dma_start3A_264 : memref<10000x128xf32, #tpu.memory_space<hbm>>) target(%arg9 : memref<80x128xf32, #tpu.memory_space<vmem>>) offsets(%dma_start3A_261 : memref<80xi32, #tpu.memory_space<vmem>>) semaphore(%arg15 : memref<!tpu.dma_semaphore, #tpu.memory_space<semaphore_mem>>)
    %dma_start3A_265 = arith.constant 0 : i32
    %dma_start3A_266 = tpu.memref_slice %arg3[%add3A_245, %dma_start3A_265] : memref<320000x64xi32, #tpu.memory_space<hbm>> -> memref<80x64xi32, #tpu.memory_space<hbm>>
    %dma_start3A_267 = arith.constant 0 : i32
    %dma_start3A_268 = tpu.memref_slice %arg3[%add3A_245, %dma_start3A_267] : memref<320000x64xi32, #tpu.memory_space<hbm>> -> memref<80x64xi32, #tpu.memory_space<hbm>>
    tpu.enqueue_dma source(%dma_start3A_268 : memref<80x64xi32, #tpu.memory_space<hbm>>) target(%arg11 : memref<80x64xi32, #tpu.memory_space<vmem>>) target_semaphore(%arg17 : memref<!tpu.dma_semaphore, #tpu.memory_space<semaphore_mem>>)
    %scan3A_269 = arith.constant 0 : i32
    %scan3A_270 = arith.constant 0 : i32
    %scan3A_271 = arith.constant 62 : i32
    %scan3A_272 = arith.addi %scan3A_270, %scan3A_271 : i32
    %scan3A_273 = arith.constant 1 : i32
    scf.for %scan3A_324 = %scan3A_270 to %scan3A_272 step %scan3A_273  : i32 {
      %mul3A_325 = arith.constant 2 : i32
      %mul3A_326 = arith.muli %mul3A_325, %scan3A_324 : i32
      %add3A_327 = arith.constant 1 : i32
      %add3A_328 = arith.addi %mul3A_326, %add3A_327 : i32
      %mul3A_329 = arith.constant 10000 : i32
      %mul3A_330 = arith.muli %add3A, %mul3A_329 : i32
      %mul3A_331 = arith.constant 80 : i32
      %mul3A_332 = arith.muli %add3A_328, %mul3A_331 : i32
      %add3A_333 = arith.addi %mul3A_330, %mul3A_332 : i32
      %ge3A = arith.constant 2 : i32
      %ge3A_334 = arith.cmpi sge, %add3A_328, %ge3A : i32
      %convert_element_type3A_335 = arith.extui %ge3A_334 : i1 to i32
      %cond3A_336 = arith.constant 0 : i32
      %cond3A_337 = arith.cmpi ne, %convert_element_type3A_335, %cond3A_336 : i32
      scf.if %cond3A_337 {
        %dma_wait3A_463 = arith.constant 1 : i32
        %dma_wait3A_464 = arith.constant 0 : i32
        %dma_wait3A_465 = tpu.memref_slice %arg8[%dma_wait3A_463, %dma_wait3A_464] : memref<2x80xi32, #tpu.memory_space<vmem>> -> memref<1x80xi32, #tpu.memory_space<vmem>>
        %dma_wait3A_466 = tpu.memref_squeeze %dma_wait3A_465 : memref<1x80xi32, #tpu.memory_space<vmem>> -> memref<80xi32, #tpu.memory_space<vmem>>
        %dma_wait3A_467 = arith.constant 0 : i32
        %dma_wait3A_468 = arith.constant 0 : i32
        %dma_wait3A_469 = tpu.memref_slice %arg14[%dma_wait3A_467, %dma_wait3A_468] : memref<10000x128xf32, #tpu.memory_space<vmem_shared>> -> memref<10000x128xf32, #tpu.memory_space<vmem_shared>>
        tpu.wait_indirect_dma semaphore(%arg20 : memref<!tpu.dma_semaphore, #tpu.memory_space<semaphore_mem>>) src(%arg10 : memref<80x128xf32, #tpu.memory_space<vmem>>) dst(%dma_wait3A_469 : memref<10000x128xf32, #tpu.memory_space<vmem_shared>>)
      } else {
      }
      %mul3A_338 = arith.constant 125 : i32
      %mul3A_339 = arith.muli %add3A, %mul3A_338 : i32
      %add3A_340 = arith.addi %mul3A_339, %add3A_328 : i32
      %dma_wait3A_341 = arith.constant 0 : i32
      %dma_wait3A_342 = arith.constant 0 : i32
      %dma_wait3A_343 = tpu.memref_slice %arg4[%add3A_340, %dma_wait3A_341, %dma_wait3A_342] : memref<4000x2x80xi32, #tpu.memory_space<hbm>> -> memref<1x2x80xi32, #tpu.memory_space<hbm>>
      %dma_wait3A_344 = tpu.memref_squeeze %dma_wait3A_343 : memref<1x2x80xi32, #tpu.memory_space<hbm>> -> memref<2x80xi32, #tpu.memory_space<hbm>>
      %dma_wait3A_345 = arith.constant 0 : i32
      %dma_wait3A_346 = arith.constant 0 : i32
      %dma_wait3A_347 = tpu.memref_slice %arg4[%add3A_340, %dma_wait3A_345, %dma_wait3A_346] : memref<4000x2x80xi32, #tpu.memory_space<hbm>> -> memref<1x2x80xi32, #tpu.memory_space<hbm>>
      %dma_wait3A_348 = tpu.memref_squeeze %dma_wait3A_347 : memref<1x2x80xi32, #tpu.memory_space<hbm>> -> memref<2x80xi32, #tpu.memory_space<hbm>>
      tpu.wait_dma2 semaphore(%arg22 : memref<!tpu.dma_semaphore, #tpu.memory_space<semaphore_mem>>) src(%dma_wait3A_348 : memref<2x80xi32, #tpu.memory_space<hbm>>) dst(%arg8 : memref<2x80xi32, #tpu.memory_space<vmem>>)
      %dma_start3A_349 = arith.constant 0 : i32
      %dma_start3A_350 = arith.constant 0 : i32
      %dma_start3A_351 = tpu.memref_slice %arg8[%dma_start3A_349, %dma_start3A_350] : memref<2x80xi32, #tpu.memory_space<vmem>> -> memref<1x80xi32, #tpu.memory_space<vmem>>
      %dma_start3A_352 = tpu.memref_squeeze %dma_start3A_351 : memref<1x80xi32, #tpu.memory_space<vmem>> -> memref<80xi32, #tpu.memory_space<vmem>>
      %dma_start3A_353 = arith.constant 0 : i32
      %dma_start3A_354 = arith.constant 0 : i32
      %dma_start3A_355 = tpu.memref_slice %arg2[%dma_start3A_353, %dma_start3A_354] : memref<10000x128xf32, #tpu.memory_space<hbm>> -> memref<10000x128xf32, #tpu.memory_space<hbm>>
      tpu.enqueue_indirect_dma source(%dma_start3A_355 : memref<10000x128xf32, #tpu.memory_space<hbm>>) target(%arg10 : memref<80x128xf32, #tpu.memory_space<vmem>>) offsets(%dma_start3A_352 : memref<80xi32, #tpu.memory_space<vmem>>) semaphore(%arg16 : memref<!tpu.dma_semaphore, #tpu.memory_space<semaphore_mem>>)
      %dma_start3A_356 = arith.constant 0 : i32
      %dma_start3A_357 = tpu.memref_slice %arg3[%add3A_333, %dma_start3A_356] : memref<320000x64xi32, #tpu.memory_space<hbm>> -> memref<80x64xi32, #tpu.memory_space<hbm>>
      %dma_start3A_358 = arith.constant 0 : i32
      %dma_start3A_359 = tpu.memref_slice %arg3[%add3A_333, %dma_start3A_358] : memref<320000x64xi32, #tpu.memory_space<hbm>> -> memref<80x64xi32, #tpu.memory_space<hbm>>
      tpu.enqueue_dma source(%dma_start3A_359 : memref<80x64xi32, #tpu.memory_space<hbm>>) target(%arg12 : memref<80x64xi32, #tpu.memory_space<vmem>>) target_semaphore(%arg18 : memref<!tpu.dma_semaphore, #tpu.memory_space<semaphore_mem>>)
      %mul3A_360 = arith.constant 2 : i32
      %mul3A_361 = arith.muli %mul3A_360, %scan3A_324 : i32
      %mul3A_362 = arith.constant 10000 : i32
      %mul3A_363 = arith.muli %add3A, %mul3A_362 : i32
      %mul3A_364 = arith.constant 80 : i32
      %mul3A_365 = arith.muli %mul3A_361, %mul3A_364 : i32
      %add3A_366 = arith.addi %mul3A_363, %mul3A_365 : i32
      %dma_wait3A_367 = arith.constant 0 : i32
      %dma_wait3A_368 = arith.constant 0 : i32
      %dma_wait3A_369 = tpu.memref_slice %arg7[%dma_wait3A_367, %dma_wait3A_368] : memref<2x80xi32, #tpu.memory_space<vmem>> -> memref<1x80xi32, #tpu.memory_space<vmem>>
      %dma_wait3A_370 = tpu.memref_squeeze %dma_wait3A_369 : memref<1x80xi32, #tpu.memory_space<vmem>> -> memref<80xi32, #tpu.memory_space<vmem>>
      %dma_wait3A_371 = arith.constant 0 : i32
      %dma_wait3A_372 = arith.constant 0 : i32
      %dma_wait3A_373 = tpu.memref_slice %arg2[%dma_wait3A_371, %dma_wait3A_372] : memref<10000x128xf32, #tpu.memory_space<hbm>> -> memref<10000x128xf32, #tpu.memory_space<hbm>>
      tpu.wait_indirect_dma semaphore(%arg15 : memref<!tpu.dma_semaphore, #tpu.memory_space<semaphore_mem>>) src(%dma_wait3A_373 : memref<10000x128xf32, #tpu.memory_space<hbm>>) dst(%arg9 : memref<80x128xf32, #tpu.memory_space<vmem>>)
      %dma_wait3A_374 = arith.constant 0 : i32
      %dma_wait3A_375 = tpu.memref_slice %arg3[%add3A_366, %dma_wait3A_374] : memref<320000x64xi32, #tpu.memory_space<hbm>> -> memref<80x64xi32, #tpu.memory_space<hbm>>
      %dma_wait3A_376 = arith.constant 0 : i32
      %dma_wait3A_377 = tpu.memref_slice %arg3[%add3A_366, %dma_wait3A_376] : memref<320000x64xi32, #tpu.memory_space<hbm>> -> memref<80x64xi32, #tpu.memory_space<hbm>>
      tpu.wait_dma2 semaphore(%arg17 : memref<!tpu.dma_semaphore, #tpu.memory_space<semaphore_mem>>) src(%dma_wait3A_377 : memref<80x64xi32, #tpu.memory_space<hbm>>) dst(%arg11 : memref<80x64xi32, #tpu.memory_space<vmem>>)
      %parallel_loop3A_378 = arith.constant 0 : i32
      %parallel_loop3A_379 = arith.constant 80 : i32
      %parallel_loop3A_380 = arith.constant 1 : i32
      scf.for %parallel_loop3A_463 = %parallel_loop3A_378 to %parallel_loop3A_379 step %parallel_loop3A_380  : i32 {
        %parallel_loop3A_464 = arith.index_cast %parallel_loop3A_463 : i32 to index
        %parallel_loop3A_465 = arith.constant 0 : index
        %parallel_loop3A_466 = tpu.vector_load %arg11[%parallel_loop3A_464, %parallel_loop3A_465] {strides = array<i32>} : memref<80x64xi32, #tpu.memory_space<vmem>>, vector<1x16xi32>,
        %parallel_loop3A_467 = vector.shape_cast %parallel_loop3A_466 : vector<1x16xi32> to vector<16xi32>
        %parallel_loop3A_468 = arith.constant 16 : i32
        %parallel_loop3A_469 = vector.broadcast %parallel_loop3A_468 : i32 to vector<16xi32>
        %parallel_loop3A_470 = arith.shli %parallel_loop3A_467, %parallel_loop3A_469 : vector<16xi32>
        %parallel_loop3A_471 = tpu.bitcast %parallel_loop3A_470 : vector<16xi32> -> vector<16xf32>
        %parallel_loop3A_472 = arith.constant -65536 : i32
        %parallel_loop3A_473 = vector.broadcast %parallel_loop3A_472 : i32 to vector<16xi32>
        %parallel_loop3A_474 = arith.andi %parallel_loop3A_467, %parallel_loop3A_473 : vector<16xi32>
        %parallel_loop3A_475 = tpu.bitcast %parallel_loop3A_474 : vector<16xi32> -> vector<16xf32>
        %parallel_loop3A_476 = arith.index_cast %parallel_loop3A_463 : i32 to index
        %parallel_loop3A_477 = arith.constant 0 : index
        %parallel_loop3A_478 = tpu.vector_load %arg9[%parallel_loop3A_476, %parallel_loop3A_477] {strides = array<i32>} : memref<80x128xf32, #tpu.memory_space<vmem>>, vector<1x16xf32>,
        %parallel_loop3A_479 = vector.shape_cast %parallel_loop3A_478 : vector<1x16xf32> to vector<16xf32>
        %parallel_loop3A_480 = arith.mulf %parallel_loop3A_471, %parallel_loop3A_479 : vector<16xf32>
        %parallel_loop3A_481 = arith.index_cast %parallel_loop3A_463 : i32 to index
        %parallel_loop3A_482 = arith.constant 0 : index
        %parallel_loop3A_483 = tpu.vector_load %arg9[%parallel_loop3A_481, %parallel_loop3A_482] {strides = array<i32>} : memref<80x128xf32, #tpu.memory_space<vmem>>, vector<1x16xf32>,
        %parallel_loop3A_484 = vector.shape_cast %parallel_loop3A_483 : vector<1x16xf32> to vector<16xf32>
        %parallel_loop3A_485 = vector.shape_cast %parallel_loop3A_480 : vector<16xf32> to vector<1x16xf32>
        tpu.vector_store %arg9[%parallel_loop3A_481, %parallel_loop3A_482], %parallel_loop3A_485 {strides = array<i32>} : memref<80x128xf32, #tpu.memory_space<vmem>>, vector<1x16xf32>,
        %parallel_loop3A_486 = arith.index_cast %parallel_loop3A_463 : i32 to index
        %parallel_loop3A_487 = arith.constant 16 : index
        %parallel_loop3A_488 = tpu.vector_load %arg9[%parallel_loop3A_486, %parallel_loop3A_487] {strides = array<i32>} : memref<80x128xf32, #tpu.memory_space<vmem>>, vector<1x16xf32>,
        %parallel_loop3A_489 = vector.shape_cast %parallel_loop3A_488 : vector<1x16xf32> to vector<16xf32>
        %parallel_loop3A_490 = arith.mulf %parallel_loop3A_475, %parallel_loop3A_489 : vector<16xf32>
        %parallel_loop3A_491 = arith.index_cast %parallel_loop3A_463 : i32 to index
        %parallel_loop3A_492 = arith.constant 16 : index
        %parallel_loop3A_493 = tpu.vector_load %arg9[%parallel_loop3A_491, %parallel_loop3A_492] {strides = array<i32>} : memref<80x128xf32, #tpu.memory_space<vmem>>, vector<1x16xf32>,
        %parallel_loop3A_494 = vector.shape_cast %parallel_loop3A_493 : vector<1x16xf32> to vector<16xf32>
        %parallel_loop3A_495 = vector.shape_cast %parallel_loop3A_490 : vector<16xf32> to vector<1x16xf32>
        tpu.vector_store %arg9[%parallel_loop3A_491, %parallel_loop3A_492], %parallel_loop3A_495 {strides = array<i32>} : memref<80x128xf32, #tpu.memory_space<vmem>>, vector<1x16xf32>,
        %parallel_loop3A_496 = arith.index_cast %parallel_loop3A_463 : i32 to index
        %parallel_loop3A_497 = arith.constant 16 : index
        %parallel_loop3A_498 = tpu.vector_load %arg11[%parallel_loop3A_496, %parallel_loop3A_497] {strides = array<i32>} : memref<80x64xi32, #tpu.memory_space<vmem>>, vector<1x16xi32>,
        %parallel_loop3A_499 = vector.shape_cast %parallel_loop3A_498 : vector<1x16xi32> to vector<16xi32>
        %parallel_loop3A_500 = arith.constant 16 : i32
        %parallel_loop3A_501 = vector.broadcast %parallel_loop3A_500 : i32 to vector<16xi32>
        %parallel_loop3A_502 = arith.shli %parallel_loop3A_499, %parallel_loop3A_501 : vector<16xi32>
        %parallel_loop3A_503 = tpu.bitcast %parallel_loop3A_502 : vector<16xi32> -> vector<16xf32>
        %parallel_loop3A_504 = arith.constant -65536 : i32
        %parallel_loop3A_505 = vector.broadcast %parallel_loop3A_504 : i32 to vector<16xi32>
        %parallel_loop3A_506 = arith.andi %parallel_loop3A_499, %parallel_loop3A_505 : vector<16xi32>
        %parallel_loop3A_507 = tpu.bitcast %parallel_loop3A_506 : vector<16xi32> -> vector<16xf32>
        %parallel_loop3A_508 = arith.index_cast %parallel_loop3A_463 : i32 to index
        %parallel_loop3A_509 = arith.constant 32 : index
        %parallel_loop3A_510 = tpu.vector_load %arg9[%parallel_loop3A_508, %parallel_loop3A_509] {strides = array<i32>} : memref<80x128xf32, #tpu.memory_space<vmem>>, vector<1x16xf32>,
        %parallel_loop3A_511 = vector.shape_cast %parallel_loop3A_510 : vector<1x16xf32> to vector<16xf32>
        %parallel_loop3A_512 = arith.mulf %parallel_loop3A_503, %parallel_loop3A_511 : vector<16xf32>
        %parallel_loop3A_513 = arith.index_cast %parallel_loop3A_463 : i32 to index
        %parallel_loop3A_514 = arith.constant 32 : index
        %parallel_loop3A_515 = tpu.vector_load %arg9[%parallel_loop3A_513, %parallel_loop3A_514] {strides = array<i32>} : memref<80x128xf32, #tpu.memory_space<vmem>>, vector<1x16xf32>,
        %parallel_loop3A_516 = vector.shape_cast %parallel_loop3A_515 : vector<1x16xf32> to vector<16xf32>
        %parallel_loop3A_517 = vector.shape_cast %parallel_loop3A_512 : vector<16xf32> to vector<1x16xf32>
        tpu.vector_store %arg9[%parallel_loop3A_513, %parallel_loop3A_514], %parallel_loop3A_517 {strides = array<i32>} : memref<80x128xf32, #tpu.memory_space<vmem>>, vector<1x16xf32>,
        %parallel_loop3A_518 = arith.index_cast %parallel_loop3A_463 : i32 to index
        %parallel_loop3A_519 = arith.constant 48 : index
        %parallel_loop3A_520 = tpu.vector_load %arg9[%parallel_loop3A_518, %parallel_loop3A_519] {strides = array<i32>} : memref<80x128xf32, #tpu.memory_space<vmem>>, vector<1x16xf32>,
        %parallel_loop3A_521 = vector.shape_cast %parallel_loop3A_520 : vector<1x16xf32> to vector<16xf32>
        %parallel_loop3A_522 = arith.mulf %parallel_loop3A_507, %parallel_loop3A_521 : vector<16xf32>
        %parallel_loop3A_523 = arith.index_cast %parallel_loop3A_463 : i32 to index
        %parallel_loop3A_524 = arith.constant 48 : index
        %parallel_loop3A_525 = tpu.vector_load %arg9[%parallel_loop3A_523, %parallel_loop3A_524] {strides = array<i32>} : memref<80x128xf32, #tpu.memory_space<vmem>>, vector<1x16xf32>,
        %parallel_loop3A_526 = vector.shape_cast %parallel_loop3A_525 : vector<1x16xf32> to vector<16xf32>
        %parallel_loop3A_527 = vector.shape_cast %parallel_loop3A_522 : vector<16xf32> to vector<1x16xf32>
        tpu.vector_store %arg9[%parallel_loop3A_523, %parallel_loop3A_524], %parallel_loop3A_527 {strides = array<i32>} : memref<80x128xf32, #tpu.memory_space<vmem>>, vector<1x16xf32>,
        %parallel_loop3A_528 = arith.index_cast %parallel_loop3A_463 : i32 to index
        %parallel_loop3A_529 = arith.constant 32 : index
        %parallel_loop3A_530 = tpu.vector_load %arg11[%parallel_loop3A_528, %parallel_loop3A_529] {strides = array<i32>} : memref<80x64xi32, #tpu.memory_space<vmem>>, vector<1x16xi32>,
        %parallel_loop3A_531 = vector.shape_cast %parallel_loop3A_530 : vector<1x16xi32> to vector<16xi32>
        %parallel_loop3A_532 = arith.constant 16 : i32
        %parallel_loop3A_533 = vector.broadcast %parallel_loop3A_532 : i32 to vector<16xi32>
        %parallel_loop3A_534 = arith.shli %parallel_loop3A_531, %parallel_loop3A_533 : vector<16xi32>
        %parallel_loop3A_535 = tpu.bitcast %parallel_loop3A_534 : vector<16xi32> -> vector<16xf32>
        %parallel_loop3A_536 = arith.constant -65536 : i32
        %parallel_loop3A_537 = vector.broadcast %parallel_loop3A_536 : i32 to vector<16xi32>
        %parallel_loop3A_538 = arith.andi %parallel_loop3A_531, %parallel_loop3A_537 : vector<16xi32>
        %parallel_loop3A_539 = tpu.bitcast %parallel_loop3A_538 : vector<16xi32> -> vector<16xf32>
        %parallel_loop3A_540 = arith.index_cast %parallel_loop3A_463 : i32 to index
        %parallel_loop3A_541 = arith.constant 64 : index
        %parallel_loop3A_542 = tpu.vector_load %arg9[%parallel_loop3A_540, %parallel_loop3A_541] {strides = array<i32>} : memref<80x128xf32, #tpu.memory_space<vmem>>, vector<1x16xf32>,
        %parallel_loop3A_543 = vector.shape_cast %parallel_loop3A_542 : vector<1x16xf32> to vector<16xf32>
        %parallel_loop3A_544 = arith.mulf %parallel_loop3A_535, %parallel_loop3A_543 : vector<16xf32>
        %parallel_loop3A_545 = arith.index_cast %parallel_loop3A_463 : i32 to index
        %parallel_loop3A_546 = arith.constant 64 : index
        %parallel_loop3A_547 = tpu.vector_load %arg9[%parallel_loop3A_545, %parallel_loop3A_546] {strides = array<i32>} : memref<80x128xf32, #tpu.memory_space<vmem>>, vector<1x16xf32>,
        %parallel_loop3A_548 = vector.shape_cast %parallel_loop3A_547 : vector<1x16xf32> to vector<16xf32>
        %parallel_loop3A_549 = vector.shape_cast %parallel_loop3A_544 : vector<16xf32> to vector<1x16xf32>
        tpu.vector_store %arg9[%parallel_loop3A_545, %parallel_loop3A_546], %parallel_loop3A_549 {strides = array<i32>} : memref<80x128xf32, #tpu.memory_space<vmem>>, vector<1x16xf32>,
        %parallel_loop3A_550 = arith.index_cast %parallel_loop3A_463 : i32 to index
        %parallel_loop3A_551 = arith.constant 80 : index
        %parallel_loop3A_552 = tpu.vector_load %arg9[%parallel_loop3A_550, %parallel_loop3A_551] {strides = array<i32>} : memref<80x128xf32, #tpu.memory_space<vmem>>, vector<1x16xf32>,
        %parallel_loop3A_553 = vector.shape_cast %parallel_loop3A_552 : vector<1x16xf32> to vector<16xf32>
        %parallel_loop3A_554 = arith.mulf %parallel_loop3A_539, %parallel_loop3A_553 : vector<16xf32>
        %parallel_loop3A_555 = arith.index_cast %parallel_loop3A_463 : i32 to index
        %parallel_loop3A_556 = arith.constant 80 : index
        %parallel_loop3A_557 = tpu.vector_load %arg9[%parallel_loop3A_555, %parallel_loop3A_556] {strides = array<i32>} : memref<80x128xf32, #tpu.memory_space<vmem>>, vector<1x16xf32>,
        %parallel_loop3A_558 = vector.shape_cast %parallel_loop3A_557 : vector<1x16xf32> to vector<16xf32>
        %parallel_loop3A_559 = vector.shape_cast %parallel_loop3A_554 : vector<16xf32> to vector<1x16xf32>
        tpu.vector_store %arg9[%parallel_loop3A_555, %parallel_loop3A_556], %parallel_loop3A_559 {strides = array<i32>} : memref<80x128xf32, #tpu.memory_space<vmem>>, vector<1x16xf32>,
        %parallel_loop3A_560 = arith.index_cast %parallel_loop3A_463 : i32 to index
        %parallel_loop3A_561 = arith.constant 48 : index
        %parallel_loop3A_562 = tpu.vector_load %arg11[%parallel_loop3A_560, %parallel_loop3A_561] {strides = array<i32>} : memref<80x64xi32, #tpu.memory_space<vmem>>, vector<1x16xi32>,
        %parallel_loop3A_563 = vector.shape_cast %parallel_loop3A_562 : vector<1x16xi32> to vector<16xi32>
        %parallel_loop3A_564 = arith.constant 16 : i32
        %parallel_loop3A_565 = vector.broadcast %parallel_loop3A_564 : i32 to vector<16xi32>
        %parallel_loop3A_566 = arith.shli %parallel_loop3A_563, %parallel_loop3A_565 : vector<16xi32>
        %parallel_loop3A_567 = tpu.bitcast %parallel_loop3A_566 : vector<16xi32> -> vector<16xf32>
        %parallel_loop3A_568 = arith.constant -65536 : i32
        %parallel_loop3A_569 = vector.broadcast %parallel_loop3A_568 : i32 to vector<16xi32>
        %parallel_loop3A_570 = arith.andi %parallel_loop3A_563, %parallel_loop3A_569 : vector<16xi32>
        %parallel_loop3A_571 = tpu.bitcast %parallel_loop3A_570 : vector<16xi32> -> vector<16xf32>
        %parallel_loop3A_572 = arith.index_cast %parallel_loop3A_463 : i32 to index
        %parallel_loop3A_573 = arith.constant 96 : index
        %parallel_loop3A_574 = tpu.vector_load %arg9[%parallel_loop3A_572, %parallel_loop3A_573] {strides = array<i32>} : memref<80x128xf32, #tpu.memory_space<vmem>>, vector<1x16xf32>,
        %parallel_loop3A_575 = vector.shape_cast %parallel_loop3A_574 : vector<1x16xf32> to vector<16xf32>
        %parallel_loop3A_576 = arith.mulf %parallel_loop3A_567, %parallel_loop3A_575 : vector<16xf32>
        %parallel_loop3A_577 = arith.index_cast %parallel_loop3A_463 : i32 to index
        %parallel_loop3A_578 = arith.constant 96 : index
        %parallel_loop3A_579 = tpu.vector_load %arg9[%parallel_loop3A_577, %parallel_loop3A_578] {strides = array<i32>} : memref<80x128xf32, #tpu.memory_space<vmem>>, vector<1x16xf32>,
        %parallel_loop3A_580 = vector.shape_cast %parallel_loop3A_579 : vector<1x16xf32> to vector<16xf32>
        %parallel_loop3A_581 = vector.shape_cast %parallel_loop3A_576 : vector<16xf32> to vector<1x16xf32>
        tpu.vector_store %arg9[%parallel_loop3A_577, %parallel_loop3A_578], %parallel_loop3A_581 {strides = array<i32>} : memref<80x128xf32, #tpu.memory_space<vmem>>, vector<1x16xf32>,
        %parallel_loop3A_582 = arith.index_cast %parallel_loop3A_463 : i32 to index
        %parallel_loop3A_583 = arith.constant 112 : index
        %parallel_loop3A_584 = tpu.vector_load %arg9[%parallel_loop3A_582, %parallel_loop3A_583] {strides = array<i32>} : memref<80x128xf32, #tpu.memory_space<vmem>>, vector<1x16xf32>,
        %parallel_loop3A_585 = vector.shape_cast %parallel_loop3A_584 : vector<1x16xf32> to vector<16xf32>
        %parallel_loop3A_586 = arith.mulf %parallel_loop3A_571, %parallel_loop3A_585 : vector<16xf32>
        %parallel_loop3A_587 = arith.index_cast %parallel_loop3A_463 : i32 to index
        %parallel_loop3A_588 = arith.constant 112 : index
        %parallel_loop3A_589 = tpu.vector_load %arg9[%parallel_loop3A_587, %parallel_loop3A_588] {strides = array<i32>} : memref<80x128xf32, #tpu.memory_space<vmem>>, vector<1x16xf32>,
        %parallel_loop3A_590 = vector.shape_cast %parallel_loop3A_589 : vector<1x16xf32> to vector<16xf32>
        %parallel_loop3A_591 = vector.shape_cast %parallel_loop3A_586 : vector<16xf32> to vector<1x16xf32>
        tpu.vector_store %arg9[%parallel_loop3A_587, %parallel_loop3A_588], %parallel_loop3A_591 {strides = array<i32>} : memref<80x128xf32, #tpu.memory_space<vmem>>, vector<1x16xf32>,
      } {sc.loop_unroll_factor = 8 : i64, sc.parallel_access}
      %dma_start3A_381 = arith.constant 1 : i32
      %dma_start3A_382 = arith.constant 0 : i32
      %dma_start3A_383 = tpu.memref_slice %arg7[%dma_start3A_381, %dma_start3A_382] : memref<2x80xi32, #tpu.memory_space<vmem>> -> memref<1x80xi32, #tpu.memory_space<vmem>>
      %dma_start3A_384 = tpu.memref_squeeze %dma_start3A_383 : memref<1x80xi32, #tpu.memory_space<vmem>> -> memref<80xi32, #tpu.memory_space<vmem>>
      %dma_start3A_385 = arith.constant 0 : i32
      %dma_start3A_386 = arith.constant 0 : i32
      %dma_start3A_387 = tpu.memref_slice %arg14[%dma_start3A_385, %dma_start3A_386] : memref<10000x128xf32, #tpu.memory_space<vmem_shared>> -> memref<10000x128xf32, #tpu.memory_space<vmem_shared>>
      tpu.enqueue_indirect_dma source(%arg9 : memref<80x128xf32, #tpu.memory_space<vmem>>) target(%dma_start3A_387 : memref<10000x128xf32, #tpu.memory_space<vmem_shared>>) offsets(%dma_start3A_384 : memref<80xi32, #tpu.memory_space<vmem>>) semaphore(%arg19 : memref<!tpu.dma_semaphore, #tpu.memory_space<semaphore_mem>>) {add = true}
      %lt3A = arith.constant 123 : i32
      %lt3A_388 = arith.cmpi slt, %mul3A_361, %lt3A : i32
      %convert_element_type3A_389 = arith.extui %lt3A_388 : i1 to i32
      %cond3A_390 = arith.constant 0 : i32
      %cond3A_391 = arith.cmpi ne, %convert_element_type3A_389, %cond3A_390 : i32
      scf.if %cond3A_391 {
        %mul3A_463 = arith.constant 125 : i32
        %mul3A_464 = arith.muli %add3A, %mul3A_463 : i32
        %add3A_465 = arith.addi %mul3A_464, %mul3A_361 : i32
        %add3A_466 = arith.constant 2 : i32
        %add3A_467 = arith.addi %add3A_465, %add3A_466 : i32
        %dma_start3A_468 = arith.constant 0 : i32
        %dma_start3A_469 = arith.constant 0 : i32
        %dma_start3A_470 = tpu.memref_slice %arg4[%add3A_467, %dma_start3A_468, %dma_start3A_469] : memref<4000x2x80xi32, #tpu.memory_space<hbm>> -> memref<1x2x80xi32, #tpu.memory_space<hbm>>
        %dma_start3A_471 = tpu.memref_squeeze %dma_start3A_470 : memref<1x2x80xi32, #tpu.memory_space<hbm>> -> memref<2x80xi32, #tpu.memory_space<hbm>>
        %dma_start3A_472 = arith.constant 0 : i32
        %dma_start3A_473 = arith.constant 0 : i32
        %dma_start3A_474 = tpu.memref_slice %arg4[%add3A_467, %dma_start3A_472, %dma_start3A_473] : memref<4000x2x80xi32, #tpu.memory_space<hbm>> -> memref<1x2x80xi32, #tpu.memory_space<hbm>>
        %dma_start3A_475 = tpu.memref_squeeze %dma_start3A_474 : memref<1x2x80xi32, #tpu.memory_space<hbm>> -> memref<2x80xi32, #tpu.memory_space<hbm>>
        tpu.enqueue_dma source(%dma_start3A_475 : memref<2x80xi32, #tpu.memory_space<hbm>>) target(%arg7 : memref<2x80xi32, #tpu.memory_space<vmem>>) target_semaphore(%arg21 : memref<!tpu.dma_semaphore, #tpu.memory_space<semaphore_mem>>)
      } else {
      }
      %mul3A_392 = arith.constant 2 : i32
      %mul3A_393 = arith.muli %mul3A_392, %scan3A_324 : i32
      %add3A_394 = arith.constant 2 : i32
      %add3A_395 = arith.addi %mul3A_393, %add3A_394 : i32
      %mul3A_396 = arith.constant 10000 : i32
      %mul3A_397 = arith.muli %add3A, %mul3A_396 : i32
      %mul3A_398 = arith.constant 80 : i32
      %mul3A_399 = arith.muli %add3A_395, %mul3A_398 : i32
      %add3A_400 = arith.addi %mul3A_397, %mul3A_399 : i32
      %ge3A_401 = arith.constant 2 : i32
      %ge3A_402 = arith.cmpi sge, %add3A_395, %ge3A_401 : i32
      %convert_element_type3A_403 = arith.extui %ge3A_402 : i1 to i32
      %cond3A_404 = arith.constant 0 : i32
      %cond3A_405 = arith.cmpi ne, %convert_element_type3A_403, %cond3A_404 : i32
      scf.if %cond3A_405 {
        %dma_wait3A_463 = arith.constant 1 : i32
        %dma_wait3A_464 = arith.constant 0 : i32
        %dma_wait3A_465 = tpu.memref_slice %arg7[%dma_wait3A_463, %dma_wait3A_464] : memref<2x80xi32, #tpu.memory_space<vmem>> -> memref<1x80xi32, #tpu.memory_space<vmem>>
        %dma_wait3A_466 = tpu.memref_squeeze %dma_wait3A_465 : memref<1x80xi32, #tpu.memory_space<vmem>> -> memref<80xi32, #tpu.memory_space<vmem>>
        %dma_wait3A_467 = arith.constant 0 : i32
        %dma_wait3A_468 = arith.constant 0 : i32
        %dma_wait3A_469 = tpu.memref_slice %arg14[%dma_wait3A_467, %dma_wait3A_468] : memref<10000x128xf32, #tpu.memory_space<vmem_shared>> -> memref<10000x128xf32, #tpu.memory_space<vmem_shared>>
        tpu.wait_indirect_dma semaphore(%arg19 : memref<!tpu.dma_semaphore, #tpu.memory_space<semaphore_mem>>) src(%arg9 : memref<80x128xf32, #tpu.memory_space<vmem>>) dst(%dma_wait3A_469 : memref<10000x128xf32, #tpu.memory_space<vmem_shared>>)
      } else {
      }
      %mul3A_406 = arith.constant 125 : i32
      %mul3A_407 = arith.muli %add3A, %mul3A_406 : i32
      %add3A_408 = arith.addi %mul3A_407, %add3A_395 : i32
      %dma_wait3A_409 = arith.constant 0 : i32
      %dma_wait3A_410 = arith.constant 0 : i32
      %dma_wait3A_411 = tpu.memref_slice %arg4[%add3A_408, %dma_wait3A_409, %dma_wait3A_410] : memref<4000x2x80xi32, #tpu.memory_space<hbm>> -> memref<1x2x80xi32, #tpu.memory_space<hbm>>
      %dma_wait3A_412 = tpu.memref_squeeze %dma_wait3A_411 : memref<1x2x80xi32, #tpu.memory_space<hbm>> -> memref<2x80xi32, #tpu.memory_space<hbm>>
      %dma_wait3A_413 = arith.constant 0 : i32
      %dma_wait3A_414 = arith.constant 0 : i32
      %dma_wait3A_415 = tpu.memref_slice %arg4[%add3A_408, %dma_wait3A_413, %dma_wait3A_414] : memref<4000x2x80xi32, #tpu.memory_space<hbm>> -> memref<1x2x80xi32, #tpu.memory_space<hbm>>
      %dma_wait3A_416 = tpu.memref_squeeze %dma_wait3A_415 : memref<1x2x80xi32, #tpu.memory_space<hbm>> -> memref<2x80xi32, #tpu.memory_space<hbm>>
      tpu.wait_dma2 semaphore(%arg21 : memref<!tpu.dma_semaphore, #tpu.memory_space<semaphore_mem>>) src(%dma_wait3A_416 : memref<2x80xi32, #tpu.memory_space<hbm>>) dst(%arg7 : memref<2x80xi32, #tpu.memory_space<vmem>>)
      %dma_start3A_417 = arith.constant 0 : i32
      %dma_start3A_418 = arith.constant 0 : i32
      %dma_start3A_419 = tpu.memref_slice %arg7[%dma_start3A_417, %dma_start3A_418] : memref<2x80xi32, #tpu.memory_space<vmem>> -> memref<1x80xi32, #tpu.memory_space<vmem>>
      %dma_start3A_420 = tpu.memref_squeeze %dma_start3A_419 : memref<1x80xi32, #tpu.memory_space<vmem>> -> memref<80xi32, #tpu.memory_space<vmem>>
      %dma_start3A_421 = arith.constant 0 : i32
      %dma_start3A_422 = arith.constant 0 : i32
      %dma_start3A_423 = tpu.memref_slice %arg2[%dma_start3A_421, %dma_start3A_422] : memref<10000x128xf32, #tpu.memory_space<hbm>> -> memref<10000x128xf32, #tpu.memory_space<hbm>>
      tpu.enqueue_indirect_dma source(%dma_start3A_423 : memref<10000x128xf32, #tpu.memory_space<hbm>>) target(%arg9 : memref<80x128xf32, #tpu.memory_space<vmem>>) offsets(%dma_start3A_420 : memref<80xi32, #tpu.memory_space<vmem>>) semaphore(%arg15 : memref<!tpu.dma_semaphore, #tpu.memory_space<semaphore_mem>>)
      %dma_start3A_424 = arith.constant 0 : i32
      %dma_start3A_425 = tpu.memref_slice %arg3[%add3A_400, %dma_start3A_424] : memref<320000x64xi32, #tpu.memory_space<hbm>> -> memref<80x64xi32, #tpu.memory_space<hbm>>
      %dma_start3A_426 = arith.constant 0 : i32
      %dma_start3A_427 = tpu.memref_slice %arg3[%add3A_400, %dma_start3A_426] : memref<320000x64xi32, #tpu.memory_space<hbm>> -> memref<80x64xi32, #tpu.memory_space<hbm>>
      tpu.enqueue_dma source(%dma_start3A_427 : memref<80x64xi32, #tpu.memory_space<hbm>>) target(%arg11 : memref<80x64xi32, #tpu.memory_space<vmem>>) target_semaphore(%arg17 : memref<!tpu.dma_semaphore, #tpu.memory_space<semaphore_mem>>)
      %mul3A_428 = arith.constant 2 : i32
      %mul3A_429 = arith.muli %mul3A_428, %scan3A_324 : i32
      %add3A_430 = arith.constant 1 : i32
      %add3A_431 = arith.addi %mul3A_429, %add3A_430 : i32
      %mul3A_432 = arith.constant 10000 : i32
      %mul3A_433 = arith.muli %add3A, %mul3A_432 : i32
      %mul3A_434 = arith.constant 80 : i32
      %mul3A_435 = arith.muli %add3A_431, %mul3A_434 : i32
      %add3A_436 = arith.addi %mul3A_433, %mul3A_435 : i32
      %dma_wait3A_437 = arith.constant 0 : i32
      %dma_wait3A_438 = arith.constant 0 : i32
      %dma_wait3A_439 = tpu.memref_slice %arg8[%dma_wait3A_437, %dma_wait3A_438] : memref<2x80xi32, #tpu.memory_space<vmem>> -> memref<1x80xi32, #tpu.memory_space<vmem>>
      %dma_wait3A_440 = tpu.memref_squeeze %dma_wait3A_439 : memref<1x80xi32, #tpu.memory_space<vmem>> -> memref<80xi32, #tpu.memory_space<vmem>>
      %dma_wait3A_441 = arith.constant 0 : i32
      %dma_wait3A_442 = arith.constant 0 : i32
      %dma_wait3A_443 = tpu.memref_slice %arg2[%dma_wait3A_441, %dma_wait3A_442] : memref<10000x128xf32, #tpu.memory_space<hbm>> -> memref<10000x128xf32, #tpu.memory_space<hbm>>
      tpu.wait_indirect_dma semaphore(%arg16 : memref<!tpu.dma_semaphore, #tpu.memory_space<semaphore_mem>>) src(%dma_wait3A_443 : memref<10000x128xf32, #tpu.memory_space<hbm>>) dst(%arg10 : memref<80x128xf32, #tpu.memory_space<vmem>>)
      %dma_wait3A_444 = arith.constant 0 : i32
      %dma_wait3A_445 = tpu.memref_slice %arg3[%add3A_436, %dma_wait3A_444] : memref<320000x64xi32, #tpu.memory_space<hbm>> -> memref<80x64xi32, #tpu.memory_space<hbm>>
      %dma_wait3A_446 = arith.constant 0 : i32
      %dma_wait3A_447 = tpu.memref_slice %arg3[%add3A_436, %dma_wait3A_446] : memref<320000x64xi32, #tpu.memory_space<hbm>> -> memref<80x64xi32, #tpu.memory_space<hbm>>
      tpu.wait_dma2 semaphore(%arg18 : memref<!tpu.dma_semaphore, #tpu.memory_space<semaphore_mem>>) src(%dma_wait3A_447 : memref<80x64xi32, #tpu.memory_space<hbm>>) dst(%arg12 : memref<80x64xi32, #tpu.memory_space<vmem>>)
      %parallel_loop3A_448 = arith.constant 0 : i32
      %parallel_loop3A_449 = arith.constant 80 : i32
      %parallel_loop3A_450 = arith.constant 1 : i32
      scf.for %parallel_loop3A_463 = %parallel_loop3A_448 to %parallel_loop3A_449 step %parallel_loop3A_450  : i32 {
        %parallel_loop3A_464 = arith.index_cast %parallel_loop3A_463 : i32 to index
        %parallel_loop3A_465 = arith.constant 0 : index
        %parallel_loop3A_466 = tpu.vector_load %arg12[%parallel_loop3A_464, %parallel_loop3A_465] {strides = array<i32>} : memref<80x64xi32, #tpu.memory_space<vmem>>, vector<1x16xi32>,
        %parallel_loop3A_467 = vector.shape_cast %parallel_loop3A_466 : vector<1x16xi32> to vector<16xi32>
        %parallel_loop3A_468 = arith.constant 16 : i32
        %parallel_loop3A_469 = vector.broadcast %parallel_loop3A_468 : i32 to vector<16xi32>
        %parallel_loop3A_470 = arith.shli %parallel_loop3A_467, %parallel_loop3A_469 : vector<16xi32>
        %parallel_loop3A_471 = tpu.bitcast %parallel_loop3A_470 : vector<16xi32> -> vector<16xf32>
        %parallel_loop3A_472 = arith.constant -65536 : i32
        %parallel_loop3A_473 = vector.broadcast %parallel_loop3A_472 : i32 to vector<16xi32>
        %parallel_loop3A_474 = arith.andi %parallel_loop3A_467, %parallel_loop3A_473 : vector<16xi32>
        %parallel_loop3A_475 = tpu.bitcast %parallel_loop3A_474 : vector<16xi32> -> vector<16xf32>
        %parallel_loop3A_476 = arith.index_cast %parallel_loop3A_463 : i32 to index
        %parallel_loop3A_477 = arith.constant 0 : index
        %parallel_loop3A_478 = tpu.vector_load %arg10[%parallel_loop3A_476, %parallel_loop3A_477] {strides = array<i32>} : memref<80x128xf32, #tpu.memory_space<vmem>>, vector<1x16xf32>,
        %parallel_loop3A_479 = vector.shape_cast %parallel_loop3A_478 : vector<1x16xf32> to vector<16xf32>
        %parallel_loop3A_480 = arith.mulf %parallel_loop3A_471, %parallel_loop3A_479 : vector<16xf32>
        %parallel_loop3A_481 = arith.index_cast %parallel_loop3A_463 : i32 to index
        %parallel_loop3A_482 = arith.constant 0 : index
        %parallel_loop3A_483 = tpu.vector_load %arg10[%parallel_loop3A_481, %parallel_loop3A_482] {strides = array<i32>} : memref<80x128xf32, #tpu.memory_space<vmem>>, vector<1x16xf32>,
        %parallel_loop3A_484 = vector.shape_cast %parallel_loop3A_483 : vector<1x16xf32> to vector<16xf32>
        %parallel_loop3A_485 = vector.shape_cast %parallel_loop3A_480 : vector<16xf32> to vector<1x16xf32>
        tpu.vector_store %arg10[%parallel_loop3A_481, %parallel_loop3A_482], %parallel_loop3A_485 {strides = array<i32>} : memref<80x128xf32, #tpu.memory_space<vmem>>, vector<1x16xf32>,
        %parallel_loop3A_486 = arith.index_cast %parallel_loop3A_463 : i32 to index
        %parallel_loop3A_487 = arith.constant 16 : index
        %parallel_loop3A_488 = tpu.vector_load %arg10[%parallel_loop3A_486, %parallel_loop3A_487] {strides = array<i32>} : memref<80x128xf32, #tpu.memory_space<vmem>>, vector<1x16xf32>,
        %parallel_loop3A_489 = vector.shape_cast %parallel_loop3A_488 : vector<1x16xf32> to vector<16xf32>
        %parallel_loop3A_490 = arith.mulf %parallel_loop3A_475, %parallel_loop3A_489 : vector<16xf32>
        %parallel_loop3A_491 = arith.index_cast %parallel_loop3A_463 : i32 to index
        %parallel_loop3A_492 = arith.constant 16 : index
        %parallel_loop3A_493 = tpu.vector_load %arg10[%parallel_loop3A_491, %parallel_loop3A_492] {strides = array<i32>} : memref<80x128xf32, #tpu.memory_space<vmem>>, vector<1x16xf32>,
        %parallel_loop3A_494 = vector.shape_cast %parallel_loop3A_493 : vector<1x16xf32> to vector<16xf32>
        %parallel_loop3A_495 = vector.shape_cast %parallel_loop3A_490 : vector<16xf32> to vector<1x16xf32>
        tpu.vector_store %arg10[%parallel_loop3A_491, %parallel_loop3A_492], %parallel_loop3A_495 {strides = array<i32>} : memref<80x128xf32, #tpu.memory_space<vmem>>, vector<1x16xf32>,
        %parallel_loop3A_496 = arith.index_cast %parallel_loop3A_463 : i32 to index
        %parallel_loop3A_497 = arith.constant 16 : index
        %parallel_loop3A_498 = tpu.vector_load %arg12[%parallel_loop3A_496, %parallel_loop3A_497] {strides = array<i32>} : memref<80x64xi32, #tpu.memory_space<vmem>>, vector<1x16xi32>,
        %parallel_loop3A_499 = vector.shape_cast %parallel_loop3A_498 : vector<1x16xi32> to vector<16xi32>
        %parallel_loop3A_500 = arith.constant 16 : i32
        %parallel_loop3A_501 = vector.broadcast %parallel_loop3A_500 : i32 to vector<16xi32>
        %parallel_loop3A_502 = arith.shli %parallel_loop3A_499, %parallel_loop3A_501 : vector<16xi32>
        %parallel_loop3A_503 = tpu.bitcast %parallel_loop3A_502 : vector<16xi32> -> vector<16xf32>
        %parallel_loop3A_504 = arith.constant -65536 : i32
        %parallel_loop3A_505 = vector.broadcast %parallel_loop3A_504 : i32 to vector<16xi32>
        %parallel_loop3A_506 = arith.andi %parallel_loop3A_499, %parallel_loop3A_505 : vector<16xi32>
        %parallel_loop3A_507 = tpu.bitcast %parallel_loop3A_506 : vector<16xi32> -> vector<16xf32>
        %parallel_loop3A_508 = arith.index_cast %parallel_loop3A_463 : i32 to index
        %parallel_loop3A_509 = arith.constant 32 : index
        %parallel_loop3A_510 = tpu.vector_load %arg10[%parallel_loop3A_508, %parallel_loop3A_509] {strides = array<i32>} : memref<80x128xf32, #tpu.memory_space<vmem>>, vector<1x16xf32>,
        %parallel_loop3A_511 = vector.shape_cast %parallel_loop3A_510 : vector<1x16xf32> to vector<16xf32>
        %parallel_loop3A_512 = arith.mulf %parallel_loop3A_503, %parallel_loop3A_511 : vector<16xf32>
        %parallel_loop3A_513 = arith.index_cast %parallel_loop3A_463 : i32 to index
        %parallel_loop3A_514 = arith.constant 32 : index
        %parallel_loop3A_515 = tpu.vector_load %arg10[%parallel_loop3A_513, %parallel_loop3A_514] {strides = array<i32>} : memref<80x128xf32, #tpu.memory_space<vmem>>, vector<1x16xf32>,
        %parallel_loop3A_516 = vector.shape_cast %parallel_loop3A_515 : vector<1x16xf32> to vector<16xf32>
        %parallel_loop3A_517 = vector.shape_cast %parallel_loop3A_512 : vector<16xf32> to vector<1x16xf32>
        tpu.vector_store %arg10[%parallel_loop3A_513, %parallel_loop3A_514], %parallel_loop3A_517 {strides = array<i32>} : memref<80x128xf32, #tpu.memory_space<vmem>>, vector<1x16xf32>,
        %parallel_loop3A_518 = arith.index_cast %parallel_loop3A_463 : i32 to index
        %parallel_loop3A_519 = arith.constant 48 : index
        %parallel_loop3A_520 = tpu.vector_load %arg10[%parallel_loop3A_518, %parallel_loop3A_519] {strides = array<i32>} : memref<80x128xf32, #tpu.memory_space<vmem>>, vector<1x16xf32>,
        %parallel_loop3A_521 = vector.shape_cast %parallel_loop3A_520 : vector<1x16xf32> to vector<16xf32>
        %parallel_loop3A_522 = arith.mulf %parallel_loop3A_507, %parallel_loop3A_521 : vector<16xf32>
        %parallel_loop3A_523 = arith.index_cast %parallel_loop3A_463 : i32 to index
        %parallel_loop3A_524 = arith.constant 48 : index
        %parallel_loop3A_525 = tpu.vector_load %arg10[%parallel_loop3A_523, %parallel_loop3A_524] {strides = array<i32>} : memref<80x128xf32, #tpu.memory_space<vmem>>, vector<1x16xf32>,
        %parallel_loop3A_526 = vector.shape_cast %parallel_loop3A_525 : vector<1x16xf32> to vector<16xf32>
        %parallel_loop3A_527 = vector.shape_cast %parallel_loop3A_522 : vector<16xf32> to vector<1x16xf32>
        tpu.vector_store %arg10[%parallel_loop3A_523, %parallel_loop3A_524], %parallel_loop3A_527 {strides = array<i32>} : memref<80x128xf32, #tpu.memory_space<vmem>>, vector<1x16xf32>,
        %parallel_loop3A_528 = arith.index_cast %parallel_loop3A_463 : i32 to index
        %parallel_loop3A_529 = arith.constant 32 : index
        %parallel_loop3A_530 = tpu.vector_load %arg12[%parallel_loop3A_528, %parallel_loop3A_529] {strides = array<i32>} : memref<80x64xi32, #tpu.memory_space<vmem>>, vector<1x16xi32>,
        %parallel_loop3A_531 = vector.shape_cast %parallel_loop3A_530 : vector<1x16xi32> to vector<16xi32>
        %parallel_loop3A_532 = arith.constant 16 : i32
        %parallel_loop3A_533 = vector.broadcast %parallel_loop3A_532 : i32 to vector<16xi32>
        %parallel_loop3A_534 = arith.shli %parallel_loop3A_531, %parallel_loop3A_533 : vector<16xi32>
        %parallel_loop3A_535 = tpu.bitcast %parallel_loop3A_534 : vector<16xi32> -> vector<16xf32>
        %parallel_loop3A_536 = arith.constant -65536 : i32
        %parallel_loop3A_537 = vector.broadcast %parallel_loop3A_536 : i32 to vector<16xi32>
        %parallel_loop3A_538 = arith.andi %parallel_loop3A_531, %parallel_loop3A_537 : vector<16xi32>
        %parallel_loop3A_539 = tpu.bitcast %parallel_loop3A_538 : vector<16xi32> -> vector<16xf32>
        %parallel_loop3A_540 = arith.index_cast %parallel_loop3A_463 : i32 to index
        %parallel_loop3A_541 = arith.constant 64 : index
        %parallel_loop3A_542 = tpu.vector_load %arg10[%parallel_loop3A_540, %parallel_loop3A_541] {strides = array<i32>} : memref<80x128xf32, #tpu.memory_space<vmem>>, vector<1x16xf32>,
        %parallel_loop3A_543 = vector.shape_cast %parallel_loop3A_542 : vector<1x16xf32> to vector<16xf32>
        %parallel_loop3A_544 = arith.mulf %parallel_loop3A_535, %parallel_loop3A_543 : vector<16xf32>
        %parallel_loop3A_545 = arith.index_cast %parallel_loop3A_463 : i32 to index
        %parallel_loop3A_546 = arith.constant 64 : index
        %parallel_loop3A_547 = tpu.vector_load %arg10[%parallel_loop3A_545, %parallel_loop3A_546] {strides = array<i32>} : memref<80x128xf32, #tpu.memory_space<vmem>>, vector<1x16xf32>,
        %parallel_loop3A_548 = vector.shape_cast %parallel_loop3A_547 : vector<1x16xf32> to vector<16xf32>
        %parallel_loop3A_549 = vector.shape_cast %parallel_loop3A_544 : vector<16xf32> to vector<1x16xf32>
        tpu.vector_store %arg10[%parallel_loop3A_545, %parallel_loop3A_546], %parallel_loop3A_549 {strides = array<i32>} : memref<80x128xf32, #tpu.memory_space<vmem>>, vector<1x16xf32>,
        %parallel_loop3A_550 = arith.index_cast %parallel_loop3A_463 : i32 to index
        %parallel_loop3A_551 = arith.constant 80 : index
        %parallel_loop3A_552 = tpu.vector_load %arg10[%parallel_loop3A_550, %parallel_loop3A_551] {strides = array<i32>} : memref<80x128xf32, #tpu.memory_space<vmem>>, vector<1x16xf32>,
        %parallel_loop3A_553 = vector.shape_cast %parallel_loop3A_552 : vector<1x16xf32> to vector<16xf32>
        %parallel_loop3A_554 = arith.mulf %parallel_loop3A_539, %parallel_loop3A_553 : vector<16xf32>
        %parallel_loop3A_555 = arith.index_cast %parallel_loop3A_463 : i32 to index
        %parallel_loop3A_556 = arith.constant 80 : index
        %parallel_loop3A_557 = tpu.vector_load %arg10[%parallel_loop3A_555, %parallel_loop3A_556] {strides = array<i32>} : memref<80x128xf32, #tpu.memory_space<vmem>>, vector<1x16xf32>,
        %parallel_loop3A_558 = vector.shape_cast %parallel_loop3A_557 : vector<1x16xf32> to vector<16xf32>
        %parallel_loop3A_559 = vector.shape_cast %parallel_loop3A_554 : vector<16xf32> to vector<1x16xf32>
        tpu.vector_store %arg10[%parallel_loop3A_555, %parallel_loop3A_556], %parallel_loop3A_559 {strides = array<i32>} : memref<80x128xf32, #tpu.memory_space<vmem>>, vector<1x16xf32>,
        %parallel_loop3A_560 = arith.index_cast %parallel_loop3A_463 : i32 to index
        %parallel_loop3A_561 = arith.constant 48 : index
        %parallel_loop3A_562 = tpu.vector_load %arg12[%parallel_loop3A_560, %parallel_loop3A_561] {strides = array<i32>} : memref<80x64xi32, #tpu.memory_space<vmem>>, vector<1x16xi32>,
        %parallel_loop3A_563 = vector.shape_cast %parallel_loop3A_562 : vector<1x16xi32> to vector<16xi32>
        %parallel_loop3A_564 = arith.constant 16 : i32
        %parallel_loop3A_565 = vector.broadcast %parallel_loop3A_564 : i32 to vector<16xi32>
        %parallel_loop3A_566 = arith.shli %parallel_loop3A_563, %parallel_loop3A_565 : vector<16xi32>
        %parallel_loop3A_567 = tpu.bitcast %parallel_loop3A_566 : vector<16xi32> -> vector<16xf32>
        %parallel_loop3A_568 = arith.constant -65536 : i32
        %parallel_loop3A_569 = vector.broadcast %parallel_loop3A_568 : i32 to vector<16xi32>
        %parallel_loop3A_570 = arith.andi %parallel_loop3A_563, %parallel_loop3A_569 : vector<16xi32>
        %parallel_loop3A_571 = tpu.bitcast %parallel_loop3A_570 : vector<16xi32> -> vector<16xf32>
        %parallel_loop3A_572 = arith.index_cast %parallel_loop3A_463 : i32 to index
        %parallel_loop3A_573 = arith.constant 96 : index
        %parallel_loop3A_574 = tpu.vector_load %arg10[%parallel_loop3A_572, %parallel_loop3A_573] {strides = array<i32>} : memref<80x128xf32, #tpu.memory_space<vmem>>, vector<1x16xf32>,
        %parallel_loop3A_575 = vector.shape_cast %parallel_loop3A_574 : vector<1x16xf32> to vector<16xf32>
        %parallel_loop3A_576 = arith.mulf %parallel_loop3A_567, %parallel_loop3A_575 : vector<16xf32>
        %parallel_loop3A_577 = arith.index_cast %parallel_loop3A_463 : i32 to index
        %parallel_loop3A_578 = arith.constant 96 : index
        %parallel_loop3A_579 = tpu.vector_load %arg10[%parallel_loop3A_577, %parallel_loop3A_578] {strides = array<i32>} : memref<80x128xf32, #tpu.memory_space<vmem>>, vector<1x16xf32>,
        %parallel_loop3A_580 = vector.shape_cast %parallel_loop3A_579 : vector<1x16xf32> to vector<16xf32>
        %parallel_loop3A_581 = vector.shape_cast %parallel_loop3A_576 : vector<16xf32> to vector<1x16xf32>
        tpu.vector_store %arg10[%parallel_loop3A_577, %parallel_loop3A_578], %parallel_loop3A_581 {strides = array<i32>} : memref<80x128xf32, #tpu.memory_space<vmem>>, vector<1x16xf32>,
        %parallel_loop3A_582 = arith.index_cast %parallel_loop3A_463 : i32 to index
        %parallel_loop3A_583 = arith.constant 112 : index
        %parallel_loop3A_584 = tpu.vector_load %arg10[%parallel_loop3A_582, %parallel_loop3A_583] {strides = array<i32>} : memref<80x128xf32, #tpu.memory_space<vmem>>, vector<1x16xf32>,
        %parallel_loop3A_585 = vector.shape_cast %parallel_loop3A_584 : vector<1x16xf32> to vector<16xf32>
        %parallel_loop3A_586 = arith.mulf %parallel_loop3A_571, %parallel_loop3A_585 : vector<16xf32>
        %parallel_loop3A_587 = arith.index_cast %parallel_loop3A_463 : i32 to index
        %parallel_loop3A_588 = arith.constant 112 : index
        %parallel_loop3A_589 = tpu.vector_load %arg10[%parallel_loop3A_587, %parallel_loop3A_588] {strides = array<i32>} : memref<80x128xf32, #tpu.memory_space<vmem>>, vector<1x16xf32>,
        %parallel_loop3A_590 = vector.shape_cast %parallel_loop3A_589 : vector<1x16xf32> to vector<16xf32>
        %parallel_loop3A_591 = vector.shape_cast %parallel_loop3A_586 : vector<16xf32> to vector<1x16xf32>
        tpu.vector_store %arg10[%parallel_loop3A_587, %parallel_loop3A_588], %parallel_loop3A_591 {strides = array<i32>} : memref<80x128xf32, #tpu.memory_space<vmem>>, vector<1x16xf32>,
      } {sc.loop_unroll_factor = 8 : i64, sc.parallel_access}
      %dma_start3A_451 = arith.constant 1 : i32
      %dma_start3A_452 = arith.constant 0 : i32
      %dma_start3A_453 = tpu.memref_slice %arg8[%dma_start3A_451, %dma_start3A_452] : memref<2x80xi32, #tpu.memory_space<vmem>> -> memref<1x80xi32, #tpu.memory_space<vmem>>
      %dma_start3A_454 = tpu.memref_squeeze %dma_start3A_453 : memref<1x80xi32, #tpu.memory_space<vmem>> -> memref<80xi32, #tpu.memory_space<vmem>>
      %dma_start3A_455 = arith.constant 0 : i32
      %dma_start3A_456 = arith.constant 0 : i32
      %dma_start3A_457 = tpu.memref_slice %arg14[%dma_start3A_455, %dma_start3A_456] : memref<10000x128xf32, #tpu.memory_space<vmem_shared>> -> memref<10000x128xf32, #tpu.memory_space<vmem_shared>>
      tpu.enqueue_indirect_dma source(%arg10 : memref<80x128xf32, #tpu.memory_space<vmem>>) target(%dma_start3A_457 : memref<10000x128xf32, #tpu.memory_space<vmem_shared>>) offsets(%dma_start3A_454 : memref<80xi32, #tpu.memory_space<vmem>>) semaphore(%arg20 : memref<!tpu.dma_semaphore, #tpu.memory_space<semaphore_mem>>) {add = true}
      %lt3A_458 = arith.constant 123 : i32
      %lt3A_459 = arith.cmpi slt, %add3A_431, %lt3A_458 : i32
      %convert_element_type3A_460 = arith.extui %lt3A_459 : i1 to i32
      %cond3A_461 = arith.constant 0 : i32
      %cond3A_462 = arith.cmpi ne, %convert_element_type3A_460, %cond3A_461 : i32
      scf.if %cond3A_462 {
        %mul3A_463 = arith.constant 125 : i32
        %mul3A_464 = arith.muli %add3A, %mul3A_463 : i32
        %add3A_465 = arith.addi %mul3A_464, %add3A_431 : i32
        %add3A_466 = arith.constant 2 : i32
        %add3A_467 = arith.addi %add3A_465, %add3A_466 : i32
        %dma_start3A_468 = arith.constant 0 : i32
        %dma_start3A_469 = arith.constant 0 : i32
        %dma_start3A_470 = tpu.memref_slice %arg4[%add3A_467, %dma_start3A_468, %dma_start3A_469] : memref<4000x2x80xi32, #tpu.memory_space<hbm>> -> memref<1x2x80xi32, #tpu.memory_space<hbm>>
        %dma_start3A_471 = tpu.memref_squeeze %dma_start3A_470 : memref<1x2x80xi32, #tpu.memory_space<hbm>> -> memref<2x80xi32, #tpu.memory_space<hbm>>
        %dma_start3A_472 = arith.constant 0 : i32
        %dma_start3A_473 = arith.constant 0 : i32
        %dma_start3A_474 = tpu.memref_slice %arg4[%add3A_467, %dma_start3A_472, %dma_start3A_473] : memref<4000x2x80xi32, #tpu.memory_space<hbm>> -> memref<1x2x80xi32, #tpu.memory_space<hbm>>
        %dma_start3A_475 = tpu.memref_squeeze %dma_start3A_474 : memref<1x2x80xi32, #tpu.memory_space<hbm>> -> memref<2x80xi32, #tpu.memory_space<hbm>>
        tpu.enqueue_dma source(%dma_start3A_475 : memref<2x80xi32, #tpu.memory_space<hbm>>) target(%arg8 : memref<2x80xi32, #tpu.memory_space<vmem>>) target_semaphore(%arg22 : memref<!tpu.dma_semaphore, #tpu.memory_space<semaphore_mem>>)
      } else {
      }
    }
    %scan3A_274 = arith.constant 62 : i32
    %mul3A_275 = arith.constant 10000 : i32
    %mul3A_276 = arith.muli %add3A, %mul3A_275 : i32
    %add3A_277 = arith.constant 9920 : i32
    %add3A_278 = arith.addi %mul3A_276, %add3A_277 : i32
    %dma_wait3A_279 = arith.constant 0 : i32
    %dma_wait3A_280 = arith.constant 0 : i32
    %dma_wait3A_281 = tpu.memref_slice %arg7[%dma_wait3A_279, %dma_wait3A_280] : memref<2x80xi32, #tpu.memory_space<vmem>> -> memref<1x80xi32, #tpu.memory_space<vmem>>
    %dma_wait3A_282 = tpu.memref_squeeze %dma_wait3A_281 : memref<1x80xi32, #tpu.memory_space<vmem>> -> memref<80xi32, #tpu.memory_space<vmem>>
    %dma_wait3A_283 = arith.constant 0 : i32
    %dma_wait3A_284 = arith.constant 0 : i32
    %dma_wait3A_285 = tpu.memref_slice %arg2[%dma_wait3A_283, %dma_wait3A_284] : memref<10000x128xf32, #tpu.memory_space<hbm>> -> memref<10000x128xf32, #tpu.memory_space<hbm>>
    tpu.wait_indirect_dma semaphore(%arg15 : memref<!tpu.dma_semaphore, #tpu.memory_space<semaphore_mem>>) src(%dma_wait3A_285 : memref<10000x128xf32, #tpu.memory_space<hbm>>) dst(%arg9 : memref<80x128xf32, #tpu.memory_space<vmem>>)
    %dma_wait3A_286 = arith.constant 0 : i32
    %dma_wait3A_287 = tpu.memref_slice %arg3[%add3A_278, %dma_wait3A_286] : memref<320000x64xi32, #tpu.memory_space<hbm>> -> memref<80x64xi32, #tpu.memory_space<hbm>>
    %dma_wait3A_288 = arith.constant 0 : i32
    %dma_wait3A_289 = tpu.memref_slice %arg3[%add3A_278, %dma_wait3A_288] : memref<320000x64xi32, #tpu.memory_space<hbm>> -> memref<80x64xi32, #tpu.memory_space<hbm>>
    tpu.wait_dma2 semaphore(%arg17 : memref<!tpu.dma_semaphore, #tpu.memory_space<semaphore_mem>>) src(%dma_wait3A_289 : memref<80x64xi32, #tpu.memory_space<hbm>>) dst(%arg11 : memref<80x64xi32, #tpu.memory_space<vmem>>)
    %parallel_loop3A = arith.constant 0 : i32
    %parallel_loop3A_290 = arith.constant 80 : i32
    %parallel_loop3A_291 = arith.constant 1 : i32
    scf.for %parallel_loop3A_324 = %parallel_loop3A to %parallel_loop3A_290 step %parallel_loop3A_291  : i32 {
      %parallel_loop3A_325 = arith.index_cast %parallel_loop3A_324 : i32 to index
      %parallel_loop3A_326 = arith.constant 0 : index
      %parallel_loop3A_327 = tpu.vector_load %arg11[%parallel_loop3A_325, %parallel_loop3A_326] {strides = array<i32>} : memref<80x64xi32, #tpu.memory_space<vmem>>, vector<1x16xi32>,
      %parallel_loop3A_328 = vector.shape_cast %parallel_loop3A_327 : vector<1x16xi32> to vector<16xi32>
      %parallel_loop3A_329 = arith.constant 16 : i32
      %parallel_loop3A_330 = vector.broadcast %parallel_loop3A_329 : i32 to vector<16xi32>
      %parallel_loop3A_331 = arith.shli %parallel_loop3A_328, %parallel_loop3A_330 : vector<16xi32>
      %parallel_loop3A_332 = tpu.bitcast %parallel_loop3A_331 : vector<16xi32> -> vector<16xf32>
      %parallel_loop3A_333 = arith.constant -65536 : i32
      %parallel_loop3A_334 = vector.broadcast %parallel_loop3A_333 : i32 to vector<16xi32>
      %parallel_loop3A_335 = arith.andi %parallel_loop3A_328, %parallel_loop3A_334 : vector<16xi32>
      %parallel_loop3A_336 = tpu.bitcast %parallel_loop3A_335 : vector<16xi32> -> vector<16xf32>
      %parallel_loop3A_337 = arith.index_cast %parallel_loop3A_324 : i32 to index
      %parallel_loop3A_338 = arith.constant 0 : index
      %parallel_loop3A_339 = tpu.vector_load %arg9[%parallel_loop3A_337, %parallel_loop3A_338] {strides = array<i32>} : memref<80x128xf32, #tpu.memory_space<vmem>>, vector<1x16xf32>,
      %parallel_loop3A_340 = vector.shape_cast %parallel_loop3A_339 : vector<1x16xf32> to vector<16xf32>
      %parallel_loop3A_341 = arith.mulf %parallel_loop3A_332, %parallel_loop3A_340 : vector<16xf32>
      %parallel_loop3A_342 = arith.index_cast %parallel_loop3A_324 : i32 to index
      %parallel_loop3A_343 = arith.constant 0 : index
      %parallel_loop3A_344 = tpu.vector_load %arg9[%parallel_loop3A_342, %parallel_loop3A_343] {strides = array<i32>} : memref<80x128xf32, #tpu.memory_space<vmem>>, vector<1x16xf32>,
      %parallel_loop3A_345 = vector.shape_cast %parallel_loop3A_344 : vector<1x16xf32> to vector<16xf32>
      %parallel_loop3A_346 = vector.shape_cast %parallel_loop3A_341 : vector<16xf32> to vector<1x16xf32>
      tpu.vector_store %arg9[%parallel_loop3A_342, %parallel_loop3A_343], %parallel_loop3A_346 {strides = array<i32>} : memref<80x128xf32, #tpu.memory_space<vmem>>, vector<1x16xf32>,
      %parallel_loop3A_347 = arith.index_cast %parallel_loop3A_324 : i32 to index
      %parallel_loop3A_348 = arith.constant 16 : index
      %parallel_loop3A_349 = tpu.vector_load %arg9[%parallel_loop3A_347, %parallel_loop3A_348] {strides = array<i32>} : memref<80x128xf32, #tpu.memory_space<vmem>>, vector<1x16xf32>,
      %parallel_loop3A_350 = vector.shape_cast %parallel_loop3A_349 : vector<1x16xf32> to vector<16xf32>
      %parallel_loop3A_351 = arith.mulf %parallel_loop3A_336, %parallel_loop3A_350 : vector<16xf32>
      %parallel_loop3A_352 = arith.index_cast %parallel_loop3A_324 : i32 to index
      %parallel_loop3A_353 = arith.constant 16 : index
      %parallel_loop3A_354 = tpu.vector_load %arg9[%parallel_loop3A_352, %parallel_loop3A_353] {strides = array<i32>} : memref<80x128xf32, #tpu.memory_space<vmem>>, vector<1x16xf32>,
      %parallel_loop3A_355 = vector.shape_cast %parallel_loop3A_354 : vector<1x16xf32> to vector<16xf32>
      %parallel_loop3A_356 = vector.shape_cast %parallel_loop3A_351 : vector<16xf32> to vector<1x16xf32>
      tpu.vector_store %arg9[%parallel_loop3A_352, %parallel_loop3A_353], %parallel_loop3A_356 {strides = array<i32>} : memref<80x128xf32, #tpu.memory_space<vmem>>, vector<1x16xf32>,
      %parallel_loop3A_357 = arith.index_cast %parallel_loop3A_324 : i32 to index
      %parallel_loop3A_358 = arith.constant 16 : index
      %parallel_loop3A_359 = tpu.vector_load %arg11[%parallel_loop3A_357, %parallel_loop3A_358] {strides = array<i32>} : memref<80x64xi32, #tpu.memory_space<vmem>>, vector<1x16xi32>,
      %parallel_loop3A_360 = vector.shape_cast %parallel_loop3A_359 : vector<1x16xi32> to vector<16xi32>
      %parallel_loop3A_361 = arith.constant 16 : i32
      %parallel_loop3A_362 = vector.broadcast %parallel_loop3A_361 : i32 to vector<16xi32>
      %parallel_loop3A_363 = arith.shli %parallel_loop3A_360, %parallel_loop3A_362 : vector<16xi32>
      %parallel_loop3A_364 = tpu.bitcast %parallel_loop3A_363 : vector<16xi32> -> vector<16xf32>
      %parallel_loop3A_365 = arith.constant -65536 : i32
      %parallel_loop3A_366 = vector.broadcast %parallel_loop3A_365 : i32 to vector<16xi32>
      %parallel_loop3A_367 = arith.andi %parallel_loop3A_360, %parallel_loop3A_366 : vector<16xi32>
      %parallel_loop3A_368 = tpu.bitcast %parallel_loop3A_367 : vector<16xi32> -> vector<16xf32>
      %parallel_loop3A_369 = arith.index_cast %parallel_loop3A_324 : i32 to index
      %parallel_loop3A_370 = arith.constant 32 : index
      %parallel_loop3A_371 = tpu.vector_load %arg9[%parallel_loop3A_369, %parallel_loop3A_370] {strides = array<i32>} : memref<80x128xf32, #tpu.memory_space<vmem>>, vector<1x16xf32>,
      %parallel_loop3A_372 = vector.shape_cast %parallel_loop3A_371 : vector<1x16xf32> to vector<16xf32>
      %parallel_loop3A_373 = arith.mulf %parallel_loop3A_364, %parallel_loop3A_372 : vector<16xf32>
      %parallel_loop3A_374 = arith.index_cast %parallel_loop3A_324 : i32 to index
      %parallel_loop3A_375 = arith.constant 32 : index
      %parallel_loop3A_376 = tpu.vector_load %arg9[%parallel_loop3A_374, %parallel_loop3A_375] {strides = array<i32>} : memref<80x128xf32, #tpu.memory_space<vmem>>, vector<1x16xf32>,
      %parallel_loop3A_377 = vector.shape_cast %parallel_loop3A_376 : vector<1x16xf32> to vector<16xf32>
      %parallel_loop3A_378 = vector.shape_cast %parallel_loop3A_373 : vector<16xf32> to vector<1x16xf32>
      tpu.vector_store %arg9[%parallel_loop3A_374, %parallel_loop3A_375], %parallel_loop3A_378 {strides = array<i32>} : memref<80x128xf32, #tpu.memory_space<vmem>>, vector<1x16xf32>,
      %parallel_loop3A_379 = arith.index_cast %parallel_loop3A_324 : i32 to index
      %parallel_loop3A_380 = arith.constant 48 : index
      %parallel_loop3A_381 = tpu.vector_load %arg9[%parallel_loop3A_379, %parallel_loop3A_380] {strides = array<i32>} : memref<80x128xf32, #tpu.memory_space<vmem>>, vector<1x16xf32>,
      %parallel_loop3A_382 = vector.shape_cast %parallel_loop3A_381 : vector<1x16xf32> to vector<16xf32>
      %parallel_loop3A_383 = arith.mulf %parallel_loop3A_368, %parallel_loop3A_382 : vector<16xf32>
      %parallel_loop3A_384 = arith.index_cast %parallel_loop3A_324 : i32 to index
      %parallel_loop3A_385 = arith.constant 48 : index
      %parallel_loop3A_386 = tpu.vector_load %arg9[%parallel_loop3A_384, %parallel_loop3A_385] {strides = array<i32>} : memref<80x128xf32, #tpu.memory_space<vmem>>, vector<1x16xf32>,
      %parallel_loop3A_387 = vector.shape_cast %parallel_loop3A_386 : vector<1x16xf32> to vector<16xf32>
      %parallel_loop3A_388 = vector.shape_cast %parallel_loop3A_383 : vector<16xf32> to vector<1x16xf32>
      tpu.vector_store %arg9[%parallel_loop3A_384, %parallel_loop3A_385], %parallel_loop3A_388 {strides = array<i32>} : memref<80x128xf32, #tpu.memory_space<vmem>>, vector<1x16xf32>,
      %parallel_loop3A_389 = arith.index_cast %parallel_loop3A_324 : i32 to index
      %parallel_loop3A_390 = arith.constant 32 : index
      %parallel_loop3A_391 = tpu.vector_load %arg11[%parallel_loop3A_389, %parallel_loop3A_390] {strides = array<i32>} : memref<80x64xi32, #tpu.memory_space<vmem>>, vector<1x16xi32>,
      %parallel_loop3A_392 = vector.shape_cast %parallel_loop3A_391 : vector<1x16xi32> to vector<16xi32>
      %parallel_loop3A_393 = arith.constant 16 : i32
      %parallel_loop3A_394 = vector.broadcast %parallel_loop3A_393 : i32 to vector<16xi32>
      %parallel_loop3A_395 = arith.shli %parallel_loop3A_392, %parallel_loop3A_394 : vector<16xi32>
      %parallel_loop3A_396 = tpu.bitcast %parallel_loop3A_395 : vector<16xi32> -> vector<16xf32>
      %parallel_loop3A_397 = arith.constant -65536 : i32
      %parallel_loop3A_398 = vector.broadcast %parallel_loop3A_397 : i32 to vector<16xi32>
      %parallel_loop3A_399 = arith.andi %parallel_loop3A_392, %parallel_loop3A_398 : vector<16xi32>
      %parallel_loop3A_400 = tpu.bitcast %parallel_loop3A_399 : vector<16xi32> -> vector<16xf32>
      %parallel_loop3A_401 = arith.index_cast %parallel_loop3A_324 : i32 to index
      %parallel_loop3A_402 = arith.constant 64 : index
      %parallel_loop3A_403 = tpu.vector_load %arg9[%parallel_loop3A_401, %parallel_loop3A_402] {strides = array<i32>} : memref<80x128xf32, #tpu.memory_space<vmem>>, vector<1x16xf32>,
      %parallel_loop3A_404 = vector.shape_cast %parallel_loop3A_403 : vector<1x16xf32> to vector<16xf32>
      %parallel_loop3A_405 = arith.mulf %parallel_loop3A_396, %parallel_loop3A_404 : vector<16xf32>
      %parallel_loop3A_406 = arith.index_cast %parallel_loop3A_324 : i32 to index
      %parallel_loop3A_407 = arith.constant 64 : index
      %parallel_loop3A_408 = tpu.vector_load %arg9[%parallel_loop3A_406, %parallel_loop3A_407] {strides = array<i32>} : memref<80x128xf32, #tpu.memory_space<vmem>>, vector<1x16xf32>,
      %parallel_loop3A_409 = vector.shape_cast %parallel_loop3A_408 : vector<1x16xf32> to vector<16xf32>
      %parallel_loop3A_410 = vector.shape_cast %parallel_loop3A_405 : vector<16xf32> to vector<1x16xf32>
      tpu.vector_store %arg9[%parallel_loop3A_406, %parallel_loop3A_407], %parallel_loop3A_410 {strides = array<i32>} : memref<80x128xf32, #tpu.memory_space<vmem>>, vector<1x16xf32>,
      %parallel_loop3A_411 = arith.index_cast %parallel_loop3A_324 : i32 to index
      %parallel_loop3A_412 = arith.constant 80 : index
      %parallel_loop3A_413 = tpu.vector_load %arg9[%parallel_loop3A_411, %parallel_loop3A_412] {strides = array<i32>} : memref<80x128xf32, #tpu.memory_space<vmem>>, vector<1x16xf32>,
      %parallel_loop3A_414 = vector.shape_cast %parallel_loop3A_413 : vector<1x16xf32> to vector<16xf32>
      %parallel_loop3A_415 = arith.mulf %parallel_loop3A_400, %parallel_loop3A_414 : vector<16xf32>
      %parallel_loop3A_416 = arith.index_cast %parallel_loop3A_324 : i32 to index
      %parallel_loop3A_417 = arith.constant 80 : index
      %parallel_loop3A_418 = tpu.vector_load %arg9[%parallel_loop3A_416, %parallel_loop3A_417] {strides = array<i32>} : memref<80x128xf32, #tpu.memory_space<vmem>>, vector<1x16xf32>,
      %parallel_loop3A_419 = vector.shape_cast %parallel_loop3A_418 : vector<1x16xf32> to vector<16xf32>
      %parallel_loop3A_420 = vector.shape_cast %parallel_loop3A_415 : vector<16xf32> to vector<1x16xf32>
      tpu.vector_store %arg9[%parallel_loop3A_416, %parallel_loop3A_417], %parallel_loop3A_420 {strides = array<i32>} : memref<80x128xf32, #tpu.memory_space<vmem>>, vector<1x16xf32>,
      %parallel_loop3A_421 = arith.index_cast %parallel_loop3A_324 : i32 to index
      %parallel_loop3A_422 = arith.constant 48 : index
      %parallel_loop3A_423 = tpu.vector_load %arg11[%parallel_loop3A_421, %parallel_loop3A_422] {strides = array<i32>} : memref<80x64xi32, #tpu.memory_space<vmem>>, vector<1x16xi32>,
      %parallel_loop3A_424 = vector.shape_cast %parallel_loop3A_423 : vector<1x16xi32> to vector<16xi32>
      %parallel_loop3A_425 = arith.constant 16 : i32
      %parallel_loop3A_426 = vector.broadcast %parallel_loop3A_425 : i32 to vector<16xi32>
      %parallel_loop3A_427 = arith.shli %parallel_loop3A_424, %parallel_loop3A_426 : vector<16xi32>
      %parallel_loop3A_428 = tpu.bitcast %parallel_loop3A_427 : vector<16xi32> -> vector<16xf32>
      %parallel_loop3A_429 = arith.constant -65536 : i32
      %parallel_loop3A_430 = vector.broadcast %parallel_loop3A_429 : i32 to vector<16xi32>
      %parallel_loop3A_431 = arith.andi %parallel_loop3A_424, %parallel_loop3A_430 : vector<16xi32>
      %parallel_loop3A_432 = tpu.bitcast %parallel_loop3A_431 : vector<16xi32> -> vector<16xf32>
      %parallel_loop3A_433 = arith.index_cast %parallel_loop3A_324 : i32 to index
      %parallel_loop3A_434 = arith.constant 96 : index
      %parallel_loop3A_435 = tpu.vector_load %arg9[%parallel_loop3A_433, %parallel_loop3A_434] {strides = array<i32>} : memref<80x128xf32, #tpu.memory_space<vmem>>, vector<1x16xf32>,
      %parallel_loop3A_436 = vector.shape_cast %parallel_loop3A_435 : vector<1x16xf32> to vector<16xf32>
      %parallel_loop3A_437 = arith.mulf %parallel_loop3A_428, %parallel_loop3A_436 : vector<16xf32>
      %parallel_loop3A_438 = arith.index_cast %parallel_loop3A_324 : i32 to index
      %parallel_loop3A_439 = arith.constant 96 : index
      %parallel_loop3A_440 = tpu.vector_load %arg9[%parallel_loop3A_438, %parallel_loop3A_439] {strides = array<i32>} : memref<80x128xf32, #tpu.memory_space<vmem>>, vector<1x16xf32>,
      %parallel_loop3A_441 = vector.shape_cast %parallel_loop3A_440 : vector<1x16xf32> to vector<16xf32>
      %parallel_loop3A_442 = vector.shape_cast %parallel_loop3A_437 : vector<16xf32> to vector<1x16xf32>
      tpu.vector_store %arg9[%parallel_loop3A_438, %parallel_loop3A_439], %parallel_loop3A_442 {strides = array<i32>} : memref<80x128xf32, #tpu.memory_space<vmem>>, vector<1x16xf32>,
      %parallel_loop3A_443 = arith.index_cast %parallel_loop3A_324 : i32 to index
      %parallel_loop3A_444 = arith.constant 112 : index
      %parallel_loop3A_445 = tpu.vector_load %arg9[%parallel_loop3A_443, %parallel_loop3A_444] {strides = array<i32>} : memref<80x128xf32, #tpu.memory_space<vmem>>, vector<1x16xf32>,
      %parallel_loop3A_446 = vector.shape_cast %parallel_loop3A_445 : vector<1x16xf32> to vector<16xf32>
      %parallel_loop3A_447 = arith.mulf %parallel_loop3A_432, %parallel_loop3A_446 : vector<16xf32>
      %parallel_loop3A_448 = arith.index_cast %parallel_loop3A_324 : i32 to index
      %parallel_loop3A_449 = arith.constant 112 : index
      %parallel_loop3A_450 = tpu.vector_load %arg9[%parallel_loop3A_448, %parallel_loop3A_449] {strides = array<i32>} : memref<80x128xf32, #tpu.memory_space<vmem>>, vector<1x16xf32>,
      %parallel_loop3A_451 = vector.shape_cast %parallel_loop3A_450 : vector<1x16xf32> to vector<16xf32>
      %parallel_loop3A_452 = vector.shape_cast %parallel_loop3A_447 : vector<16xf32> to vector<1x16xf32>
      tpu.vector_store %arg9[%parallel_loop3A_448, %parallel_loop3A_449], %parallel_loop3A_452 {strides = array<i32>} : memref<80x128xf32, #tpu.memory_space<vmem>>, vector<1x16xf32>,
    } {sc.loop_unroll_factor = 8 : i64, sc.parallel_access}
    %dma_start3A_292 = arith.constant 1 : i32
    %dma_start3A_293 = arith.constant 0 : i32
    %dma_start3A_294 = tpu.memref_slice %arg7[%dma_start3A_292, %dma_start3A_293] : memref<2x80xi32, #tpu.memory_space<vmem>> -> memref<1x80xi32, #tpu.memory_space<vmem>>
    %dma_start3A_295 = tpu.memref_squeeze %dma_start3A_294 : memref<1x80xi32, #tpu.memory_space<vmem>> -> memref<80xi32, #tpu.memory_space<vmem>>
    %dma_start3A_296 = arith.constant 0 : i32
    %dma_start3A_297 = arith.constant 0 : i32
    %dma_start3A_298 = tpu.memref_slice %arg14[%dma_start3A_296, %dma_start3A_297] : memref<10000x128xf32, #tpu.memory_space<vmem_shared>> -> memref<10000x128xf32, #tpu.memory_space<vmem_shared>>
    tpu.enqueue_indirect_dma source(%arg9 : memref<80x128xf32, #tpu.memory_space<vmem>>) target(%dma_start3A_298 : memref<10000x128xf32, #tpu.memory_space<vmem_shared>>) offsets(%dma_start3A_295 : memref<80xi32, #tpu.memory_space<vmem>>) semaphore(%arg19 : memref<!tpu.dma_semaphore, #tpu.memory_space<semaphore_mem>>) {add = true}
    %dma_wait3A_299 = arith.constant 1 : i32
    %dma_wait3A_300 = arith.constant 0 : i32
    %dma_wait3A_301 = tpu.memref_slice %arg8[%dma_wait3A_299, %dma_wait3A_300] : memref<2x80xi32, #tpu.memory_space<vmem>> -> memref<1x80xi32, #tpu.memory_space<vmem>>
    %dma_wait3A_302 = tpu.memref_squeeze %dma_wait3A_301 : memref<1x80xi32, #tpu.memory_space<vmem>> -> memref<80xi32, #tpu.memory_space<vmem>>
    %dma_wait3A_303 = arith.constant 0 : i32
    %dma_wait3A_304 = arith.constant 0 : i32
    %dma_wait3A_305 = tpu.memref_slice %arg14[%dma_wait3A_303, %dma_wait3A_304] : memref<10000x128xf32, #tpu.memory_space<vmem_shared>> -> memref<10000x128xf32, #tpu.memory_space<vmem_shared>>
    tpu.wait_indirect_dma semaphore(%arg20 : memref<!tpu.dma_semaphore, #tpu.memory_space<semaphore_mem>>) src(%arg10 : memref<80x128xf32, #tpu.memory_space<vmem>>) dst(%dma_wait3A_305 : memref<10000x128xf32, #tpu.memory_space<vmem_shared>>)
    %dma_wait3A_306 = arith.constant 1 : i32
    %dma_wait3A_307 = arith.constant 0 : i32
    %dma_wait3A_308 = tpu.memref_slice %arg7[%dma_wait3A_306, %dma_wait3A_307] : memref<2x80xi32, #tpu.memory_space<vmem>> -> memref<1x80xi32, #tpu.memory_space<vmem>>
    %dma_wait3A_309 = tpu.memref_squeeze %dma_wait3A_308 : memref<1x80xi32, #tpu.memory_space<vmem>> -> memref<80xi32, #tpu.memory_space<vmem>>
    %dma_wait3A_310 = arith.constant 0 : i32
    %dma_wait3A_311 = arith.constant 0 : i32
    %dma_wait3A_312 = tpu.memref_slice %arg14[%dma_wait3A_310, %dma_wait3A_311] : memref<10000x128xf32, #tpu.memory_space<vmem_shared>> -> memref<10000x128xf32, #tpu.memory_space<vmem_shared>>
    tpu.wait_indirect_dma semaphore(%arg19 : memref<!tpu.dma_semaphore, #tpu.memory_space<semaphore_mem>>) src(%arg9 : memref<80x128xf32, #tpu.memory_space<vmem>>) dst(%dma_wait3A_312 : memref<10000x128xf32, #tpu.memory_space<vmem_shared>>)
    %barrier3A_313 = arith.constant 0 : index
    tpu.barrier barrier_id(%barrier3A_313)
    %eq3A_314 = arith.constant 0 : i32
    %eq3A_315 = arith.cmpi eq, %arg0, %eq3A_314 : i32
    %convert_element_type3A_316 = arith.extui %eq3A_315 : i1 to i32
    %cond3A_317 = arith.constant 0 : i32
    %cond3A_318 = arith.cmpi ne, %convert_element_type3A_316, %cond3A_317 : i32
    scf.if %cond3A_318 {
      %mul3A_324 = arith.constant 624 : i32
      %mul3A_325 = arith.muli %arg1, %mul3A_324 : i32
      "tpu.region"() ({
        %run_scoped3A = tpu.sem_alloc : memref<!tpu.dma_semaphore, #tpu.memory_space<semaphore_mem>>
        %dma_start3A_331 = arith.constant 0 : i32
        %dma_start3A_332 = tpu.memref_slice %arg5[%mul3A_325, %dma_start3A_331] : memref<10000x128xf32, #tpu.memory_space<hbm>> -> memref<624x128xf32, #tpu.memory_space<hbm>>
        %dma_start3A_333 = arith.constant 0 : i32
        %dma_start3A_334 = tpu.memref_slice %arg14[%mul3A_325, %dma_start3A_333] : memref<10000x128xf32, #tpu.memory_space<vmem_shared>> -> memref<624x128xf32, #tpu.memory_space<vmem_shared>>
        tpu.enqueue_dma source(%dma_start3A_334 : memref<624x128xf32, #tpu.memory_space<vmem_shared>>) target(%dma_start3A_332 : memref<624x128xf32, #tpu.memory_space<hbm>>) target_semaphore(%run_scoped3A : memref<!tpu.dma_semaphore, #tpu.memory_space<semaphore_mem>>)
        %dma_wait3A_335 = arith.constant 0 : i32
        %dma_wait3A_336 = tpu.memref_slice %arg5[%mul3A_325, %dma_wait3A_335] : memref<10000x128xf32, #tpu.memory_space<hbm>> -> memref<624x128xf32, #tpu.memory_space<hbm>>
        %dma_wait3A_337 = arith.constant 0 : i32
        %dma_wait3A_338 = tpu.memref_slice %arg14[%mul3A_325, %dma_wait3A_337] : memref<10000x128xf32, #tpu.memory_space<vmem_shared>> -> memref<624x128xf32, #tpu.memory_space<vmem_shared>>
        tpu.wait_dma2 semaphore(%run_scoped3A : memref<!tpu.dma_semaphore, #tpu.memory_space<semaphore_mem>>) src(%dma_wait3A_338 : memref<624x128xf32, #tpu.memory_space<vmem_shared>>) dst(%dma_wait3A_336 : memref<624x128xf32, #tpu.memory_space<hbm>>)
        tpu.yield
      }) : () -> ()
      %eq3A_326 = arith.constant 0 : i32
      %eq3A_327 = arith.cmpi eq, %arg1, %eq3A_326 : i32
      %convert_element_type3A_328 = arith.extui %eq3A_327 : i1 to i32
      %cond3A_329 = arith.constant 0 : i32
      %cond3A_330 = arith.cmpi ne, %convert_element_type3A_328, %cond3A_329 : i32
      scf.if %cond3A_330 {
        "tpu.region"() ({
          %run_scoped3A = tpu.sem_alloc : memref<!tpu.dma_semaphore, #tpu.memory_space<semaphore_mem>>
          %dma_start3A_331 = arith.constant 9984 : i32
          %dma_start3A_332 = arith.constant 0 : i32
          %dma_start3A_333 = tpu.memref_slice %arg5[%dma_start3A_331, %dma_start3A_332] : memref<10000x128xf32, #tpu.memory_space<hbm>> -> memref<16x128xf32, #tpu.memory_space<hbm>>
          %dma_start3A_334 = arith.constant 9984 : i32
          %dma_start3A_335 = arith.constant 0 : i32
          %dma_start3A_336 = tpu.memref_slice %arg14[%dma_start3A_334, %dma_start3A_335] : memref<10000x128xf32, #tpu.memory_space<vmem_shared>> -> memref<16x128xf32, #tpu.memory_space<vmem_shared>>
          tpu.enqueue_dma source(%dma_start3A_336 : memref<16x128xf32, #tpu.memory_space<vmem_shared>>) target(%dma_start3A_333 : memref<16x128xf32, #tpu.memory_space<hbm>>) target_semaphore(%run_scoped3A : memref<!tpu.dma_semaphore, #tpu.memory_space<semaphore_mem>>)
          %dma_wait3A_337 = arith.constant 9984 : i32
          %dma_wait3A_338 = arith.constant 0 : i32
          %dma_wait3A_339 = tpu.memref_slice %arg5[%dma_wait3A_337, %dma_wait3A_338] : memref<10000x128xf32, #tpu.memory_space<hbm>> -> memref<16x128xf32, #tpu.memory_space<hbm>>
          %dma_wait3A_340 = arith.constant 9984 : i32
          %dma_wait3A_341 = arith.constant 0 : i32
          %dma_wait3A_342 = tpu.memref_slice %arg14[%dma_wait3A_340, %dma_wait3A_341] : memref<10000x128xf32, #tpu.memory_space<vmem_shared>> -> memref<16x128xf32, #tpu.memory_space<vmem_shared>>
          tpu.wait_dma2 semaphore(%run_scoped3A : memref<!tpu.dma_semaphore, #tpu.memory_space<semaphore_mem>>) src(%dma_wait3A_342 : memref<16x128xf32, #tpu.memory_space<vmem_shared>>) dst(%dma_wait3A_339 : memref<16x128xf32, #tpu.memory_space<hbm>>)
          tpu.yield
        }) : () -> ()
      } else {
      }
    } else {
    }
    %eq3A_319 = arith.constant 1 : i32
    %eq3A_320 = arith.cmpi eq, %arg0, %eq3A_319 : i32
    %convert_element_type3A_321 = arith.extui %eq3A_320 : i1 to i32
    %cond3A_322 = arith.constant 0 : i32
    %cond3A_323 = arith.cmpi ne, %convert_element_type3A_321, %cond3A_322 : i32
    scf.if %cond3A_323 {
      %mul3A_324 = arith.constant 624 : i32
      %mul3A_325 = arith.muli %arg1, %mul3A_324 : i32
      "tpu.region"() ({
        %run_scoped3A = tpu.sem_alloc : memref<!tpu.dma_semaphore, #tpu.memory_space<semaphore_mem>>
        %dma_start3A_331 = arith.constant 0 : i32
        %dma_start3A_332 = tpu.memref_slice %arg6[%mul3A_325, %dma_start3A_331] : memref<10000x128xf32, #tpu.memory_space<hbm>> -> memref<624x128xf32, #tpu.memory_space<hbm>>
        %dma_start3A_333 = arith.constant 0 : i32
        %dma_start3A_334 = tpu.memref_slice %arg14[%mul3A_325, %dma_start3A_333] : memref<10000x128xf32, #tpu.memory_space<vmem_shared>> -> memref<624x128xf32, #tpu.memory_space<vmem_shared>>
        tpu.enqueue_dma source(%dma_start3A_334 : memref<624x128xf32, #tpu.memory_space<vmem_shared>>) target(%dma_start3A_332 : memref<624x128xf32, #tpu.memory_space<hbm>>) target_semaphore(%run_scoped3A : memref<!tpu.dma_semaphore, #tpu.memory_space<semaphore_mem>>)
        %dma_wait3A_335 = arith.constant 0 : i32
        %dma_wait3A_336 = tpu.memref_slice %arg6[%mul3A_325, %dma_wait3A_335] : memref<10000x128xf32, #tpu.memory_space<hbm>> -> memref<624x128xf32, #tpu.memory_space<hbm>>
        %dma_wait3A_337 = arith.constant 0 : i32
        %dma_wait3A_338 = tpu.memref_slice %arg14[%mul3A_325, %dma_wait3A_337] : memref<10000x128xf32, #tpu.memory_space<vmem_shared>> -> memref<624x128xf32, #tpu.memory_space<vmem_shared>>
        tpu.wait_dma2 semaphore(%run_scoped3A : memref<!tpu.dma_semaphore, #tpu.memory_space<semaphore_mem>>) src(%dma_wait3A_338 : memref<624x128xf32, #tpu.memory_space<vmem_shared>>) dst(%dma_wait3A_336 : memref<624x128xf32, #tpu.memory_space<hbm>>)
        tpu.yield
      }) : () -> ()
      %eq3A_326 = arith.constant 0 : i32
      %eq3A_327 = arith.cmpi eq, %arg1, %eq3A_326 : i32
      %convert_element_type3A_328 = arith.extui %eq3A_327 : i1 to i32
      %cond3A_329 = arith.constant 0 : i32
      %cond3A_330 = arith.cmpi ne, %convert_element_type3A_328, %cond3A_329 : i32
      scf.if %cond3A_330 {
        "tpu.region"() ({
          %run_scoped3A = tpu.sem_alloc : memref<!tpu.dma_semaphore, #tpu.memory_space<semaphore_mem>>
          %dma_start3A_331 = arith.constant 9984 : i32
          %dma_start3A_332 = arith.constant 0 : i32
          %dma_start3A_333 = tpu.memref_slice %arg6[%dma_start3A_331, %dma_start3A_332] : memref<10000x128xf32, #tpu.memory_space<hbm>> -> memref<16x128xf32, #tpu.memory_space<hbm>>
          %dma_start3A_334 = arith.constant 9984 : i32
          %dma_start3A_335 = arith.constant 0 : i32
          %dma_start3A_336 = tpu.memref_slice %arg14[%dma_start3A_334, %dma_start3A_335] : memref<10000x128xf32, #tpu.memory_space<vmem_shared>> -> memref<16x128xf32, #tpu.memory_space<vmem_shared>>
          tpu.enqueue_dma source(%dma_start3A_336 : memref<16x128xf32, #tpu.memory_space<vmem_shared>>) target(%dma_start3A_333 : memref<16x128xf32, #tpu.memory_space<hbm>>) target_semaphore(%run_scoped3A : memref<!tpu.dma_semaphore, #tpu.memory_space<semaphore_mem>>)
          %dma_wait3A_337 = arith.constant 9984 : i32
          %dma_wait3A_338 = arith.constant 0 : i32
          %dma_wait3A_339 = tpu.memref_slice %arg6[%dma_wait3A_337, %dma_wait3A_338] : memref<10000x128xf32, #tpu.memory_space<hbm>> -> memref<16x128xf32, #tpu.memory_space<hbm>>
          %dma_wait3A_340 = arith.constant 9984 : i32
          %dma_wait3A_341 = arith.constant 0 : i32
          %dma_wait3A_342 = tpu.memref_slice %arg14[%dma_wait3A_340, %dma_wait3A_341] : memref<10000x128xf32, #tpu.memory_space<vmem_shared>> -> memref<16x128xf32, #tpu.memory_space<vmem_shared>>
          tpu.wait_dma2 semaphore(%run_scoped3A : memref<!tpu.dma_semaphore, #tpu.memory_space<semaphore_mem>>) src(%dma_wait3A_342 : memref<16x128xf32, #tpu.memory_space<vmem_shared>>) dst(%dma_wait3A_339 : memref<16x128xf32, #tpu.memory_space<hbm>>)
          tpu.yield
        }) : () -> ()
      } else {
      }
    } else {
    }
    return
  }
}

#map = affine_map<(d0, d1) -> (0, 0)>
#map1 = affine_map<(d0, d1) -> (0, 0, 0)>
module attributes {stable_mosaic.version = 14 : i64} {
  func.func @_sc_aggregate(%arg0: i32, %arg1: i32, %arg2: memref<10000x128xf32, #tpu.memory_space<hbm>>, %arg3: memref<320000x64xi32, #tpu.memory_space<hbm>>, %arg4: memref<4000x2x80xi32, #tpu.memory_space<hbm>>, %arg5: memref<10000x128xf32, #tpu.memory_space<hbm>>, %arg6: memref<10000x128xf32, #tpu.memory_space<hbm>>, %arg7: memref<2x80xi32, #tpu.memory_space<vmem>>, %arg8: memref<2x80xi32, #tpu.memory_space<vmem>>, %arg9: memref<80x128xf32, #tpu.memory_space<vmem>>, %arg10: memref<80x128xf32, #tpu.memory_space<vmem>>, %arg11: memref<80x64xi32, #tpu.memory_space<vmem>>, %arg12: memref<80x64xi32, #tpu.memory_space<vmem>>, %arg13: memref<48x128xf32, #tpu.memory_space<vmem>>, %arg14: memref<10000x128xf32, #tpu.memory_space<vmem_shared>>, %arg15: memref<!tpu.dma_semaphore, #tpu.memory_space<semaphore_mem>>, %arg16: memref<!tpu.dma_semaphore, #tpu.memory_space<semaphore_mem>>, %arg17: memref<!tpu.dma_semaphore, #tpu.memory_space<semaphore_mem>>, %arg18: memref<!tpu.dma_semaphore, #tpu.memory_space<semaphore_mem>>, %arg19: memref<!tpu.dma_semaphore, #tpu.memory_space<semaphore_mem>>, %arg20: memref<!tpu.dma_semaphore, #tpu.memory_space<semaphore_mem>>, %arg21: memref<!tpu.dma_semaphore, #tpu.memory_space<semaphore_mem>>, %arg22: memref<!tpu.dma_semaphore, #tpu.memory_space<semaphore_mem>>, %arg23: memref<!tpu.dma_semaphore, #tpu.memory_space<semaphore_mem>>) attributes {dimension_semantics = [#tpu.dimension_semantics<core_parallel>, #tpu.dimension_semantics<subcore_parallel>], iteration_bounds = array<i64: 2, 16>, scalar_prefetch = 0 : i64, scratch_operands = 17 : i64, tpu.core_type = #tpu.core_type<sc_vector_subcore>, window_params = [{transform_indices = #map}, {transform_indices = #map}, {transform_indices = #map1}, {transform_indices = #map}, {transform_indices = #map}]} {
    %mul3A = arith.constant 16 : i32
    %mul3A_0 = arith.muli %arg0, %mul3A : i32
    %add3A = arith.addi %mul3A_0, %arg1 : i32
    %broadcast_in_dim3A = arith.constant 0.000000e+00 : f32
    %broadcast_in_dim3A_1 = vector.broadcast %broadcast_in_dim3A : f32 to vector<16xf32>
    %scan3A = arith.constant 0 : i32
    %scan3A_2 = arith.constant 0 : i32
    %scan3A_3 = arith.constant 48 : i32
    %scan3A_4 = arith.addi %scan3A_2, %scan3A_3 : i32
    %scan3A_5 = arith.constant 1 : i32
    scf.for %scan3A_324 = %scan3A_2 to %scan3A_4 step %scan3A_5  : i32 {
      %swap3A = arith.index_cast %scan3A_324 : i32 to index
      %swap3A_325 = arith.constant 0 : index
      %swap3A_326 = tpu.vector_load %arg13[%swap3A, %swap3A_325] {strides = array<i32>} : memref<48x128xf32, #tpu.memory_space<vmem>>, vector<1x16xf32>,
      %swap3A_327 = vector.shape_cast %swap3A_326 : vector<1x16xf32> to vector<16xf32>
      %swap3A_328 = vector.shape_cast %broadcast_in_dim3A_1 : vector<16xf32> to vector<1x16xf32>
      tpu.vector_store %arg13[%swap3A, %swap3A_325], %swap3A_328 {strides = array<i32>} : memref<48x128xf32, #tpu.memory_space<vmem>>, vector<1x16xf32>,
      %swap3A_329 = arith.index_cast %scan3A_324 : i32 to index
      %swap3A_330 = arith.constant 16 : index
      %swap3A_331 = tpu.vector_load %arg13[%swap3A_329, %swap3A_330] {strides = array<i32>} : memref<48x128xf32, #tpu.memory_space<vmem>>, vector<1x16xf32>,
      %swap3A_332 = vector.shape_cast %swap3A_331 : vector<1x16xf32> to vector<16xf32>
      %swap3A_333 = vector.shape_cast %broadcast_in_dim3A_1 : vector<16xf32> to vector<1x16xf32>
      tpu.vector_store %arg13[%swap3A_329, %swap3A_330], %swap3A_333 {strides = array<i32>} : memref<48x128xf32, #tpu.memory_space<vmem>>, vector<1x16xf32>,
      %swap3A_334 = arith.index_cast %scan3A_324 : i32 to index
      %swap3A_335 = arith.constant 32 : index
      %swap3A_336 = tpu.vector_load %arg13[%swap3A_334, %swap3A_335] {strides = array<i32>} : memref<48x128xf32, #tpu.memory_space<vmem>>, vector<1x16xf32>,
      %swap3A_337 = vector.shape_cast %swap3A_336 : vector<1x16xf32> to vector<16xf32>
      %swap3A_338 = vector.shape_cast %broadcast_in_dim3A_1 : vector<16xf32> to vector<1x16xf32>
      tpu.vector_store %arg13[%swap3A_334, %swap3A_335], %swap3A_338 {strides = array<i32>} : memref<48x128xf32, #tpu.memory_space<vmem>>, vector<1x16xf32>,
      %swap3A_339 = arith.index_cast %scan3A_324 : i32 to index
      %swap3A_340 = arith.constant 48 : index
      %swap3A_341 = tpu.vector_load %arg13[%swap3A_339, %swap3A_340] {strides = array<i32>} : memref<48x128xf32, #tpu.memory_space<vmem>>, vector<1x16xf32>,
      %swap3A_342 = vector.shape_cast %swap3A_341 : vector<1x16xf32> to vector<16xf32>
      %swap3A_343 = vector.shape_cast %broadcast_in_dim3A_1 : vector<16xf32> to vector<1x16xf32>
      tpu.vector_store %arg13[%swap3A_339, %swap3A_340], %swap3A_343 {strides = array<i32>} : memref<48x128xf32, #tpu.memory_space<vmem>>, vector<1x16xf32>,
      %swap3A_344 = arith.index_cast %scan3A_324 : i32 to index
      %swap3A_345 = arith.constant 64 : index
      %swap3A_346 = tpu.vector_load %arg13[%swap3A_344, %swap3A_345] {strides = array<i32>} : memref<48x128xf32, #tpu.memory_space<vmem>>, vector<1x16xf32>,
      %swap3A_347 = vector.shape_cast %swap3A_346 : vector<1x16xf32> to vector<16xf32>
      %swap3A_348 = vector.shape_cast %broadcast_in_dim3A_1 : vector<16xf32> to vector<1x16xf32>
      tpu.vector_store %arg13[%swap3A_344, %swap3A_345], %swap3A_348 {strides = array<i32>} : memref<48x128xf32, #tpu.memory_space<vmem>>, vector<1x16xf32>,
      %swap3A_349 = arith.index_cast %scan3A_324 : i32 to index
      %swap3A_350 = arith.constant 80 : index
      %swap3A_351 = tpu.vector_load %arg13[%swap3A_349, %swap3A_350] {strides = array<i32>} : memref<48x128xf32, #tpu.memory_space<vmem>>, vector<1x16xf32>,
      %swap3A_352 = vector.shape_cast %swap3A_351 : vector<1x16xf32> to vector<16xf32>
      %swap3A_353 = vector.shape_cast %broadcast_in_dim3A_1 : vector<16xf32> to vector<1x16xf32>
      tpu.vector_store %arg13[%swap3A_349, %swap3A_350], %swap3A_353 {strides = array<i32>} : memref<48x128xf32, #tpu.memory_space<vmem>>, vector<1x16xf32>,
      %swap3A_354 = arith.index_cast %scan3A_324 : i32 to index
      %swap3A_355 = arith.constant 96 : index
      %swap3A_356 = tpu.vector_load %arg13[%swap3A_354, %swap3A_355] {strides = array<i32>} : memref<48x128xf32, #tpu.memory_space<vmem>>, vector<1x16xf32>,
      %swap3A_357 = vector.shape_cast %swap3A_356 : vector<1x16xf32> to vector<16xf32>
      %swap3A_358 = vector.shape_cast %broadcast_in_dim3A_1 : vector<16xf32> to vector<1x16xf32>
      tpu.vector_store %arg13[%swap3A_354, %swap3A_355], %swap3A_358 {strides = array<i32>} : memref<48x128xf32, #tpu.memory_space<vmem>>, vector<1x16xf32>,
      %swap3A_359 = arith.index_cast %scan3A_324 : i32 to index
      %swap3A_360 = arith.constant 112 : index
      %swap3A_361 = tpu.vector_load %arg13[%swap3A_359, %swap3A_360] {strides = array<i32>} : memref<48x128xf32, #tpu.memory_space<vmem>>, vector<1x16xf32>,
      %swap3A_362 = vector.shape_cast %swap3A_361 : vector<1x16xf32> to vector<16xf32>
      %swap3A_363 = vector.shape_cast %broadcast_in_dim3A_1 : vector<16xf32> to vector<1x16xf32>
      tpu.vector_store %arg13[%swap3A_359, %swap3A_360], %swap3A_363 {strides = array<i32>} : memref<48x128xf32, #tpu.memory_space<vmem>>, vector<1x16xf32>,
    }
    %scan3A_6 = arith.constant 48 : i32
    %mul3A_7 = arith.constant 624 : i32
    %mul3A_8 = arith.muli %arg1, %mul3A_7 : i32
    %add3A_9 = arith.constant 0 : i32
    %add3A_10 = arith.addi %mul3A_8, %add3A_9 : i32
    %dma_start3A = arith.constant 0 : i32
    %dma_start3A_11 = tpu.memref_slice %arg14[%add3A_10, %dma_start3A] : memref<10000x128xf32, #tpu.memory_space<vmem_shared>> -> memref<48x128xf32, #tpu.memory_space<vmem_shared>>
    %dma_start3A_12 = arith.constant 0 : i32
    %dma_start3A_13 = tpu.memref_slice %arg14[%add3A_10, %dma_start3A_12] : memref<10000x128xf32, #tpu.memory_space<vmem_shared>> -> memref<48x128xf32, #tpu.memory_space<vmem_shared>>
    tpu.enqueue_dma source(%arg13 : memref<48x128xf32, #tpu.memory_space<vmem>>) target(%dma_start3A_13 : memref<48x128xf32, #tpu.memory_space<vmem_shared>>) target_semaphore(%arg23 : memref<!tpu.dma_semaphore, #tpu.memory_space<semaphore_mem>>)
    %mul3A_14 = arith.constant 624 : i32
    %mul3A_15 = arith.muli %arg1, %mul3A_14 : i32
    %add3A_16 = arith.constant 48 : i32
    %add3A_17 = arith.addi %mul3A_15, %add3A_16 : i32
    %dma_start3A_18 = arith.constant 0 : i32
    %dma_start3A_19 = tpu.memref_slice %arg14[%add3A_17, %dma_start3A_18] : memref<10000x128xf32, #tpu.memory_space<vmem_shared>> -> memref<48x128xf32, #tpu.memory_space<vmem_shared>>
    %dma_start3A_20 = arith.constant 0 : i32
    %dma_start3A_21 = tpu.memref_slice %arg14[%add3A_17, %dma_start3A_20] : memref<10000x128xf32, #tpu.memory_space<vmem_shared>> -> memref<48x128xf32, #tpu.memory_space<vmem_shared>>
    tpu.enqueue_dma source(%arg13 : memref<48x128xf32, #tpu.memory_space<vmem>>) target(%dma_start3A_21 : memref<48x128xf32, #tpu.memory_space<vmem_shared>>) target_semaphore(%arg23 : memref<!tpu.dma_semaphore, #tpu.memory_space<semaphore_mem>>)
    %mul3A_22 = arith.constant 624 : i32
    %mul3A_23 = arith.muli %arg1, %mul3A_22 : i32
    %add3A_24 = arith.constant 96 : i32
    %add3A_25 = arith.addi %mul3A_23, %add3A_24 : i32
    %dma_start3A_26 = arith.constant 0 : i32
    %dma_start3A_27 = tpu.memref_slice %arg14[%add3A_25, %dma_start3A_26] : memref<10000x128xf32, #tpu.memory_space<vmem_shared>> -> memref<48x128xf32, #tpu.memory_space<vmem_shared>>
    %dma_start3A_28 = arith.constant 0 : i32
    %dma_start3A_29 = tpu.memref_slice %arg14[%add3A_25, %dma_start3A_28] : memref<10000x128xf32, #tpu.memory_space<vmem_shared>> -> memref<48x128xf32, #tpu.memory_space<vmem_shared>>
    tpu.enqueue_dma source(%arg13 : memref<48x128xf32, #tpu.memory_space<vmem>>) target(%dma_start3A_29 : memref<48x128xf32, #tpu.memory_space<vmem_shared>>) target_semaphore(%arg23 : memref<!tpu.dma_semaphore, #tpu.memory_space<semaphore_mem>>)
    %mul3A_30 = arith.constant 624 : i32
    %mul3A_31 = arith.muli %arg1, %mul3A_30 : i32
    %add3A_32 = arith.constant 144 : i32
    %add3A_33 = arith.addi %mul3A_31, %add3A_32 : i32
    %dma_start3A_34 = arith.constant 0 : i32
    %dma_start3A_35 = tpu.memref_slice %arg14[%add3A_33, %dma_start3A_34] : memref<10000x128xf32, #tpu.memory_space<vmem_shared>> -> memref<48x128xf32, #tpu.memory_space<vmem_shared>>
    %dma_start3A_36 = arith.constant 0 : i32
    %dma_start3A_37 = tpu.memref_slice %arg14[%add3A_33, %dma_start3A_36] : memref<10000x128xf32, #tpu.memory_space<vmem_shared>> -> memref<48x128xf32, #tpu.memory_space<vmem_shared>>
    tpu.enqueue_dma source(%arg13 : memref<48x128xf32, #tpu.memory_space<vmem>>) target(%dma_start3A_37 : memref<48x128xf32, #tpu.memory_space<vmem_shared>>) target_semaphore(%arg23 : memref<!tpu.dma_semaphore, #tpu.memory_space<semaphore_mem>>)
    %mul3A_38 = arith.constant 624 : i32
    %mul3A_39 = arith.muli %arg1, %mul3A_38 : i32
    %add3A_40 = arith.constant 192 : i32
    %add3A_41 = arith.addi %mul3A_39, %add3A_40 : i32
    %dma_start3A_42 = arith.constant 0 : i32
    %dma_start3A_43 = tpu.memref_slice %arg14[%add3A_41, %dma_start3A_42] : memref<10000x128xf32, #tpu.memory_space<vmem_shared>> -> memref<48x128xf32, #tpu.memory_space<vmem_shared>>
    %dma_start3A_44 = arith.constant 0 : i32
    %dma_start3A_45 = tpu.memref_slice %arg14[%add3A_41, %dma_start3A_44] : memref<10000x128xf32, #tpu.memory_space<vmem_shared>> -> memref<48x128xf32, #tpu.memory_space<vmem_shared>>
    tpu.enqueue_dma source(%arg13 : memref<48x128xf32, #tpu.memory_space<vmem>>) target(%dma_start3A_45 : memref<48x128xf32, #tpu.memory_space<vmem_shared>>) target_semaphore(%arg23 : memref<!tpu.dma_semaphore, #tpu.memory_space<semaphore_mem>>)
    %mul3A_46 = arith.constant 624 : i32
    %mul3A_47 = arith.muli %arg1, %mul3A_46 : i32
    %add3A_48 = arith.constant 240 : i32
    %add3A_49 = arith.addi %mul3A_47, %add3A_48 : i32
    %dma_start3A_50 = arith.constant 0 : i32
    %dma_start3A_51 = tpu.memref_slice %arg14[%add3A_49, %dma_start3A_50] : memref<10000x128xf32, #tpu.memory_space<vmem_shared>> -> memref<48x128xf32, #tpu.memory_space<vmem_shared>>
    %dma_start3A_52 = arith.constant 0 : i32
    %dma_start3A_53 = tpu.memref_slice %arg14[%add3A_49, %dma_start3A_52] : memref<10000x128xf32, #tpu.memory_space<vmem_shared>> -> memref<48x128xf32, #tpu.memory_space<vmem_shared>>
    tpu.enqueue_dma source(%arg13 : memref<48x128xf32, #tpu.memory_space<vmem>>) target(%dma_start3A_53 : memref<48x128xf32, #tpu.memory_space<vmem_shared>>) target_semaphore(%arg23 : memref<!tpu.dma_semaphore, #tpu.memory_space<semaphore_mem>>)
    %mul3A_54 = arith.constant 624 : i32
    %mul3A_55 = arith.muli %arg1, %mul3A_54 : i32
    %add3A_56 = arith.constant 288 : i32
    %add3A_57 = arith.addi %mul3A_55, %add3A_56 : i32
    %dma_start3A_58 = arith.constant 0 : i32
    %dma_start3A_59 = tpu.memref_slice %arg14[%add3A_57, %dma_start3A_58] : memref<10000x128xf32, #tpu.memory_space<vmem_shared>> -> memref<48x128xf32, #tpu.memory_space<vmem_shared>>
    %dma_start3A_60 = arith.constant 0 : i32
    %dma_start3A_61 = tpu.memref_slice %arg14[%add3A_57, %dma_start3A_60] : memref<10000x128xf32, #tpu.memory_space<vmem_shared>> -> memref<48x128xf32, #tpu.memory_space<vmem_shared>>
    tpu.enqueue_dma source(%arg13 : memref<48x128xf32, #tpu.memory_space<vmem>>) target(%dma_start3A_61 : memref<48x128xf32, #tpu.memory_space<vmem_shared>>) target_semaphore(%arg23 : memref<!tpu.dma_semaphore, #tpu.memory_space<semaphore_mem>>)
    %mul3A_62 = arith.constant 624 : i32
    %mul3A_63 = arith.muli %arg1, %mul3A_62 : i32
    %add3A_64 = arith.constant 336 : i32
    %add3A_65 = arith.addi %mul3A_63, %add3A_64 : i32
    %dma_start3A_66 = arith.constant 0 : i32
    %dma_start3A_67 = tpu.memref_slice %arg14[%add3A_65, %dma_start3A_66] : memref<10000x128xf32, #tpu.memory_space<vmem_shared>> -> memref<48x128xf32, #tpu.memory_space<vmem_shared>>
    %dma_start3A_68 = arith.constant 0 : i32
    %dma_start3A_69 = tpu.memref_slice %arg14[%add3A_65, %dma_start3A_68] : memref<10000x128xf32, #tpu.memory_space<vmem_shared>> -> memref<48x128xf32, #tpu.memory_space<vmem_shared>>
    tpu.enqueue_dma source(%arg13 : memref<48x128xf32, #tpu.memory_space<vmem>>) target(%dma_start3A_69 : memref<48x128xf32, #tpu.memory_space<vmem_shared>>) target_semaphore(%arg23 : memref<!tpu.dma_semaphore, #tpu.memory_space<semaphore_mem>>)
    %mul3A_70 = arith.constant 624 : i32
    %mul3A_71 = arith.muli %arg1, %mul3A_70 : i32
    %add3A_72 = arith.constant 384 : i32
    %add3A_73 = arith.addi %mul3A_71, %add3A_72 : i32
    %dma_start3A_74 = arith.constant 0 : i32
    %dma_start3A_75 = tpu.memref_slice %arg14[%add3A_73, %dma_start3A_74] : memref<10000x128xf32, #tpu.memory_space<vmem_shared>> -> memref<48x128xf32, #tpu.memory_space<vmem_shared>>
    %dma_start3A_76 = arith.constant 0 : i32
    %dma_start3A_77 = tpu.memref_slice %arg14[%add3A_73, %dma_start3A_76] : memref<10000x128xf32, #tpu.memory_space<vmem_shared>> -> memref<48x128xf32, #tpu.memory_space<vmem_shared>>
    tpu.enqueue_dma source(%arg13 : memref<48x128xf32, #tpu.memory_space<vmem>>) target(%dma_start3A_77 : memref<48x128xf32, #tpu.memory_space<vmem_shared>>) target_semaphore(%arg23 : memref<!tpu.dma_semaphore, #tpu.memory_space<semaphore_mem>>)
    %mul3A_78 = arith.constant 624 : i32
    %mul3A_79 = arith.muli %arg1, %mul3A_78 : i32
    %add3A_80 = arith.constant 432 : i32
    %add3A_81 = arith.addi %mul3A_79, %add3A_80 : i32
    %dma_start3A_82 = arith.constant 0 : i32
    %dma_start3A_83 = tpu.memref_slice %arg14[%add3A_81, %dma_start3A_82] : memref<10000x128xf32, #tpu.memory_space<vmem_shared>> -> memref<48x128xf32, #tpu.memory_space<vmem_shared>>
    %dma_start3A_84 = arith.constant 0 : i32
    %dma_start3A_85 = tpu.memref_slice %arg14[%add3A_81, %dma_start3A_84] : memref<10000x128xf32, #tpu.memory_space<vmem_shared>> -> memref<48x128xf32, #tpu.memory_space<vmem_shared>>
    tpu.enqueue_dma source(%arg13 : memref<48x128xf32, #tpu.memory_space<vmem>>) target(%dma_start3A_85 : memref<48x128xf32, #tpu.memory_space<vmem_shared>>) target_semaphore(%arg23 : memref<!tpu.dma_semaphore, #tpu.memory_space<semaphore_mem>>)
    %mul3A_86 = arith.constant 624 : i32
    %mul3A_87 = arith.muli %arg1, %mul3A_86 : i32
    %add3A_88 = arith.constant 480 : i32
    %add3A_89 = arith.addi %mul3A_87, %add3A_88 : i32
    %dma_start3A_90 = arith.constant 0 : i32
    %dma_start3A_91 = tpu.memref_slice %arg14[%add3A_89, %dma_start3A_90] : memref<10000x128xf32, #tpu.memory_space<vmem_shared>> -> memref<48x128xf32, #tpu.memory_space<vmem_shared>>
    %dma_start3A_92 = arith.constant 0 : i32
    %dma_start3A_93 = tpu.memref_slice %arg14[%add3A_89, %dma_start3A_92] : memref<10000x128xf32, #tpu.memory_space<vmem_shared>> -> memref<48x128xf32, #tpu.memory_space<vmem_shared>>
    tpu.enqueue_dma source(%arg13 : memref<48x128xf32, #tpu.memory_space<vmem>>) target(%dma_start3A_93 : memref<48x128xf32, #tpu.memory_space<vmem_shared>>) target_semaphore(%arg23 : memref<!tpu.dma_semaphore, #tpu.memory_space<semaphore_mem>>)
    %mul3A_94 = arith.constant 624 : i32
    %mul3A_95 = arith.muli %arg1, %mul3A_94 : i32
    %add3A_96 = arith.constant 528 : i32
    %add3A_97 = arith.addi %mul3A_95, %add3A_96 : i32
    %dma_start3A_98 = arith.constant 0 : i32
    %dma_start3A_99 = tpu.memref_slice %arg14[%add3A_97, %dma_start3A_98] : memref<10000x128xf32, #tpu.memory_space<vmem_shared>> -> memref<48x128xf32, #tpu.memory_space<vmem_shared>>
    %dma_start3A_100 = arith.constant 0 : i32
    %dma_start3A_101 = tpu.memref_slice %arg14[%add3A_97, %dma_start3A_100] : memref<10000x128xf32, #tpu.memory_space<vmem_shared>> -> memref<48x128xf32, #tpu.memory_space<vmem_shared>>
    tpu.enqueue_dma source(%arg13 : memref<48x128xf32, #tpu.memory_space<vmem>>) target(%dma_start3A_101 : memref<48x128xf32, #tpu.memory_space<vmem_shared>>) target_semaphore(%arg23 : memref<!tpu.dma_semaphore, #tpu.memory_space<semaphore_mem>>)
    %mul3A_102 = arith.constant 624 : i32
    %mul3A_103 = arith.muli %arg1, %mul3A_102 : i32
    %add3A_104 = arith.constant 576 : i32
    %add3A_105 = arith.addi %mul3A_103, %add3A_104 : i32
    %dma_start3A_106 = arith.constant 0 : i32
    %dma_start3A_107 = tpu.memref_slice %arg14[%add3A_105, %dma_start3A_106] : memref<10000x128xf32, #tpu.memory_space<vmem_shared>> -> memref<48x128xf32, #tpu.memory_space<vmem_shared>>
    %dma_start3A_108 = arith.constant 0 : i32
    %dma_start3A_109 = tpu.memref_slice %arg14[%add3A_105, %dma_start3A_108] : memref<10000x128xf32, #tpu.memory_space<vmem_shared>> -> memref<48x128xf32, #tpu.memory_space<vmem_shared>>
    tpu.enqueue_dma source(%arg13 : memref<48x128xf32, #tpu.memory_space<vmem>>) target(%dma_start3A_109 : memref<48x128xf32, #tpu.memory_space<vmem_shared>>) target_semaphore(%arg23 : memref<!tpu.dma_semaphore, #tpu.memory_space<semaphore_mem>>)
    %eq3A = arith.constant 0 : i32
    %eq3A_110 = arith.cmpi eq, %arg1, %eq3A : i32
    %convert_element_type3A = arith.extui %eq3A_110 : i1 to i32
    %cond3A = arith.constant 0 : i32
    %cond3A_111 = arith.cmpi ne, %convert_element_type3A, %cond3A : i32
    scf.if %cond3A_111 {
      %dma_start3A_324 = arith.constant 0 : i32
      %dma_start3A_325 = arith.constant 0 : i32
      %dma_start3A_326 = tpu.memref_slice %arg13[%dma_start3A_324, %dma_start3A_325] : memref<48x128xf32, #tpu.memory_space<vmem>> -> memref<16x128xf32, #tpu.memory_space<vmem>>
      %dma_start3A_327 = arith.constant 9984 : i32
      %dma_start3A_328 = arith.constant 0 : i32
      %dma_start3A_329 = tpu.memref_slice %arg14[%dma_start3A_327, %dma_start3A_328] : memref<10000x128xf32, #tpu.memory_space<vmem_shared>> -> memref<16x128xf32, #tpu.memory_space<vmem_shared>>
      %dma_start3A_330 = arith.constant 9984 : i32
      %dma_start3A_331 = arith.constant 0 : i32
      %dma_start3A_332 = tpu.memref_slice %arg14[%dma_start3A_330, %dma_start3A_331] : memref<10000x128xf32, #tpu.memory_space<vmem_shared>> -> memref<16x128xf32, #tpu.memory_space<vmem_shared>>
      %dma_start3A_333 = arith.constant 0 : i32
      %dma_start3A_334 = arith.constant 0 : i32
      %dma_start3A_335 = tpu.memref_slice %arg13[%dma_start3A_333, %dma_start3A_334] : memref<48x128xf32, #tpu.memory_space<vmem>> -> memref<16x128xf32, #tpu.memory_space<vmem>>
      tpu.enqueue_dma source(%dma_start3A_335 : memref<16x128xf32, #tpu.memory_space<vmem>>) target(%dma_start3A_332 : memref<16x128xf32, #tpu.memory_space<vmem_shared>>) target_semaphore(%arg23 : memref<!tpu.dma_semaphore, #tpu.memory_space<semaphore_mem>>)
    } else {
    }
    %mul3A_112 = arith.constant 624 : i32
    %mul3A_113 = arith.muli %arg1, %mul3A_112 : i32
    %add3A_114 = arith.constant 0 : i32
    %add3A_115 = arith.addi %mul3A_113, %add3A_114 : i32
    %dma_wait3A = arith.constant 0 : i32
    %dma_wait3A_116 = tpu.memref_slice %arg14[%add3A_115, %dma_wait3A] : memref<10000x128xf32, #tpu.memory_space<vmem_shared>> -> memref<48x128xf32, #tpu.memory_space<vmem_shared>>
    %dma_wait3A_117 = arith.constant 0 : i32
    %dma_wait3A_118 = tpu.memref_slice %arg14[%add3A_115, %dma_wait3A_117] : memref<10000x128xf32, #tpu.memory_space<vmem_shared>> -> memref<48x128xf32, #tpu.memory_space<vmem_shared>>
    tpu.wait_dma2 semaphore(%arg23 : memref<!tpu.dma_semaphore, #tpu.memory_space<semaphore_mem>>) src(%arg13 : memref<48x128xf32, #tpu.memory_space<vmem>>) dst(%dma_wait3A_118 : memref<48x128xf32, #tpu.memory_space<vmem_shared>>)
    %mul3A_119 = arith.constant 624 : i32
    %mul3A_120 = arith.muli %arg1, %mul3A_119 : i32
    %add3A_121 = arith.constant 48 : i32
    %add3A_122 = arith.addi %mul3A_120, %add3A_121 : i32
    %dma_wait3A_123 = arith.constant 0 : i32
    %dma_wait3A_124 = tpu.memref_slice %arg14[%add3A_122, %dma_wait3A_123] : memref<10000x128xf32, #tpu.memory_space<vmem_shared>> -> memref<48x128xf32, #tpu.memory_space<vmem_shared>>
    %dma_wait3A_125 = arith.constant 0 : i32
    %dma_wait3A_126 = tpu.memref_slice %arg14[%add3A_122, %dma_wait3A_125] : memref<10000x128xf32, #tpu.memory_space<vmem_shared>> -> memref<48x128xf32, #tpu.memory_space<vmem_shared>>
    tpu.wait_dma2 semaphore(%arg23 : memref<!tpu.dma_semaphore, #tpu.memory_space<semaphore_mem>>) src(%arg13 : memref<48x128xf32, #tpu.memory_space<vmem>>) dst(%dma_wait3A_126 : memref<48x128xf32, #tpu.memory_space<vmem_shared>>)
    %mul3A_127 = arith.constant 624 : i32
    %mul3A_128 = arith.muli %arg1, %mul3A_127 : i32
    %add3A_129 = arith.constant 96 : i32
    %add3A_130 = arith.addi %mul3A_128, %add3A_129 : i32
    %dma_wait3A_131 = arith.constant 0 : i32
    %dma_wait3A_132 = tpu.memref_slice %arg14[%add3A_130, %dma_wait3A_131] : memref<10000x128xf32, #tpu.memory_space<vmem_shared>> -> memref<48x128xf32, #tpu.memory_space<vmem_shared>>
    %dma_wait3A_133 = arith.constant 0 : i32
    %dma_wait3A_134 = tpu.memref_slice %arg14[%add3A_130, %dma_wait3A_133] : memref<10000x128xf32, #tpu.memory_space<vmem_shared>> -> memref<48x128xf32, #tpu.memory_space<vmem_shared>>
    tpu.wait_dma2 semaphore(%arg23 : memref<!tpu.dma_semaphore, #tpu.memory_space<semaphore_mem>>) src(%arg13 : memref<48x128xf32, #tpu.memory_space<vmem>>) dst(%dma_wait3A_134 : memref<48x128xf32, #tpu.memory_space<vmem_shared>>)
    %mul3A_135 = arith.constant 624 : i32
    %mul3A_136 = arith.muli %arg1, %mul3A_135 : i32
    %add3A_137 = arith.constant 144 : i32
    %add3A_138 = arith.addi %mul3A_136, %add3A_137 : i32
    %dma_wait3A_139 = arith.constant 0 : i32
    %dma_wait3A_140 = tpu.memref_slice %arg14[%add3A_138, %dma_wait3A_139] : memref<10000x128xf32, #tpu.memory_space<vmem_shared>> -> memref<48x128xf32, #tpu.memory_space<vmem_shared>>
    %dma_wait3A_141 = arith.constant 0 : i32
    %dma_wait3A_142 = tpu.memref_slice %arg14[%add3A_138, %dma_wait3A_141] : memref<10000x128xf32, #tpu.memory_space<vmem_shared>> -> memref<48x128xf32, #tpu.memory_space<vmem_shared>>
    tpu.wait_dma2 semaphore(%arg23 : memref<!tpu.dma_semaphore, #tpu.memory_space<semaphore_mem>>) src(%arg13 : memref<48x128xf32, #tpu.memory_space<vmem>>) dst(%dma_wait3A_142 : memref<48x128xf32, #tpu.memory_space<vmem_shared>>)
    %mul3A_143 = arith.constant 624 : i32
    %mul3A_144 = arith.muli %arg1, %mul3A_143 : i32
    %add3A_145 = arith.constant 192 : i32
    %add3A_146 = arith.addi %mul3A_144, %add3A_145 : i32
    %dma_wait3A_147 = arith.constant 0 : i32
    %dma_wait3A_148 = tpu.memref_slice %arg14[%add3A_146, %dma_wait3A_147] : memref<10000x128xf32, #tpu.memory_space<vmem_shared>> -> memref<48x128xf32, #tpu.memory_space<vmem_shared>>
    %dma_wait3A_149 = arith.constant 0 : i32
    %dma_wait3A_150 = tpu.memref_slice %arg14[%add3A_146, %dma_wait3A_149] : memref<10000x128xf32, #tpu.memory_space<vmem_shared>> -> memref<48x128xf32, #tpu.memory_space<vmem_shared>>
    tpu.wait_dma2 semaphore(%arg23 : memref<!tpu.dma_semaphore, #tpu.memory_space<semaphore_mem>>) src(%arg13 : memref<48x128xf32, #tpu.memory_space<vmem>>) dst(%dma_wait3A_150 : memref<48x128xf32, #tpu.memory_space<vmem_shared>>)
    %mul3A_151 = arith.constant 624 : i32
    %mul3A_152 = arith.muli %arg1, %mul3A_151 : i32
    %add3A_153 = arith.constant 240 : i32
    %add3A_154 = arith.addi %mul3A_152, %add3A_153 : i32
    %dma_wait3A_155 = arith.constant 0 : i32
    %dma_wait3A_156 = tpu.memref_slice %arg14[%add3A_154, %dma_wait3A_155] : memref<10000x128xf32, #tpu.memory_space<vmem_shared>> -> memref<48x128xf32, #tpu.memory_space<vmem_shared>>
    %dma_wait3A_157 = arith.constant 0 : i32
    %dma_wait3A_158 = tpu.memref_slice %arg14[%add3A_154, %dma_wait3A_157] : memref<10000x128xf32, #tpu.memory_space<vmem_shared>> -> memref<48x128xf32, #tpu.memory_space<vmem_shared>>
    tpu.wait_dma2 semaphore(%arg23 : memref<!tpu.dma_semaphore, #tpu.memory_space<semaphore_mem>>) src(%arg13 : memref<48x128xf32, #tpu.memory_space<vmem>>) dst(%dma_wait3A_158 : memref<48x128xf32, #tpu.memory_space<vmem_shared>>)
    %mul3A_159 = arith.constant 624 : i32
    %mul3A_160 = arith.muli %arg1, %mul3A_159 : i32
    %add3A_161 = arith.constant 288 : i32
    %add3A_162 = arith.addi %mul3A_160, %add3A_161 : i32
    %dma_wait3A_163 = arith.constant 0 : i32
    %dma_wait3A_164 = tpu.memref_slice %arg14[%add3A_162, %dma_wait3A_163] : memref<10000x128xf32, #tpu.memory_space<vmem_shared>> -> memref<48x128xf32, #tpu.memory_space<vmem_shared>>
    %dma_wait3A_165 = arith.constant 0 : i32
    %dma_wait3A_166 = tpu.memref_slice %arg14[%add3A_162, %dma_wait3A_165] : memref<10000x128xf32, #tpu.memory_space<vmem_shared>> -> memref<48x128xf32, #tpu.memory_space<vmem_shared>>
    tpu.wait_dma2 semaphore(%arg23 : memref<!tpu.dma_semaphore, #tpu.memory_space<semaphore_mem>>) src(%arg13 : memref<48x128xf32, #tpu.memory_space<vmem>>) dst(%dma_wait3A_166 : memref<48x128xf32, #tpu.memory_space<vmem_shared>>)
    %mul3A_167 = arith.constant 624 : i32
    %mul3A_168 = arith.muli %arg1, %mul3A_167 : i32
    %add3A_169 = arith.constant 336 : i32
    %add3A_170 = arith.addi %mul3A_168, %add3A_169 : i32
    %dma_wait3A_171 = arith.constant 0 : i32
    %dma_wait3A_172 = tpu.memref_slice %arg14[%add3A_170, %dma_wait3A_171] : memref<10000x128xf32, #tpu.memory_space<vmem_shared>> -> memref<48x128xf32, #tpu.memory_space<vmem_shared>>
    %dma_wait3A_173 = arith.constant 0 : i32
    %dma_wait3A_174 = tpu.memref_slice %arg14[%add3A_170, %dma_wait3A_173] : memref<10000x128xf32, #tpu.memory_space<vmem_shared>> -> memref<48x128xf32, #tpu.memory_space<vmem_shared>>
    tpu.wait_dma2 semaphore(%arg23 : memref<!tpu.dma_semaphore, #tpu.memory_space<semaphore_mem>>) src(%arg13 : memref<48x128xf32, #tpu.memory_space<vmem>>) dst(%dma_wait3A_174 : memref<48x128xf32, #tpu.memory_space<vmem_shared>>)
    %mul3A_175 = arith.constant 624 : i32
    %mul3A_176 = arith.muli %arg1, %mul3A_175 : i32
    %add3A_177 = arith.constant 384 : i32
    %add3A_178 = arith.addi %mul3A_176, %add3A_177 : i32
    %dma_wait3A_179 = arith.constant 0 : i32
    %dma_wait3A_180 = tpu.memref_slice %arg14[%add3A_178, %dma_wait3A_179] : memref<10000x128xf32, #tpu.memory_space<vmem_shared>> -> memref<48x128xf32, #tpu.memory_space<vmem_shared>>
    %dma_wait3A_181 = arith.constant 0 : i32
    %dma_wait3A_182 = tpu.memref_slice %arg14[%add3A_178, %dma_wait3A_181] : memref<10000x128xf32, #tpu.memory_space<vmem_shared>> -> memref<48x128xf32, #tpu.memory_space<vmem_shared>>
    tpu.wait_dma2 semaphore(%arg23 : memref<!tpu.dma_semaphore, #tpu.memory_space<semaphore_mem>>) src(%arg13 : memref<48x128xf32, #tpu.memory_space<vmem>>) dst(%dma_wait3A_182 : memref<48x128xf32, #tpu.memory_space<vmem_shared>>)
    %mul3A_183 = arith.constant 624 : i32
    %mul3A_184 = arith.muli %arg1, %mul3A_183 : i32
    %add3A_185 = arith.constant 432 : i32
    %add3A_186 = arith.addi %mul3A_184, %add3A_185 : i32
    %dma_wait3A_187 = arith.constant 0 : i32
    %dma_wait3A_188 = tpu.memref_slice %arg14[%add3A_186, %dma_wait3A_187] : memref<10000x128xf32, #tpu.memory_space<vmem_shared>> -> memref<48x128xf32, #tpu.memory_space<vmem_shared>>
    %dma_wait3A_189 = arith.constant 0 : i32
    %dma_wait3A_190 = tpu.memref_slice %arg14[%add3A_186, %dma_wait3A_189] : memref<10000x128xf32, #tpu.memory_space<vmem_shared>> -> memref<48x128xf32, #tpu.memory_space<vmem_shared>>
    tpu.wait_dma2 semaphore(%arg23 : memref<!tpu.dma_semaphore, #tpu.memory_space<semaphore_mem>>) src(%arg13 : memref<48x128xf32, #tpu.memory_space<vmem>>) dst(%dma_wait3A_190 : memref<48x128xf32, #tpu.memory_space<vmem_shared>>)
    %mul3A_191 = arith.constant 624 : i32
    %mul3A_192 = arith.muli %arg1, %mul3A_191 : i32
    %add3A_193 = arith.constant 480 : i32
    %add3A_194 = arith.addi %mul3A_192, %add3A_193 : i32
    %dma_wait3A_195 = arith.constant 0 : i32
    %dma_wait3A_196 = tpu.memref_slice %arg14[%add3A_194, %dma_wait3A_195] : memref<10000x128xf32, #tpu.memory_space<vmem_shared>> -> memref<48x128xf32, #tpu.memory_space<vmem_shared>>
    %dma_wait3A_197 = arith.constant 0 : i32
    %dma_wait3A_198 = tpu.memref_slice %arg14[%add3A_194, %dma_wait3A_197] : memref<10000x128xf32, #tpu.memory_space<vmem_shared>> -> memref<48x128xf32, #tpu.memory_space<vmem_shared>>
    tpu.wait_dma2 semaphore(%arg23 : memref<!tpu.dma_semaphore, #tpu.memory_space<semaphore_mem>>) src(%arg13 : memref<48x128xf32, #tpu.memory_space<vmem>>) dst(%dma_wait3A_198 : memref<48x128xf32, #tpu.memory_space<vmem_shared>>)
    %mul3A_199 = arith.constant 624 : i32
    %mul3A_200 = arith.muli %arg1, %mul3A_199 : i32
    %add3A_201 = arith.constant 528 : i32
    %add3A_202 = arith.addi %mul3A_200, %add3A_201 : i32
    %dma_wait3A_203 = arith.constant 0 : i32
    %dma_wait3A_204 = tpu.memref_slice %arg14[%add3A_202, %dma_wait3A_203] : memref<10000x128xf32, #tpu.memory_space<vmem_shared>> -> memref<48x128xf32, #tpu.memory_space<vmem_shared>>
    %dma_wait3A_205 = arith.constant 0 : i32
    %dma_wait3A_206 = tpu.memref_slice %arg14[%add3A_202, %dma_wait3A_205] : memref<10000x128xf32, #tpu.memory_space<vmem_shared>> -> memref<48x128xf32, #tpu.memory_space<vmem_shared>>
    tpu.wait_dma2 semaphore(%arg23 : memref<!tpu.dma_semaphore, #tpu.memory_space<semaphore_mem>>) src(%arg13 : memref<48x128xf32, #tpu.memory_space<vmem>>) dst(%dma_wait3A_206 : memref<48x128xf32, #tpu.memory_space<vmem_shared>>)
    %mul3A_207 = arith.constant 624 : i32
    %mul3A_208 = arith.muli %arg1, %mul3A_207 : i32
    %add3A_209 = arith.constant 576 : i32
    %add3A_210 = arith.addi %mul3A_208, %add3A_209 : i32
    %dma_wait3A_211 = arith.constant 0 : i32
    %dma_wait3A_212 = tpu.memref_slice %arg14[%add3A_210, %dma_wait3A_211] : memref<10000x128xf32, #tpu.memory_space<vmem_shared>> -> memref<48x128xf32, #tpu.memory_space<vmem_shared>>
    %dma_wait3A_213 = arith.constant 0 : i32
    %dma_wait3A_214 = tpu.memref_slice %arg14[%add3A_210, %dma_wait3A_213] : memref<10000x128xf32, #tpu.memory_space<vmem_shared>> -> memref<48x128xf32, #tpu.memory_space<vmem_shared>>
    tpu.wait_dma2 semaphore(%arg23 : memref<!tpu.dma_semaphore, #tpu.memory_space<semaphore_mem>>) src(%arg13 : memref<48x128xf32, #tpu.memory_space<vmem>>) dst(%dma_wait3A_214 : memref<48x128xf32, #tpu.memory_space<vmem_shared>>)
    %eq3A_215 = arith.constant 0 : i32
    %eq3A_216 = arith.cmpi eq, %arg1, %eq3A_215 : i32
    %convert_element_type3A_217 = arith.extui %eq3A_216 : i1 to i32
    %cond3A_218 = arith.constant 0 : i32
    %cond3A_219 = arith.cmpi ne, %convert_element_type3A_217, %cond3A_218 : i32
    scf.if %cond3A_219 {
      %dma_wait3A_324 = arith.constant 0 : i32
      %dma_wait3A_325 = arith.constant 0 : i32
      %dma_wait3A_326 = tpu.memref_slice %arg13[%dma_wait3A_324, %dma_wait3A_325] : memref<48x128xf32, #tpu.memory_space<vmem>> -> memref<16x128xf32, #tpu.memory_space<vmem>>
      %dma_wait3A_327 = arith.constant 9984 : i32
      %dma_wait3A_328 = arith.constant 0 : i32
      %dma_wait3A_329 = tpu.memref_slice %arg14[%dma_wait3A_327, %dma_wait3A_328] : memref<10000x128xf32, #tpu.memory_space<vmem_shared>> -> memref<16x128xf32, #tpu.memory_space<vmem_shared>>
      %dma_wait3A_330 = arith.constant 9984 : i32
      %dma_wait3A_331 = arith.constant 0 : i32
      %dma_wait3A_332 = tpu.memref_slice %arg14[%dma_wait3A_330, %dma_wait3A_331] : memref<10000x128xf32, #tpu.memory_space<vmem_shared>> -> memref<16x128xf32, #tpu.memory_space<vmem_shared>>
      %dma_wait3A_333 = arith.constant 0 : i32
      %dma_wait3A_334 = arith.constant 0 : i32
      %dma_wait3A_335 = tpu.memref_slice %arg13[%dma_wait3A_333, %dma_wait3A_334] : memref<48x128xf32, #tpu.memory_space<vmem>> -> memref<16x128xf32, #tpu.memory_space<vmem>>
      tpu.wait_dma2 semaphore(%arg23 : memref<!tpu.dma_semaphore, #tpu.memory_space<semaphore_mem>>) src(%dma_wait3A_335 : memref<16x128xf32, #tpu.memory_space<vmem>>) dst(%dma_wait3A_332 : memref<16x128xf32, #tpu.memory_space<vmem_shared>>)
    } else {
    }
    %barrier3A = arith.constant 0 : index
    tpu.barrier barrier_id(%barrier3A)
    %mul3A_220 = arith.constant 125 : i32
    %mul3A_221 = arith.muli %add3A, %mul3A_220 : i32
    %dma_start3A_222 = arith.constant 0 : i32
    %dma_start3A_223 = arith.constant 0 : i32
    %dma_start3A_224 = tpu.memref_slice %arg4[%mul3A_221, %dma_start3A_222, %dma_start3A_223] : memref<4000x2x80xi32, #tpu.memory_space<hbm>> -> memref<1x2x80xi32, #tpu.memory_space<hbm>>
    %dma_start3A_225 = tpu.memref_squeeze %dma_start3A_224 : memref<1x2x80xi32, #tpu.memory_space<hbm>> -> memref<2x80xi32, #tpu.memory_space<hbm>>
    %dma_start3A_226 = arith.constant 0 : i32
    %dma_start3A_227 = arith.constant 0 : i32
    %dma_start3A_228 = tpu.memref_slice %arg4[%mul3A_221, %dma_start3A_226, %dma_start3A_227] : memref<4000x2x80xi32, #tpu.memory_space<hbm>> -> memref<1x2x80xi32, #tpu.memory_space<hbm>>
    %dma_start3A_229 = tpu.memref_squeeze %dma_start3A_228 : memref<1x2x80xi32, #tpu.memory_space<hbm>> -> memref<2x80xi32, #tpu.memory_space<hbm>>
    tpu.enqueue_dma source(%dma_start3A_229 : memref<2x80xi32, #tpu.memory_space<hbm>>) target(%arg7 : memref<2x80xi32, #tpu.memory_space<vmem>>) target_semaphore(%arg21 : memref<!tpu.dma_semaphore, #tpu.memory_space<semaphore_mem>>)
    %mul3A_230 = arith.constant 125 : i32
    %mul3A_231 = arith.muli %add3A, %mul3A_230 : i32
    %add3A_232 = arith.constant 1 : i32
    %add3A_233 = arith.addi %mul3A_231, %add3A_232 : i32
    %dma_start3A_234 = arith.constant 0 : i32
    %dma_start3A_235 = arith.constant 0 : i32
    %dma_start3A_236 = tpu.memref_slice %arg4[%add3A_233, %dma_start3A_234, %dma_start3A_235] : memref<4000x2x80xi32, #tpu.memory_space<hbm>> -> memref<1x2x80xi32, #tpu.memory_space<hbm>>
    %dma_start3A_237 = tpu.memref_squeeze %dma_start3A_236 : memref<1x2x80xi32, #tpu.memory_space<hbm>> -> memref<2x80xi32, #tpu.memory_space<hbm>>
    %dma_start3A_238 = arith.constant 0 : i32
    %dma_start3A_239 = arith.constant 0 : i32
    %dma_start3A_240 = tpu.memref_slice %arg4[%add3A_233, %dma_start3A_238, %dma_start3A_239] : memref<4000x2x80xi32, #tpu.memory_space<hbm>> -> memref<1x2x80xi32, #tpu.memory_space<hbm>>
    %dma_start3A_241 = tpu.memref_squeeze %dma_start3A_240 : memref<1x2x80xi32, #tpu.memory_space<hbm>> -> memref<2x80xi32, #tpu.memory_space<hbm>>
    tpu.enqueue_dma source(%dma_start3A_241 : memref<2x80xi32, #tpu.memory_space<hbm>>) target(%arg8 : memref<2x80xi32, #tpu.memory_space<vmem>>) target_semaphore(%arg22 : memref<!tpu.dma_semaphore, #tpu.memory_space<semaphore_mem>>)
    %mul3A_242 = arith.constant 10000 : i32
    %mul3A_243 = arith.muli %add3A, %mul3A_242 : i32
    %add3A_244 = arith.constant 0 : i32
    %add3A_245 = arith.addi %mul3A_243, %add3A_244 : i32
    %mul3A_246 = arith.constant 125 : i32
    %mul3A_247 = arith.muli %add3A, %mul3A_246 : i32
    %add3A_248 = arith.constant 0 : i32
    %add3A_249 = arith.addi %mul3A_247, %add3A_248 : i32
    %dma_wait3A_250 = arith.constant 0 : i32
    %dma_wait3A_251 = arith.constant 0 : i32
    %dma_wait3A_252 = tpu.memref_slice %arg4[%add3A_249, %dma_wait3A_250, %dma_wait3A_251] : memref<4000x2x80xi32, #tpu.memory_space<hbm>> -> memref<1x2x80xi32, #tpu.memory_space<hbm>>
    %dma_wait3A_253 = tpu.memref_squeeze %dma_wait3A_252 : memref<1x2x80xi32, #tpu.memory_space<hbm>> -> memref<2x80xi32, #tpu.memory_space<hbm>>
    %dma_wait3A_254 = arith.constant 0 : i32
    %dma_wait3A_255 = arith.constant 0 : i32
    %dma_wait3A_256 = tpu.memref_slice %arg4[%add3A_249, %dma_wait3A_254, %dma_wait3A_255] : memref<4000x2x80xi32, #tpu.memory_space<hbm>> -> memref<1x2x80xi32, #tpu.memory_space<hbm>>
    %dma_wait3A_257 = tpu.memref_squeeze %dma_wait3A_256 : memref<1x2x80xi32, #tpu.memory_space<hbm>> -> memref<2x80xi32, #tpu.memory_space<hbm>>
    tpu.wait_dma2 semaphore(%arg21 : memref<!tpu.dma_semaphore, #tpu.memory_space<semaphore_mem>>) src(%dma_wait3A_257 : memref<2x80xi32, #tpu.memory_space<hbm>>) dst(%arg7 : memref<2x80xi32, #tpu.memory_space<vmem>>)
    %dma_start3A_258 = arith.constant 0 : i32
    %dma_start3A_259 = arith.constant 0 : i32
    %dma_start3A_260 = tpu.memref_slice %arg7[%dma_start3A_258, %dma_start3A_259] : memref<2x80xi32, #tpu.memory_space<vmem>> -> memref<1x80xi32, #tpu.memory_space<vmem>>
    %dma_start3A_261 = tpu.memref_squeeze %dma_start3A_260 : memref<1x80xi32, #tpu.memory_space<vmem>> -> memref<80xi32, #tpu.memory_space<vmem>>
    %dma_start3A_262 = arith.constant 0 : i32
    %dma_start3A_263 = arith.constant 0 : i32
    %dma_start3A_264 = tpu.memref_slice %arg2[%dma_start3A_262, %dma_start3A_263] : memref<10000x128xf32, #tpu.memory_space<hbm>> -> memref<10000x128xf32, #tpu.memory_space<hbm>>
    tpu.enqueue_indirect_dma source(%dma_start3A_264 : memref<10000x128xf32, #tpu.memory_space<hbm>>) target(%arg9 : memref<80x128xf32, #tpu.memory_space<vmem>>) offsets(%dma_start3A_261 : memref<80xi32, #tpu.memory_space<vmem>>) semaphore(%arg15 : memref<!tpu.dma_semaphore, #tpu.memory_space<semaphore_mem>>)
    %dma_start3A_265 = arith.constant 0 : i32
    %dma_start3A_266 = tpu.memref_slice %arg3[%add3A_245, %dma_start3A_265] : memref<320000x64xi32, #tpu.memory_space<hbm>> -> memref<80x64xi32, #tpu.memory_space<hbm>>
    %dma_start3A_267 = arith.constant 0 : i32
    %dma_start3A_268 = tpu.memref_slice %arg3[%add3A_245, %dma_start3A_267] : memref<320000x64xi32, #tpu.memory_space<hbm>> -> memref<80x64xi32, #tpu.memory_space<hbm>>
    tpu.enqueue_dma source(%dma_start3A_268 : memref<80x64xi32, #tpu.memory_space<hbm>>) target(%arg11 : memref<80x64xi32, #tpu.memory_space<vmem>>) target_semaphore(%arg17 : memref<!tpu.dma_semaphore, #tpu.memory_space<semaphore_mem>>)
    %scan3A_269 = arith.constant 0 : i32
    %scan3A_270 = arith.constant 0 : i32
    %scan3A_271 = arith.constant 62 : i32
    %scan3A_272 = arith.addi %scan3A_270, %scan3A_271 : i32
    %scan3A_273 = arith.constant 1 : i32
    scf.for %scan3A_324 = %scan3A_270 to %scan3A_272 step %scan3A_273  : i32 {
      %mul3A_325 = arith.constant 2 : i32
      %mul3A_326 = arith.muli %mul3A_325, %scan3A_324 : i32
      %add3A_327 = arith.constant 1 : i32
      %add3A_328 = arith.addi %mul3A_326, %add3A_327 : i32
      %mul3A_329 = arith.constant 10000 : i32
      %mul3A_330 = arith.muli %add3A, %mul3A_329 : i32
      %mul3A_331 = arith.constant 80 : i32
      %mul3A_332 = arith.muli %add3A_328, %mul3A_331 : i32
      %add3A_333 = arith.addi %mul3A_330, %mul3A_332 : i32
      %ge3A = arith.constant 2 : i32
      %ge3A_334 = arith.cmpi sge, %add3A_328, %ge3A : i32
      %convert_element_type3A_335 = arith.extui %ge3A_334 : i1 to i32
      %cond3A_336 = arith.constant 0 : i32
      %cond3A_337 = arith.cmpi ne, %convert_element_type3A_335, %cond3A_336 : i32
      scf.if %cond3A_337 {
        %dma_wait3A_463 = arith.constant 1 : i32
        %dma_wait3A_464 = arith.constant 0 : i32
        %dma_wait3A_465 = tpu.memref_slice %arg8[%dma_wait3A_463, %dma_wait3A_464] : memref<2x80xi32, #tpu.memory_space<vmem>> -> memref<1x80xi32, #tpu.memory_space<vmem>>
        %dma_wait3A_466 = tpu.memref_squeeze %dma_wait3A_465 : memref<1x80xi32, #tpu.memory_space<vmem>> -> memref<80xi32, #tpu.memory_space<vmem>>
        %dma_wait3A_467 = arith.constant 0 : i32
        %dma_wait3A_468 = arith.constant 0 : i32
        %dma_wait3A_469 = tpu.memref_slice %arg14[%dma_wait3A_467, %dma_wait3A_468] : memref<10000x128xf32, #tpu.memory_space<vmem_shared>> -> memref<10000x128xf32, #tpu.memory_space<vmem_shared>>
        tpu.wait_indirect_dma semaphore(%arg20 : memref<!tpu.dma_semaphore, #tpu.memory_space<semaphore_mem>>) src(%arg10 : memref<80x128xf32, #tpu.memory_space<vmem>>) dst(%dma_wait3A_469 : memref<10000x128xf32, #tpu.memory_space<vmem_shared>>)
      } else {
      }
      %mul3A_338 = arith.constant 125 : i32
      %mul3A_339 = arith.muli %add3A, %mul3A_338 : i32
      %add3A_340 = arith.addi %mul3A_339, %add3A_328 : i32
      %dma_wait3A_341 = arith.constant 0 : i32
      %dma_wait3A_342 = arith.constant 0 : i32
      %dma_wait3A_343 = tpu.memref_slice %arg4[%add3A_340, %dma_wait3A_341, %dma_wait3A_342] : memref<4000x2x80xi32, #tpu.memory_space<hbm>> -> memref<1x2x80xi32, #tpu.memory_space<hbm>>
      %dma_wait3A_344 = tpu.memref_squeeze %dma_wait3A_343 : memref<1x2x80xi32, #tpu.memory_space<hbm>> -> memref<2x80xi32, #tpu.memory_space<hbm>>
      %dma_wait3A_345 = arith.constant 0 : i32
      %dma_wait3A_346 = arith.constant 0 : i32
      %dma_wait3A_347 = tpu.memref_slice %arg4[%add3A_340, %dma_wait3A_345, %dma_wait3A_346] : memref<4000x2x80xi32, #tpu.memory_space<hbm>> -> memref<1x2x80xi32, #tpu.memory_space<hbm>>
      %dma_wait3A_348 = tpu.memref_squeeze %dma_wait3A_347 : memref<1x2x80xi32, #tpu.memory_space<hbm>> -> memref<2x80xi32, #tpu.memory_space<hbm>>
      tpu.wait_dma2 semaphore(%arg22 : memref<!tpu.dma_semaphore, #tpu.memory_space<semaphore_mem>>) src(%dma_wait3A_348 : memref<2x80xi32, #tpu.memory_space<hbm>>) dst(%arg8 : memref<2x80xi32, #tpu.memory_space<vmem>>)
      %dma_start3A_349 = arith.constant 0 : i32
      %dma_start3A_350 = arith.constant 0 : i32
      %dma_start3A_351 = tpu.memref_slice %arg8[%dma_start3A_349, %dma_start3A_350] : memref<2x80xi32, #tpu.memory_space<vmem>> -> memref<1x80xi32, #tpu.memory_space<vmem>>
      %dma_start3A_352 = tpu.memref_squeeze %dma_start3A_351 : memref<1x80xi32, #tpu.memory_space<vmem>> -> memref<80xi32, #tpu.memory_space<vmem>>
      %dma_start3A_353 = arith.constant 0 : i32
      %dma_start3A_354 = arith.constant 0 : i32
      %dma_start3A_355 = tpu.memref_slice %arg2[%dma_start3A_353, %dma_start3A_354] : memref<10000x128xf32, #tpu.memory_space<hbm>> -> memref<10000x128xf32, #tpu.memory_space<hbm>>
      tpu.enqueue_indirect_dma source(%dma_start3A_355 : memref<10000x128xf32, #tpu.memory_space<hbm>>) target(%arg10 : memref<80x128xf32, #tpu.memory_space<vmem>>) offsets(%dma_start3A_352 : memref<80xi32, #tpu.memory_space<vmem>>) semaphore(%arg16 : memref<!tpu.dma_semaphore, #tpu.memory_space<semaphore_mem>>)
      %dma_start3A_356 = arith.constant 0 : i32
      %dma_start3A_357 = tpu.memref_slice %arg3[%add3A_333, %dma_start3A_356] : memref<320000x64xi32, #tpu.memory_space<hbm>> -> memref<80x64xi32, #tpu.memory_space<hbm>>
      %dma_start3A_358 = arith.constant 0 : i32
      %dma_start3A_359 = tpu.memref_slice %arg3[%add3A_333, %dma_start3A_358] : memref<320000x64xi32, #tpu.memory_space<hbm>> -> memref<80x64xi32, #tpu.memory_space<hbm>>
      tpu.enqueue_dma source(%dma_start3A_359 : memref<80x64xi32, #tpu.memory_space<hbm>>) target(%arg12 : memref<80x64xi32, #tpu.memory_space<vmem>>) target_semaphore(%arg18 : memref<!tpu.dma_semaphore, #tpu.memory_space<semaphore_mem>>)
      %mul3A_360 = arith.constant 2 : i32
      %mul3A_361 = arith.muli %mul3A_360, %scan3A_324 : i32
      %mul3A_362 = arith.constant 10000 : i32
      %mul3A_363 = arith.muli %add3A, %mul3A_362 : i32
      %mul3A_364 = arith.constant 80 : i32
      %mul3A_365 = arith.muli %mul3A_361, %mul3A_364 : i32
      %add3A_366 = arith.addi %mul3A_363, %mul3A_365 : i32
      %dma_wait3A_367 = arith.constant 0 : i32
      %dma_wait3A_368 = arith.constant 0 : i32
      %dma_wait3A_369 = tpu.memref_slice %arg7[%dma_wait3A_367, %dma_wait3A_368] : memref<2x80xi32, #tpu.memory_space<vmem>> -> memref<1x80xi32, #tpu.memory_space<vmem>>
      %dma_wait3A_370 = tpu.memref_squeeze %dma_wait3A_369 : memref<1x80xi32, #tpu.memory_space<vmem>> -> memref<80xi32, #tpu.memory_space<vmem>>
      %dma_wait3A_371 = arith.constant 0 : i32
      %dma_wait3A_372 = arith.constant 0 : i32
      %dma_wait3A_373 = tpu.memref_slice %arg2[%dma_wait3A_371, %dma_wait3A_372] : memref<10000x128xf32, #tpu.memory_space<hbm>> -> memref<10000x128xf32, #tpu.memory_space<hbm>>
      tpu.wait_indirect_dma semaphore(%arg15 : memref<!tpu.dma_semaphore, #tpu.memory_space<semaphore_mem>>) src(%dma_wait3A_373 : memref<10000x128xf32, #tpu.memory_space<hbm>>) dst(%arg9 : memref<80x128xf32, #tpu.memory_space<vmem>>)
      %dma_wait3A_374 = arith.constant 0 : i32
      %dma_wait3A_375 = tpu.memref_slice %arg3[%add3A_366, %dma_wait3A_374] : memref<320000x64xi32, #tpu.memory_space<hbm>> -> memref<80x64xi32, #tpu.memory_space<hbm>>
      %dma_wait3A_376 = arith.constant 0 : i32
      %dma_wait3A_377 = tpu.memref_slice %arg3[%add3A_366, %dma_wait3A_376] : memref<320000x64xi32, #tpu.memory_space<hbm>> -> memref<80x64xi32, #tpu.memory_space<hbm>>
      tpu.wait_dma2 semaphore(%arg17 : memref<!tpu.dma_semaphore, #tpu.memory_space<semaphore_mem>>) src(%dma_wait3A_377 : memref<80x64xi32, #tpu.memory_space<hbm>>) dst(%arg11 : memref<80x64xi32, #tpu.memory_space<vmem>>)
      %parallel_loop3A_378 = arith.constant 0 : i32
      %parallel_loop3A_379 = arith.constant 80 : i32
      %parallel_loop3A_380 = arith.constant 1 : i32
      scf.for %parallel_loop3A_463 = %parallel_loop3A_378 to %parallel_loop3A_379 step %parallel_loop3A_380  : i32 {
        %parallel_loop3A_464 = arith.index_cast %parallel_loop3A_463 : i32 to index
        %parallel_loop3A_465 = arith.constant 0 : index
        %parallel_loop3A_466 = tpu.vector_load %arg11[%parallel_loop3A_464, %parallel_loop3A_465] {strides = array<i32>} : memref<80x64xi32, #tpu.memory_space<vmem>>, vector<1x16xi32>,
        %parallel_loop3A_467 = vector.shape_cast %parallel_loop3A_466 : vector<1x16xi32> to vector<16xi32>
        %parallel_loop3A_468 = arith.constant 16 : i32
        %parallel_loop3A_469 = vector.broadcast %parallel_loop3A_468 : i32 to vector<16xi32>
        %parallel_loop3A_470 = arith.shli %parallel_loop3A_467, %parallel_loop3A_469 : vector<16xi32>
        %parallel_loop3A_471 = tpu.bitcast %parallel_loop3A_470 : vector<16xi32> -> vector<16xf32>
        %parallel_loop3A_472 = arith.constant -65536 : i32
        %parallel_loop3A_473 = vector.broadcast %parallel_loop3A_472 : i32 to vector<16xi32>
        %parallel_loop3A_474 = arith.andi %parallel_loop3A_467, %parallel_loop3A_473 : vector<16xi32>
        %parallel_loop3A_475 = tpu.bitcast %parallel_loop3A_474 : vector<16xi32> -> vector<16xf32>
        %parallel_loop3A_476 = arith.index_cast %parallel_loop3A_463 : i32 to index
        %parallel_loop3A_477 = arith.constant 0 : index
        %parallel_loop3A_478 = tpu.vector_load %arg9[%parallel_loop3A_476, %parallel_loop3A_477] {strides = array<i32>} : memref<80x128xf32, #tpu.memory_space<vmem>>, vector<1x16xf32>,
        %parallel_loop3A_479 = vector.shape_cast %parallel_loop3A_478 : vector<1x16xf32> to vector<16xf32>
        %parallel_loop3A_480 = arith.mulf %parallel_loop3A_471, %parallel_loop3A_479 : vector<16xf32>
        %parallel_loop3A_481 = arith.index_cast %parallel_loop3A_463 : i32 to index
        %parallel_loop3A_482 = arith.constant 0 : index
        %parallel_loop3A_483 = tpu.vector_load %arg9[%parallel_loop3A_481, %parallel_loop3A_482] {strides = array<i32>} : memref<80x128xf32, #tpu.memory_space<vmem>>, vector<1x16xf32>,
        %parallel_loop3A_484 = vector.shape_cast %parallel_loop3A_483 : vector<1x16xf32> to vector<16xf32>
        %parallel_loop3A_485 = vector.shape_cast %parallel_loop3A_480 : vector<16xf32> to vector<1x16xf32>
        tpu.vector_store %arg9[%parallel_loop3A_481, %parallel_loop3A_482], %parallel_loop3A_485 {strides = array<i32>} : memref<80x128xf32, #tpu.memory_space<vmem>>, vector<1x16xf32>,
        %parallel_loop3A_486 = arith.index_cast %parallel_loop3A_463 : i32 to index
        %parallel_loop3A_487 = arith.constant 16 : index
        %parallel_loop3A_488 = tpu.vector_load %arg9[%parallel_loop3A_486, %parallel_loop3A_487] {strides = array<i32>} : memref<80x128xf32, #tpu.memory_space<vmem>>, vector<1x16xf32>,
        %parallel_loop3A_489 = vector.shape_cast %parallel_loop3A_488 : vector<1x16xf32> to vector<16xf32>
        %parallel_loop3A_490 = arith.mulf %parallel_loop3A_475, %parallel_loop3A_489 : vector<16xf32>
        %parallel_loop3A_491 = arith.index_cast %parallel_loop3A_463 : i32 to index
        %parallel_loop3A_492 = arith.constant 16 : index
        %parallel_loop3A_493 = tpu.vector_load %arg9[%parallel_loop3A_491, %parallel_loop3A_492] {strides = array<i32>} : memref<80x128xf32, #tpu.memory_space<vmem>>, vector<1x16xf32>,
        %parallel_loop3A_494 = vector.shape_cast %parallel_loop3A_493 : vector<1x16xf32> to vector<16xf32>
        %parallel_loop3A_495 = vector.shape_cast %parallel_loop3A_490 : vector<16xf32> to vector<1x16xf32>
        tpu.vector_store %arg9[%parallel_loop3A_491, %parallel_loop3A_492], %parallel_loop3A_495 {strides = array<i32>} : memref<80x128xf32, #tpu.memory_space<vmem>>, vector<1x16xf32>,
        %parallel_loop3A_496 = arith.index_cast %parallel_loop3A_463 : i32 to index
        %parallel_loop3A_497 = arith.constant 16 : index
        %parallel_loop3A_498 = tpu.vector_load %arg11[%parallel_loop3A_496, %parallel_loop3A_497] {strides = array<i32>} : memref<80x64xi32, #tpu.memory_space<vmem>>, vector<1x16xi32>,
        %parallel_loop3A_499 = vector.shape_cast %parallel_loop3A_498 : vector<1x16xi32> to vector<16xi32>
        %parallel_loop3A_500 = arith.constant 16 : i32
        %parallel_loop3A_501 = vector.broadcast %parallel_loop3A_500 : i32 to vector<16xi32>
        %parallel_loop3A_502 = arith.shli %parallel_loop3A_499, %parallel_loop3A_501 : vector<16xi32>
        %parallel_loop3A_503 = tpu.bitcast %parallel_loop3A_502 : vector<16xi32> -> vector<16xf32>
        %parallel_loop3A_504 = arith.constant -65536 : i32
        %parallel_loop3A_505 = vector.broadcast %parallel_loop3A_504 : i32 to vector<16xi32>
        %parallel_loop3A_506 = arith.andi %parallel_loop3A_499, %parallel_loop3A_505 : vector<16xi32>
        %parallel_loop3A_507 = tpu.bitcast %parallel_loop3A_506 : vector<16xi32> -> vector<16xf32>
        %parallel_loop3A_508 = arith.index_cast %parallel_loop3A_463 : i32 to index
        %parallel_loop3A_509 = arith.constant 32 : index
        %parallel_loop3A_510 = tpu.vector_load %arg9[%parallel_loop3A_508, %parallel_loop3A_509] {strides = array<i32>} : memref<80x128xf32, #tpu.memory_space<vmem>>, vector<1x16xf32>,
        %parallel_loop3A_511 = vector.shape_cast %parallel_loop3A_510 : vector<1x16xf32> to vector<16xf32>
        %parallel_loop3A_512 = arith.mulf %parallel_loop3A_503, %parallel_loop3A_511 : vector<16xf32>
        %parallel_loop3A_513 = arith.index_cast %parallel_loop3A_463 : i32 to index
        %parallel_loop3A_514 = arith.constant 32 : index
        %parallel_loop3A_515 = tpu.vector_load %arg9[%parallel_loop3A_513, %parallel_loop3A_514] {strides = array<i32>} : memref<80x128xf32, #tpu.memory_space<vmem>>, vector<1x16xf32>,
        %parallel_loop3A_516 = vector.shape_cast %parallel_loop3A_515 : vector<1x16xf32> to vector<16xf32>
        %parallel_loop3A_517 = vector.shape_cast %parallel_loop3A_512 : vector<16xf32> to vector<1x16xf32>
        tpu.vector_store %arg9[%parallel_loop3A_513, %parallel_loop3A_514], %parallel_loop3A_517 {strides = array<i32>} : memref<80x128xf32, #tpu.memory_space<vmem>>, vector<1x16xf32>,
        %parallel_loop3A_518 = arith.index_cast %parallel_loop3A_463 : i32 to index
        %parallel_loop3A_519 = arith.constant 48 : index
        %parallel_loop3A_520 = tpu.vector_load %arg9[%parallel_loop3A_518, %parallel_loop3A_519] {strides = array<i32>} : memref<80x128xf32, #tpu.memory_space<vmem>>, vector<1x16xf32>,
        %parallel_loop3A_521 = vector.shape_cast %parallel_loop3A_520 : vector<1x16xf32> to vector<16xf32>
        %parallel_loop3A_522 = arith.mulf %parallel_loop3A_507, %parallel_loop3A_521 : vector<16xf32>
        %parallel_loop3A_523 = arith.index_cast %parallel_loop3A_463 : i32 to index
        %parallel_loop3A_524 = arith.constant 48 : index
        %parallel_loop3A_525 = tpu.vector_load %arg9[%parallel_loop3A_523, %parallel_loop3A_524] {strides = array<i32>} : memref<80x128xf32, #tpu.memory_space<vmem>>, vector<1x16xf32>,
        %parallel_loop3A_526 = vector.shape_cast %parallel_loop3A_525 : vector<1x16xf32> to vector<16xf32>
        %parallel_loop3A_527 = vector.shape_cast %parallel_loop3A_522 : vector<16xf32> to vector<1x16xf32>
        tpu.vector_store %arg9[%parallel_loop3A_523, %parallel_loop3A_524], %parallel_loop3A_527 {strides = array<i32>} : memref<80x128xf32, #tpu.memory_space<vmem>>, vector<1x16xf32>,
        %parallel_loop3A_528 = arith.index_cast %parallel_loop3A_463 : i32 to index
        %parallel_loop3A_529 = arith.constant 32 : index
        %parallel_loop3A_530 = tpu.vector_load %arg11[%parallel_loop3A_528, %parallel_loop3A_529] {strides = array<i32>} : memref<80x64xi32, #tpu.memory_space<vmem>>, vector<1x16xi32>,
        %parallel_loop3A_531 = vector.shape_cast %parallel_loop3A_530 : vector<1x16xi32> to vector<16xi32>
        %parallel_loop3A_532 = arith.constant 16 : i32
        %parallel_loop3A_533 = vector.broadcast %parallel_loop3A_532 : i32 to vector<16xi32>
        %parallel_loop3A_534 = arith.shli %parallel_loop3A_531, %parallel_loop3A_533 : vector<16xi32>
        %parallel_loop3A_535 = tpu.bitcast %parallel_loop3A_534 : vector<16xi32> -> vector<16xf32>
        %parallel_loop3A_536 = arith.constant -65536 : i32
        %parallel_loop3A_537 = vector.broadcast %parallel_loop3A_536 : i32 to vector<16xi32>
        %parallel_loop3A_538 = arith.andi %parallel_loop3A_531, %parallel_loop3A_537 : vector<16xi32>
        %parallel_loop3A_539 = tpu.bitcast %parallel_loop3A_538 : vector<16xi32> -> vector<16xf32>
        %parallel_loop3A_540 = arith.index_cast %parallel_loop3A_463 : i32 to index
        %parallel_loop3A_541 = arith.constant 64 : index
        %parallel_loop3A_542 = tpu.vector_load %arg9[%parallel_loop3A_540, %parallel_loop3A_541] {strides = array<i32>} : memref<80x128xf32, #tpu.memory_space<vmem>>, vector<1x16xf32>,
        %parallel_loop3A_543 = vector.shape_cast %parallel_loop3A_542 : vector<1x16xf32> to vector<16xf32>
        %parallel_loop3A_544 = arith.mulf %parallel_loop3A_535, %parallel_loop3A_543 : vector<16xf32>
        %parallel_loop3A_545 = arith.index_cast %parallel_loop3A_463 : i32 to index
        %parallel_loop3A_546 = arith.constant 64 : index
        %parallel_loop3A_547 = tpu.vector_load %arg9[%parallel_loop3A_545, %parallel_loop3A_546] {strides = array<i32>} : memref<80x128xf32, #tpu.memory_space<vmem>>, vector<1x16xf32>,
        %parallel_loop3A_548 = vector.shape_cast %parallel_loop3A_547 : vector<1x16xf32> to vector<16xf32>
        %parallel_loop3A_549 = vector.shape_cast %parallel_loop3A_544 : vector<16xf32> to vector<1x16xf32>
        tpu.vector_store %arg9[%parallel_loop3A_545, %parallel_loop3A_546], %parallel_loop3A_549 {strides = array<i32>} : memref<80x128xf32, #tpu.memory_space<vmem>>, vector<1x16xf32>,
        %parallel_loop3A_550 = arith.index_cast %parallel_loop3A_463 : i32 to index
        %parallel_loop3A_551 = arith.constant 80 : index
        %parallel_loop3A_552 = tpu.vector_load %arg9[%parallel_loop3A_550, %parallel_loop3A_551] {strides = array<i32>} : memref<80x128xf32, #tpu.memory_space<vmem>>, vector<1x16xf32>,
        %parallel_loop3A_553 = vector.shape_cast %parallel_loop3A_552 : vector<1x16xf32> to vector<16xf32>
        %parallel_loop3A_554 = arith.mulf %parallel_loop3A_539, %parallel_loop3A_553 : vector<16xf32>
        %parallel_loop3A_555 = arith.index_cast %parallel_loop3A_463 : i32 to index
        %parallel_loop3A_556 = arith.constant 80 : index
        %parallel_loop3A_557 = tpu.vector_load %arg9[%parallel_loop3A_555, %parallel_loop3A_556] {strides = array<i32>} : memref<80x128xf32, #tpu.memory_space<vmem>>, vector<1x16xf32>,
        %parallel_loop3A_558 = vector.shape_cast %parallel_loop3A_557 : vector<1x16xf32> to vector<16xf32>
        %parallel_loop3A_559 = vector.shape_cast %parallel_loop3A_554 : vector<16xf32> to vector<1x16xf32>
        tpu.vector_store %arg9[%parallel_loop3A_555, %parallel_loop3A_556], %parallel_loop3A_559 {strides = array<i32>} : memref<80x128xf32, #tpu.memory_space<vmem>>, vector<1x16xf32>,
        %parallel_loop3A_560 = arith.index_cast %parallel_loop3A_463 : i32 to index
        %parallel_loop3A_561 = arith.constant 48 : index
        %parallel_loop3A_562 = tpu.vector_load %arg11[%parallel_loop3A_560, %parallel_loop3A_561] {strides = array<i32>} : memref<80x64xi32, #tpu.memory_space<vmem>>, vector<1x16xi32>,
        %parallel_loop3A_563 = vector.shape_cast %parallel_loop3A_562 : vector<1x16xi32> to vector<16xi32>
        %parallel_loop3A_564 = arith.constant 16 : i32
        %parallel_loop3A_565 = vector.broadcast %parallel_loop3A_564 : i32 to vector<16xi32>
        %parallel_loop3A_566 = arith.shli %parallel_loop3A_563, %parallel_loop3A_565 : vector<16xi32>
        %parallel_loop3A_567 = tpu.bitcast %parallel_loop3A_566 : vector<16xi32> -> vector<16xf32>
        %parallel_loop3A_568 = arith.constant -65536 : i32
        %parallel_loop3A_569 = vector.broadcast %parallel_loop3A_568 : i32 to vector<16xi32>
        %parallel_loop3A_570 = arith.andi %parallel_loop3A_563, %parallel_loop3A_569 : vector<16xi32>
        %parallel_loop3A_571 = tpu.bitcast %parallel_loop3A_570 : vector<16xi32> -> vector<16xf32>
        %parallel_loop3A_572 = arith.index_cast %parallel_loop3A_463 : i32 to index
        %parallel_loop3A_573 = arith.constant 96 : index
        %parallel_loop3A_574 = tpu.vector_load %arg9[%parallel_loop3A_572, %parallel_loop3A_573] {strides = array<i32>} : memref<80x128xf32, #tpu.memory_space<vmem>>, vector<1x16xf32>,
        %parallel_loop3A_575 = vector.shape_cast %parallel_loop3A_574 : vector<1x16xf32> to vector<16xf32>
        %parallel_loop3A_576 = arith.mulf %parallel_loop3A_567, %parallel_loop3A_575 : vector<16xf32>
        %parallel_loop3A_577 = arith.index_cast %parallel_loop3A_463 : i32 to index
        %parallel_loop3A_578 = arith.constant 96 : index
        %parallel_loop3A_579 = tpu.vector_load %arg9[%parallel_loop3A_577, %parallel_loop3A_578] {strides = array<i32>} : memref<80x128xf32, #tpu.memory_space<vmem>>, vector<1x16xf32>,
        %parallel_loop3A_580 = vector.shape_cast %parallel_loop3A_579 : vector<1x16xf32> to vector<16xf32>
        %parallel_loop3A_581 = vector.shape_cast %parallel_loop3A_576 : vector<16xf32> to vector<1x16xf32>
        tpu.vector_store %arg9[%parallel_loop3A_577, %parallel_loop3A_578], %parallel_loop3A_581 {strides = array<i32>} : memref<80x128xf32, #tpu.memory_space<vmem>>, vector<1x16xf32>,
        %parallel_loop3A_582 = arith.index_cast %parallel_loop3A_463 : i32 to index
        %parallel_loop3A_583 = arith.constant 112 : index
        %parallel_loop3A_584 = tpu.vector_load %arg9[%parallel_loop3A_582, %parallel_loop3A_583] {strides = array<i32>} : memref<80x128xf32, #tpu.memory_space<vmem>>, vector<1x16xf32>,
        %parallel_loop3A_585 = vector.shape_cast %parallel_loop3A_584 : vector<1x16xf32> to vector<16xf32>
        %parallel_loop3A_586 = arith.mulf %parallel_loop3A_571, %parallel_loop3A_585 : vector<16xf32>
        %parallel_loop3A_587 = arith.index_cast %parallel_loop3A_463 : i32 to index
        %parallel_loop3A_588 = arith.constant 112 : index
        %parallel_loop3A_589 = tpu.vector_load %arg9[%parallel_loop3A_587, %parallel_loop3A_588] {strides = array<i32>} : memref<80x128xf32, #tpu.memory_space<vmem>>, vector<1x16xf32>,
        %parallel_loop3A_590 = vector.shape_cast %parallel_loop3A_589 : vector<1x16xf32> to vector<16xf32>
        %parallel_loop3A_591 = vector.shape_cast %parallel_loop3A_586 : vector<16xf32> to vector<1x16xf32>
        tpu.vector_store %arg9[%parallel_loop3A_587, %parallel_loop3A_588], %parallel_loop3A_591 {strides = array<i32>} : memref<80x128xf32, #tpu.memory_space<vmem>>, vector<1x16xf32>,
      } {sc.loop_unroll_factor = 8 : i64, sc.parallel_access}
      %dma_start3A_381 = arith.constant 1 : i32
      %dma_start3A_382 = arith.constant 0 : i32
      %dma_start3A_383 = tpu.memref_slice %arg7[%dma_start3A_381, %dma_start3A_382] : memref<2x80xi32, #tpu.memory_space<vmem>> -> memref<1x80xi32, #tpu.memory_space<vmem>>
      %dma_start3A_384 = tpu.memref_squeeze %dma_start3A_383 : memref<1x80xi32, #tpu.memory_space<vmem>> -> memref<80xi32, #tpu.memory_space<vmem>>
      %dma_start3A_385 = arith.constant 0 : i32
      %dma_start3A_386 = arith.constant 0 : i32
      %dma_start3A_387 = tpu.memref_slice %arg14[%dma_start3A_385, %dma_start3A_386] : memref<10000x128xf32, #tpu.memory_space<vmem_shared>> -> memref<10000x128xf32, #tpu.memory_space<vmem_shared>>
      tpu.enqueue_indirect_dma source(%arg9 : memref<80x128xf32, #tpu.memory_space<vmem>>) target(%dma_start3A_387 : memref<10000x128xf32, #tpu.memory_space<vmem_shared>>) offsets(%dma_start3A_384 : memref<80xi32, #tpu.memory_space<vmem>>) semaphore(%arg19 : memref<!tpu.dma_semaphore, #tpu.memory_space<semaphore_mem>>) {add = true}
      %lt3A = arith.constant 123 : i32
      %lt3A_388 = arith.cmpi slt, %mul3A_361, %lt3A : i32
      %convert_element_type3A_389 = arith.extui %lt3A_388 : i1 to i32
      %cond3A_390 = arith.constant 0 : i32
      %cond3A_391 = arith.cmpi ne, %convert_element_type3A_389, %cond3A_390 : i32
      scf.if %cond3A_391 {
        %mul3A_463 = arith.constant 125 : i32
        %mul3A_464 = arith.muli %add3A, %mul3A_463 : i32
        %add3A_465 = arith.addi %mul3A_464, %mul3A_361 : i32
        %add3A_466 = arith.constant 2 : i32
        %add3A_467 = arith.addi %add3A_465, %add3A_466 : i32
        %dma_start3A_468 = arith.constant 0 : i32
        %dma_start3A_469 = arith.constant 0 : i32
        %dma_start3A_470 = tpu.memref_slice %arg4[%add3A_467, %dma_start3A_468, %dma_start3A_469] : memref<4000x2x80xi32, #tpu.memory_space<hbm>> -> memref<1x2x80xi32, #tpu.memory_space<hbm>>
        %dma_start3A_471 = tpu.memref_squeeze %dma_start3A_470 : memref<1x2x80xi32, #tpu.memory_space<hbm>> -> memref<2x80xi32, #tpu.memory_space<hbm>>
        %dma_start3A_472 = arith.constant 0 : i32
        %dma_start3A_473 = arith.constant 0 : i32
        %dma_start3A_474 = tpu.memref_slice %arg4[%add3A_467, %dma_start3A_472, %dma_start3A_473] : memref<4000x2x80xi32, #tpu.memory_space<hbm>> -> memref<1x2x80xi32, #tpu.memory_space<hbm>>
        %dma_start3A_475 = tpu.memref_squeeze %dma_start3A_474 : memref<1x2x80xi32, #tpu.memory_space<hbm>> -> memref<2x80xi32, #tpu.memory_space<hbm>>
        tpu.enqueue_dma source(%dma_start3A_475 : memref<2x80xi32, #tpu.memory_space<hbm>>) target(%arg7 : memref<2x80xi32, #tpu.memory_space<vmem>>) target_semaphore(%arg21 : memref<!tpu.dma_semaphore, #tpu.memory_space<semaphore_mem>>)
      } else {
      }
      %mul3A_392 = arith.constant 2 : i32
      %mul3A_393 = arith.muli %mul3A_392, %scan3A_324 : i32
      %add3A_394 = arith.constant 2 : i32
      %add3A_395 = arith.addi %mul3A_393, %add3A_394 : i32
      %mul3A_396 = arith.constant 10000 : i32
      %mul3A_397 = arith.muli %add3A, %mul3A_396 : i32
      %mul3A_398 = arith.constant 80 : i32
      %mul3A_399 = arith.muli %add3A_395, %mul3A_398 : i32
      %add3A_400 = arith.addi %mul3A_397, %mul3A_399 : i32
      %ge3A_401 = arith.constant 2 : i32
      %ge3A_402 = arith.cmpi sge, %add3A_395, %ge3A_401 : i32
      %convert_element_type3A_403 = arith.extui %ge3A_402 : i1 to i32
      %cond3A_404 = arith.constant 0 : i32
      %cond3A_405 = arith.cmpi ne, %convert_element_type3A_403, %cond3A_404 : i32
      scf.if %cond3A_405 {
        %dma_wait3A_463 = arith.constant 1 : i32
        %dma_wait3A_464 = arith.constant 0 : i32
        %dma_wait3A_465 = tpu.memref_slice %arg7[%dma_wait3A_463, %dma_wait3A_464] : memref<2x80xi32, #tpu.memory_space<vmem>> -> memref<1x80xi32, #tpu.memory_space<vmem>>
        %dma_wait3A_466 = tpu.memref_squeeze %dma_wait3A_465 : memref<1x80xi32, #tpu.memory_space<vmem>> -> memref<80xi32, #tpu.memory_space<vmem>>
        %dma_wait3A_467 = arith.constant 0 : i32
        %dma_wait3A_468 = arith.constant 0 : i32
        %dma_wait3A_469 = tpu.memref_slice %arg14[%dma_wait3A_467, %dma_wait3A_468] : memref<10000x128xf32, #tpu.memory_space<vmem_shared>> -> memref<10000x128xf32, #tpu.memory_space<vmem_shared>>
        tpu.wait_indirect_dma semaphore(%arg19 : memref<!tpu.dma_semaphore, #tpu.memory_space<semaphore_mem>>) src(%arg9 : memref<80x128xf32, #tpu.memory_space<vmem>>) dst(%dma_wait3A_469 : memref<10000x128xf32, #tpu.memory_space<vmem_shared>>)
      } else {
      }
      %mul3A_406 = arith.constant 125 : i32
      %mul3A_407 = arith.muli %add3A, %mul3A_406 : i32
      %add3A_408 = arith.addi %mul3A_407, %add3A_395 : i32
      %dma_wait3A_409 = arith.constant 0 : i32
      %dma_wait3A_410 = arith.constant 0 : i32
      %dma_wait3A_411 = tpu.memref_slice %arg4[%add3A_408, %dma_wait3A_409, %dma_wait3A_410] : memref<4000x2x80xi32, #tpu.memory_space<hbm>> -> memref<1x2x80xi32, #tpu.memory_space<hbm>>
      %dma_wait3A_412 = tpu.memref_squeeze %dma_wait3A_411 : memref<1x2x80xi32, #tpu.memory_space<hbm>> -> memref<2x80xi32, #tpu.memory_space<hbm>>
      %dma_wait3A_413 = arith.constant 0 : i32
      %dma_wait3A_414 = arith.constant 0 : i32
      %dma_wait3A_415 = tpu.memref_slice %arg4[%add3A_408, %dma_wait3A_413, %dma_wait3A_414] : memref<4000x2x80xi32, #tpu.memory_space<hbm>> -> memref<1x2x80xi32, #tpu.memory_space<hbm>>
      %dma_wait3A_416 = tpu.memref_squeeze %dma_wait3A_415 : memref<1x2x80xi32, #tpu.memory_space<hbm>> -> memref<2x80xi32, #tpu.memory_space<hbm>>
      tpu.wait_dma2 semaphore(%arg21 : memref<!tpu.dma_semaphore, #tpu.memory_space<semaphore_mem>>) src(%dma_wait3A_416 : memref<2x80xi32, #tpu.memory_space<hbm>>) dst(%arg7 : memref<2x80xi32, #tpu.memory_space<vmem>>)
      %dma_start3A_417 = arith.constant 0 : i32
      %dma_start3A_418 = arith.constant 0 : i32
      %dma_start3A_419 = tpu.memref_slice %arg7[%dma_start3A_417, %dma_start3A_418] : memref<2x80xi32, #tpu.memory_space<vmem>> -> memref<1x80xi32, #tpu.memory_space<vmem>>
      %dma_start3A_420 = tpu.memref_squeeze %dma_start3A_419 : memref<1x80xi32, #tpu.memory_space<vmem>> -> memref<80xi32, #tpu.memory_space<vmem>>
      %dma_start3A_421 = arith.constant 0 : i32
      %dma_start3A_422 = arith.constant 0 : i32
      %dma_start3A_423 = tpu.memref_slice %arg2[%dma_start3A_421, %dma_start3A_422] : memref<10000x128xf32, #tpu.memory_space<hbm>> -> memref<10000x128xf32, #tpu.memory_space<hbm>>
      tpu.enqueue_indirect_dma source(%dma_start3A_423 : memref<10000x128xf32, #tpu.memory_space<hbm>>) target(%arg9 : memref<80x128xf32, #tpu.memory_space<vmem>>) offsets(%dma_start3A_420 : memref<80xi32, #tpu.memory_space<vmem>>) semaphore(%arg15 : memref<!tpu.dma_semaphore, #tpu.memory_space<semaphore_mem>>)
      %dma_start3A_424 = arith.constant 0 : i32
      %dma_start3A_425 = tpu.memref_slice %arg3[%add3A_400, %dma_start3A_424] : memref<320000x64xi32, #tpu.memory_space<hbm>> -> memref<80x64xi32, #tpu.memory_space<hbm>>
      %dma_start3A_426 = arith.constant 0 : i32
      %dma_start3A_427 = tpu.memref_slice %arg3[%add3A_400, %dma_start3A_426] : memref<320000x64xi32, #tpu.memory_space<hbm>> -> memref<80x64xi32, #tpu.memory_space<hbm>>
      tpu.enqueue_dma source(%dma_start3A_427 : memref<80x64xi32, #tpu.memory_space<hbm>>) target(%arg11 : memref<80x64xi32, #tpu.memory_space<vmem>>) target_semaphore(%arg17 : memref<!tpu.dma_semaphore, #tpu.memory_space<semaphore_mem>>)
      %mul3A_428 = arith.constant 2 : i32
      %mul3A_429 = arith.muli %mul3A_428, %scan3A_324 : i32
      %add3A_430 = arith.constant 1 : i32
      %add3A_431 = arith.addi %mul3A_429, %add3A_430 : i32
      %mul3A_432 = arith.constant 10000 : i32
      %mul3A_433 = arith.muli %add3A, %mul3A_432 : i32
      %mul3A_434 = arith.constant 80 : i32
      %mul3A_435 = arith.muli %add3A_431, %mul3A_434 : i32
      %add3A_436 = arith.addi %mul3A_433, %mul3A_435 : i32
      %dma_wait3A_437 = arith.constant 0 : i32
      %dma_wait3A_438 = arith.constant 0 : i32
      %dma_wait3A_439 = tpu.memref_slice %arg8[%dma_wait3A_437, %dma_wait3A_438] : memref<2x80xi32, #tpu.memory_space<vmem>> -> memref<1x80xi32, #tpu.memory_space<vmem>>
      %dma_wait3A_440 = tpu.memref_squeeze %dma_wait3A_439 : memref<1x80xi32, #tpu.memory_space<vmem>> -> memref<80xi32, #tpu.memory_space<vmem>>
      %dma_wait3A_441 = arith.constant 0 : i32
      %dma_wait3A_442 = arith.constant 0 : i32
      %dma_wait3A_443 = tpu.memref_slice %arg2[%dma_wait3A_441, %dma_wait3A_442] : memref<10000x128xf32, #tpu.memory_space<hbm>> -> memref<10000x128xf32, #tpu.memory_space<hbm>>
      tpu.wait_indirect_dma semaphore(%arg16 : memref<!tpu.dma_semaphore, #tpu.memory_space<semaphore_mem>>) src(%dma_wait3A_443 : memref<10000x128xf32, #tpu.memory_space<hbm>>) dst(%arg10 : memref<80x128xf32, #tpu.memory_space<vmem>>)
      %dma_wait3A_444 = arith.constant 0 : i32
      %dma_wait3A_445 = tpu.memref_slice %arg3[%add3A_436, %dma_wait3A_444] : memref<320000x64xi32, #tpu.memory_space<hbm>> -> memref<80x64xi32, #tpu.memory_space<hbm>>
      %dma_wait3A_446 = arith.constant 0 : i32
      %dma_wait3A_447 = tpu.memref_slice %arg3[%add3A_436, %dma_wait3A_446] : memref<320000x64xi32, #tpu.memory_space<hbm>> -> memref<80x64xi32, #tpu.memory_space<hbm>>
      tpu.wait_dma2 semaphore(%arg18 : memref<!tpu.dma_semaphore, #tpu.memory_space<semaphore_mem>>) src(%dma_wait3A_447 : memref<80x64xi32, #tpu.memory_space<hbm>>) dst(%arg12 : memref<80x64xi32, #tpu.memory_space<vmem>>)
      %parallel_loop3A_448 = arith.constant 0 : i32
      %parallel_loop3A_449 = arith.constant 80 : i32
      %parallel_loop3A_450 = arith.constant 1 : i32
      scf.for %parallel_loop3A_463 = %parallel_loop3A_448 to %parallel_loop3A_449 step %parallel_loop3A_450  : i32 {
        %parallel_loop3A_464 = arith.index_cast %parallel_loop3A_463 : i32 to index
        %parallel_loop3A_465 = arith.constant 0 : index
        %parallel_loop3A_466 = tpu.vector_load %arg12[%parallel_loop3A_464, %parallel_loop3A_465] {strides = array<i32>} : memref<80x64xi32, #tpu.memory_space<vmem>>, vector<1x16xi32>,
        %parallel_loop3A_467 = vector.shape_cast %parallel_loop3A_466 : vector<1x16xi32> to vector<16xi32>
        %parallel_loop3A_468 = arith.constant 16 : i32
        %parallel_loop3A_469 = vector.broadcast %parallel_loop3A_468 : i32 to vector<16xi32>
        %parallel_loop3A_470 = arith.shli %parallel_loop3A_467, %parallel_loop3A_469 : vector<16xi32>
        %parallel_loop3A_471 = tpu.bitcast %parallel_loop3A_470 : vector<16xi32> -> vector<16xf32>
        %parallel_loop3A_472 = arith.constant -65536 : i32
        %parallel_loop3A_473 = vector.broadcast %parallel_loop3A_472 : i32 to vector<16xi32>
        %parallel_loop3A_474 = arith.andi %parallel_loop3A_467, %parallel_loop3A_473 : vector<16xi32>
        %parallel_loop3A_475 = tpu.bitcast %parallel_loop3A_474 : vector<16xi32> -> vector<16xf32>
        %parallel_loop3A_476 = arith.index_cast %parallel_loop3A_463 : i32 to index
        %parallel_loop3A_477 = arith.constant 0 : index
        %parallel_loop3A_478 = tpu.vector_load %arg10[%parallel_loop3A_476, %parallel_loop3A_477] {strides = array<i32>} : memref<80x128xf32, #tpu.memory_space<vmem>>, vector<1x16xf32>,
        %parallel_loop3A_479 = vector.shape_cast %parallel_loop3A_478 : vector<1x16xf32> to vector<16xf32>
        %parallel_loop3A_480 = arith.mulf %parallel_loop3A_471, %parallel_loop3A_479 : vector<16xf32>
        %parallel_loop3A_481 = arith.index_cast %parallel_loop3A_463 : i32 to index
        %parallel_loop3A_482 = arith.constant 0 : index
        %parallel_loop3A_483 = tpu.vector_load %arg10[%parallel_loop3A_481, %parallel_loop3A_482] {strides = array<i32>} : memref<80x128xf32, #tpu.memory_space<vmem>>, vector<1x16xf32>,
        %parallel_loop3A_484 = vector.shape_cast %parallel_loop3A_483 : vector<1x16xf32> to vector<16xf32>
        %parallel_loop3A_485 = vector.shape_cast %parallel_loop3A_480 : vector<16xf32> to vector<1x16xf32>
        tpu.vector_store %arg10[%parallel_loop3A_481, %parallel_loop3A_482], %parallel_loop3A_485 {strides = array<i32>} : memref<80x128xf32, #tpu.memory_space<vmem>>, vector<1x16xf32>,
        %parallel_loop3A_486 = arith.index_cast %parallel_loop3A_463 : i32 to index
        %parallel_loop3A_487 = arith.constant 16 : index
        %parallel_loop3A_488 = tpu.vector_load %arg10[%parallel_loop3A_486, %parallel_loop3A_487] {strides = array<i32>} : memref<80x128xf32, #tpu.memory_space<vmem>>, vector<1x16xf32>,
        %parallel_loop3A_489 = vector.shape_cast %parallel_loop3A_488 : vector<1x16xf32> to vector<16xf32>
        %parallel_loop3A_490 = arith.mulf %parallel_loop3A_475, %parallel_loop3A_489 : vector<16xf32>
        %parallel_loop3A_491 = arith.index_cast %parallel_loop3A_463 : i32 to index
        %parallel_loop3A_492 = arith.constant 16 : index
        %parallel_loop3A_493 = tpu.vector_load %arg10[%parallel_loop3A_491, %parallel_loop3A_492] {strides = array<i32>} : memref<80x128xf32, #tpu.memory_space<vmem>>, vector<1x16xf32>,
        %parallel_loop3A_494 = vector.shape_cast %parallel_loop3A_493 : vector<1x16xf32> to vector<16xf32>
        %parallel_loop3A_495 = vector.shape_cast %parallel_loop3A_490 : vector<16xf32> to vector<1x16xf32>
        tpu.vector_store %arg10[%parallel_loop3A_491, %parallel_loop3A_492], %parallel_loop3A_495 {strides = array<i32>} : memref<80x128xf32, #tpu.memory_space<vmem>>, vector<1x16xf32>,
        %parallel_loop3A_496 = arith.index_cast %parallel_loop3A_463 : i32 to index
        %parallel_loop3A_497 = arith.constant 16 : index
        %parallel_loop3A_498 = tpu.vector_load %arg12[%parallel_loop3A_496, %parallel_loop3A_497] {strides = array<i32>} : memref<80x64xi32, #tpu.memory_space<vmem>>, vector<1x16xi32>,
        %parallel_loop3A_499 = vector.shape_cast %parallel_loop3A_498 : vector<1x16xi32> to vector<16xi32>
        %parallel_loop3A_500 = arith.constant 16 : i32
        %parallel_loop3A_501 = vector.broadcast %parallel_loop3A_500 : i32 to vector<16xi32>
        %parallel_loop3A_502 = arith.shli %parallel_loop3A_499, %parallel_loop3A_501 : vector<16xi32>
        %parallel_loop3A_503 = tpu.bitcast %parallel_loop3A_502 : vector<16xi32> -> vector<16xf32>
        %parallel_loop3A_504 = arith.constant -65536 : i32
        %parallel_loop3A_505 = vector.broadcast %parallel_loop3A_504 : i32 to vector<16xi32>
        %parallel_loop3A_506 = arith.andi %parallel_loop3A_499, %parallel_loop3A_505 : vector<16xi32>
        %parallel_loop3A_507 = tpu.bitcast %parallel_loop3A_506 : vector<16xi32> -> vector<16xf32>
        %parallel_loop3A_508 = arith.index_cast %parallel_loop3A_463 : i32 to index
        %parallel_loop3A_509 = arith.constant 32 : index
        %parallel_loop3A_510 = tpu.vector_load %arg10[%parallel_loop3A_508, %parallel_loop3A_509] {strides = array<i32>} : memref<80x128xf32, #tpu.memory_space<vmem>>, vector<1x16xf32>,
        %parallel_loop3A_511 = vector.shape_cast %parallel_loop3A_510 : vector<1x16xf32> to vector<16xf32>
        %parallel_loop3A_512 = arith.mulf %parallel_loop3A_503, %parallel_loop3A_511 : vector<16xf32>
        %parallel_loop3A_513 = arith.index_cast %parallel_loop3A_463 : i32 to index
        %parallel_loop3A_514 = arith.constant 32 : index
        %parallel_loop3A_515 = tpu.vector_load %arg10[%parallel_loop3A_513, %parallel_loop3A_514] {strides = array<i32>} : memref<80x128xf32, #tpu.memory_space<vmem>>, vector<1x16xf32>,
        %parallel_loop3A_516 = vector.shape_cast %parallel_loop3A_515 : vector<1x16xf32> to vector<16xf32>
        %parallel_loop3A_517 = vector.shape_cast %parallel_loop3A_512 : vector<16xf32> to vector<1x16xf32>
        tpu.vector_store %arg10[%parallel_loop3A_513, %parallel_loop3A_514], %parallel_loop3A_517 {strides = array<i32>} : memref<80x128xf32, #tpu.memory_space<vmem>>, vector<1x16xf32>,
        %parallel_loop3A_518 = arith.index_cast %parallel_loop3A_463 : i32 to index
        %parallel_loop3A_519 = arith.constant 48 : index
        %parallel_loop3A_520 = tpu.vector_load %arg10[%parallel_loop3A_518, %parallel_loop3A_519] {strides = array<i32>} : memref<80x128xf32, #tpu.memory_space<vmem>>, vector<1x16xf32>,
        %parallel_loop3A_521 = vector.shape_cast %parallel_loop3A_520 : vector<1x16xf32> to vector<16xf32>
        %parallel_loop3A_522 = arith.mulf %parallel_loop3A_507, %parallel_loop3A_521 : vector<16xf32>
        %parallel_loop3A_523 = arith.index_cast %parallel_loop3A_463 : i32 to index
        %parallel_loop3A_524 = arith.constant 48 : index
        %parallel_loop3A_525 = tpu.vector_load %arg10[%parallel_loop3A_523, %parallel_loop3A_524] {strides = array<i32>} : memref<80x128xf32, #tpu.memory_space<vmem>>, vector<1x16xf32>,
        %parallel_loop3A_526 = vector.shape_cast %parallel_loop3A_525 : vector<1x16xf32> to vector<16xf32>
        %parallel_loop3A_527 = vector.shape_cast %parallel_loop3A_522 : vector<16xf32> to vector<1x16xf32>
        tpu.vector_store %arg10[%parallel_loop3A_523, %parallel_loop3A_524], %parallel_loop3A_527 {strides = array<i32>} : memref<80x128xf32, #tpu.memory_space<vmem>>, vector<1x16xf32>,
        %parallel_loop3A_528 = arith.index_cast %parallel_loop3A_463 : i32 to index
        %parallel_loop3A_529 = arith.constant 32 : index
        %parallel_loop3A_530 = tpu.vector_load %arg12[%parallel_loop3A_528, %parallel_loop3A_529] {strides = array<i32>} : memref<80x64xi32, #tpu.memory_space<vmem>>, vector<1x16xi32>,
        %parallel_loop3A_531 = vector.shape_cast %parallel_loop3A_530 : vector<1x16xi32> to vector<16xi32>
        %parallel_loop3A_532 = arith.constant 16 : i32
        %parallel_loop3A_533 = vector.broadcast %parallel_loop3A_532 : i32 to vector<16xi32>
        %parallel_loop3A_534 = arith.shli %parallel_loop3A_531, %parallel_loop3A_533 : vector<16xi32>
        %parallel_loop3A_535 = tpu.bitcast %parallel_loop3A_534 : vector<16xi32> -> vector<16xf32>
        %parallel_loop3A_536 = arith.constant -65536 : i32
        %parallel_loop3A_537 = vector.broadcast %parallel_loop3A_536 : i32 to vector<16xi32>
        %parallel_loop3A_538 = arith.andi %parallel_loop3A_531, %parallel_loop3A_537 : vector<16xi32>
        %parallel_loop3A_539 = tpu.bitcast %parallel_loop3A_538 : vector<16xi32> -> vector<16xf32>
        %parallel_loop3A_540 = arith.index_cast %parallel_loop3A_463 : i32 to index
        %parallel_loop3A_541 = arith.constant 64 : index
        %parallel_loop3A_542 = tpu.vector_load %arg10[%parallel_loop3A_540, %parallel_loop3A_541] {strides = array<i32>} : memref<80x128xf32, #tpu.memory_space<vmem>>, vector<1x16xf32>,
        %parallel_loop3A_543 = vector.shape_cast %parallel_loop3A_542 : vector<1x16xf32> to vector<16xf32>
        %parallel_loop3A_544 = arith.mulf %parallel_loop3A_535, %parallel_loop3A_543 : vector<16xf32>
        %parallel_loop3A_545 = arith.index_cast %parallel_loop3A_463 : i32 to index
        %parallel_loop3A_546 = arith.constant 64 : index
        %parallel_loop3A_547 = tpu.vector_load %arg10[%parallel_loop3A_545, %parallel_loop3A_546] {strides = array<i32>} : memref<80x128xf32, #tpu.memory_space<vmem>>, vector<1x16xf32>,
        %parallel_loop3A_548 = vector.shape_cast %parallel_loop3A_547 : vector<1x16xf32> to vector<16xf32>
        %parallel_loop3A_549 = vector.shape_cast %parallel_loop3A_544 : vector<16xf32> to vector<1x16xf32>
        tpu.vector_store %arg10[%parallel_loop3A_545, %parallel_loop3A_546], %parallel_loop3A_549 {strides = array<i32>} : memref<80x128xf32, #tpu.memory_space<vmem>>, vector<1x16xf32>,
        %parallel_loop3A_550 = arith.index_cast %parallel_loop3A_463 : i32 to index
        %parallel_loop3A_551 = arith.constant 80 : index
        %parallel_loop3A_552 = tpu.vector_load %arg10[%parallel_loop3A_550, %parallel_loop3A_551] {strides = array<i32>} : memref<80x128xf32, #tpu.memory_space<vmem>>, vector<1x16xf32>,
        %parallel_loop3A_553 = vector.shape_cast %parallel_loop3A_552 : vector<1x16xf32> to vector<16xf32>
        %parallel_loop3A_554 = arith.mulf %parallel_loop3A_539, %parallel_loop3A_553 : vector<16xf32>
        %parallel_loop3A_555 = arith.index_cast %parallel_loop3A_463 : i32 to index
        %parallel_loop3A_556 = arith.constant 80 : index
        %parallel_loop3A_557 = tpu.vector_load %arg10[%parallel_loop3A_555, %parallel_loop3A_556] {strides = array<i32>} : memref<80x128xf32, #tpu.memory_space<vmem>>, vector<1x16xf32>,
        %parallel_loop3A_558 = vector.shape_cast %parallel_loop3A_557 : vector<1x16xf32> to vector<16xf32>
        %parallel_loop3A_559 = vector.shape_cast %parallel_loop3A_554 : vector<16xf32> to vector<1x16xf32>
        tpu.vector_store %arg10[%parallel_loop3A_555, %parallel_loop3A_556], %parallel_loop3A_559 {strides = array<i32>} : memref<80x128xf32, #tpu.memory_space<vmem>>, vector<1x16xf32>,
        %parallel_loop3A_560 = arith.index_cast %parallel_loop3A_463 : i32 to index
        %parallel_loop3A_561 = arith.constant 48 : index
        %parallel_loop3A_562 = tpu.vector_load %arg12[%parallel_loop3A_560, %parallel_loop3A_561] {strides = array<i32>} : memref<80x64xi32, #tpu.memory_space<vmem>>, vector<1x16xi32>,
        %parallel_loop3A_563 = vector.shape_cast %parallel_loop3A_562 : vector<1x16xi32> to vector<16xi32>
        %parallel_loop3A_564 = arith.constant 16 : i32
        %parallel_loop3A_565 = vector.broadcast %parallel_loop3A_564 : i32 to vector<16xi32>
        %parallel_loop3A_566 = arith.shli %parallel_loop3A_563, %parallel_loop3A_565 : vector<16xi32>
        %parallel_loop3A_567 = tpu.bitcast %parallel_loop3A_566 : vector<16xi32> -> vector<16xf32>
        %parallel_loop3A_568 = arith.constant -65536 : i32
        %parallel_loop3A_569 = vector.broadcast %parallel_loop3A_568 : i32 to vector<16xi32>
        %parallel_loop3A_570 = arith.andi %parallel_loop3A_563, %parallel_loop3A_569 : vector<16xi32>
        %parallel_loop3A_571 = tpu.bitcast %parallel_loop3A_570 : vector<16xi32> -> vector<16xf32>
        %parallel_loop3A_572 = arith.index_cast %parallel_loop3A_463 : i32 to index
        %parallel_loop3A_573 = arith.constant 96 : index
        %parallel_loop3A_574 = tpu.vector_load %arg10[%parallel_loop3A_572, %parallel_loop3A_573] {strides = array<i32>} : memref<80x128xf32, #tpu.memory_space<vmem>>, vector<1x16xf32>,
        %parallel_loop3A_575 = vector.shape_cast %parallel_loop3A_574 : vector<1x16xf32> to vector<16xf32>
        %parallel_loop3A_576 = arith.mulf %parallel_loop3A_567, %parallel_loop3A_575 : vector<16xf32>
        %parallel_loop3A_577 = arith.index_cast %parallel_loop3A_463 : i32 to index
        %parallel_loop3A_578 = arith.constant 96 : index
        %parallel_loop3A_579 = tpu.vector_load %arg10[%parallel_loop3A_577, %parallel_loop3A_578] {strides = array<i32>} : memref<80x128xf32, #tpu.memory_space<vmem>>, vector<1x16xf32>,
        %parallel_loop3A_580 = vector.shape_cast %parallel_loop3A_579 : vector<1x16xf32> to vector<16xf32>
        %parallel_loop3A_581 = vector.shape_cast %parallel_loop3A_576 : vector<16xf32> to vector<1x16xf32>
        tpu.vector_store %arg10[%parallel_loop3A_577, %parallel_loop3A_578], %parallel_loop3A_581 {strides = array<i32>} : memref<80x128xf32, #tpu.memory_space<vmem>>, vector<1x16xf32>,
        %parallel_loop3A_582 = arith.index_cast %parallel_loop3A_463 : i32 to index
        %parallel_loop3A_583 = arith.constant 112 : index
        %parallel_loop3A_584 = tpu.vector_load %arg10[%parallel_loop3A_582, %parallel_loop3A_583] {strides = array<i32>} : memref<80x128xf32, #tpu.memory_space<vmem>>, vector<1x16xf32>,
        %parallel_loop3A_585 = vector.shape_cast %parallel_loop3A_584 : vector<1x16xf32> to vector<16xf32>
        %parallel_loop3A_586 = arith.mulf %parallel_loop3A_571, %parallel_loop3A_585 : vector<16xf32>
        %parallel_loop3A_587 = arith.index_cast %parallel_loop3A_463 : i32 to index
        %parallel_loop3A_588 = arith.constant 112 : index
        %parallel_loop3A_589 = tpu.vector_load %arg10[%parallel_loop3A_587, %parallel_loop3A_588] {strides = array<i32>} : memref<80x128xf32, #tpu.memory_space<vmem>>, vector<1x16xf32>,
        %parallel_loop3A_590 = vector.shape_cast %parallel_loop3A_589 : vector<1x16xf32> to vector<16xf32>
        %parallel_loop3A_591 = vector.shape_cast %parallel_loop3A_586 : vector<16xf32> to vector<1x16xf32>
        tpu.vector_store %arg10[%parallel_loop3A_587, %parallel_loop3A_588], %parallel_loop3A_591 {strides = array<i32>} : memref<80x128xf32, #tpu.memory_space<vmem>>, vector<1x16xf32>,
      } {sc.loop_unroll_factor = 8 : i64, sc.parallel_access}
      %dma_start3A_451 = arith.constant 1 : i32
      %dma_start3A_452 = arith.constant 0 : i32
      %dma_start3A_453 = tpu.memref_slice %arg8[%dma_start3A_451, %dma_start3A_452] : memref<2x80xi32, #tpu.memory_space<vmem>> -> memref<1x80xi32, #tpu.memory_space<vmem>>
      %dma_start3A_454 = tpu.memref_squeeze %dma_start3A_453 : memref<1x80xi32, #tpu.memory_space<vmem>> -> memref<80xi32, #tpu.memory_space<vmem>>
      %dma_start3A_455 = arith.constant 0 : i32
      %dma_start3A_456 = arith.constant 0 : i32
      %dma_start3A_457 = tpu.memref_slice %arg14[%dma_start3A_455, %dma_start3A_456] : memref<10000x128xf32, #tpu.memory_space<vmem_shared>> -> memref<10000x128xf32, #tpu.memory_space<vmem_shared>>
      tpu.enqueue_indirect_dma source(%arg10 : memref<80x128xf32, #tpu.memory_space<vmem>>) target(%dma_start3A_457 : memref<10000x128xf32, #tpu.memory_space<vmem_shared>>) offsets(%dma_start3A_454 : memref<80xi32, #tpu.memory_space<vmem>>) semaphore(%arg20 : memref<!tpu.dma_semaphore, #tpu.memory_space<semaphore_mem>>) {add = true}
      %lt3A_458 = arith.constant 123 : i32
      %lt3A_459 = arith.cmpi slt, %add3A_431, %lt3A_458 : i32
      %convert_element_type3A_460 = arith.extui %lt3A_459 : i1 to i32
      %cond3A_461 = arith.constant 0 : i32
      %cond3A_462 = arith.cmpi ne, %convert_element_type3A_460, %cond3A_461 : i32
      scf.if %cond3A_462 {
        %mul3A_463 = arith.constant 125 : i32
        %mul3A_464 = arith.muli %add3A, %mul3A_463 : i32
        %add3A_465 = arith.addi %mul3A_464, %add3A_431 : i32
        %add3A_466 = arith.constant 2 : i32
        %add3A_467 = arith.addi %add3A_465, %add3A_466 : i32
        %dma_start3A_468 = arith.constant 0 : i32
        %dma_start3A_469 = arith.constant 0 : i32
        %dma_start3A_470 = tpu.memref_slice %arg4[%add3A_467, %dma_start3A_468, %dma_start3A_469] : memref<4000x2x80xi32, #tpu.memory_space<hbm>> -> memref<1x2x80xi32, #tpu.memory_space<hbm>>
        %dma_start3A_471 = tpu.memref_squeeze %dma_start3A_470 : memref<1x2x80xi32, #tpu.memory_space<hbm>> -> memref<2x80xi32, #tpu.memory_space<hbm>>
        %dma_start3A_472 = arith.constant 0 : i32
        %dma_start3A_473 = arith.constant 0 : i32
        %dma_start3A_474 = tpu.memref_slice %arg4[%add3A_467, %dma_start3A_472, %dma_start3A_473] : memref<4000x2x80xi32, #tpu.memory_space<hbm>> -> memref<1x2x80xi32, #tpu.memory_space<hbm>>
        %dma_start3A_475 = tpu.memref_squeeze %dma_start3A_474 : memref<1x2x80xi32, #tpu.memory_space<hbm>> -> memref<2x80xi32, #tpu.memory_space<hbm>>
        tpu.enqueue_dma source(%dma_start3A_475 : memref<2x80xi32, #tpu.memory_space<hbm>>) target(%arg8 : memref<2x80xi32, #tpu.memory_space<vmem>>) target_semaphore(%arg22 : memref<!tpu.dma_semaphore, #tpu.memory_space<semaphore_mem>>)
      } else {
      }
    }
    %scan3A_274 = arith.constant 62 : i32
    %mul3A_275 = arith.constant 10000 : i32
    %mul3A_276 = arith.muli %add3A, %mul3A_275 : i32
    %add3A_277 = arith.constant 9920 : i32
    %add3A_278 = arith.addi %mul3A_276, %add3A_277 : i32
    %dma_wait3A_279 = arith.constant 0 : i32
    %dma_wait3A_280 = arith.constant 0 : i32
    %dma_wait3A_281 = tpu.memref_slice %arg7[%dma_wait3A_279, %dma_wait3A_280] : memref<2x80xi32, #tpu.memory_space<vmem>> -> memref<1x80xi32, #tpu.memory_space<vmem>>
    %dma_wait3A_282 = tpu.memref_squeeze %dma_wait3A_281 : memref<1x80xi32, #tpu.memory_space<vmem>> -> memref<80xi32, #tpu.memory_space<vmem>>
    %dma_wait3A_283 = arith.constant 0 : i32
    %dma_wait3A_284 = arith.constant 0 : i32
    %dma_wait3A_285 = tpu.memref_slice %arg2[%dma_wait3A_283, %dma_wait3A_284] : memref<10000x128xf32, #tpu.memory_space<hbm>> -> memref<10000x128xf32, #tpu.memory_space<hbm>>
    tpu.wait_indirect_dma semaphore(%arg15 : memref<!tpu.dma_semaphore, #tpu.memory_space<semaphore_mem>>) src(%dma_wait3A_285 : memref<10000x128xf32, #tpu.memory_space<hbm>>) dst(%arg9 : memref<80x128xf32, #tpu.memory_space<vmem>>)
    %dma_wait3A_286 = arith.constant 0 : i32
    %dma_wait3A_287 = tpu.memref_slice %arg3[%add3A_278, %dma_wait3A_286] : memref<320000x64xi32, #tpu.memory_space<hbm>> -> memref<80x64xi32, #tpu.memory_space<hbm>>
    %dma_wait3A_288 = arith.constant 0 : i32
    %dma_wait3A_289 = tpu.memref_slice %arg3[%add3A_278, %dma_wait3A_288] : memref<320000x64xi32, #tpu.memory_space<hbm>> -> memref<80x64xi32, #tpu.memory_space<hbm>>
    tpu.wait_dma2 semaphore(%arg17 : memref<!tpu.dma_semaphore, #tpu.memory_space<semaphore_mem>>) src(%dma_wait3A_289 : memref<80x64xi32, #tpu.memory_space<hbm>>) dst(%arg11 : memref<80x64xi32, #tpu.memory_space<vmem>>)
    %parallel_loop3A = arith.constant 0 : i32
    %parallel_loop3A_290 = arith.constant 80 : i32
    %parallel_loop3A_291 = arith.constant 1 : i32
    scf.for %parallel_loop3A_324 = %parallel_loop3A to %parallel_loop3A_290 step %parallel_loop3A_291  : i32 {
      %parallel_loop3A_325 = arith.index_cast %parallel_loop3A_324 : i32 to index
      %parallel_loop3A_326 = arith.constant 0 : index
      %parallel_loop3A_327 = tpu.vector_load %arg11[%parallel_loop3A_325, %parallel_loop3A_326] {strides = array<i32>} : memref<80x64xi32, #tpu.memory_space<vmem>>, vector<1x16xi32>,
      %parallel_loop3A_328 = vector.shape_cast %parallel_loop3A_327 : vector<1x16xi32> to vector<16xi32>
      %parallel_loop3A_329 = arith.constant 16 : i32
      %parallel_loop3A_330 = vector.broadcast %parallel_loop3A_329 : i32 to vector<16xi32>
      %parallel_loop3A_331 = arith.shli %parallel_loop3A_328, %parallel_loop3A_330 : vector<16xi32>
      %parallel_loop3A_332 = tpu.bitcast %parallel_loop3A_331 : vector<16xi32> -> vector<16xf32>
      %parallel_loop3A_333 = arith.constant -65536 : i32
      %parallel_loop3A_334 = vector.broadcast %parallel_loop3A_333 : i32 to vector<16xi32>
      %parallel_loop3A_335 = arith.andi %parallel_loop3A_328, %parallel_loop3A_334 : vector<16xi32>
      %parallel_loop3A_336 = tpu.bitcast %parallel_loop3A_335 : vector<16xi32> -> vector<16xf32>
      %parallel_loop3A_337 = arith.index_cast %parallel_loop3A_324 : i32 to index
      %parallel_loop3A_338 = arith.constant 0 : index
      %parallel_loop3A_339 = tpu.vector_load %arg9[%parallel_loop3A_337, %parallel_loop3A_338] {strides = array<i32>} : memref<80x128xf32, #tpu.memory_space<vmem>>, vector<1x16xf32>,
      %parallel_loop3A_340 = vector.shape_cast %parallel_loop3A_339 : vector<1x16xf32> to vector<16xf32>
      %parallel_loop3A_341 = arith.mulf %parallel_loop3A_332, %parallel_loop3A_340 : vector<16xf32>
      %parallel_loop3A_342 = arith.index_cast %parallel_loop3A_324 : i32 to index
      %parallel_loop3A_343 = arith.constant 0 : index
      %parallel_loop3A_344 = tpu.vector_load %arg9[%parallel_loop3A_342, %parallel_loop3A_343] {strides = array<i32>} : memref<80x128xf32, #tpu.memory_space<vmem>>, vector<1x16xf32>,
      %parallel_loop3A_345 = vector.shape_cast %parallel_loop3A_344 : vector<1x16xf32> to vector<16xf32>
      %parallel_loop3A_346 = vector.shape_cast %parallel_loop3A_341 : vector<16xf32> to vector<1x16xf32>
      tpu.vector_store %arg9[%parallel_loop3A_342, %parallel_loop3A_343], %parallel_loop3A_346 {strides = array<i32>} : memref<80x128xf32, #tpu.memory_space<vmem>>, vector<1x16xf32>,
      %parallel_loop3A_347 = arith.index_cast %parallel_loop3A_324 : i32 to index
      %parallel_loop3A_348 = arith.constant 16 : index
      %parallel_loop3A_349 = tpu.vector_load %arg9[%parallel_loop3A_347, %parallel_loop3A_348] {strides = array<i32>} : memref<80x128xf32, #tpu.memory_space<vmem>>, vector<1x16xf32>,
      %parallel_loop3A_350 = vector.shape_cast %parallel_loop3A_349 : vector<1x16xf32> to vector<16xf32>
      %parallel_loop3A_351 = arith.mulf %parallel_loop3A_336, %parallel_loop3A_350 : vector<16xf32>
      %parallel_loop3A_352 = arith.index_cast %parallel_loop3A_324 : i32 to index
      %parallel_loop3A_353 = arith.constant 16 : index
      %parallel_loop3A_354 = tpu.vector_load %arg9[%parallel_loop3A_352, %parallel_loop3A_353] {strides = array<i32>} : memref<80x128xf32, #tpu.memory_space<vmem>>, vector<1x16xf32>,
      %parallel_loop3A_355 = vector.shape_cast %parallel_loop3A_354 : vector<1x16xf32> to vector<16xf32>
      %parallel_loop3A_356 = vector.shape_cast %parallel_loop3A_351 : vector<16xf32> to vector<1x16xf32>
      tpu.vector_store %arg9[%parallel_loop3A_352, %parallel_loop3A_353], %parallel_loop3A_356 {strides = array<i32>} : memref<80x128xf32, #tpu.memory_space<vmem>>, vector<1x16xf32>,
      %parallel_loop3A_357 = arith.index_cast %parallel_loop3A_324 : i32 to index
      %parallel_loop3A_358 = arith.constant 16 : index
      %parallel_loop3A_359 = tpu.vector_load %arg11[%parallel_loop3A_357, %parallel_loop3A_358] {strides = array<i32>} : memref<80x64xi32, #tpu.memory_space<vmem>>, vector<1x16xi32>,
      %parallel_loop3A_360 = vector.shape_cast %parallel_loop3A_359 : vector<1x16xi32> to vector<16xi32>
      %parallel_loop3A_361 = arith.constant 16 : i32
      %parallel_loop3A_362 = vector.broadcast %parallel_loop3A_361 : i32 to vector<16xi32>
      %parallel_loop3A_363 = arith.shli %parallel_loop3A_360, %parallel_loop3A_362 : vector<16xi32>
      %parallel_loop3A_364 = tpu.bitcast %parallel_loop3A_363 : vector<16xi32> -> vector<16xf32>
      %parallel_loop3A_365 = arith.constant -65536 : i32
      %parallel_loop3A_366 = vector.broadcast %parallel_loop3A_365 : i32 to vector<16xi32>
      %parallel_loop3A_367 = arith.andi %parallel_loop3A_360, %parallel_loop3A_366 : vector<16xi32>
      %parallel_loop3A_368 = tpu.bitcast %parallel_loop3A_367 : vector<16xi32> -> vector<16xf32>
      %parallel_loop3A_369 = arith.index_cast %parallel_loop3A_324 : i32 to index
      %parallel_loop3A_370 = arith.constant 32 : index
      %parallel_loop3A_371 = tpu.vector_load %arg9[%parallel_loop3A_369, %parallel_loop3A_370] {strides = array<i32>} : memref<80x128xf32, #tpu.memory_space<vmem>>, vector<1x16xf32>,
      %parallel_loop3A_372 = vector.shape_cast %parallel_loop3A_371 : vector<1x16xf32> to vector<16xf32>
      %parallel_loop3A_373 = arith.mulf %parallel_loop3A_364, %parallel_loop3A_372 : vector<16xf32>
      %parallel_loop3A_374 = arith.index_cast %parallel_loop3A_324 : i32 to index
      %parallel_loop3A_375 = arith.constant 32 : index
      %parallel_loop3A_376 = tpu.vector_load %arg9[%parallel_loop3A_374, %parallel_loop3A_375] {strides = array<i32>} : memref<80x128xf32, #tpu.memory_space<vmem>>, vector<1x16xf32>,
      %parallel_loop3A_377 = vector.shape_cast %parallel_loop3A_376 : vector<1x16xf32> to vector<16xf32>
      %parallel_loop3A_378 = vector.shape_cast %parallel_loop3A_373 : vector<16xf32> to vector<1x16xf32>
      tpu.vector_store %arg9[%parallel_loop3A_374, %parallel_loop3A_375], %parallel_loop3A_378 {strides = array<i32>} : memref<80x128xf32, #tpu.memory_space<vmem>>, vector<1x16xf32>,
      %parallel_loop3A_379 = arith.index_cast %parallel_loop3A_324 : i32 to index
      %parallel_loop3A_380 = arith.constant 48 : index
      %parallel_loop3A_381 = tpu.vector_load %arg9[%parallel_loop3A_379, %parallel_loop3A_380] {strides = array<i32>} : memref<80x128xf32, #tpu.memory_space<vmem>>, vector<1x16xf32>,
      %parallel_loop3A_382 = vector.shape_cast %parallel_loop3A_381 : vector<1x16xf32> to vector<16xf32>
      %parallel_loop3A_383 = arith.mulf %parallel_loop3A_368, %parallel_loop3A_382 : vector<16xf32>
      %parallel_loop3A_384 = arith.index_cast %parallel_loop3A_324 : i32 to index
      %parallel_loop3A_385 = arith.constant 48 : index
      %parallel_loop3A_386 = tpu.vector_load %arg9[%parallel_loop3A_384, %parallel_loop3A_385] {strides = array<i32>} : memref<80x128xf32, #tpu.memory_space<vmem>>, vector<1x16xf32>,
      %parallel_loop3A_387 = vector.shape_cast %parallel_loop3A_386 : vector<1x16xf32> to vector<16xf32>
      %parallel_loop3A_388 = vector.shape_cast %parallel_loop3A_383 : vector<16xf32> to vector<1x16xf32>
      tpu.vector_store %arg9[%parallel_loop3A_384, %parallel_loop3A_385], %parallel_loop3A_388 {strides = array<i32>} : memref<80x128xf32, #tpu.memory_space<vmem>>, vector<1x16xf32>,
      %parallel_loop3A_389 = arith.index_cast %parallel_loop3A_324 : i32 to index
      %parallel_loop3A_390 = arith.constant 32 : index
      %parallel_loop3A_391 = tpu.vector_load %arg11[%parallel_loop3A_389, %parallel_loop3A_390] {strides = array<i32>} : memref<80x64xi32, #tpu.memory_space<vmem>>, vector<1x16xi32>,
      %parallel_loop3A_392 = vector.shape_cast %parallel_loop3A_391 : vector<1x16xi32> to vector<16xi32>
      %parallel_loop3A_393 = arith.constant 16 : i32
      %parallel_loop3A_394 = vector.broadcast %parallel_loop3A_393 : i32 to vector<16xi32>
      %parallel_loop3A_395 = arith.shli %parallel_loop3A_392, %parallel_loop3A_394 : vector<16xi32>
      %parallel_loop3A_396 = tpu.bitcast %parallel_loop3A_395 : vector<16xi32> -> vector<16xf32>
      %parallel_loop3A_397 = arith.constant -65536 : i32
      %parallel_loop3A_398 = vector.broadcast %parallel_loop3A_397 : i32 to vector<16xi32>
      %parallel_loop3A_399 = arith.andi %parallel_loop3A_392, %parallel_loop3A_398 : vector<16xi32>
      %parallel_loop3A_400 = tpu.bitcast %parallel_loop3A_399 : vector<16xi32> -> vector<16xf32>
      %parallel_loop3A_401 = arith.index_cast %parallel_loop3A_324 : i32 to index
      %parallel_loop3A_402 = arith.constant 64 : index
      %parallel_loop3A_403 = tpu.vector_load %arg9[%parallel_loop3A_401, %parallel_loop3A_402] {strides = array<i32>} : memref<80x128xf32, #tpu.memory_space<vmem>>, vector<1x16xf32>,
      %parallel_loop3A_404 = vector.shape_cast %parallel_loop3A_403 : vector<1x16xf32> to vector<16xf32>
      %parallel_loop3A_405 = arith.mulf %parallel_loop3A_396, %parallel_loop3A_404 : vector<16xf32>
      %parallel_loop3A_406 = arith.index_cast %parallel_loop3A_324 : i32 to index
      %parallel_loop3A_407 = arith.constant 64 : index
      %parallel_loop3A_408 = tpu.vector_load %arg9[%parallel_loop3A_406, %parallel_loop3A_407] {strides = array<i32>} : memref<80x128xf32, #tpu.memory_space<vmem>>, vector<1x16xf32>,
      %parallel_loop3A_409 = vector.shape_cast %parallel_loop3A_408 : vector<1x16xf32> to vector<16xf32>
      %parallel_loop3A_410 = vector.shape_cast %parallel_loop3A_405 : vector<16xf32> to vector<1x16xf32>
      tpu.vector_store %arg9[%parallel_loop3A_406, %parallel_loop3A_407], %parallel_loop3A_410 {strides = array<i32>} : memref<80x128xf32, #tpu.memory_space<vmem>>, vector<1x16xf32>,
      %parallel_loop3A_411 = arith.index_cast %parallel_loop3A_324 : i32 to index
      %parallel_loop3A_412 = arith.constant 80 : index
      %parallel_loop3A_413 = tpu.vector_load %arg9[%parallel_loop3A_411, %parallel_loop3A_412] {strides = array<i32>} : memref<80x128xf32, #tpu.memory_space<vmem>>, vector<1x16xf32>,
      %parallel_loop3A_414 = vector.shape_cast %parallel_loop3A_413 : vector<1x16xf32> to vector<16xf32>
      %parallel_loop3A_415 = arith.mulf %parallel_loop3A_400, %parallel_loop3A_414 : vector<16xf32>
      %parallel_loop3A_416 = arith.index_cast %parallel_loop3A_324 : i32 to index
      %parallel_loop3A_417 = arith.constant 80 : index
      %parallel_loop3A_418 = tpu.vector_load %arg9[%parallel_loop3A_416, %parallel_loop3A_417] {strides = array<i32>} : memref<80x128xf32, #tpu.memory_space<vmem>>, vector<1x16xf32>,
      %parallel_loop3A_419 = vector.shape_cast %parallel_loop3A_418 : vector<1x16xf32> to vector<16xf32>
      %parallel_loop3A_420 = vector.shape_cast %parallel_loop3A_415 : vector<16xf32> to vector<1x16xf32>
      tpu.vector_store %arg9[%parallel_loop3A_416, %parallel_loop3A_417], %parallel_loop3A_420 {strides = array<i32>} : memref<80x128xf32, #tpu.memory_space<vmem>>, vector<1x16xf32>,
      %parallel_loop3A_421 = arith.index_cast %parallel_loop3A_324 : i32 to index
      %parallel_loop3A_422 = arith.constant 48 : index
      %parallel_loop3A_423 = tpu.vector_load %arg11[%parallel_loop3A_421, %parallel_loop3A_422] {strides = array<i32>} : memref<80x64xi32, #tpu.memory_space<vmem>>, vector<1x16xi32>,
      %parallel_loop3A_424 = vector.shape_cast %parallel_loop3A_423 : vector<1x16xi32> to vector<16xi32>
      %parallel_loop3A_425 = arith.constant 16 : i32
      %parallel_loop3A_426 = vector.broadcast %parallel_loop3A_425 : i32 to vector<16xi32>
      %parallel_loop3A_427 = arith.shli %parallel_loop3A_424, %parallel_loop3A_426 : vector<16xi32>
      %parallel_loop3A_428 = tpu.bitcast %parallel_loop3A_427 : vector<16xi32> -> vector<16xf32>
      %parallel_loop3A_429 = arith.constant -65536 : i32
      %parallel_loop3A_430 = vector.broadcast %parallel_loop3A_429 : i32 to vector<16xi32>
      %parallel_loop3A_431 = arith.andi %parallel_loop3A_424, %parallel_loop3A_430 : vector<16xi32>
      %parallel_loop3A_432 = tpu.bitcast %parallel_loop3A_431 : vector<16xi32> -> vector<16xf32>
      %parallel_loop3A_433 = arith.index_cast %parallel_loop3A_324 : i32 to index
      %parallel_loop3A_434 = arith.constant 96 : index
      %parallel_loop3A_435 = tpu.vector_load %arg9[%parallel_loop3A_433, %parallel_loop3A_434] {strides = array<i32>} : memref<80x128xf32, #tpu.memory_space<vmem>>, vector<1x16xf32>,
      %parallel_loop3A_436 = vector.shape_cast %parallel_loop3A_435 : vector<1x16xf32> to vector<16xf32>
      %parallel_loop3A_437 = arith.mulf %parallel_loop3A_428, %parallel_loop3A_436 : vector<16xf32>
      %parallel_loop3A_438 = arith.index_cast %parallel_loop3A_324 : i32 to index
      %parallel_loop3A_439 = arith.constant 96 : index
      %parallel_loop3A_440 = tpu.vector_load %arg9[%parallel_loop3A_438, %parallel_loop3A_439] {strides = array<i32>} : memref<80x128xf32, #tpu.memory_space<vmem>>, vector<1x16xf32>,
      %parallel_loop3A_441 = vector.shape_cast %parallel_loop3A_440 : vector<1x16xf32> to vector<16xf32>
      %parallel_loop3A_442 = vector.shape_cast %parallel_loop3A_437 : vector<16xf32> to vector<1x16xf32>
      tpu.vector_store %arg9[%parallel_loop3A_438, %parallel_loop3A_439], %parallel_loop3A_442 {strides = array<i32>} : memref<80x128xf32, #tpu.memory_space<vmem>>, vector<1x16xf32>,
      %parallel_loop3A_443 = arith.index_cast %parallel_loop3A_324 : i32 to index
      %parallel_loop3A_444 = arith.constant 112 : index
      %parallel_loop3A_445 = tpu.vector_load %arg9[%parallel_loop3A_443, %parallel_loop3A_444] {strides = array<i32>} : memref<80x128xf32, #tpu.memory_space<vmem>>, vector<1x16xf32>,
      %parallel_loop3A_446 = vector.shape_cast %parallel_loop3A_445 : vector<1x16xf32> to vector<16xf32>
      %parallel_loop3A_447 = arith.mulf %parallel_loop3A_432, %parallel_loop3A_446 : vector<16xf32>
      %parallel_loop3A_448 = arith.index_cast %parallel_loop3A_324 : i32 to index
      %parallel_loop3A_449 = arith.constant 112 : index
      %parallel_loop3A_450 = tpu.vector_load %arg9[%parallel_loop3A_448, %parallel_loop3A_449] {strides = array<i32>} : memref<80x128xf32, #tpu.memory_space<vmem>>, vector<1x16xf32>,
      %parallel_loop3A_451 = vector.shape_cast %parallel_loop3A_450 : vector<1x16xf32> to vector<16xf32>
      %parallel_loop3A_452 = vector.shape_cast %parallel_loop3A_447 : vector<16xf32> to vector<1x16xf32>
      tpu.vector_store %arg9[%parallel_loop3A_448, %parallel_loop3A_449], %parallel_loop3A_452 {strides = array<i32>} : memref<80x128xf32, #tpu.memory_space<vmem>>, vector<1x16xf32>,
    } {sc.loop_unroll_factor = 8 : i64, sc.parallel_access}
    %dma_start3A_292 = arith.constant 1 : i32
    %dma_start3A_293 = arith.constant 0 : i32
    %dma_start3A_294 = tpu.memref_slice %arg7[%dma_start3A_292, %dma_start3A_293] : memref<2x80xi32, #tpu.memory_space<vmem>> -> memref<1x80xi32, #tpu.memory_space<vmem>>
    %dma_start3A_295 = tpu.memref_squeeze %dma_start3A_294 : memref<1x80xi32, #tpu.memory_space<vmem>> -> memref<80xi32, #tpu.memory_space<vmem>>
    %dma_start3A_296 = arith.constant 0 : i32
    %dma_start3A_297 = arith.constant 0 : i32
    %dma_start3A_298 = tpu.memref_slice %arg14[%dma_start3A_296, %dma_start3A_297] : memref<10000x128xf32, #tpu.memory_space<vmem_shared>> -> memref<10000x128xf32, #tpu.memory_space<vmem_shared>>
    tpu.enqueue_indirect_dma source(%arg9 : memref<80x128xf32, #tpu.memory_space<vmem>>) target(%dma_start3A_298 : memref<10000x128xf32, #tpu.memory_space<vmem_shared>>) offsets(%dma_start3A_295 : memref<80xi32, #tpu.memory_space<vmem>>) semaphore(%arg19 : memref<!tpu.dma_semaphore, #tpu.memory_space<semaphore_mem>>) {add = true}
    %dma_wait3A_299 = arith.constant 1 : i32
    %dma_wait3A_300 = arith.constant 0 : i32
    %dma_wait3A_301 = tpu.memref_slice %arg8[%dma_wait3A_299, %dma_wait3A_300] : memref<2x80xi32, #tpu.memory_space<vmem>> -> memref<1x80xi32, #tpu.memory_space<vmem>>
    %dma_wait3A_302 = tpu.memref_squeeze %dma_wait3A_301 : memref<1x80xi32, #tpu.memory_space<vmem>> -> memref<80xi32, #tpu.memory_space<vmem>>
    %dma_wait3A_303 = arith.constant 0 : i32
    %dma_wait3A_304 = arith.constant 0 : i32
    %dma_wait3A_305 = tpu.memref_slice %arg14[%dma_wait3A_303, %dma_wait3A_304] : memref<10000x128xf32, #tpu.memory_space<vmem_shared>> -> memref<10000x128xf32, #tpu.memory_space<vmem_shared>>
    tpu.wait_indirect_dma semaphore(%arg20 : memref<!tpu.dma_semaphore, #tpu.memory_space<semaphore_mem>>) src(%arg10 : memref<80x128xf32, #tpu.memory_space<vmem>>) dst(%dma_wait3A_305 : memref<10000x128xf32, #tpu.memory_space<vmem_shared>>)
    %dma_wait3A_306 = arith.constant 1 : i32
    %dma_wait3A_307 = arith.constant 0 : i32
    %dma_wait3A_308 = tpu.memref_slice %arg7[%dma_wait3A_306, %dma_wait3A_307] : memref<2x80xi32, #tpu.memory_space<vmem>> -> memref<1x80xi32, #tpu.memory_space<vmem>>
    %dma_wait3A_309 = tpu.memref_squeeze %dma_wait3A_308 : memref<1x80xi32, #tpu.memory_space<vmem>> -> memref<80xi32, #tpu.memory_space<vmem>>
    %dma_wait3A_310 = arith.constant 0 : i32
    %dma_wait3A_311 = arith.constant 0 : i32
    %dma_wait3A_312 = tpu.memref_slice %arg14[%dma_wait3A_310, %dma_wait3A_311] : memref<10000x128xf32, #tpu.memory_space<vmem_shared>> -> memref<10000x128xf32, #tpu.memory_space<vmem_shared>>
    tpu.wait_indirect_dma semaphore(%arg19 : memref<!tpu.dma_semaphore, #tpu.memory_space<semaphore_mem>>) src(%arg9 : memref<80x128xf32, #tpu.memory_space<vmem>>) dst(%dma_wait3A_312 : memref<10000x128xf32, #tpu.memory_space<vmem_shared>>)
    %barrier3A_313 = arith.constant 0 : index
    tpu.barrier barrier_id(%barrier3A_313)
    %eq3A_314 = arith.constant 0 : i32
    %eq3A_315 = arith.cmpi eq, %arg0, %eq3A_314 : i32
    %convert_element_type3A_316 = arith.extui %eq3A_315 : i1 to i32
    %cond3A_317 = arith.constant 0 : i32
    %cond3A_318 = arith.cmpi ne, %convert_element_type3A_316, %cond3A_317 : i32
    scf.if %cond3A_318 {
      %mul3A_324 = arith.constant 624 : i32
      %mul3A_325 = arith.muli %arg1, %mul3A_324 : i32
      "tpu.region"() ({
        %run_scoped3A = tpu.sem_alloc : memref<!tpu.dma_semaphore, #tpu.memory_space<semaphore_mem>>
        %dma_start3A_331 = arith.constant 0 : i32
        %dma_start3A_332 = tpu.memref_slice %arg5[%mul3A_325, %dma_start3A_331] : memref<10000x128xf32, #tpu.memory_space<hbm>> -> memref<624x128xf32, #tpu.memory_space<hbm>>
        %dma_start3A_333 = arith.constant 0 : i32
        %dma_start3A_334 = tpu.memref_slice %arg14[%mul3A_325, %dma_start3A_333] : memref<10000x128xf32, #tpu.memory_space<vmem_shared>> -> memref<624x128xf32, #tpu.memory_space<vmem_shared>>
        tpu.enqueue_dma source(%dma_start3A_334 : memref<624x128xf32, #tpu.memory_space<vmem_shared>>) target(%dma_start3A_332 : memref<624x128xf32, #tpu.memory_space<hbm>>) target_semaphore(%run_scoped3A : memref<!tpu.dma_semaphore, #tpu.memory_space<semaphore_mem>>)
        %dma_wait3A_335 = arith.constant 0 : i32
        %dma_wait3A_336 = tpu.memref_slice %arg5[%mul3A_325, %dma_wait3A_335] : memref<10000x128xf32, #tpu.memory_space<hbm>> -> memref<624x128xf32, #tpu.memory_space<hbm>>
        %dma_wait3A_337 = arith.constant 0 : i32
        %dma_wait3A_338 = tpu.memref_slice %arg14[%mul3A_325, %dma_wait3A_337] : memref<10000x128xf32, #tpu.memory_space<vmem_shared>> -> memref<624x128xf32, #tpu.memory_space<vmem_shared>>
        tpu.wait_dma2 semaphore(%run_scoped3A : memref<!tpu.dma_semaphore, #tpu.memory_space<semaphore_mem>>) src(%dma_wait3A_338 : memref<624x128xf32, #tpu.memory_space<vmem_shared>>) dst(%dma_wait3A_336 : memref<624x128xf32, #tpu.memory_space<hbm>>)
        tpu.yield
      }) : () -> ()
      %eq3A_326 = arith.constant 0 : i32
      %eq3A_327 = arith.cmpi eq, %arg1, %eq3A_326 : i32
      %convert_element_type3A_328 = arith.extui %eq3A_327 : i1 to i32
      %cond3A_329 = arith.constant 0 : i32
      %cond3A_330 = arith.cmpi ne, %convert_element_type3A_328, %cond3A_329 : i32
      scf.if %cond3A_330 {
        "tpu.region"() ({
          %run_scoped3A = tpu.sem_alloc : memref<!tpu.dma_semaphore, #tpu.memory_space<semaphore_mem>>
          %dma_start3A_331 = arith.constant 9984 : i32
          %dma_start3A_332 = arith.constant 0 : i32
          %dma_start3A_333 = tpu.memref_slice %arg5[%dma_start3A_331, %dma_start3A_332] : memref<10000x128xf32, #tpu.memory_space<hbm>> -> memref<16x128xf32, #tpu.memory_space<hbm>>
          %dma_start3A_334 = arith.constant 9984 : i32
          %dma_start3A_335 = arith.constant 0 : i32
          %dma_start3A_336 = tpu.memref_slice %arg14[%dma_start3A_334, %dma_start3A_335] : memref<10000x128xf32, #tpu.memory_space<vmem_shared>> -> memref<16x128xf32, #tpu.memory_space<vmem_shared>>
          tpu.enqueue_dma source(%dma_start3A_336 : memref<16x128xf32, #tpu.memory_space<vmem_shared>>) target(%dma_start3A_333 : memref<16x128xf32, #tpu.memory_space<hbm>>) target_semaphore(%run_scoped3A : memref<!tpu.dma_semaphore, #tpu.memory_space<semaphore_mem>>)
          %dma_wait3A_337 = arith.constant 9984 : i32
          %dma_wait3A_338 = arith.constant 0 : i32
          %dma_wait3A_339 = tpu.memref_slice %arg5[%dma_wait3A_337, %dma_wait3A_338] : memref<10000x128xf32, #tpu.memory_space<hbm>> -> memref<16x128xf32, #tpu.memory_space<hbm>>
          %dma_wait3A_340 = arith.constant 9984 : i32
          %dma_wait3A_341 = arith.constant 0 : i32
          %dma_wait3A_342 = tpu.memref_slice %arg14[%dma_wait3A_340, %dma_wait3A_341] : memref<10000x128xf32, #tpu.memory_space<vmem_shared>> -> memref<16x128xf32, #tpu.memory_space<vmem_shared>>
          tpu.wait_dma2 semaphore(%run_scoped3A : memref<!tpu.dma_semaphore, #tpu.memory_space<semaphore_mem>>) src(%dma_wait3A_342 : memref<16x128xf32, #tpu.memory_space<vmem_shared>>) dst(%dma_wait3A_339 : memref<16x128xf32, #tpu.memory_space<hbm>>)
          tpu.yield
        }) : () -> ()
      } else {
      }
    } else {
    }
    %eq3A_319 = arith.constant 1 : i32
    %eq3A_320 = arith.cmpi eq, %arg0, %eq3A_319 : i32
    %convert_element_type3A_321 = arith.extui %eq3A_320 : i1 to i32
    %cond3A_322 = arith.constant 0 : i32
    %cond3A_323 = arith.cmpi ne, %convert_element_type3A_321, %cond3A_322 : i32
    scf.if %cond3A_323 {
      %mul3A_324 = arith.constant 624 : i32
      %mul3A_325 = arith.muli %arg1, %mul3A_324 : i32
      "tpu.region"() ({
        %run_scoped3A = tpu.sem_alloc : memref<!tpu.dma_semaphore, #tpu.memory_space<semaphore_mem>>
        %dma_start3A_331 = arith.constant 0 : i32
        %dma_start3A_332 = tpu.memref_slice %arg6[%mul3A_325, %dma_start3A_331] : memref<10000x128xf32, #tpu.memory_space<hbm>> -> memref<624x128xf32, #tpu.memory_space<hbm>>
        %dma_start3A_333 = arith.constant 0 : i32
        %dma_start3A_334 = tpu.memref_slice %arg14[%mul3A_325, %dma_start3A_333] : memref<10000x128xf32, #tpu.memory_space<vmem_shared>> -> memref<624x128xf32, #tpu.memory_space<vmem_shared>>
        tpu.enqueue_dma source(%dma_start3A_334 : memref<624x128xf32, #tpu.memory_space<vmem_shared>>) target(%dma_start3A_332 : memref<624x128xf32, #tpu.memory_space<hbm>>) target_semaphore(%run_scoped3A : memref<!tpu.dma_semaphore, #tpu.memory_space<semaphore_mem>>)
        %dma_wait3A_335 = arith.constant 0 : i32
        %dma_wait3A_336 = tpu.memref_slice %arg6[%mul3A_325, %dma_wait3A_335] : memref<10000x128xf32, #tpu.memory_space<hbm>> -> memref<624x128xf32, #tpu.memory_space<hbm>>
        %dma_wait3A_337 = arith.constant 0 : i32
        %dma_wait3A_338 = tpu.memref_slice %arg14[%mul3A_325, %dma_wait3A_337] : memref<10000x128xf32, #tpu.memory_space<vmem_shared>> -> memref<624x128xf32, #tpu.memory_space<vmem_shared>>
        tpu.wait_dma2 semaphore(%run_scoped3A : memref<!tpu.dma_semaphore, #tpu.memory_space<semaphore_mem>>) src(%dma_wait3A_338 : memref<624x128xf32, #tpu.memory_space<vmem_shared>>) dst(%dma_wait3A_336 : memref<624x128xf32, #tpu.memory_space<hbm>>)
        tpu.yield
      }) : () -> ()
      %eq3A_326 = arith.constant 0 : i32
      %eq3A_327 = arith.cmpi eq, %arg1, %eq3A_326 : i32
      %convert_element_type3A_328 = arith.extui %eq3A_327 : i1 to i32
      %cond3A_329 = arith.constant 0 : i32
      %cond3A_330 = arith.cmpi ne, %convert_element_type3A_328, %cond3A_329 : i32
      scf.if %cond3A_330 {
        "tpu.region"() ({
          %run_scoped3A = tpu.sem_alloc : memref<!tpu.dma_semaphore, #tpu.memory_space<semaphore_mem>>
          %dma_start3A_331 = arith.constant 9984 : i32
          %dma_start3A_332 = arith.constant 0 : i32
          %dma_start3A_333 = tpu.memref_slice %arg6[%dma_start3A_331, %dma_start3A_332] : memref<10000x128xf32, #tpu.memory_space<hbm>> -> memref<16x128xf32, #tpu.memory_space<hbm>>
          %dma_start3A_334 = arith.constant 9984 : i32
          %dma_start3A_335 = arith.constant 0 : i32
          %dma_start3A_336 = tpu.memref_slice %arg14[%dma_start3A_334, %dma_start3A_335] : memref<10000x128xf32, #tpu.memory_space<vmem_shared>> -> memref<16x128xf32, #tpu.memory_space<vmem_shared>>
          tpu.enqueue_dma source(%dma_start3A_336 : memref<16x128xf32, #tpu.memory_space<vmem_shared>>) target(%dma_start3A_333 : memref<16x128xf32, #tpu.memory_space<hbm>>) target_semaphore(%run_scoped3A : memref<!tpu.dma_semaphore, #tpu.memory_space<semaphore_mem>>)
          %dma_wait3A_337 = arith.constant 9984 : i32
          %dma_wait3A_338 = arith.constant 0 : i32
          %dma_wait3A_339 = tpu.memref_slice %arg6[%dma_wait3A_337, %dma_wait3A_338] : memref<10000x128xf32, #tpu.memory_space<hbm>> -> memref<16x128xf32, #tpu.memory_space<hbm>>
          %dma_wait3A_340 = arith.constant 9984 : i32
          %dma_wait3A_341 = arith.constant 0 : i32
          %dma_wait3A_342 = tpu.memref_slice %arg14[%dma_wait3A_340, %dma_wait3A_341] : memref<10000x128xf32, #tpu.memory_space<vmem_shared>> -> memref<16x128xf32, #tpu.memory_space<vmem_shared>>
          tpu.wait_dma2 semaphore(%run_scoped3A : memref<!tpu.dma_semaphore, #tpu.memory_space<semaphore_mem>>) src(%dma_wait3A_342 : memref<16x128xf32, #tpu.memory_space<vmem_shared>>) dst(%dma_wait3A_339 : memref<16x128xf32, #tpu.memory_space<hbm>>)
          tpu.yield
        }) : () -> ()
      } else {
      }
    } else {
    }
    return
  }
}

module attributes {stable_mosaic.version = 14 : i64} {
  func.func @_hx_body(%arg0: i32, %arg1: memref<2000x128xf32, #tpu.memory_space<vmem>>, %arg2: memref<128x128xbf16, #tpu.memory_space<vmem>>, %arg3: memref<1x128xf32, #tpu.memory_space<vmem>>, %arg4: memref<128x128xbf16, #tpu.memory_space<vmem>>, %arg5: memref<1x128xf32, #tpu.memory_space<vmem>>, %arg6: memref<2000x128xf32, #tpu.memory_space<vmem>>, %arg7: memref<2000x128xf32, #tpu.memory_space<vmem>>) attributes {dimension_semantics = [#tpu.dimension_semantics<arbitrary>], iteration_bounds = array<i64: 5>, scalar_prefetch = 0 : i64, scratch_operands = 0 : i64, tpu.core_type = #tpu.core_type<tc>, window_params = [{transform_indices = @transform_0, window_bounds = array<i64: 2000, 128>}, {pipeline_mode = #tpu.pipeline_mode<synchronous>, transform_indices = @transform_1, window_bounds = array<i64: 128, 128>}, {pipeline_mode = #tpu.pipeline_mode<synchronous>, transform_indices = @transform_2, window_bounds = array<i64: 1, 128>}, {pipeline_mode = #tpu.pipeline_mode<synchronous>, transform_indices = @transform_3, window_bounds = array<i64: 128, 128>}, {pipeline_mode = #tpu.pipeline_mode<synchronous>, transform_indices = @transform_4, window_bounds = array<i64: 1, 128>}, {transform_indices = @transform_5, window_bounds = array<i64: 2000, 128>}, {transform_indices = @transform_6, window_bounds = array<i64: 2000, 128>}]} {
    %get3A = arith.constant 0 : index
    %get3A_0 = arith.constant 0 : index
    %get3A_1 = vector.load %arg1[%get3A, %get3A_0] : memref<2000x128xf32, #tpu.memory_space<vmem>>, vector<2000x128xf32>
    %convert_element_type3A = arith.truncf %get3A_1 : vector<2000x128xf32> to vector<2000x128xbf16>
    %get3A_2 = arith.constant 0 : index
    %get3A_3 = arith.constant 0 : index
    %get3A_4 = vector.load %arg2[%get3A_2, %get3A_3] : memref<128x128xbf16, #tpu.memory_space<vmem>>, vector<128x128xbf16>
    %dot_general3A = arith.constant dense<0.000000e+00> : vector<2000x128xf32>
    %dot_general3A_5 = tpu.matmul %convert_element_type3A, %get3A_4, %dot_general3A {dimension_numbers = #tpu.dot_dimension_numbers<[1], [0], [0], [1], [0, 0, 1, 1], [], []>, transpose_lhs_hint = false} : vector<2000x128xbf16>, vector<128x128xbf16>, vector<2000x128xf32> -> vector<2000x128xf32>
    %get3A_6 = arith.constant 0 : index
    %get3A_7 = arith.constant 0 : index
    %get3A_8 = vector.load %arg3[%get3A_6, %get3A_7] : memref<1x128xf32, #tpu.memory_space<vmem>>, vector<1x128xf32>
    %add3A = vector.broadcast %get3A_8 : vector<1x128xf32> to vector<2000x128xf32>
    %add3A_9 = arith.addf %dot_general3A_5, %add3A : vector<2000x128xf32>
    %tanh3A = math.tanh %add3A_9 : vector<2000x128xf32>
    %swap3A = arith.constant 0 : index
    %swap3A_10 = arith.constant 0 : index
    %swap3A_11 = vector.load %arg6[%swap3A, %swap3A_10] : memref<2000x128xf32, #tpu.memory_space<vmem>>, vector<2000x128xf32>
    tpu.vector_store %arg6[%swap3A, %swap3A_10], %tanh3A {strides = array<i32>} : memref<2000x128xf32, #tpu.memory_space<vmem>>, vector<2000x128xf32>,
    %get3A_12 = arith.constant 0 : index
    %get3A_13 = arith.constant 0 : index
    %get3A_14 = vector.load %arg4[%get3A_12, %get3A_13] : memref<128x128xbf16, #tpu.memory_space<vmem>>, vector<128x128xbf16>
    %dot_general3A_15 = arith.constant dense<0.000000e+00> : vector<2000x128xf32>
    %dot_general3A_16 = tpu.matmul %convert_element_type3A, %get3A_14, %dot_general3A_15 {dimension_numbers = #tpu.dot_dimension_numbers<[1], [0], [0], [1], [0, 0, 1, 1], [], []>, transpose_lhs_hint = false} : vector<2000x128xbf16>, vector<128x128xbf16>, vector<2000x128xf32> -> vector<2000x128xf32>
    %get3A_17 = arith.constant 0 : index
    %get3A_18 = arith.constant 0 : index
    %get3A_19 = vector.load %arg5[%get3A_17, %get3A_18] : memref<1x128xf32, #tpu.memory_space<vmem>>, vector<1x128xf32>
    %add3A_20 = vector.broadcast %get3A_19 : vector<1x128xf32> to vector<2000x128xf32>
    %add3A_21 = arith.addf %dot_general3A_16, %add3A_20 : vector<2000x128xf32>
    %tanh3A_22 = math.tanh %add3A_21 : vector<2000x128xf32>
    %swap3A_23 = arith.constant 0 : index
    %swap3A_24 = arith.constant 0 : index
    %swap3A_25 = vector.load %arg7[%swap3A_23, %swap3A_24] : memref<2000x128xf32, #tpu.memory_space<vmem>>, vector<2000x128xf32>
    tpu.vector_store %arg7[%swap3A_23, %swap3A_24], %tanh3A_22 {strides = array<i32>} : memref<2000x128xf32, #tpu.memory_space<vmem>>, vector<2000x128xf32>,
    return
  }
  func.func @transform_0(%arg0: i32) -> (i32, i32) {
    %c0_i32 = arith.constant 0 : i32
    %c0_i32_0 = arith.constant 0 : i32
    return %arg0, %c0_i32 : i32, i32
  }
  func.func @transform_1(%arg0: i32) -> (i32, i32) {
    %c0_i32 = arith.constant 0 : i32
    %c0_i32_0 = arith.constant 0 : i32
    %c0_i32_1 = arith.constant 0 : i32
    return %c0_i32, %c0_i32_0 : i32, i32
  }
  func.func @transform_2(%arg0: i32) -> (i32, i32) {
    %c0_i32 = arith.constant 0 : i32
    %c0_i32_0 = arith.constant 0 : i32
    %c0_i32_1 = arith.constant 0 : i32
    return %c0_i32, %c0_i32_0 : i32, i32
  }
  func.func @transform_3(%arg0: i32) -> (i32, i32) {
    %c0_i32 = arith.constant 0 : i32
    %c0_i32_0 = arith.constant 0 : i32
    %c0_i32_1 = arith.constant 0 : i32
    return %c0_i32, %c0_i32_0 : i32, i32
  }
  func.func @transform_4(%arg0: i32) -> (i32, i32) {
    %c0_i32 = arith.constant 0 : i32
    %c0_i32_0 = arith.constant 0 : i32
    %c0_i32_1 = arith.constant 0 : i32
    return %c0_i32, %c0_i32_0 : i32, i32
  }
  func.func @transform_5(%arg0: i32) -> (i32, i32) {
    %c0_i32 = arith.constant 0 : i32
    %c0_i32_0 = arith.constant 0 : i32
    return %arg0, %c0_i32 : i32, i32
  }
  func.func @transform_6(%arg0: i32) -> (i32, i32) {
    %c0_i32 = arith.constant 0 : i32
    %c0_i32_0 = arith.constant 0 : i32
    return %arg0, %c0_i32 : i32, i32
  }
}

module attributes {stable_mosaic.version = 14 : i64} {
  func.func @_we_body(%arg0: i32, %arg1: memref<5000x128xf32, #tpu.memory_space<vmem>>, %arg2: memref<128x128xbf16, #tpu.memory_space<vmem>>, %arg3: memref<1x128xf32, #tpu.memory_space<vmem>>, %arg4: memref<128x64xbf16, #tpu.memory_space<vmem>>, %arg5: memref<1x64xf32, #tpu.memory_space<vmem>>, %arg6: memref<128x64xbf16, #tpu.memory_space<vmem>>, %arg7: memref<1x64xf32, #tpu.memory_space<vmem>>, %arg8: memref<5000x64xi32, #tpu.memory_space<vmem>>) attributes {dimension_semantics = [#tpu.dimension_semantics<arbitrary>], iteration_bounds = array<i64: 64>, scalar_prefetch = 0 : i64, scratch_operands = 0 : i64, tpu.core_type = #tpu.core_type<tc>, window_params = [{transform_indices = @transform_0, window_bounds = array<i64: 5000, 128>}, {pipeline_mode = #tpu.pipeline_mode<synchronous>, transform_indices = @transform_1, window_bounds = array<i64: 128, 128>}, {pipeline_mode = #tpu.pipeline_mode<synchronous>, transform_indices = @transform_2, window_bounds = array<i64: 1, 128>}, {pipeline_mode = #tpu.pipeline_mode<synchronous>, transform_indices = @transform_3, window_bounds = array<i64: 128, 64>}, {pipeline_mode = #tpu.pipeline_mode<synchronous>, transform_indices = @transform_4, window_bounds = array<i64: 1, 64>}, {pipeline_mode = #tpu.pipeline_mode<synchronous>, transform_indices = @transform_5, window_bounds = array<i64: 128, 64>}, {pipeline_mode = #tpu.pipeline_mode<synchronous>, transform_indices = @transform_6, window_bounds = array<i64: 1, 64>}, {transform_indices = @transform_7, window_bounds = array<i64: 5000, 64>}]} {
    %get3A = arith.constant 0 : index
    %get3A_0 = arith.constant 0 : index
    %get3A_1 = vector.load %arg1[%get3A, %get3A_0] : memref<5000x128xf32, #tpu.memory_space<vmem>>, vector<5000x128xf32>
    %convert_element_type3A = arith.truncf %get3A_1 : vector<5000x128xf32> to vector<5000x128xbf16>
    %get3A_2 = arith.constant 0 : index
    %get3A_3 = arith.constant 0 : index
    %get3A_4 = vector.load %arg2[%get3A_2, %get3A_3] : memref<128x128xbf16, #tpu.memory_space<vmem>>, vector<128x128xbf16>
    %dot_general3A = arith.constant dense<0.000000e+00> : vector<5000x128xf32>
    %dot_general3A_5 = tpu.matmul %convert_element_type3A, %get3A_4, %dot_general3A {dimension_numbers = #tpu.dot_dimension_numbers<[1], [0], [0], [1], [0, 0, 1, 1], [], []>, transpose_lhs_hint = false} : vector<5000x128xbf16>, vector<128x128xbf16>, vector<5000x128xf32> -> vector<5000x128xf32>
    %get3A_6 = arith.constant 0 : index
    %get3A_7 = arith.constant 0 : index
    %get3A_8 = vector.load %arg3[%get3A_6, %get3A_7] : memref<1x128xf32, #tpu.memory_space<vmem>>, vector<1x128xf32>
    %add3A = vector.broadcast %get3A_8 : vector<1x128xf32> to vector<5000x128xf32>
    %add3A_9 = arith.addf %dot_general3A_5, %add3A : vector<5000x128xf32>
    %tanh3A = math.tanh %add3A_9 : vector<5000x128xf32>
    %add3A_10 = arith.addf %tanh3A, %get3A_1 : vector<5000x128xf32>
    %convert_element_type3A_11 = arith.truncf %add3A_10 : vector<5000x128xf32> to vector<5000x128xbf16>
    %get3A_12 = arith.constant 0 : index
    %get3A_13 = arith.constant 0 : index
    %get3A_14 = vector.load %arg4[%get3A_12, %get3A_13] : memref<128x64xbf16, #tpu.memory_space<vmem>>, vector<128x64xbf16>
    %dot_general3A_15 = arith.constant dense<0.000000e+00> : vector<5000x64xf32>
    %dot_general3A_16 = tpu.matmul %convert_element_type3A_11, %get3A_14, %dot_general3A_15 {dimension_numbers = #tpu.dot_dimension_numbers<[1], [0], [0], [1], [0, 0, 1, 1], [], []>, transpose_lhs_hint = false} : vector<5000x128xbf16>, vector<128x64xbf16>, vector<5000x64xf32> -> vector<5000x64xf32>
    %get3A_17 = arith.constant 0 : index
    %get3A_18 = arith.constant 0 : index
    %get3A_19 = vector.load %arg5[%get3A_17, %get3A_18] : memref<1x64xf32, #tpu.memory_space<vmem>>, vector<1x64xf32>
    %add3A_20 = vector.broadcast %get3A_19 : vector<1x64xf32> to vector<5000x64xf32>
    %add3A_21 = arith.addf %dot_general3A_16, %add3A_20 : vector<5000x64xf32>
    %tanh3A_22 = math.tanh %add3A_21 : vector<5000x64xf32>
    %convert_element_type3A_23 = arith.truncf %tanh3A_22 : vector<5000x64xf32> to vector<5000x64xbf16>
    %convert_element_type3A_24 = arith.extf %convert_element_type3A_23 : vector<5000x64xbf16> to vector<5000x64xf32>
    %get3A_25 = arith.constant 0 : index
    %get3A_26 = arith.constant 0 : index
    %get3A_27 = vector.load %arg6[%get3A_25, %get3A_26] : memref<128x64xbf16, #tpu.memory_space<vmem>>, vector<128x64xbf16>
    %dot_general3A_28 = arith.constant dense<0.000000e+00> : vector<5000x64xf32>
    %dot_general3A_29 = tpu.matmul %convert_element_type3A_11, %get3A_27, %dot_general3A_28 {dimension_numbers = #tpu.dot_dimension_numbers<[1], [0], [0], [1], [0, 0, 1, 1], [], []>, transpose_lhs_hint = false} : vector<5000x128xbf16>, vector<128x64xbf16>, vector<5000x64xf32> -> vector<5000x64xf32>
    %get3A_30 = arith.constant 0 : index
    %get3A_31 = arith.constant 0 : index
    %get3A_32 = vector.load %arg7[%get3A_30, %get3A_31] : memref<1x64xf32, #tpu.memory_space<vmem>>, vector<1x64xf32>
    %add3A_33 = vector.broadcast %get3A_32 : vector<1x64xf32> to vector<5000x64xf32>
    %add3A_34 = arith.addf %dot_general3A_29, %add3A_33 : vector<5000x64xf32>
    %tanh3A_35 = math.tanh %add3A_34 : vector<5000x64xf32>
    %convert_element_type3A_36 = arith.truncf %tanh3A_35 : vector<5000x64xf32> to vector<5000x64xbf16>
    %convert_element_type3A_37 = arith.extf %convert_element_type3A_36 : vector<5000x64xbf16> to vector<5000x64xf32>
    %bitcast_convert_type3A = tpu.bitcast %convert_element_type3A_24 : vector<5000x64xf32> -> vector<5000x64xi32>
    %shift_right_logical3A = arith.constant 16 : i32
    %shift_right_logical3A_38 = vector.broadcast %shift_right_logical3A : i32 to vector<5000x64xi32>
    %shift_right_logical3A_39 = arith.shrui %bitcast_convert_type3A, %shift_right_logical3A_38 : vector<5000x64xi32>
    %bitcast_convert_type3A_40 = tpu.bitcast %convert_element_type3A_37 : vector<5000x64xf32> -> vector<5000x64xi32>
    %and3A = arith.constant -65536 : i32
    %and3A_41 = vector.broadcast %and3A : i32 to vector<5000x64xi32>
    %and3A_42 = arith.andi %bitcast_convert_type3A_40, %and3A_41 : vector<5000x64xi32>
    %or3A = arith.ori %and3A_42, %shift_right_logical3A_39 : vector<5000x64xi32>
    %swap3A = arith.constant 0 : index
    %swap3A_43 = arith.constant 0 : index
    %swap3A_44 = vector.load %arg8[%swap3A, %swap3A_43] : memref<5000x64xi32, #tpu.memory_space<vmem>>, vector<5000x64xi32>
    tpu.vector_store %arg8[%swap3A, %swap3A_43], %or3A {strides = array<i32>} : memref<5000x64xi32, #tpu.memory_space<vmem>>, vector<5000x64xi32>,
    return
  }
  func.func @transform_0(%arg0: i32) -> (i32, i32) {
    %c0_i32 = arith.constant 0 : i32
    %c0_i32_0 = arith.constant 0 : i32
    return %arg0, %c0_i32 : i32, i32
  }
  func.func @transform_1(%arg0: i32) -> (i32, i32) {
    %c0_i32 = arith.constant 0 : i32
    %c0_i32_0 = arith.constant 0 : i32
    %c0_i32_1 = arith.constant 0 : i32
    return %c0_i32, %c0_i32_0 : i32, i32
  }
  func.func @transform_2(%arg0: i32) -> (i32, i32) {
    %c0_i32 = arith.constant 0 : i32
    %c0_i32_0 = arith.constant 0 : i32
    %c0_i32_1 = arith.constant 0 : i32
    return %c0_i32, %c0_i32_0 : i32, i32
  }
  func.func @transform_3(%arg0: i32) -> (i32, i32) {
    %c0_i32 = arith.constant 0 : i32
    %c0_i32_0 = arith.constant 0 : i32
    %c0_i32_1 = arith.constant 0 : i32
    return %c0_i32, %c0_i32_0 : i32, i32
  }
  func.func @transform_4(%arg0: i32) -> (i32, i32) {
    %c0_i32 = arith.constant 0 : i32
    %c0_i32_0 = arith.constant 0 : i32
    %c0_i32_1 = arith.constant 0 : i32
    return %c0_i32, %c0_i32_0 : i32, i32
  }
  func.func @transform_5(%arg0: i32) -> (i32, i32) {
    %c0_i32 = arith.constant 0 : i32
    %c0_i32_0 = arith.constant 0 : i32
    %c0_i32_1 = arith.constant 0 : i32
    return %c0_i32, %c0_i32_0 : i32, i32
  }
  func.func @transform_6(%arg0: i32) -> (i32, i32) {
    %c0_i32 = arith.constant 0 : i32
    %c0_i32_0 = arith.constant 0 : i32
    %c0_i32_1 = arith.constant 0 : i32
    return %c0_i32, %c0_i32_0 : i32, i32
  }
  func.func @transform_7(%arg0: i32) -> (i32, i32) {
    %c0_i32 = arith.constant 0 : i32
    %c0_i32_0 = arith.constant 0 : i32
    return %arg0, %c0_i32 : i32, i32
  }
}

module attributes {stable_mosaic.version = 14 : i64} {
  func.func @_upd_body(%arg0: i32, %arg1: memref<2000x128xf32, #tpu.memory_space<vmem>>, %arg2: memref<2000x128xf32, #tpu.memory_space<vmem>>, %arg3: memref<2000x128xf32, #tpu.memory_space<vmem>>, %arg4: memref<2000x128xf32, #tpu.memory_space<vmem>>, %arg5: memref<2000x128xf32, #tpu.memory_space<vmem>>, %arg6: memref<384x128xf32, #tpu.memory_space<vmem>>, %arg7: memref<1x128xf32, #tpu.memory_space<vmem>>, %arg8: memref<2000x128xf32, #tpu.memory_space<vmem>>) attributes {dimension_semantics = [#tpu.dimension_semantics<arbitrary>], iteration_bounds = array<i64: 5>, scalar_prefetch = 0 : i64, scratch_operands = 0 : i64, tpu.core_type = #tpu.core_type<tc>, window_params = [{transform_indices = @transform_0, window_bounds = array<i64: 2000, 128>}, {transform_indices = @transform_1, window_bounds = array<i64: 2000, 128>}, {transform_indices = @transform_2, window_bounds = array<i64: 2000, 128>}, {transform_indices = @transform_3, window_bounds = array<i64: 2000, 128>}, {transform_indices = @transform_4, window_bounds = array<i64: 2000, 128>}, {pipeline_mode = #tpu.pipeline_mode<synchronous>, transform_indices = @transform_5, window_bounds = array<i64: 384, 128>}, {pipeline_mode = #tpu.pipeline_mode<synchronous>, transform_indices = @transform_6, window_bounds = array<i64: 1, 128>}, {transform_indices = @transform_7, window_bounds = array<i64: 2000, 128>}]} {
    %get3A = arith.constant 0 : index
    %get3A_0 = arith.constant 0 : index
    %get3A_1 = vector.load %arg1[%get3A, %get3A_0] : memref<2000x128xf32, #tpu.memory_space<vmem>>, vector<2000x128xf32>
    %get3A_2 = arith.constant 0 : index
    %get3A_3 = arith.constant 0 : index
    %get3A_4 = vector.load %arg6[%get3A_2, %get3A_3] : memref<384x128xf32, #tpu.memory_space<vmem>>, vector<128x128xf32>
    %dot_general3A = arith.constant dense<0.000000e+00> : vector<2000x128xf32>
    %dot_general3A_5 = tpu.matmul %get3A_1, %get3A_4, %dot_general3A {dimension_numbers = #tpu.dot_dimension_numbers<[1], [0], [0], [1], [0, 0, 1, 1], [], []>, transpose_lhs_hint = false} : vector<2000x128xf32>, vector<128x128xf32>, vector<2000x128xf32> -> vector<2000x128xf32>
    %get3A_6 = arith.constant 0 : index
    %get3A_7 = arith.constant 0 : index
    %get3A_8 = vector.load %arg2[%get3A_6, %get3A_7] : memref<2000x128xf32, #tpu.memory_space<vmem>>, vector<2000x128xf32>
    %get3A_9 = arith.constant 0 : index
    %get3A_10 = arith.constant 0 : index
    %get3A_11 = vector.load %arg3[%get3A_9, %get3A_10] : memref<2000x128xf32, #tpu.memory_space<vmem>>, vector<2000x128xf32>
    %add3A = arith.addf %get3A_8, %get3A_11 : vector<2000x128xf32>
    %get3A_12 = arith.constant 128 : index
    %get3A_13 = arith.constant 0 : index
    %get3A_14 = vector.load %arg6[%get3A_12, %get3A_13] : memref<384x128xf32, #tpu.memory_space<vmem>>, vector<128x128xf32>
    %dot_general3A_15 = arith.constant dense<0.000000e+00> : vector<2000x128xf32>
    %dot_general3A_16 = tpu.matmul %add3A, %get3A_14, %dot_general3A_15 {dimension_numbers = #tpu.dot_dimension_numbers<[1], [0], [0], [1], [0, 0, 1, 1], [], []>, transpose_lhs_hint = false} : vector<2000x128xf32>, vector<128x128xf32>, vector<2000x128xf32> -> vector<2000x128xf32>
    %add3A_17 = arith.addf %dot_general3A_5, %dot_general3A_16 : vector<2000x128xf32>
    %get3A_18 = arith.constant 0 : index
    %get3A_19 = arith.constant 0 : index
    %get3A_20 = vector.load %arg4[%get3A_18, %get3A_19] : memref<2000x128xf32, #tpu.memory_space<vmem>>, vector<2000x128xf32>
    %get3A_21 = arith.constant 0 : index
    %get3A_22 = arith.constant 0 : index
    %get3A_23 = vector.load %arg5[%get3A_21, %get3A_22] : memref<2000x128xf32, #tpu.memory_space<vmem>>, vector<2000x128xf32>
    %add3A_24 = arith.addf %get3A_20, %get3A_23 : vector<2000x128xf32>
    %get3A_25 = arith.constant 256 : index
    %get3A_26 = arith.constant 0 : index
    %get3A_27 = vector.load %arg6[%get3A_25, %get3A_26] : memref<384x128xf32, #tpu.memory_space<vmem>>, vector<128x128xf32>
    %dot_general3A_28 = arith.constant dense<0.000000e+00> : vector<2000x128xf32>
    %dot_general3A_29 = tpu.matmul %add3A_24, %get3A_27, %dot_general3A_28 {dimension_numbers = #tpu.dot_dimension_numbers<[1], [0], [0], [1], [0, 0, 1, 1], [], []>, transpose_lhs_hint = false} : vector<2000x128xf32>, vector<128x128xf32>, vector<2000x128xf32> -> vector<2000x128xf32>
    %add3A_30 = arith.addf %add3A_17, %dot_general3A_29 : vector<2000x128xf32>
    %get3A_31 = arith.constant 0 : index
    %get3A_32 = arith.constant 0 : index
    %get3A_33 = vector.load %arg7[%get3A_31, %get3A_32] : memref<1x128xf32, #tpu.memory_space<vmem>>, vector<1x128xf32>
    %add3A_34 = vector.broadcast %get3A_33 : vector<1x128xf32> to vector<2000x128xf32>
    %add3A_35 = arith.addf %add3A_30, %add3A_34 : vector<2000x128xf32>
    %tanh3A = math.tanh %add3A_35 : vector<2000x128xf32>
    %add3A_36 = arith.addf %get3A_1, %tanh3A : vector<2000x128xf32>
    %swap3A = arith.constant 0 : index
    %swap3A_37 = arith.constant 0 : index
    %swap3A_38 = vector.load %arg8[%swap3A, %swap3A_37] : memref<2000x128xf32, #tpu.memory_space<vmem>>, vector<2000x128xf32>
    tpu.vector_store %arg8[%swap3A, %swap3A_37], %add3A_36 {strides = array<i32>} : memref<2000x128xf32, #tpu.memory_space<vmem>>, vector<2000x128xf32>,
    return
  }
  func.func @transform_0(%arg0: i32) -> (i32, i32) {
    %c0_i32 = arith.constant 0 : i32
    %c0_i32_0 = arith.constant 0 : i32
    return %arg0, %c0_i32 : i32, i32
  }
  func.func @transform_1(%arg0: i32) -> (i32, i32) {
    %c0_i32 = arith.constant 0 : i32
    %c0_i32_0 = arith.constant 0 : i32
    return %arg0, %c0_i32 : i32, i32
  }
  func.func @transform_2(%arg0: i32) -> (i32, i32) {
    %c0_i32 = arith.constant 0 : i32
    %c0_i32_0 = arith.constant 0 : i32
    return %arg0, %c0_i32 : i32, i32
  }
  func.func @transform_3(%arg0: i32) -> (i32, i32) {
    %c0_i32 = arith.constant 0 : i32
    %c0_i32_0 = arith.constant 0 : i32
    return %arg0, %c0_i32 : i32, i32
  }
  func.func @transform_4(%arg0: i32) -> (i32, i32) {
    %c0_i32 = arith.constant 0 : i32
    %c0_i32_0 = arith.constant 0 : i32
    return %arg0, %c0_i32 : i32, i32
  }
  func.func @transform_5(%arg0: i32) -> (i32, i32) {
    %c0_i32 = arith.constant 0 : i32
    %c0_i32_0 = arith.constant 0 : i32
    %c0_i32_1 = arith.constant 0 : i32
    return %c0_i32, %c0_i32_0 : i32, i32
  }
  func.func @transform_6(%arg0: i32) -> (i32, i32) {
    %c0_i32 = arith.constant 0 : i32
    %c0_i32_0 = arith.constant 0 : i32
    %c0_i32_1 = arith.constant 0 : i32
    return %c0_i32, %c0_i32_0 : i32, i32
  }
  func.func @transform_7(%arg0: i32) -> (i32, i32) {
    %c0_i32 = arith.constant 0 : i32
    %c0_i32_0 = arith.constant 0 : i32
    return %arg0, %c0_i32 : i32, i32
  }
}

</mosaic_0001>

<sc_bundles>
// kernel: kernel.11.cloned.1.call-start
scs
__scs_entry_jumppad:
0x0: {  	(pc) =	sbr.rel $0x88, $3  }
0x1: {  	(tag) =	ssettag $0x0;
	lr =	simm.s32 $0x1  }
0x2: {  	[smem:$0x3F8C] =	sst lr;
	_ =	strace $0xD0000000  }
0x3: {  	_ = 	snop  }
0x4: {  	_ = 	snop  }
0x5: {  	_ = 	snop  }
0x6: {  	_ = 	snop  }
0x7: {  	_ = 	snop  }
__scs_overlays_trampoline_lowered:
0x8: {  	[smem:$0x3F9B] =	sst s0  }
0x9: {  	[smem:$0x3F9C] =	sst s1  }
0xa: {  	[smem:$0x3F9D] =	sst s2  }
0xb: {  	[smem:$0x3F9E] =	sst s3  }
0xc: {  	[smem:$0x3F9F] =	sst s4  }
0xd: {  	[smem:$0x3FA0] =	sst s5  }
0xe: {  	[smem:$0x3FA1] =	sst s6  }
0xf: {  	[smem:$0x3FA2] =	sst s7  }
0x10: {  	[smem:$0x3FA3] =	sst s8  }
0x11: {  	[smem:$0x3FA4] =	sst s9;
	s0 =	simm.s32 @!p0 $0x0  }
0x12: {  	s1 =	sld [smem:$0x3F8A];
	s0 =	simm.s32 @p0 $0x1  }
0x13: {  	[smem:$0x3FA5] =	sst s0;
	s0 =	simm.s32 @!p1 $0x0  }
0x14: {  	s2 =	sld [smem:$0x3F89];
	s0 =	simm.s32 @p1 $0x1  }
0x15: {  	[smem:$0x3FA6] =	sst s0;
	s0 =	simm.s32 @!p2 $0x0  }
0x16: {  	s3 =	sld [smem:$0x3FDB];
	s0 =	simm.s32 @p2 $0x1  }
0x17: {  	s4 =	simm.s32 $0x1BF5;
	[smem:$0x3FA8] =	sst s0  }
0x18: {  	s0 =	sld [smem:$0x3F8B];
	_ =	swait.ge [sflag:s4], $0x0  }
0x19: {  	s7 =	sld [smem:$0x3F8C]  }
0x1a: {  	s8 =	sadd.s32 $0xFFFFE003, lr  }
0x1b: {  	s9 =	sadd.s32 $0xFFFFFEF7, lr;
	s5 =	simm.s32 $0xFFFFFFFF;
	p2 =	slt.u32 s8, $0xFFFFF086  }
0x1c: {  	p1 =	slt.u32 s9, $0xF7A;
	s5 =	simm.s32 @!p2 $0x0  }
0x1d: {  	s5 =	simm.s32 @p1 $0x1;
	p0 =	seq.s32 s7, s2  }
0x1e: {  	s7 =	smul.u32 @!p0 $0xF7A, s2;
	p2 =	seq.s32 @!p0 s5, $0x0  }
0x1f: {  	s9 =	smul.u32 $0xF7A, s1;
	s8 =	simm.s32 @!p0 $0x1BF5;
	p2 =	por !p2, p0  }
0x20: {  	[sflag:s8] =	ssyncset.s32 @!p0 $0xFFFFF086;
	s6 =	sadd.s32 @!p0 s3, s7;
	s7 =	simm.s32 @!p0 $0x108  }
0x21: {  	s3 =	sadd.s32 s3, s9;
	s6 =	sadd.s32 @!p0 $0x88, s6;
	s7 =	simm.s32 @p2 $0x1082  }
0x22: {  	[simem:s7], [sflag:s8] =	dma.local @!p0 [hbm:s6], $0xF7A  }
0x23: {  	s9 =	sor.u32 $0xD0000000, s2;
	s6 =	simm.s32 $0x108;
	_ =	swait.ge @!p0 [sflag:s8], $0x0  }
0x24: {  	s3 =	sadd.s32 $0x88, s3;
	s6 =	simm.s32 @!p1 $0x1082;
	[sflag:s4] =	ssyncset.s32 $0xFFFFF086  }
0x25: {  	[simem:s6], [sflag:s4] =	dma.local [hbm:s3], $0xF7A  }
0x26: {  	[smem:$0x3F8C] =	sst s1;
	(tag) =	ssettag s2;
	_ =	strace s9  }
0x27: {  	s1 =	sld [smem:$0x3F9C]  }
0x28: {  	s2 =	sld [smem:$0x3F9D]  }
0x29: {  	s4 =	sld [smem:$0x3F9F]  }
0x2a: {  	p0 =	seq.s32 s5, $0x0;
	s5 =	sld [smem:$0x3FA0]  }
0x2b: {  	s6 =	sld [smem:$0x3FA1]  }
0x2c: {  	s7 =	sld [smem:$0x3FA2]  }
0x2d: {  	s3 =	simm.s32 $0x108;
	s8 =	sld [smem:$0x3FA3]  }
0x2e: {  	s3 =	simm.s32 @!p0 $0x1082;
	s9 =	sld [smem:$0x3FA4]  }
0x2f: {  	lr =	sadd.s32 s0, s3;
	s0 =	sld [smem:$0x3F9B]  }
0x30: {  	s3 =	sld [smem:$0x3F9E]  }
0x31: {  	[smem:$0x3FA7] =	sst s10  }
0x32: {  	s10 =	sld [smem:$0x3FA5];
	_ =	sdelay $0x3  }
0x33: {  	p0 =	seq.s32 s10, $0x1;
	s10 =	sld [smem:$0x3FA7];
	_ =	sdelay $0x3  }
0x34: {  	[smem:$0x3FA7] =	sst s10  }
0x35: {  	s10 =	sld [smem:$0x3FA6];
	_ =	sdelay $0x3  }
0x36: {  	p1 =	seq.s32 s10, $0x1;
	s10 =	sld [smem:$0x3FA7];
	_ =	sdelay $0x3  }
0x37: {  	[smem:$0x3FA7] =	sst s10  }
0x38: {  	s10 =	sld [smem:$0x3FA8]  }
0x39: {  	_ = 	snop;
	(pc) =	sbr.ind lr, $3  }
0x3a: {  	_ = 	snop  }
0x3b: {  	_ = 	snop  }
0x3c: {  	p2 =	seq.s32 s10, $0x1;
	s10 =	sld [smem:$0x3FA7]  }
0x3d: {  	_ =	shalt  }
0x3e: {  	_ =	shalt  }
0x3f: {  	_ =	shalt  }
0x40: {  	_ =	shalt  }
0x41: {  	_ =	shalt  }
0x42: {  	_ =	shalt  }
0x43: {  	_ =	shalt  }
0x44: {  	_ =	shalt  }
0x45: {  	_ =	shalt  }
0x46: {  	_ =	shalt  }
0x47: {  	_ =	shalt  }
0x48: {  	_ =	shalt  }
0x49: {  	_ =	shalt  }
0x4a: {  	_ =	shalt  }
0x4b: {  	_ =	shalt  }
0x4c: {  	_ =	shalt  }
0x4d: {  	_ =	shalt  }
0x4e: {  	_ =	shalt  }
0x4f: {  	_ =	shalt  }
0x50: {  	_ =	shalt  }
0x51: {  	_ =	shalt  }
0x52: {  	_ =	shalt  }
0x53: {  	_ =	shalt  }
0x54: {  	_ =	shalt  }
0x55: {  	_ =	shalt  }
0x56: {  	_ =	shalt  }
0x57: {  	_ =	shalt  }
0x58: {  	_ =	shalt  }
0x59: {  	_ =	shalt  }
0x5a: {  	_ =	shalt  }
0x5b: {  	_ =	shalt  }
0x5c: {  	_ =	shalt  }
0x5d: {  	_ =	shalt  }
0x5e: {  	_ =	shalt  }
0x5f: {  	_ =	shalt  }
0x60: {  	_ =	shalt  }
0x61: {  	_ =	shalt  }
0x62: {  	_ =	shalt  }
0x63: {  	_ =	shalt  }
0x64: {  	_ =	shalt  }
0x65: {  	_ =	shalt  }
0x66: {  	_ =	shalt  }
0x67: {  	_ =	shalt  }
0x68: {  	_ =	shalt  }
0x69: {  	_ =	shalt  }
0x6a: {  	_ =	shalt  }
0x6b: {  	_ =	shalt  }
0x6c: {  	_ =	shalt  }
0x6d: {  	_ =	shalt  }
0x6e: {  	_ =	shalt  }
0x6f: {  	_ =	shalt  }
0x70: {  	_ =	shalt  }
0x71: {  	_ =	shalt  }
0x72: {  	_ =	shalt  }
0x73: {  	_ =	shalt  }
0x74: {  	_ =	shalt  }
0x75: {  	_ =	shalt  }
0x76: {  	_ =	shalt  }
0x77: {  	_ =	shalt  }
0x78: {  	_ =	shalt  }
0x79: {  	_ =	shalt  }
0x7a: {  	_ =	shalt  }
0x7b: {  	_ =	shalt  }
0x7c: {  	_ =	shalt  }
0x7d: {  	_ =	shalt  }
0x7e: {  	_ =	shalt  }
0x7f: {  	_ =	shalt  }
0x80: {  	_ =	shalt  }
0x81: {  	_ =	shalt  }
0x82: {  	_ =	shalt  }
0x83: {  	_ =	shalt  }
0x84: {  	_ =	shalt  }
0x85: {  	_ =	shalt  }
0x86: {  	_ =	shalt  }
0x87: {  	_ =	shalt  }
.Lfunc_end0:
.L_simem_size_0:
called_computation.1_lowered:
.L_overlay_start_0:
0x88: {  	s2 =	sld [smem:$0x3FD9]  }
0x89: {  	s3 =	sld [smem:$0x3FFE];
	_ =	sdelay $0x1  }
0x8a: {  	s1 =	srdreg.scid  }
0x8b: {  	s0 =	sand.u32 $0x1, s1  }
0x8c: {  	s16 =	sshll.u32 s0, $0xA;
	s2 =	sadd.s32 s3, s2  }
0x8d: {  	s2 =	sadd.s32 s2, s16  }
0x8e: {  	[smem:$0x3FB3] =	sst s2  }
0x8f: {  	_ = 	snop  }
0x90: {  	(tm) =	ssettm $0x1  }
0x91: {  	s17 =	sld [smem:$0x3FFB];
	_ =	sdelay $0x3  }
0x92: {  	_ =	strace s17  }
0x93: {  	s2 =	sld [smem:$0x3FFC];
	_ =	sdelay $0x3  }
0x94: {  	_ =	strace s2  }
0x95: {  	s2 =	sld [smem:$0x3FFD];
	_ =	sdelay $0x3  }
0x96: {  	_ =	strace s2  }
0x97: {  	_ =	strace $0x8FFFFFFF  }
0x98: {  	s18 =	sld [smem:$0x3FDB];
	_ =	sdelay $0x1  }
0x99: {  	s19 =	simm.s32 $_scs_section_size  }
0x9a: {  	s4 =	simm.s32 $_size__tile_overlayer_lowered;
	s5 =	simm.s32 $_tile_overlayer_lowered  }
0x9b: {  	s22 =	simm.s32 $0x1BFF;
	s21 =	sshll.u32 s5, $0x1;
	s2 =	sadd.s32 s19, s18  }
0x9c: {  	s6 =	simm.s32 $0x0;
	s20 =	sshll.u32 s4, $0x1;
	s4 =	sadd.s32 s21, s2  }
0x9d: {  	[timem:s6], [sflag:s22] =	dma.local [hbm:s4], s20  }
0x9e: {  	_ =	swait.ge [sflag:s22], s20  }
0x9f: {  	s3 =	ssub.s32 $0x0, s20;
	[sflag:s22] =	ssyncset.done $0x0  }
0xa0: {  	[sflag:s22] =	ssyncadd.s32 s3;
	_ =	sdelay $0x1  }
0xa1: {  	s23 =	simm.s32 $0x1B8B  }
0xa2: {  	_ =	swait.ge [sflag:s23], $0x1  }
0xa3: {  	[sflag:s23] =	ssyncset.done $0x0  }
0xa4: {  	s25 =	simm.s32 $0x1B8E;
	s24 =	sld [smem:$0x3FFE];
	[sflag:s23] =	ssyncadd.s32 $0xFFFFFFFF  }
0xa5: {  	s26 =	simm.s32 $execute0_lowered;
	[smem:$0x3FD2] =	sst s25  }
0xa6: {  	s4 =	sshll.u32 s26, $0x1;
	_ =	strace $0x80000046;
	[dreg:$0x1] =	wrdreg $0xFFFFFFFF  }
0xa7: {  	s28 =	simm.s32 $_size_execute0_lowered;
	s2 =	sadd.s32 s2, s4;
	[dreg:$0x0] =	wrdreg $0x0  }
0xa8: {  	s4 =	sshll.u32 s28, $0x1;
	[dreg:$0x2] =	wrdreg s2  }
0xa9: {  	[dreg:$0x3] =	wrdreg s4  }
0xaa: {  	[dreg:$0x4] =	wrdreg $0xC0  }
0xab: {  	_ =	task [dreg:s6], $0x5FFFF  }
0xac: {  	[dreg:$0x1] =	wrdreg $0xFFFFFFFF  }
0xad: {  	[dreg:$0x0] =	wrdreg $0x60  }
0xae: {  	[dreg:$0x2] =	wrdreg s24  }
0xaf: {  	[dreg:$0x3] =	wrdreg $0xBA000  }
0xb0: {  	[dreg:$0x4] =	wrdreg $0xA  }
0xb1: {  	_ =	task.clear_ibuf [dreg:s6], $0x5FFFF;
	_ =	strace $0x90000046  }
0xb2: {  	s29 =	simm.s32 $0xA;
	_ =	strace $0x80000048  }
0xb3: {  	_ =	swait.ge [sflag:s29], $0x1  }
0xb4: {  	[sflag:s29] =	ssyncadd.s32 $0xFFFFFFFF  }
0xb5: {  	_ =	strace $0x90000048  }
0xb6: {  	_ =	sfence  }
0xb7: {  	s30 =	sld [smem:$0x0];
	_ =	sdelay $0x2  }
0xb8: {  	s31 =	sshll.u32 s1, $0xD;
	s1 =	sshrl.u32 s1, $0x2  }
0xb9: {  	s3 =	sand.u32 $0x4000, s31;
	s1 =	sadd.s32 s1, s30  }
0xba: {  	s0 =	sor.u32 s3, s0;
	s1 =	sshll.u32 s1, $0x11  }
0xbb: {  	s0 =	sor.u32 s1, s0  }
0xbc: {  	s0 =	sadd.s32 $0x8F2B, s0  }
0xbd: {  	[sflag:s0] =	ssyncadd.remote.s32 $0x1  }
0xbe: {  	_ =	sfence.sel $0xFFFF  }
0xbf: {  	[dreg:$0x0] =	wrdreg $0xFFFFFFFF;
	(pc) =	sbr.abs _section_cstart, $3  }
0xc0: {  	[dreg:$0x1] =	wrdreg $0xFFFFFFFF  }
0xc1: {  	_ =	task.clear_ibuf [dreg:s6], $0x2FFFF;
	_ =	strace $0x9FFFFFFF  }
0xc2: {  	(tm) =	ssettm $0x7FFFFFFF  }
0xc3: {  	_ =	shalt  }
tec
execute0_lowered:
.L_overlay_start_1:
0x0: {  	(tag) =	ssettag $0x1  }
0x1: {  	s0 =	rddreg [dreg:$0x0]  }
0x2: {  	s1 =	rddreg [dreg:$0x1];
	s2 =	simm.s32 $0x0  }
0x3: {  	s13 =	stileid.u32;
	s4 =	srdreg.scid;
	s29 =	simm.s32 $0x0  }
0x4: {  	[smem:$0x7FF] =	sst s2;
	s3 =	sadd.s32 $0x23C00, s0;
	s5 =	sadd.s32 $0x4AE00, s0  }
0x5: {  	s6 =	smul.u32 $0x4E000, s13;
	s7 =	sadd.s32 $0x4800, s0;
	s14 =	sadd.s32 $0x52CE00, s0  }
0x6: {  	s4 =	sand.u32 $0x1, s4;
	s15 =	sadd.s32 $0x554000, s0;
	s17 =	smul.u32 $0x2700, s13  }
0x7: {  	p0 =	sne.s32 s13, $0x0;
	p2 =	seq.s32 s13, $0x0;
	_ =	strace $0x80000047  }
0x8: {  	s8 =	ssub.s32 $0x2, s4;
	[dreg:$0x3] =	wrdreg s14;
	s6 =	sshrl.u32 s6, $0x2  }
0x9: {  	s10 =	sshll.u32 s4, $0x4;
	[dreg:$0x4] =	wrdreg s15;
	s28 =	sadd.s32 s6, s1  }
0xa: {  	p1 =	seq.s32 s4, $0x1;
	s20 =	sadd.s32 $0x1800, s28;
	[dreg:$0x5] =	wrdreg s28  }
0xb: {  	s4 =	simm.s32 $0x50;
	s21 =	sadd.s32 $0x3000, s28;
	[dreg:$0x6] =	wrdreg s20  }
0xc: {  	s9 =	sshrl.u32 s8, $0x1;
	s22 =	sadd.s32 $0x4800, s28;
	[dreg:$0x7] =	wrdreg s21  }
0xd: {  	s19 =	sor.u32 s13, s10;
	s23 =	sadd.s32 $0x6000, s28;
	[dreg:$0x8] =	wrdreg s22  }
0xe: {  	s13 =	simm.s32 $0x2A00;
	s24 =	sadd.s32 $0x7800, s28;
	[dreg:$0x9] =	wrdreg s23  }
0xf: {  	s12 =	smul.u32 $0x7D, s19;
	s26 =	sadd.s32 $0x9000, s28;
	[dreg:$0xa] =	wrdreg s24  }
0x10: {  	s25 =	smul.u32 $0x7D00, s19;
	s30 =	sadd.s32 $0xA800, s28;
	[dreg:$0xb] =	wrdreg s26  }
0x11: {  	s31 =	smul.u32 $0xFA0, s19;
	s11 =	sadd.s32 $0xC000, s28;
	[dreg:$0xc] =	wrdreg s30  }
0x12: {  	s6 =	ssub.s32 s8, s9;
	s16 =	smul.u32 $0x27100, s19;
	[dreg:$0xd] =	wrdreg s11  }
0x13: {  	s9 =	sshrl.u32 s25, $0x3;
	s10 =	sadd.s32 s7, s31;
	s20 =	smul.u32 $0x2710, s19  }
0x14: {  	s18 =	sadd.s32 s5, s16;
	s22 =	sadd.s32 $0x4840, s0;
	[dreg:$0xe] =	wrdreg s10  }
0x15: {  	s19 =	sadd.s32 s14, s17;
	s21 =	sadd.s32 s15, s17;
	[dreg:$0x10] =	wrdreg s18  }
0x16: {  	s23 =	smax.u32 s6, $0x1;
	s24 =	sadd.s32 $0xD800, s28;
	[dreg:$0x11] =	wrdreg s19  }
0x17: {  	s25 =	sadd.s32 $0xF000, s28;
	s26 =	sadd.s32 $0x10800, s28;
	[dreg:$0x12] =	wrdreg s21  }
0x18: {  	s30 =	sadd.s32 $0x12000, s28;
	s31 =	sadd.s32 $0x138000, s1;
	[dreg:$0x13] =	wrdreg s23  }
0x19: {  	s6 =	simm.s32 $0x100;
	s11 =	simm.s32 $0x8;
	[dreg:$0x14] =	wrdreg s24  }
0x1a: {  	s14 =	simm.s32 $0x7A00;
	s15 =	simm.s32 $0x1;
	[dreg:$0x15] =	wrdreg s25  }
0x1b: {  	s16 =	simm.s32 $0x3;
	s17 =	simm.s32 $0x80;
	[dreg:$0x16] =	wrdreg s26  }
.Ltmp0:
0x1c: {  	s7 =	sadd.s32 s7, s9;
	[dreg:$0x17] =	wrdreg s30;
	(pc) =	sbr.rel .LBB2_1-.Ltmp0, $4  }
0x1d: {  	[dreg:$0x18] =	wrdreg s31;
	s24 =	simm.s32 $0x9;
	s9 =	simm.s32 $0x200  }
0x1e: {  	s10 =	simm.s32 $0x5200;
	s18 =	simm.s32 $0x5;
	s19 =	simm.s32 $0x2  }
0x1f: {  	s21 =	simm.s32 $0x4;
	s25 =	simm.s32 $0x180;
	s7 =	sadd.s32 $0x20, s7  }
0x20: {  	v0 =	vimm.f32 $0.0e+00;
	s0 =	sadd.s32 $0xA0, s20;
	[dreg:$0xf] =	wrdreg s7;
	s7 =	simm.s32 $0x7  }
.LBB2_14:
0x21: {  	s26 =	rddreg [dreg:$0x18]  }
0x22: {  	s23 =	sadd.s32 $0x27000, s23;
	s31 =	simm.s32 $0xA;
	s26 =	sshrl.u32 s26, $0x3  }
0x23: {  	[hbm:s23], [sflag:s8] =	dma.local [spmem:s26], $0x100  }
0x24: {  	_ =	swait.ge [sflag:s31], $0x100  }
0x25: {  	[sflag:s31] =	ssyncset.done $0x0  }
0x26: {  	[sflag:s31] =	ssyncadd.s32 $0xFFFFFF00  }
.LBB2_15:
0x27: {  	s29 =	sadd.s32 $0x1, s29;
	s8 =	rddreg [dreg:$0x13]  }
0x28: {  	p3 =	sne.s32 s29, s8  }
.Ltmp1:
0x29: {  	_ = 	snop;
	(pc) =	sbr.rel @!p3 .LBB2_16-.Ltmp1, $1  }
0x2a: {  	_ =	sdelay $0x3  }
.LBB2_1:
0x2b: {  	[dreg:$0x19] =	wrdreg s29;
	s8 =	simm.s32 $0x0;
	s23 =	simm.s32 $0x200  }
.LBB2_2:
0x2c: {  	p3 =	sne.s32 s23, $0x5E00;
	[tilespmem:s8+$0xA270] =	vst v0  }
0x2d: {  	[tilespmem:s8+$0xA200] =	vst v0  }
0x2e: {  	[tilespmem:s8+$0xA210] =	vst v0  }
.Ltmp2:
0x2f: {  	[tilespmem:s8+$0xA220] =	vst v0;
	(pc) =	sbr.rel @p3 .LBB2_2-.Ltmp2, $4  }
0x30: {  	[tilespmem:s8+$0xA230] =	vst v0  }
0x31: {  	[tilespmem:s8+$0xA240] =	vst v0  }
0x32: {  	[tilespmem:s8+$0xA250] =	vst v0  }
0x33: {  	[tilespmem:s8+$0xA260] =	vst v0;
	s8 =	sshra.s32 s23, $0x2;
	s23 =	sadd.s32 $0x200, s23  }
0x34: {  	[tilespmem:s8+$0xA270] =	vst v0  }
0x35: {  	[tilespmem:s8+$0xA200] =	vst v0  }
0x36: {  	[tilespmem:s8+$0xA210] =	vst v0  }
0x37: {  	[tilespmem:s8+$0xA220] =	vst v0  }
0x38: {  	[tilespmem:s8+$0xA230] =	vst v0  }
0x39: {  	[tilespmem:s8+$0xA240] =	vst v0  }
0x3a: {  	[tilespmem:s8+$0xA250] =	vst v0  }
0x3b: {  	[tilespmem:s8+$0xA260] =	vst v0;
	s23 =	simm.s32 $0xA200  }
0x3c: {  	[spmem:s28] =	stream.linear.scatter [tilespmem:s23], [sflag:$0x9], $0x1800, $0x38;
	[tilespmem:$0x1F280] =	vst v63  }
0x3d: {  	s28 =	rddreg [dreg:$0x6]  }
0x3e: {  	[spmem:s28] =	stream.linear.scatter [tilespmem:s23], [sflag:$0x9], $0x1800, $0x38;
	[tilespmem:$0x1F280] =	vst v63  }
0x3f: {  	s29 =	rddreg [dreg:$0x7]  }
0x40: {  	[spmem:s29] =	stream.linear.scatter [tilespmem:s23], [sflag:$0x9], $0x1800, $0x38;
	[tilespmem:$0x1F280] =	vst v63  }
0x41: {  	s31 =	rddreg [dreg:$0x8]  }
0x42: {  	[spmem:s31] =	stream.linear.scatter [tilespmem:s23], [sflag:$0x9], $0x1800, $0x38;
	[tilespmem:$0x1F280] =	vst v63  }
0x43: {  	s26 =	rddreg [dreg:$0x9]  }
0x44: {  	[spmem:s26] =	stream.linear.scatter [tilespmem:s23], [sflag:$0x9], $0x1800, $0x38;
	[tilespmem:$0x1F280] =	vst v63  }
0x45: {  	s28 =	rddreg [dreg:$0xa]  }
0x46: {  	[spmem:s28] =	stream.linear.scatter [tilespmem:s23], [sflag:$0x9], $0x1800, $0x38;
	[tilespmem:$0x1F280] =	vst v63  }
0x47: {  	s29 =	rddreg [dreg:$0xb]  }
0x48: {  	[spmem:s29] =	stream.linear.scatter [tilespmem:s23], [sflag:$0x9], $0x1800, $0x38;
	[tilespmem:$0x1F280] =	vst v63  }
0x49: {  	s31 =	rddreg [dreg:$0xc]  }
0x4a: {  	[spmem:s31] =	stream.linear.scatter [tilespmem:s23], [sflag:$0x9], $0x1800, $0x38;
	[tilespmem:$0x1F280] =	vst v63  }
0x4b: {  	s26 =	rddreg [dreg:$0xd]  }
0x4c: {  	[spmem:s26] =	stream.linear.scatter [tilespmem:s23], [sflag:$0x9], $0x1800, $0x38;
	[tilespmem:$0x1F280] =	vst v63  }
0x4d: {  	s28 =	rddreg [dreg:$0x14]  }
0x4e: {  	[spmem:s28] =	stream.linear.scatter [tilespmem:s23], [sflag:$0x9], $0x1800, $0x38;
	[tilespmem:$0x1F280] =	vst v63  }
0x4f: {  	s29 =	rddreg [dreg:$0x15]  }
0x50: {  	[spmem:s29] =	stream.linear.scatter [tilespmem:s23], [sflag:$0x9], $0x1800, $0x38;
	[tilespmem:$0x1F280] =	vst v63  }
0x51: {  	s31 =	rddreg [dreg:$0x16]  }
0x52: {  	[spmem:s31] =	stream.linear.scatter [tilespmem:s23], [sflag:$0x9], $0x1800, $0x38;
	[tilespmem:$0x1F280] =	vst v63  }
0x53: {  	s26 =	rddreg [dreg:$0x17]  }
0x54: {  	[spmem:s26] =	stream.linear.scatter [tilespmem:s23], [sflag:$0x9], $0x1800, $0x38;
	[tilespmem:$0x1F280] =	vst v63  }
0x55: {  	s8 =	simm.s32 @!p0 $0xA200;
	s23 =	rddreg [dreg:$0x18]  }
0x56: {  	[spmem:s23] =	stream.linear.scatter @!p0 [tilespmem:s8], [sflag:$0x9], $0x800, $0x38;
	[tilespmem:$0x1F280] =	vst v63  }
0x57: {  	_ =	swait.ge [sflag:s24], $0x1800  }
0x58: {  	[sflag:s24] =	ssyncset.done $0x0  }
0x59: {  	[sflag:s24] =	ssyncadd.s32 $0xFFFFE800  }
0x5a: {  	_ =	swait.ge [sflag:s24], $0x1800  }
0x5b: {  	[sflag:s24] =	ssyncset.done $0x0  }
0x5c: {  	[sflag:s24] =	ssyncadd.s32 $0xFFFFE800  }
0x5d: {  	_ =	swait.ge [sflag:s24], $0x1800  }
0x5e: {  	[sflag:s24] =	ssyncset.done $0x0  }
0x5f: {  	[sflag:s24] =	ssyncadd.s32 $0xFFFFE800  }
0x60: {  	_ =	swait.ge [sflag:s24], $0x1800  }
0x61: {  	[sflag:s24] =	ssyncset.done $0x0  }
0x62: {  	[sflag:s24] =	ssyncadd.s32 $0xFFFFE800  }
0x63: {  	_ =	swait.ge [sflag:s24], $0x1800  }
0x64: {  	[sflag:s24] =	ssyncset.done $0x0  }
0x65: {  	[sflag:s24] =	ssyncadd.s32 $0xFFFFE800  }
0x66: {  	_ =	swait.ge [sflag:s24], $0x1800  }
0x67: {  	[sflag:s24] =	ssyncset.done $0x0  }
0x68: {  	[sflag:s24] =	ssyncadd.s32 $0xFFFFE800  }
0x69: {  	_ =	swait.ge [sflag:s24], $0x1800  }
0x6a: {  	[sflag:s24] =	ssyncset.done $0x0  }
0x6b: {  	[sflag:s24] =	ssyncadd.s32 $0xFFFFE800  }
0x6c: {  	_ =	swait.ge [sflag:s24], $0x1800  }
0x6d: {  	[sflag:s24] =	ssyncset.done $0x0  }
0x6e: {  	[sflag:s24] =	ssyncadd.s32 $0xFFFFE800  }
0x6f: {  	_ =	swait.ge [sflag:s24], $0x1800  }
0x70: {  	[sflag:s24] =	ssyncset.done $0x0  }
0x71: {  	[sflag:s24] =	ssyncadd.s32 $0xFFFFE800  }
0x72: {  	_ =	swait.ge [sflag:s24], $0x1800  }
0x73: {  	[sflag:s24] =	ssyncset.done $0x0  }
0x74: {  	[sflag:s24] =	ssyncadd.s32 $0xFFFFE800  }
0x75: {  	_ =	swait.ge [sflag:s24], $0x1800  }
0x76: {  	[sflag:s24] =	ssyncset.done $0x0  }
0x77: {  	[sflag:s24] =	ssyncadd.s32 $0xFFFFE800  }
0x78: {  	_ =	swait.ge [sflag:s24], $0x1800  }
0x79: {  	[sflag:s24] =	ssyncset.done $0x0  }
0x7a: {  	[sflag:s24] =	ssyncadd.s32 $0xFFFFE800  }
0x7b: {  	_ =	swait.ge [sflag:s24], $0x1800  }
0x7c: {  	[sflag:s24] =	ssyncset.done $0x0  }
0x7d: {  	s8 =	simm.s32 @!p0 $0x9;
	[sflag:s24] =	ssyncadd.s32 $0xFFFFE800  }
0x7e: {  	_ =	swait.ge @!p0 [sflag:s8], $0x800  }
0x7f: {  	[sflag:s8] =	ssyncset.done @!p0 $0x0  }
0x80: {  	[sflag:s8] =	ssyncadd.s32 @!p0 $0xFFFFF800  }
0x81: {  	[bflag:$0x0] =	sbarrier.arrive $0xFFFF  }
0x82: {  	s30 =	simm.s32 $0x0;
	s28 =	rddreg [dreg:$0xe]  }
0x83: {  	[tilespmem:s30], [sflag:$0x7] =	stream.linear.gather [hbm4b:s28+s30], $0x100, $0x38;
	[tilespmem:$0x1F280] =	vst v63  }
0x84: {  	s29 =	rddreg [dreg:$0xf]  }
0x85: {  	[tilespmem:s6], [sflag:$0x8] =	stream.linear.gather [hbm4b:s29+s30], $0x100, $0x38;
	[tilespmem:$0x1F280] =	vst v63  }
0x86: {  	_ =	swait.ge [sflag:s7], $0x100  }
0x87: {  	[sflag:s7] =	ssyncset.done $0x0  }
0x88: {  	[sflag:s7] =	ssyncadd.s32 $0xFFFFFF00  }
0x89: {  	[tilespmem:s9], [sflag:$0x1] =	stream.indirect.gather [hbm4b:s3+s4], $0x80, s30, s4, $0xb8;
	[tilespmem:$0x1F280] =	vst v63  }
0x8a: {  	s31 =	rddreg [dreg:$0x10]  }
0x8b: {  	[tilespmem:s10], [sflag:$0x3] =	stream.linear.gather [hbm4b:s31+s30], $0x2800, $0x38;
	[tilespmem:$0x1F280] =	vst v63  }
.LBB2_4:
0x8c: {  	p3 =	seq.s32 s30, $0x0  }
0x8d: {  	s8 =	simm.s32 @!p3 $0x6  }
0x8e: {  	_ =	swait.ge @!p3 [sflag:s8], $0x2800  }
0x8f: {  	s31 =	sshllo.u32 s30, $0x1;
	[sflag:s8] =	ssyncset.done @!p3 $0x0  }
0x90: {  	s26 =	smul.u32 $0x50, s31;
	[sflag:s8] =	ssyncadd.s32 @!p3 $0xFFFFD800  }
0x91: {  	_ =	swait.ge [sflag:s11], $0x100  }
0x92: {  	s8 =	sadd.s32 s20, s26;
	[sflag:s11] =	ssyncset.done $0x0  }
0x93: {  	s8 =	sshll.u32 s8, $0x4;
	[sflag:s11] =	ssyncadd.s32 $0xFFFFFF00  }
0x94: {  	[tilespmem:s13], [sflag:$0x2] =	stream.indirect.gather [hbm4b:s3+s4], $0x80, s6, s4, $0xb8;
	[tilespmem:$0x1F280] =	vst v63  }
0x95: {  	s8 =	sadd.s32 s5, s8  }
0x96: {  	[tilespmem:s14], [sflag:$0x4] =	stream.linear.gather [hbm4b:s8+s2], $0x2800, $0x38;
	[tilespmem:$0x1F280] =	vst v63  }
0x97: {  	_ =	swait.ge [sflag:s15], $0x2800  }
0x98: {  	[sflag:s15] =	ssyncset.done $0x0  }
0x99: {  	[sflag:s15] =	ssyncadd.s32 $0xFFFFD800  }
0x9a: {  	_ =	swait.ge [sflag:s16], $0x2800  }
0x9b: {  	[sflag:s16] =	ssyncset.done $0x0  }
0x9c: {  	s23 =	simm.s32 $0x5400;
	[sflag:s16] =	ssyncadd.s32 $0xFFFFD800  }
0x9d: {  	s26 =	simm.s32 $0x400;
	v1 =	vld [tilespmem:s23+$0x180]  }
0x9e: {  	v2 =	vld [tilespmem:s26+$0x180]  }
0x9f: {  	v3 =	vld [tilespmem:s26+$0x190]  }
0xa0: {  	v4 =	vld [tilespmem:s23+$0xFFFFFE80]  }
0xa1: {  	v5 =	vld [tilespmem:s23+$0xFFFFFF00]  }
0xa2: {  	v6 =	vld [tilespmem:s23+$0xFFFFFF80]  }
0xa3: {  	v8 =	vld [tilespmem:s23+$0x0];
	v7 =	vshll.u32 v1, $0x10  }
0xa4: {  	v9 =	vld [tilespmem:s26+$0x1A0];
	v1 =	vand.u32 $0xFFFF0000, v1;
	v2 =	vmul.f32 v7, v2  }
0xa5: {  	v10 =	vld [tilespmem:s26+$0x1B0];
	v1 =	vmul.f32 v1, v3  }
0xa6: {  	v11 =	vld [tilespmem:s26+$0xFFFFFE00];
	[tilespmem:s26+$0x180] =	vst v2  }
0xa7: {  	v12 =	vld [tilespmem:s26+$0xFFFFFE10];
	[tilespmem:s26+$0x190] =	vst v1  }
0xa8: {  	v1 =	vld [tilespmem:s23+$0x190]  }
0xa9: {  	v13 =	vld [tilespmem:s26+$0xFFFFFE80]  }
0xaa: {  	v15 =	vld [tilespmem:s26+$0xFFFFFE90]  }
0xab: {  	v16 =	vld [tilespmem:s26+$0xFFFFFF80]  }
0xac: {  	v2 =	vld [tilespmem:s23+$0xFFFFFE00]  }
0xad: {  	v63 =	vld [tilespmem:s26+$0xFFFFFFF0];
	v14 =	vshll.u32 v1, $0x10  }
0xae: {  	v7 =	vld [tilespmem:s23+$0x80];
	v1 =	vand.u32 $0xFFFF0000, v1;
	v9 =	vmul.f32 v14, v9  }
0xaf: {  	v3 =	vld [tilespmem:s23+$0x100];
	v1 =	vmul.f32 v1, v10  }
0xb0: {  	v14 =	vld [tilespmem:s26+$0xFFFFFF00];
	[tilespmem:s26+$0x1A0] =	vst v9  }
0xb1: {  	v10 =	vld [tilespmem:s26+$0xFFFFFF10];
	v9 =	vshll.u32 v2, $0x10;
	[tilespmem:s26+$0x1B0] =	vst v1  }
0xb2: {  	v1 =	vand.u32 $0xFFFF0000, v2;
	v2 =	vmul.f32 v9, v11;
	v9 =	vld [tilespmem:s23+$0x1A0]  }
0xb3: {  	v11 =	vshll.u32 v4, $0x10;
	v1 =	vmul.f32 v1, v12;
	v12 =	vld [tilespmem:s26+$0x1C0]  }
0xb4: {  	v4 =	vand.u32 $0xFFFF0000, v4;
	[tilespmem:s26+$0xFFFFFE00] =	vst v2;
	v2 =	vmul.f32 v11, v13;
	v11 =	vld [tilespmem:s26+$0x1D0]  }
0xb5: {  	[tilespmem:s26+$0xFFFFFE10] =	vst v1;
	v1 =	vmul.f32 v4, v15;
	v4 =	vld [tilespmem:s26+$0xFFFFFF90]  }
0xb6: {  	v13 =	vshll.u32 v5, $0x10;
	v15 =	vld [tilespmem:s26+$0xFFFFFF20]  }
0xb7: {  	v5 =	vand.u32 $0xFFFF0000, v5;
	[tilespmem:s26+$0xFFFFFE80] =	vst v2;
	v2 =	vmul.f32 v13, v14;
	v13 =	vld [tilespmem:s26+$0x0]  }
0xb8: {  	[tilespmem:s26+$0xFFFFFE90] =	vst v1;
	v1 =	vmul.f32 v5, v10;
	v5 =	vld [tilespmem:s26+$0x10]  }
0xb9: {  	v14 =	vld [tilespmem:s26+$0x80];
	v10 =	vshll.u32 v9, $0x10  }
0xba: {  	[tilespmem:s26+$0xFFFFFF00] =	vst v2;
	v2 =	vand.u32 $0xFFFF0000, v9;
	v9 =	vmul.f32 v10, v12;
	v10 =	vshll.u32 v6, $0x10;
	v12 =	vld [tilespmem:s26+$0x90]  }
0xbb: {  	[tilespmem:s26+$0xFFFFFF10] =	vst v1;
	v1 =	vmul.f32 v2, v11;
	v2 =	vand.u32 $0xFFFF0000, v6;
	v6 =	vmul.f32 v10, v16;
	v10 =	vld [tilespmem:s26+$0x100]  }
0xbc: {  	v11 =	vld [tilespmem:s26+$0xFFFFFE30]  }
0xbd: {  	[tilespmem:s26+$0x1C0] =	vst v9;
	v9 =	vshll.u32 v8, $0x10;
	v2 =	vmul.f32 v2, v4;
	v4 =	vld [tilespmem:s26+$0x110];
	v8 =	vand.u32 $0xFFFF0000, v8  }
0xbe: {  	[tilespmem:s26+$0x1D0] =	vst v1;
	v5 =	vmul.f32 v8, v5;
	v8 =	vld [tilespmem:s23+$0xFFFFFE10]  }
0xbf: {  	[tilespmem:s26+$0xFFFFFF80] =	vst v6;
	v6 =	vmul.f32 v9, v13;
	v13 =	vld [tilespmem:s26+$0xFFFFFEB0]  }
0xc0: {  	v1 =	vld [tilespmem:s23+$0x1B0];
	[tilespmem:s26+$0xFFFFFF90] =	vst v2  }
0xc1: {  	v9 =	vshll.u32 v7, $0x10;
	v7 =	vand.u32 $0xFFFF0000, v7;
	v2 =	vld [tilespmem:s26+$0x1F0];
	[tilespmem:s26+$0x0] =	vst v6  }
0xc2: {  	v6 =	vmul.f32 v9, v14;
	[tilespmem:s26+$0x10] =	vst v5;
	v5 =	vmul.f32 v7, v12;
	v7 =	vld [tilespmem:s23+$0xFFFFFE90]  }
0xc3: {  	v9 =	vshll.u32 v3, $0x10;
	v12 =	vld [tilespmem:s26+$0xFFFFFEA0]  }
0xc4: {  	[tilespmem:s26+$0x80] =	vst v6;
	v6 =	vmul.f32 v9, v10;
	v9 =	vld [tilespmem:s23+$0xFFFFFF10]  }
0xc5: {  	v3 =	vand.u32 $0xFFFF0000, v3;
	v10 =	vld [tilespmem:s26+$0xFFFFFE20]  }
0xc6: {  	v3 =	vmul.f32 v3, v4;
	v4 =	vld [tilespmem:s23+$0xFFFFFF90]  }
0xc7: {  	[tilespmem:s26+$0x90] =	vst v5;
	v5 =	vld [tilespmem:s23+$0x10]  }
0xc8: {  	v14 =	vshll.u32 v8, $0x10;
	v8 =	vand.u32 $0xFFFF0000, v8;
	[tilespmem:s26+$0x110] =	vst v3;
	v3 =	vld [tilespmem:s23+$0x90]  }
0xc9: {  	v8 =	vmul.f32 v8, v11;
	v11 =	vld [tilespmem:s26+$0xFFFFFFA0]  }
0xca: {  	[tilespmem:s26+$0x100] =	vst v6;
	v10 =	vmul.f32 v14, v10;
	v14 =	vld [tilespmem:s26+$0xFFFFFF30]  }
0xcb: {  	v6 =	vld [tilespmem:s23+$0x110];
	v59 =	vshll.u32 v7, $0x10;
	[tilespmem:s26+$0xFFFFFE30] =	vst v8  }
0xcc: {  	v7 =	vand.u32 $0xFFFF0000, v7;
	v8 =	vld [tilespmem:s26+$0x20];
	[tilespmem:s26+$0xFFFFFE20] =	vst v10;
	v10 =	vmul.f32 v59, v12  }
0xcd: {  	v7 =	vmul.f32 v7, v13;
	v13 =	vld [tilespmem:s26+$0x30];
	v60 =	vshll.u32 v9, $0x10  }
0xce: {  	v9 =	vand.u32 $0xFFFF0000, v9;
	v12 =	vld [tilespmem:s26+$0xFFFFFFB0];
	[tilespmem:s26+$0xFFFFFEA0] =	vst v10;
	v10 =	vmul.f32 v60, v15  }
0xcf: {  	[tilespmem:s26+$0xFFFFFEB0] =	vst v7;
	v15 =	vshll.u32 v4, $0x10;
	v7 =	vmul.f32 v9, v14;
	v9 =	vld [tilespmem:s26+$0xA0]  }
0xd0: {  	v14 =	vshll.u32 v5, $0x10;
	[tilespmem:s26+$0xFFFFFF20] =	vst v10;
	v10 =	vmul.f32 v15, v11;
	v11 =	vld [tilespmem:s26+$0xB0]  }
0xd1: {  	v8 =	vmul.f32 v14, v8;
	v14 =	vld [tilespmem:s23+$0xFFFFFE20]  }
0xd2: {  	v4 =	vand.u32 $0xFFFF0000, v4;
	v15 =	vld [tilespmem:s26+$0xFFFFFF40]  }
0xd3: {  	[tilespmem:s26+$0xFFFFFF30] =	vst v7;
	v4 =	vmul.f32 v4, v12;
	v7 =	vld [tilespmem:s26+$0x120]  }
0xd4: {  	v5 =	vand.u32 $0xFFFF0000, v5;
	[tilespmem:s26+$0xFFFFFFA0] =	vst v10;
	v10 =	vld [tilespmem:s26+$0x130]  }
0xd5: {  	v12 =	vshll.u32 v3, $0x10;
	[tilespmem:s26+$0xFFFFFFB0] =	vst v4;
	v4 =	vmul.f32 v5, v13;
	v5 =	vld [tilespmem:s23+$0xFFFFFEA0]  }
0xd6: {  	[tilespmem:s26+$0x20] =	vst v8;
	v8 =	vmul.f32 v12, v9;
	v12 =	vld [tilespmem:s23+$0xFFFFFF20]  }
0xd7: {  	v3 =	vand.u32 $0xFFFF0000, v3;
	v9 =	vshll.u32 v6, $0x10;
	[tilespmem:s26+$0x30] =	vst v4;
	v4 =	vand.u32 $0xFFFF0000, v6;
	v6 =	vld [tilespmem:s23+$0xFFFFFFA0]  }
0xd8: {  	v3 =	vmul.f32 v3, v11;
	v11 =	vld [tilespmem:s26+$0xFFFFFED0];
	v7 =	vmul.f32 v9, v7  }
0xd9: {  	[tilespmem:s26+$0xA0] =	vst v8;
	v8 =	vld [tilespmem:s23+$0x20]  }
0xda: {  	[tilespmem:s26+$0x120] =	vst v7;
	v7 =	vld [tilespmem:s26+$0xFFFFFE40]  }
0xdb: {  	v9 =	vld [tilespmem:s26+$0xFFFFFE50];
	[tilespmem:s26+$0xB0] =	vst v3;
	v3 =	vmul.f32 v4, v10  }
0xdc: {  	v10 =	vld [tilespmem:s26+$0xFFFFFEC0]  }
0xdd: {  	v4 =	vld [tilespmem:s23+$0xA0];
	[tilespmem:s26+$0x130] =	vst v3  }
0xde: {  	v13 =	vshll.u32 v14, $0x10;
	v61 =	vshll.u32 v5, $0x10;
	v5 =	vand.u32 $0xFFFF0000, v5;
	v3 =	vld [tilespmem:s23+$0x120]  }
0xdf: {  	v5 =	vmul.f32 v5, v11;
	v7 =	vmul.f32 v13, v7;
	v13 =	vld [tilespmem:s26+$0xFFFFFF50]  }
0xe0: {  	v14 =	vand.u32 $0xFFFF0000, v14;
	v62 =	vshll.u32 v12, $0x10;
	v11 =	vand.u32 $0xFFFF0000, v12;
	v12 =	vld [tilespmem:s26+$0x50]  }
0xe1: {  	v9 =	vmul.f32 v14, v9;
	v14 =	vld [tilespmem:s26+$0xFFFFFFC0];
	[tilespmem:s26+$0xFFFFFED0] =	vst v5  }
0xe2: {  	[tilespmem:s26+$0xFFFFFE40] =	vst v7;
	v7 =	vmul.f32 v61, v10;
	v10 =	vld [tilespmem:s26+$0xFFFFFFD0]  }
0xe3: {  	[tilespmem:s26+$0xFFFFFE50] =	vst v9;
	v9 =	vld [tilespmem:s26+$0x40]  }
0xe4: {  	[tilespmem:s26+$0xFFFFFEC0] =	vst v7;
	v7 =	vmul.f32 v62, v15;
	v5 =	vmul.f32 v11, v13;
	v11 =	vld [tilespmem:s26+$0xC0]  }
0xe5: {  	v15 =	vshll.u32 v6, $0x10;
	v13 =	vld [tilespmem:s26+$0xD0]  }
0xe6: {  	v6 =	vand.u32 $0xFFFF0000, v6;
	[tilespmem:s26+$0xFFFFFF40] =	vst v7;
	v7 =	vmul.f32 v15, v14;
	v15 =	vld [tilespmem:s26+$0xFFFFFF60]  }
0xe7: {  	v14 =	vshll.u32 v8, $0x10;
	[tilespmem:s26+$0xFFFFFF50] =	vst v5;
	v5 =	vmul.f32 v6, v10;
	v6 =	vld [tilespmem:s26+$0x140]  }
0xe8: {  	[tilespmem:s26+$0xFFFFFFC0] =	vst v7;
	v7 =	vmul.f32 v14, v9;
	v9 =	vld [tilespmem:s26+$0x150]  }
0xe9: {  	v8 =	vand.u32 $0xFFFF0000, v8;
	v14 =	vld [tilespmem:s23+$0xFFFFFE30]  }
0xea: {  	v10 =	vshll.u32 v4, $0x10;
	[tilespmem:s26+$0xFFFFFFD0] =	vst v5;
	v5 =	vmul.f32 v8, v12;
	v8 =	vld [tilespmem:s23+$0xFFFFFEB0]  }
0xeb: {  	v4 =	vand.u32 $0xFFFF0000, v4;
	[tilespmem:s26+$0x40] =	vst v7;
	v7 =	vmul.f32 v10, v11;
	v10 =	vshll.u32 v3, $0x10;
	v11 =	vld [tilespmem:s23+$0xFFFFFF30]  }
0xec: {  	v4 =	vmul.f32 v4, v13;
	v3 =	vand.u32 $0xFFFF0000, v3;
	v13 =	vld [tilespmem:s26+$0xFFFFFEF0];
	v6 =	vmul.f32 v10, v6  }
0xed: {  	[tilespmem:s26+$0x50] =	vst v5;
	v5 =	vld [tilespmem:s23+$0xFFFFFFB0];
	v3 =	vmul.f32 v3, v9  }
0xee: {  	[tilespmem:s26+$0x140] =	vst v6;
	v6 =	vld [tilespmem:s26+$0xFFFFFE60]  }
0xef: {  	[tilespmem:s26+$0x150] =	vst v3;
	v3 =	vld [tilespmem:s26+$0xFFFFFE70]  }
0xf0: {  	[tilespmem:s26+$0xC0] =	vst v7;
	v7 =	vld [tilespmem:s26+$0xFFFFFEE0]  }
0xf1: {  	v10 =	vld [tilespmem:s23+$0x30];
	[tilespmem:s26+$0xD0] =	vst v4;
	v9 =	vand.u32 $0xFFFF0000, v1  }
0xf2: {  	v4 =	vld [tilespmem:s23+$0xB0];
	v2 =	vmul.f32 v9, v2;
	v9 =	vshll.u32 v14, $0x10  }
0xf3: {  	v14 =	vand.u32 $0xFFFF0000, v14;
	v6 =	vmul.f32 v9, v6;
	v9 =	vld [tilespmem:s26+$0xFFFFFF70]  }
0xf4: {  	[tilespmem:s26+$0x1F0] =	vst v2;
	v2 =	vshll.u32 v8, $0x10;
	v3 =	vmul.f32 v14, v3;
	v14 =	vld [tilespmem:s26+$0xFFFFFFE0]  }
0xf5: {  	v12 =	vld [tilespmem:s23+$0x130];
	v8 =	vand.u32 $0xFFFF0000, v8;
	v2 =	vmul.f32 v2, v7;
	[tilespmem:s26+$0xFFFFFE60] =	vst v6  }
0xf6: {  	v6 =	vshll.u32 v11, $0x10;
	[tilespmem:s26+$0xFFFFFE70] =	vst v3;
	v3 =	vmul.f32 v8, v13;
	v13 =	vld [tilespmem:s26+$0x60]  }
0xf7: {  	v7 =	vand.u32 $0xFFFF0000, v11;
	[tilespmem:s26+$0xFFFFFEE0] =	vst v2;
	v11 =	vld [tilespmem:s26+$0x70];
	v2 =	vmul.f32 v6, v15  }
0xf8: {  	v8 =	vshll.u32 v5, $0x10;
	v6 =	vld [tilespmem:s26+$0xE0];
	v5 =	vand.u32 $0xFFFF0000, v5;
	[tilespmem:s26+$0xFFFFFEF0] =	vst v3;
	v3 =	vmul.f32 v7, v9  }
0xf9: {  	v15 =	vmul.f32 v5, v63;
	v5 =	vshll.u32 v4, $0x10;
	[tilespmem:s26+$0xFFFFFF60] =	vst v2;
	v7 =	vld [tilespmem:s26+$0xF0];
	v2 =	vmul.f32 v8, v14  }
0xfa: {  	v14 =	vshll.u32 v10, $0x10;
	v10 =	vand.u32 $0xFFFF0000, v10;
	v8 =	vld [tilespmem:s26+$0x160];
	[tilespmem:s26+$0xFFFFFF70] =	vst v3;
	v3 =	vand.u32 $0xFFFF0000, v4  }
0xfb: {  	s28 =	sshll.u32 s30, $0x1;
	v9 =	vld [tilespmem:s26+$0x170];
	v4 =	vshll.u32 v12, $0x10;
	[tilespmem:s26+$0xFFFFFFE0] =	vst v2;
	v2 =	vand.u32 $0xFFFF0000, v12;
	v12 =	vmul.f32 v14, v13  }
0xfc: {  	s29 =	simm.s32 $0x400;
	s8 =	simm.s32 $0x0;
	v1 =	vshll.u32 v1, $0x10;
	s23 =	simm.s32 $0x5800;
	[tilespmem:s26+$0xFFFFFFF0] =	vst v15;
	v11 =	vmul.f32 v10, v11;
	v10 =	vld [tilespmem:s26+$0x1E0]  }
.LBB2_5:
0xfd: {  	v13 =	vld [tilespmem:s23+$0x180];
	[tilespmem:s26+$0x60] =	vst v12;
	v5 =	vmul.f32 v5, v6;
	s29 =	sadd.s32 $0x400, s29  }
0xfe: {  	v6 =	vld [tilespmem:s29+$0x180];
	[tilespmem:s26+$0x70] =	vst v11;
	v3 =	vmul.f32 v3, v7  }
0xff: {  	v7 =	vld [tilespmem:s29+$0x190];
	[tilespmem:s26+$0xE0] =	vst v5;
	v4 =	vmul.f32 v4, v8  }
0x100: {  	s8 =	sadd.s32 $0x8, s8;
	v5 =	vld [tilespmem:s23+$0xFFFFFE80];
	[tilespmem:s26+$0xF0] =	vst v3;
	v2 =	vmul.f32 v2, v9  }
0x101: {  	p3 =	slt.u32 s8, $0x48;
	v3 =	vld [tilespmem:s23+$0xFFFFFF00];
	[tilespmem:s26+$0x160] =	vst v4;
	v1 =	vmul.f32 v1, v10  }
0x102: {  	v4 =	vld [tilespmem:s23+$0xFFFFFF80];
	v8 =	vshll.u32 v13, $0x10;
	[tilespmem:s26+$0x170] =	vst v2  }
0x103: {  	v9 =	vand.u32 $0xFFFF0000, v13;
	v2 =	vld [tilespmem:s23+$0x0];
	v6 =	vmul.f32 v8, v6;
	[tilespmem:s26+$0x1E0] =	vst v1;
	s26 =	smov.u32 s29  }
0x104: {  	v1 =	vld [tilespmem:s23+$0x80];
	v7 =	vmul.f32 v9, v7  }
0x105: {  	v8 =	vshll.u32 v5, $0x10;
	v5 =	vand.u32 $0xFFFF0000, v5;
	v9 =	vld [tilespmem:s23+$0x100];
	[tilespmem:s29+$0x180] =	vst v6  }
0x106: {  	v6 =	vld [tilespmem:s23+$0xFFFFFE00];
	v10 =	vshll.u32 v3, $0x10;
	v3 =	vand.u32 $0xFFFF0000, v3;
	[tilespmem:s29+$0x190] =	vst v7  }
0x107: {  	v7 =	vshll.u32 v4, $0x10;
	v4 =	vand.u32 $0xFFFF0000, v4;
	v11 =	vld [tilespmem:s23+$0x190]  }
0x108: {  	v12 =	vshll.u32 v2, $0x10;
	v2 =	vand.u32 $0xFFFF0000, v2;
	v13 =	vld [tilespmem:s29+$0x1A0]  }
0x109: {  	v14 =	vshll.u32 v1, $0x10;
	v1 =	vand.u32 $0xFFFF0000, v1;
	v15 =	vld [tilespmem:s29+$0x1B0]  }
0x10a: {  	v16 =	vld [tilespmem:s29+$0xFFFFFE00];
	v17 =	vshll.u32 v9, $0x10;
	v9 =	vand.u32 $0xFFFF0000, v9  }
0x10b: {  	v18 =	vshll.u32 v6, $0x10;
	v6 =	vand.u32 $0xFFFF0000, v6;
	v19 =	vld [tilespmem:s29+$0xFFFFFE10]  }
0x10c: {  	v20 =	vld [tilespmem:s29+$0xFFFFFE80];
	v21 =	vshll.u32 v11, $0x10  }
0x10d: {  	v11 =	vand.u32 $0xFFFF0000, v11;
	v22 =	vld [tilespmem:s29+$0xFFFFFE90];
	v13 =	vmul.f32 v21, v13  }
0x10e: {  	v21 =	vld [tilespmem:s29+$0xFFFFFF00];
	v11 =	vmul.f32 v11, v15  }
0x10f: {  	v15 =	vmul.f32 v18, v16;
	v16 =	vld [tilespmem:s29+$0xFFFFFF10];
	[tilespmem:s29+$0x1A0] =	vst v13  }
0x110: {  	v6 =	vmul.f32 v6, v19;
	v13 =	vld [tilespmem:s29+$0xFFFFFF80];
	[tilespmem:s29+$0x1B0] =	vst v11  }
0x111: {  	[tilespmem:s29+$0xFFFFFE00] =	vst v15;
	v8 =	vmul.f32 v8, v20;
	v11 =	vld [tilespmem:s23+$0x1A0]  }
0x112: {  	[tilespmem:s29+$0xFFFFFE10] =	vst v6;
	v5 =	vmul.f32 v5, v22;
	v6 =	vld [tilespmem:s29+$0x1C0]  }
0x113: {  	[tilespmem:s29+$0xFFFFFE80] =	vst v8;
	v8 =	vmul.f32 v10, v21;
	v10 =	vld [tilespmem:s29+$0x1D0]  }
0x114: {  	[tilespmem:s29+$0xFFFFFE90] =	vst v5;
	v3 =	vmul.f32 v3, v16;
	v5 =	vld [tilespmem:s29+$0xFFFFFF90]  }
0x115: {  	[tilespmem:s29+$0xFFFFFF00] =	vst v8;
	v7 =	vmul.f32 v7, v13;
	v8 =	vld [tilespmem:s29+$0x0]  }
0x116: {  	[tilespmem:s29+$0xFFFFFF10] =	vst v3;
	v3 =	vld [tilespmem:s29+$0x10];
	v13 =	vshll.u32 v11, $0x10  }
0x117: {  	v11 =	vand.u32 $0xFFFF0000, v11;
	[tilespmem:s29+$0xFFFFFF80] =	vst v7;
	v7 =	vld [tilespmem:s29+$0x80];
	v6 =	vmul.f32 v13, v6  }
0x118: {  	v13 =	vld [tilespmem:s29+$0x90];
	v10 =	vmul.f32 v11, v10  }
0x119: {  	v4 =	vmul.f32 v4, v5;
	v5 =	vld [tilespmem:s29+$0x100];
	[tilespmem:s29+$0x1C0] =	vst v6  }
0x11a: {  	v6 =	vmul.f32 v12, v8;
	v8 =	vld [tilespmem:s29+$0x110];
	[tilespmem:s29+$0x1D0] =	vst v10  }
0x11b: {  	[tilespmem:s29+$0xFFFFFF90] =	vst v4;
	v2 =	vmul.f32 v2, v3;
	v3 =	vld [tilespmem:s23+$0x1B0]  }
0x11c: {  	[tilespmem:s29+$0x0] =	vst v6;
	v4 =	vmul.f32 v14, v7;
	v6 =	vld [tilespmem:s29+$0x1F0]  }
0x11d: {  	v7 =	vld [tilespmem:s23+$0xFFFFFE10];
	[tilespmem:s29+$0x10] =	vst v2;
	v1 =	vmul.f32 v1, v13  }
0x11e: {  	v2 =	vld [tilespmem:s23+$0xFFFFFE90];
	[tilespmem:s29+$0x80] =	vst v4;
	v4 =	vmul.f32 v17, v5  }
0x11f: {  	v5 =	vld [tilespmem:s23+$0xFFFFFF10];
	[tilespmem:s29+$0x90] =	vst v1;
	v8 =	vmul.f32 v9, v8  }
0x120: {  	v9 =	vld [tilespmem:s23+$0xFFFFFF90];
	[tilespmem:s29+$0x100] =	vst v4;
	v1 =	vshll.u32 v3, $0x10;
	v3 =	vand.u32 $0xFFFF0000, v3  }
0x121: {  	v4 =	vld [tilespmem:s23+$0x10];
	[tilespmem:s29+$0x110] =	vst v8;
	v3 =	vmul.f32 v3, v6  }
0x122: {  	v6 =	vshll.u32 v7, $0x10;
	v7 =	vand.u32 $0xFFFF0000, v7;
	v8 =	vld [tilespmem:s23+$0x90]  }
0x123: {  	v10 =	vshll.u32 v2, $0x10;
	v2 =	vand.u32 $0xFFFF0000, v2;
	v11 =	vld [tilespmem:s23+$0x110];
	[tilespmem:s29+$0x1F0] =	vst v3  }
0x124: {  	v3 =	vld [tilespmem:s29+$0xFFFFFE20];
	v12 =	vshll.u32 v5, $0x10;
	v5 =	vand.u32 $0xFFFF0000, v5  }
0x125: {  	v13 =	vld [tilespmem:s29+$0xFFFFFE30];
	v14 =	vshll.u32 v9, $0x10;
	v9 =	vand.u32 $0xFFFF0000, v9  }
0x126: {  	v15 =	vld [tilespmem:s29+$0xFFFFFEA0];
	v16 =	vshll.u32 v4, $0x10;
	v4 =	vand.u32 $0xFFFF0000, v4  }
0x127: {  	v17 =	vld [tilespmem:s29+$0xFFFFFEB0];
	v18 =	vshll.u32 v8, $0x10;
	v8 =	vand.u32 $0xFFFF0000, v8  }
0x128: {  	v19 =	vld [tilespmem:s29+$0xFFFFFF20];
	v20 =	vshll.u32 v11, $0x10;
	v11 =	vand.u32 $0xFFFF0000, v11  }
0x129: {  	v3 =	vmul.f32 v6, v3;
	v6 =	vld [tilespmem:s29+$0xFFFFFF30]  }
0x12a: {  	v7 =	vmul.f32 v7, v13;
	v13 =	vld [tilespmem:s29+$0xFFFFFFA0]  }
0x12b: {  	[tilespmem:s29+$0xFFFFFE20] =	vst v3;
	v3 =	vmul.f32 v10, v15;
	v10 =	vld [tilespmem:s29+$0xFFFFFFB0]  }
0x12c: {  	[tilespmem:s29+$0xFFFFFE30] =	vst v7;
	v2 =	vmul.f32 v2, v17;
	v7 =	vld [tilespmem:s29+$0x20]  }
0x12d: {  	[tilespmem:s29+$0xFFFFFEA0] =	vst v3;
	v3 =	vmul.f32 v12, v19;
	v12 =	vld [tilespmem:s29+$0x30]  }
0x12e: {  	[tilespmem:s29+$0xFFFFFEB0] =	vst v2;
	v2 =	vmul.f32 v5, v6;
	v5 =	vld [tilespmem:s29+$0xA0]  }
0x12f: {  	[tilespmem:s29+$0xFFFFFF20] =	vst v3;
	v3 =	vmul.f32 v14, v13;
	v6 =	vld [tilespmem:s29+$0xB0]  }
0x130: {  	[tilespmem:s29+$0xFFFFFF30] =	vst v2;
	v2 =	vmul.f32 v9, v10;
	v9 =	vld [tilespmem:s29+$0x120]  }
0x131: {  	[tilespmem:s29+$0xFFFFFFA0] =	vst v3;
	v3 =	vmul.f32 v16, v7;
	v7 =	vld [tilespmem:s29+$0x130]  }
0x132: {  	v10 =	vld [tilespmem:s23+$0xFFFFFE20];
	[tilespmem:s29+$0xFFFFFFB0] =	vst v2;
	v2 =	vmul.f32 v4, v12  }
0x133: {  	v4 =	vld [tilespmem:s23+$0xFFFFFEA0];
	[tilespmem:s29+$0x20] =	vst v3;
	v3 =	vmul.f32 v18, v5  }
0x134: {  	v5 =	vld [tilespmem:s23+$0xFFFFFF20];
	[tilespmem:s29+$0x30] =	vst v2;
	v2 =	vmul.f32 v8, v6  }
0x135: {  	v6 =	vld [tilespmem:s23+$0xFFFFFFA0];
	[tilespmem:s29+$0xA0] =	vst v3;
	v3 =	vmul.f32 v20, v9  }
0x136: {  	v8 =	vld [tilespmem:s23+$0x20];
	[tilespmem:s29+$0xB0] =	vst v2;
	v2 =	vmul.f32 v11, v7  }
0x137: {  	v7 =	vshll.u32 v10, $0x10;
	v9 =	vand.u32 $0xFFFF0000, v10;
	v10 =	vld [tilespmem:s23+$0xA0];
	[tilespmem:s29+$0x120] =	vst v3  }
0x138: {  	v3 =	vld [tilespmem:s29+$0xFFFFFE40];
	v11 =	vshll.u32 v4, $0x10;
	v4 =	vand.u32 $0xFFFF0000, v4;
	[tilespmem:s29+$0x130] =	vst v2  }
0x139: {  	v2 =	vshll.u32 v5, $0x10;
	v5 =	vand.u32 $0xFFFF0000, v5;
	v12 =	vld [tilespmem:s23+$0x120]  }
0x13a: {  	v13 =	vld [tilespmem:s29+$0xFFFFFE50];
	v14 =	vshll.u32 v6, $0x10;
	v6 =	vand.u32 $0xFFFF0000, v6  }
0x13b: {  	v15 =	vld [tilespmem:s29+$0xFFFFFEC0];
	v16 =	vshll.u32 v8, $0x10;
	v8 =	vand.u32 $0xFFFF0000, v8  }
0x13c: {  	v17 =	vld [tilespmem:s29+$0xFFFFFED0];
	v18 =	vshll.u32 v10, $0x10;
	v10 =	vand.u32 $0xFFFF0000, v10  }
0x13d: {  	v3 =	vmul.f32 v7, v3;
	v7 =	vld [tilespmem:s29+$0xFFFFFF40]  }
0x13e: {  	v19 =	vld [tilespmem:s29+$0xFFFFFF50];
	v20 =	vshll.u32 v12, $0x10;
	v12 =	vand.u32 $0xFFFF0000, v12  }
0x13f: {  	[tilespmem:s29+$0xFFFFFE40] =	vst v3;
	v3 =	vmul.f32 v9, v13;
	v9 =	vld [tilespmem:s29+$0xFFFFFFC0]  }
0x140: {  	v11 =	vmul.f32 v11, v15;
	v13 =	vld [tilespmem:s29+$0xFFFFFFD0]  }
0x141: {  	[tilespmem:s29+$0xFFFFFE50] =	vst v3;
	v3 =	vmul.f32 v4, v17;
	v4 =	vld [tilespmem:s29+$0x40]  }
0x142: {  	[tilespmem:s29+$0xFFFFFEC0] =	vst v11;
	v2 =	vmul.f32 v2, v7;
	v7 =	vld [tilespmem:s29+$0x50]  }
0x143: {  	[tilespmem:s29+$0xFFFFFED0] =	vst v3;
	v3 =	vmul.f32 v5, v19;
	v5 =	vld [tilespmem:s29+$0xC0]  }
0x144: {  	[tilespmem:s29+$0xFFFFFF40] =	vst v2;
	v2 =	vmul.f32 v14, v9;
	v9 =	vld [tilespmem:s29+$0xD0]  }
0x145: {  	[tilespmem:s29+$0xFFFFFF50] =	vst v3;
	v3 =	vmul.f32 v6, v13;
	v6 =	vld [tilespmem:s29+$0x140]  }
0x146: {  	[tilespmem:s29+$0xFFFFFFC0] =	vst v2;
	v2 =	vmul.f32 v16, v4;
	v4 =	vld [tilespmem:s29+$0x150]  }
0x147: {  	v11 =	vld [tilespmem:s23+$0xFFFFFE30];
	[tilespmem:s29+$0xFFFFFFD0] =	vst v3;
	v3 =	vmul.f32 v8, v7  }
0x148: {  	v7 =	vld [tilespmem:s23+$0xFFFFFEB0];
	[tilespmem:s29+$0x40] =	vst v2;
	v2 =	vmul.f32 v18, v5  }
0x149: {  	v5 =	vld [tilespmem:s23+$0xFFFFFF30];
	[tilespmem:s29+$0x50] =	vst v3;
	v3 =	vmul.f32 v10, v9  }
0x14a: {  	v8 =	vld [tilespmem:s23+$0xFFFFFFB0];
	[tilespmem:s29+$0xC0] =	vst v2;
	v2 =	vmul.f32 v20, v6  }
0x14b: {  	v6 =	vld [tilespmem:s23+$0x30];
	[tilespmem:s29+$0xD0] =	vst v3;
	v3 =	vmul.f32 v12, v4  }
0x14c: {  	v4 =	vshll.u32 v11, $0x10;
	v9 =	vand.u32 $0xFFFF0000, v11;
	v10 =	vld [tilespmem:s23+$0xB0];
	[tilespmem:s29+$0x140] =	vst v2  }
0x14d: {  	v2 =	vld [tilespmem:s29+$0xFFFFFE60];
	v11 =	vshll.u32 v7, $0x10;
	v7 =	vand.u32 $0xFFFF0000, v7;
	[tilespmem:s29+$0x150] =	vst v3  }
0x14e: {  	v12 =	vshll.u32 v5, $0x10;
	v13 =	vand.u32 $0xFFFF0000, v5;
	v14 =	vld [tilespmem:s23+$0x130]  }
0x14f: {  	v15 =	vld [tilespmem:s29+$0xFFFFFE70];
	v16 =	vshll.u32 v8, $0x10;
	v8 =	vand.u32 $0xFFFF0000, v8  }
0x150: {  	v17 =	vld [tilespmem:s29+$0xFFFFFEE0];
	v18 =	vshll.u32 v6, $0x10;
	v19 =	vand.u32 $0xFFFF0000, v6  }
0x151: {  	v6 =	vld [tilespmem:s29+$0xFFFFFEF0];
	v5 =	vshll.u32 v10, $0x10;
	v3 =	vand.u32 $0xFFFF0000, v10  }
0x152: {  	v10 =	vmul.f32 v4, v2;
	v20 =	vld [tilespmem:s29+$0xFFFFFF60]  }
0x153: {  	v21 =	vld [tilespmem:s29+$0xFFFFFF70];
	v4 =	vshll.u32 v14, $0x10;
	v2 =	vand.u32 $0xFFFF0000, v14  }
0x154: {  	[tilespmem:s29+$0xFFFFFE60] =	vst v10;
	v9 =	vmul.f32 v9, v15;
	v10 =	vld [tilespmem:s29+$0xFFFFFFE0]  }
0x155: {  	v11 =	vmul.f32 v11, v17;
	v14 =	vld [tilespmem:s29+$0xFFFFFFF0]  }
0x156: {  	[tilespmem:s29+$0xFFFFFE70] =	vst v9;
	v6 =	vmul.f32 v7, v6;
	v9 =	vld [tilespmem:s29+$0x60]  }
0x157: {  	[tilespmem:s29+$0xFFFFFEE0] =	vst v11;
	v7 =	vmul.f32 v12, v20;
	v11 =	vld [tilespmem:s29+$0x70]  }
.Ltmp3:
0x158: {  	[tilespmem:s29+$0xFFFFFEF0] =	vst v6;
	v12 =	vmul.f32 v13, v21;
	v6 =	vld [tilespmem:s29+$0xE0];
	(pc) =	sbr.rel @p3 .LBB2_5-.Ltmp3, $4  }
0x159: {  	[tilespmem:s29+$0xFFFFFF60] =	vst v7;
	v10 =	vmul.f32 v16, v10;
	v7 =	vld [tilespmem:s29+$0xF0]  }
0x15a: {  	[tilespmem:s29+$0xFFFFFF70] =	vst v12;
	v13 =	vmul.f32 v8, v14;
	v8 =	vld [tilespmem:s29+$0x160]  }
0x15b: {  	[tilespmem:s29+$0xFFFFFFE0] =	vst v10;
	v12 =	vmul.f32 v18, v9;
	v9 =	vld [tilespmem:s29+$0x170]  }
0x15c: {  	s23 =	sadd.s32 $0x400, s23;
	[tilespmem:s29+$0xFFFFFFF0] =	vst v13;
	v11 =	vmul.f32 v19, v11;
	v10 =	vld [tilespmem:s29+$0x1E0]  }
0x15d: {  	[tilespmem:s26+$0x60] =	vst v12;
	v5 =	vmul.f32 v5, v6  }
0x15e: {  	[tilespmem:s26+$0x70] =	vst v11;
	v3 =	vmul.f32 v3, v7  }
0x15f: {  	[tilespmem:s26+$0xE0] =	vst v5;
	v4 =	vmul.f32 v4, v8  }
0x160: {  	[tilespmem:s26+$0xF0] =	vst v3;
	v2 =	vmul.f32 v2, v9  }
0x161: {  	[tilespmem:s26+$0x160] =	vst v4;
	v1 =	vmul.f32 v1, v10  }
0x162: {  	s8 =	sadd.s32 s12, s28;
	[tilespmem:s26+$0x170] =	vst v2  }
0x163: {  	s8 =	sshll.u32 s8, $0x5;
	[tilespmem:s26+$0x1E0] =	vst v1  }
0x164: {  	[spmem:s1] =	stream.indirect.scatter.add.f32 [tilespmem:s9], [sflag:$0x5], $0x80, s17, s4, $0xb8;
	[tilespmem:$0x1F280] =	vst v63  }
0x165: {  	s8 =	sadd.s32 s8, s22  }
0x166: {  	[tilespmem:s2], [sflag:$0x7] =	stream.linear.gather [hbm4b:s8+s2], $0x100, $0x38;
	[tilespmem:$0x1F280] =	vst v63  }
0x167: {  	_ =	swait.ge [sflag:s18], $0x2800  }
0x168: {  	[sflag:s18] =	ssyncset.done $0x0  }
0x169: {  	s26 =	smul.u32 $0xA0, s30;
	[sflag:s18] =	ssyncadd.s32 $0xFFFFD800  }
0x16a: {  	_ =	swait.ge [sflag:s7], $0x100  }
0x16b: {  	s8 =	sadd.s32 s26, s0;
	[sflag:s7] =	ssyncset.done $0x0  }
0x16c: {  	s8 =	sshll.u32 s8, $0x4;
	[sflag:s7] =	ssyncadd.s32 $0xFFFFFF00  }
0x16d: {  	[tilespmem:s9], [sflag:$0x1] =	stream.indirect.gather [hbm4b:s3+s4], $0x80, s2, s4, $0xb8;
	[tilespmem:$0x1F280] =	vst v63  }
0x16e: {  	s8 =	sadd.s32 s5, s8  }
0x16f: {  	[tilespmem:s10], [sflag:$0x3] =	stream.linear.gather [hbm4b:s8+s2], $0x2800, $0x38;
	[tilespmem:$0x1F280] =	vst v63  }
0x170: {  	_ =	swait.ge [sflag:s19], $0x2800  }
0x171: {  	[sflag:s19] =	ssyncset.done $0x0  }
0x172: {  	[sflag:s19] =	ssyncadd.s32 $0xFFFFD800  }
0x173: {  	_ =	swait.ge [sflag:s21], $0x2800  }
0x174: {  	[sflag:s21] =	ssyncset.done $0x0  }
0x175: {  	s29 =	simm.s32 $0x7C00;
	[sflag:s21] =	ssyncadd.s32 $0xFFFFD800  }
0x176: {  	s26 =	simm.s32 $0x2C00;
	v1 =	vld [tilespmem:s29+$0x180]  }
0x177: {  	v2 =	vld [tilespmem:s26+$0x180]  }
0x178: {  	v3 =	vld [tilespmem:s26+$0x190]  }
0x179: {  	v4 =	vld [tilespmem:s29+$0xFFFFFE80]  }
0x17a: {  	v5 =	vld [tilespmem:s29+$0xFFFFFF00]  }
0x17b: {  	v6 =	vld [tilespmem:s29+$0xFFFFFF80]  }
0x17c: {  	v8 =	vld [tilespmem:s29+$0x0];
	v7 =	vshll.u32 v1, $0x10  }
0x17d: {  	v9 =	vld [tilespmem:s26+$0x1A0];
	v1 =	vand.u32 $0xFFFF0000, v1;
	v2 =	vmul.f32 v7, v2  }
0x17e: {  	v10 =	vld [tilespmem:s26+$0x1B0];
	v1 =	vmul.f32 v1, v3  }
0x17f: {  	v11 =	vld [tilespmem:s26+$0xFFFFFE00];
	[tilespmem:s26+$0x180] =	vst v2  }
0x180: {  	v12 =	vld [tilespmem:s26+$0xFFFFFE10];
	[tilespmem:s26+$0x190] =	vst v1  }
0x181: {  	v1 =	vld [tilespmem:s29+$0x190]  }
0x182: {  	v13 =	vld [tilespmem:s26+$0xFFFFFE80]  }
0x183: {  	v15 =	vld [tilespmem:s26+$0xFFFFFE90]  }
0x184: {  	v16 =	vld [tilespmem:s26+$0xFFFFFF80]  }
0x185: {  	v2 =	vld [tilespmem:s29+$0xFFFFFE00]  }
0x186: {  	v63 =	vld [tilespmem:s26+$0xFFFFFFF0];
	v14 =	vshll.u32 v1, $0x10  }
0x187: {  	v7 =	vld [tilespmem:s29+$0x80];
	v1 =	vand.u32 $0xFFFF0000, v1;
	v9 =	vmul.f32 v14, v9  }
0x188: {  	v3 =	vld [tilespmem:s29+$0x100];
	v1 =	vmul.f32 v1, v10  }
0x189: {  	v14 =	vld [tilespmem:s26+$0xFFFFFF00];
	[tilespmem:s26+$0x1A0] =	vst v9  }
0x18a: {  	v10 =	vld [tilespmem:s26+$0xFFFFFF10];
	v9 =	vshll.u32 v2, $0x10;
	[tilespmem:s26+$0x1B0] =	vst v1  }
0x18b: {  	v1 =	vand.u32 $0xFFFF0000, v2;
	v2 =	vmul.f32 v9, v11;
	v9 =	vld [tilespmem:s29+$0x1A0]  }
0x18c: {  	v11 =	vshll.u32 v4, $0x10;
	v1 =	vmul.f32 v1, v12;
	v12 =	vld [tilespmem:s26+$0x1C0]  }
0x18d: {  	v4 =	vand.u32 $0xFFFF0000, v4;
	[tilespmem:s26+$0xFFFFFE00] =	vst v2;
	v2 =	vmul.f32 v11, v13;
	v11 =	vld [tilespmem:s26+$0x1D0]  }
0x18e: {  	[tilespmem:s26+$0xFFFFFE10] =	vst v1;
	v1 =	vmul.f32 v4, v15;
	v4 =	vld [tilespmem:s26+$0xFFFFFF90]  }
0x18f: {  	v13 =	vshll.u32 v5, $0x10;
	v15 =	vld [tilespmem:s26+$0xFFFFFF20]  }
0x190: {  	v5 =	vand.u32 $0xFFFF0000, v5;
	[tilespmem:s26+$0xFFFFFE80] =	vst v2;
	v2 =	vmul.f32 v13, v14;
	v13 =	vld [tilespmem:s26+$0x0]  }
0x191: {  	[tilespmem:s26+$0xFFFFFE90] =	vst v1;
	v1 =	vmul.f32 v5, v10;
	v5 =	vld [tilespmem:s26+$0x10]  }
0x192: {  	v14 =	vld [tilespmem:s26+$0x80];
	v10 =	vshll.u32 v9, $0x10  }
0x193: {  	[tilespmem:s26+$0xFFFFFF00] =	vst v2;
	v2 =	vand.u32 $0xFFFF0000, v9;
	v9 =	vmul.f32 v10, v12;
	v10 =	vshll.u32 v6, $0x10;
	v12 =	vld [tilespmem:s26+$0x90]  }
0x194: {  	[tilespmem:s26+$0xFFFFFF10] =	vst v1;
	v1 =	vmul.f32 v2, v11;
	v2 =	vand.u32 $0xFFFF0000, v6;
	v6 =	vmul.f32 v10, v16;
	v10 =	vld [tilespmem:s26+$0x100]  }
0x195: {  	v11 =	vld [tilespmem:s26+$0xFFFFFE30]  }
0x196: {  	[tilespmem:s26+$0x1C0] =	vst v9;
	v9 =	vshll.u32 v8, $0x10;
	v2 =	vmul.f32 v2, v4;
	v4 =	vld [tilespmem:s26+$0x110];
	v8 =	vand.u32 $0xFFFF0000, v8  }
0x197: {  	[tilespmem:s26+$0x1D0] =	vst v1;
	v5 =	vmul.f32 v8, v5;
	v8 =	vld [tilespmem:s29+$0xFFFFFE10]  }
0x198: {  	[tilespmem:s26+$0xFFFFFF80] =	vst v6;
	v6 =	vmul.f32 v9, v13;
	v13 =	vld [tilespmem:s26+$0xFFFFFEB0]  }
0x199: {  	v1 =	vld [tilespmem:s29+$0x1B0];
	[tilespmem:s26+$0xFFFFFF90] =	vst v2  }
0x19a: {  	v9 =	vshll.u32 v7, $0x10;
	v7 =	vand.u32 $0xFFFF0000, v7;
	v2 =	vld [tilespmem:s26+$0x1F0];
	[tilespmem:s26+$0x0] =	vst v6  }
0x19b: {  	v6 =	vmul.f32 v9, v14;
	[tilespmem:s26+$0x10] =	vst v5;
	v5 =	vmul.f32 v7, v12;
	v7 =	vld [tilespmem:s29+$0xFFFFFE90]  }
0x19c: {  	v9 =	vshll.u32 v3, $0x10;
	v12 =	vld [tilespmem:s26+$0xFFFFFEA0]  }
0x19d: {  	[tilespmem:s26+$0x80] =	vst v6;
	v6 =	vmul.f32 v9, v10;
	v9 =	vld [tilespmem:s29+$0xFFFFFF10]  }
0x19e: {  	v3 =	vand.u32 $0xFFFF0000, v3;
	v10 =	vld [tilespmem:s26+$0xFFFFFE20]  }
0x19f: {  	v3 =	vmul.f32 v3, v4;
	v4 =	vld [tilespmem:s29+$0xFFFFFF90]  }
0x1a0: {  	[tilespmem:s26+$0x90] =	vst v5;
	v5 =	vld [tilespmem:s29+$0x10]  }
0x1a1: {  	v14 =	vshll.u32 v8, $0x10;
	v8 =	vand.u32 $0xFFFF0000, v8;
	[tilespmem:s26+$0x110] =	vst v3;
	v3 =	vld [tilespmem:s29+$0x90]  }
0x1a2: {  	v8 =	vmul.f32 v8, v11;
	v11 =	vld [tilespmem:s26+$0xFFFFFFA0]  }
0x1a3: {  	[tilespmem:s26+$0x100] =	vst v6;
	v10 =	vmul.f32 v14, v10;
	v14 =	vld [tilespmem:s26+$0xFFFFFF30]  }
0x1a4: {  	v6 =	vld [tilespmem:s29+$0x110];
	v59 =	vshll.u32 v7, $0x10;
	[tilespmem:s26+$0xFFFFFE30] =	vst v8  }
0x1a5: {  	v7 =	vand.u32 $0xFFFF0000, v7;
	v8 =	vld [tilespmem:s26+$0x20];
	[tilespmem:s26+$0xFFFFFE20] =	vst v10;
	v10 =	vmul.f32 v59, v12  }
0x1a6: {  	v7 =	vmul.f32 v7, v13;
	v13 =	vld [tilespmem:s26+$0x30];
	v60 =	vshll.u32 v9, $0x10  }
0x1a7: {  	v9 =	vand.u32 $0xFFFF0000, v9;
	v12 =	vld [tilespmem:s26+$0xFFFFFFB0];
	[tilespmem:s26+$0xFFFFFEA0] =	vst v10;
	v10 =	vmul.f32 v60, v15  }
0x1a8: {  	[tilespmem:s26+$0xFFFFFEB0] =	vst v7;
	v15 =	vshll.u32 v4, $0x10;
	v7 =	vmul.f32 v9, v14;
	v9 =	vld [tilespmem:s26+$0xA0]  }
0x1a9: {  	v14 =	vshll.u32 v5, $0x10;
	[tilespmem:s26+$0xFFFFFF20] =	vst v10;
	v10 =	vmul.f32 v15, v11;
	v11 =	vld [tilespmem:s26+$0xB0]  }
0x1aa: {  	v8 =	vmul.f32 v14, v8;
	v14 =	vld [tilespmem:s29+$0xFFFFFE20]  }
0x1ab: {  	v4 =	vand.u32 $0xFFFF0000, v4;
	v15 =	vld [tilespmem:s26+$0xFFFFFF40]  }
0x1ac: {  	[tilespmem:s26+$0xFFFFFF30] =	vst v7;
	v4 =	vmul.f32 v4, v12;
	v7 =	vld [tilespmem:s26+$0x120]  }
0x1ad: {  	v5 =	vand.u32 $0xFFFF0000, v5;
	[tilespmem:s26+$0xFFFFFFA0] =	vst v10;
	v10 =	vld [tilespmem:s26+$0x130]  }
0x1ae: {  	v12 =	vshll.u32 v3, $0x10;
	[tilespmem:s26+$0xFFFFFFB0] =	vst v4;
	v4 =	vmul.f32 v5, v13;
	v5 =	vld [tilespmem:s29+$0xFFFFFEA0]  }
0x1af: {  	[tilespmem:s26+$0x20] =	vst v8;
	v8 =	vmul.f32 v12, v9;
	v12 =	vld [tilespmem:s29+$0xFFFFFF20]  }
0x1b0: {  	v3 =	vand.u32 $0xFFFF0000, v3;
	v9 =	vshll.u32 v6, $0x10;
	[tilespmem:s26+$0x30] =	vst v4;
	v4 =	vand.u32 $0xFFFF0000, v6;
	v6 =	vld [tilespmem:s29+$0xFFFFFFA0]  }
0x1b1: {  	v3 =	vmul.f32 v3, v11;
	v11 =	vld [tilespmem:s26+$0xFFFFFED0];
	v7 =	vmul.f32 v9, v7  }
0x1b2: {  	[tilespmem:s26+$0xA0] =	vst v8;
	v8 =	vld [tilespmem:s29+$0x20]  }
0x1b3: {  	[tilespmem:s26+$0x120] =	vst v7;
	v7 =	vld [tilespmem:s26+$0xFFFFFE40]  }
0x1b4: {  	v9 =	vld [tilespmem:s26+$0xFFFFFE50];
	[tilespmem:s26+$0xB0] =	vst v3;
	v3 =	vmul.f32 v4, v10  }
0x1b5: {  	v10 =	vld [tilespmem:s26+$0xFFFFFEC0]  }
0x1b6: {  	v4 =	vld [tilespmem:s29+$0xA0];
	[tilespmem:s26+$0x130] =	vst v3  }
0x1b7: {  	v13 =	vshll.u32 v14, $0x10;
	v61 =	vshll.u32 v5, $0x10;
	v5 =	vand.u32 $0xFFFF0000, v5;
	v3 =	vld [tilespmem:s29+$0x120]  }
0x1b8: {  	v5 =	vmul.f32 v5, v11;
	v7 =	vmul.f32 v13, v7;
	v13 =	vld [tilespmem:s26+$0xFFFFFF50]  }
0x1b9: {  	v14 =	vand.u32 $0xFFFF0000, v14;
	v62 =	vshll.u32 v12, $0x10;
	v11 =	vand.u32 $0xFFFF0000, v12;
	v12 =	vld [tilespmem:s26+$0x50]  }
0x1ba: {  	v9 =	vmul.f32 v14, v9;
	v14 =	vld [tilespmem:s26+$0xFFFFFFC0];
	[tilespmem:s26+$0xFFFFFED0] =	vst v5  }
0x1bb: {  	[tilespmem:s26+$0xFFFFFE40] =	vst v7;
	v7 =	vmul.f32 v61, v10;
	v10 =	vld [tilespmem:s26+$0xFFFFFFD0]  }
0x1bc: {  	[tilespmem:s26+$0xFFFFFE50] =	vst v9;
	v9 =	vld [tilespmem:s26+$0x40]  }
0x1bd: {  	[tilespmem:s26+$0xFFFFFEC0] =	vst v7;
	v7 =	vmul.f32 v62, v15;
	v5 =	vmul.f32 v11, v13;
	v11 =	vld [tilespmem:s26+$0xC0]  }
0x1be: {  	v15 =	vshll.u32 v6, $0x10;
	v13 =	vld [tilespmem:s26+$0xD0]  }
0x1bf: {  	v6 =	vand.u32 $0xFFFF0000, v6;
	[tilespmem:s26+$0xFFFFFF40] =	vst v7;
	v7 =	vmul.f32 v15, v14;
	v15 =	vld [tilespmem:s26+$0xFFFFFF60]  }
0x1c0: {  	v14 =	vshll.u32 v8, $0x10;
	[tilespmem:s26+$0xFFFFFF50] =	vst v5;
	v5 =	vmul.f32 v6, v10;
	v6 =	vld [tilespmem:s26+$0x140]  }
0x1c1: {  	[tilespmem:s26+$0xFFFFFFC0] =	vst v7;
	v7 =	vmul.f32 v14, v9;
	v9 =	vld [tilespmem:s26+$0x150]  }
0x1c2: {  	v8 =	vand.u32 $0xFFFF0000, v8;
	v14 =	vld [tilespmem:s29+$0xFFFFFE30]  }
0x1c3: {  	v10 =	vshll.u32 v4, $0x10;
	[tilespmem:s26+$0xFFFFFFD0] =	vst v5;
	v5 =	vmul.f32 v8, v12;
	v8 =	vld [tilespmem:s29+$0xFFFFFEB0]  }
0x1c4: {  	v4 =	vand.u32 $0xFFFF0000, v4;
	[tilespmem:s26+$0x40] =	vst v7;
	v7 =	vmul.f32 v10, v11;
	v10 =	vshll.u32 v3, $0x10;
	v11 =	vld [tilespmem:s29+$0xFFFFFF30]  }
0x1c5: {  	v4 =	vmul.f32 v4, v13;
	v3 =	vand.u32 $0xFFFF0000, v3;
	v13 =	vld [tilespmem:s26+$0xFFFFFEF0];
	v6 =	vmul.f32 v10, v6  }
0x1c6: {  	[tilespmem:s26+$0x50] =	vst v5;
	v5 =	vld [tilespmem:s29+$0xFFFFFFB0];
	v3 =	vmul.f32 v3, v9  }
0x1c7: {  	[tilespmem:s26+$0x140] =	vst v6;
	v6 =	vld [tilespmem:s26+$0xFFFFFE60]  }
0x1c8: {  	[tilespmem:s26+$0x150] =	vst v3;
	v3 =	vld [tilespmem:s26+$0xFFFFFE70]  }
0x1c9: {  	[tilespmem:s26+$0xC0] =	vst v7;
	v7 =	vld [tilespmem:s26+$0xFFFFFEE0]  }
0x1ca: {  	v10 =	vld [tilespmem:s29+$0x30];
	[tilespmem:s26+$0xD0] =	vst v4;
	v9 =	vand.u32 $0xFFFF0000, v1  }
0x1cb: {  	v4 =	vld [tilespmem:s29+$0xB0];
	v2 =	vmul.f32 v9, v2;
	v9 =	vshll.u32 v14, $0x10  }
0x1cc: {  	v14 =	vand.u32 $0xFFFF0000, v14;
	v6 =	vmul.f32 v9, v6;
	v9 =	vld [tilespmem:s26+$0xFFFFFF70]  }
0x1cd: {  	[tilespmem:s26+$0x1F0] =	vst v2;
	v2 =	vshll.u32 v8, $0x10;
	v3 =	vmul.f32 v14, v3;
	v14 =	vld [tilespmem:s26+$0xFFFFFFE0]  }
0x1ce: {  	v12 =	vld [tilespmem:s29+$0x130];
	v8 =	vand.u32 $0xFFFF0000, v8;
	v2 =	vmul.f32 v2, v7;
	[tilespmem:s26+$0xFFFFFE60] =	vst v6  }
0x1cf: {  	v6 =	vshll.u32 v11, $0x10;
	[tilespmem:s26+$0xFFFFFE70] =	vst v3;
	v3 =	vmul.f32 v8, v13;
	v13 =	vld [tilespmem:s26+$0x60]  }
0x1d0: {  	v7 =	vand.u32 $0xFFFF0000, v11;
	[tilespmem:s26+$0xFFFFFEE0] =	vst v2;
	v11 =	vld [tilespmem:s26+$0x70];
	v2 =	vmul.f32 v6, v15  }
0x1d1: {  	v8 =	vshll.u32 v5, $0x10;
	v6 =	vld [tilespmem:s26+$0xE0];
	v5 =	vand.u32 $0xFFFF0000, v5;
	[tilespmem:s26+$0xFFFFFEF0] =	vst v3;
	v3 =	vmul.f32 v7, v9  }
0x1d2: {  	v15 =	vmul.f32 v5, v63;
	v5 =	vshll.u32 v4, $0x10;
	[tilespmem:s26+$0xFFFFFF60] =	vst v2;
	v7 =	vld [tilespmem:s26+$0xF0];
	v2 =	vmul.f32 v8, v14  }
0x1d3: {  	v14 =	vshll.u32 v10, $0x10;
	v10 =	vand.u32 $0xFFFF0000, v10;
	v8 =	vld [tilespmem:s26+$0x160];
	[tilespmem:s26+$0xFFFFFF70] =	vst v3;
	v3 =	vand.u32 $0xFFFF0000, v4  }
0x1d4: {  	v9 =	vld [tilespmem:s26+$0x170];
	v4 =	vshll.u32 v12, $0x10;
	[tilespmem:s26+$0xFFFFFFE0] =	vst v2;
	v2 =	vand.u32 $0xFFFF0000, v12;
	v12 =	vmul.f32 v14, v13  }
0x1d5: {  	s23 =	simm.s32 $0x8000;
	s28 =	simm.s32 $0x2C00;
	s8 =	simm.s32 $0x0;
	v1 =	vshll.u32 v1, $0x10;
	[tilespmem:s26+$0xFFFFFFF0] =	vst v15;
	v11 =	vmul.f32 v10, v11;
	v10 =	vld [tilespmem:s26+$0x1E0]  }
.LBB2_7:
0x1d6: {  	v13 =	vld [tilespmem:s23+$0x180];
	[tilespmem:s26+$0x60] =	vst v12;
	v5 =	vmul.f32 v5, v6;
	s28 =	sadd.s32 $0x400, s28  }
0x1d7: {  	v6 =	vld [tilespmem:s28+$0x180];
	[tilespmem:s26+$0x70] =	vst v11;
	v3 =	vmul.f32 v3, v7  }
0x1d8: {  	v7 =	vld [tilespmem:s28+$0x190];
	[tilespmem:s26+$0xE0] =	vst v5;
	v4 =	vmul.f32 v4, v8  }
0x1d9: {  	s8 =	sadd.s32 $0x8, s8;
	v5 =	vld [tilespmem:s23+$0xFFFFFE80];
	[tilespmem:s26+$0xF0] =	vst v3;
	v2 =	vmul.f32 v2, v9  }
0x1da: {  	p3 =	slt.u32 s8, $0x48;
	v3 =	vld [tilespmem:s23+$0xFFFFFF00];
	[tilespmem:s26+$0x160] =	vst v4;
	v1 =	vmul.f32 v1, v10  }
0x1db: {  	v4 =	vld [tilespmem:s23+$0xFFFFFF80];
	v8 =	vshll.u32 v13, $0x10;
	[tilespmem:s26+$0x170] =	vst v2  }
0x1dc: {  	v9 =	vand.u32 $0xFFFF0000, v13;
	v2 =	vld [tilespmem:s23+$0x0];
	v6 =	vmul.f32 v8, v6;
	[tilespmem:s26+$0x1E0] =	vst v1;
	s26 =	smov.u32 s28  }
0x1dd: {  	v1 =	vld [tilespmem:s23+$0x80];
	v7 =	vmul.f32 v9, v7  }
0x1de: {  	v8 =	vshll.u32 v5, $0x10;
	v5 =	vand.u32 $0xFFFF0000, v5;
	v9 =	vld [tilespmem:s23+$0x100];
	[tilespmem:s28+$0x180] =	vst v6  }
0x1df: {  	v6 =	vld [tilespmem:s23+$0xFFFFFE00];
	v10 =	vshll.u32 v3, $0x10;
	v3 =	vand.u32 $0xFFFF0000, v3;
	[tilespmem:s28+$0x190] =	vst v7  }
0x1e0: {  	v7 =	vshll.u32 v4, $0x10;
	v4 =	vand.u32 $0xFFFF0000, v4;
	v11 =	vld [tilespmem:s23+$0x190]  }
0x1e1: {  	v12 =	vshll.u32 v2, $0x10;
	v2 =	vand.u32 $0xFFFF0000, v2;
	v13 =	vld [tilespmem:s28+$0x1A0]  }
0x1e2: {  	v14 =	vshll.u32 v1, $0x10;
	v1 =	vand.u32 $0xFFFF0000, v1;
	v15 =	vld [tilespmem:s28+$0x1B0]  }
0x1e3: {  	v16 =	vld [tilespmem:s28+$0xFFFFFE00];
	v17 =	vshll.u32 v9, $0x10;
	v9 =	vand.u32 $0xFFFF0000, v9  }
0x1e4: {  	v18 =	vshll.u32 v6, $0x10;
	v6 =	vand.u32 $0xFFFF0000, v6;
	v19 =	vld [tilespmem:s28+$0xFFFFFE10]  }
0x1e5: {  	v20 =	vld [tilespmem:s28+$0xFFFFFE80];
	v21 =	vshll.u32 v11, $0x10  }
0x1e6: {  	v11 =	vand.u32 $0xFFFF0000, v11;
	v22 =	vld [tilespmem:s28+$0xFFFFFE90];
	v13 =	vmul.f32 v21, v13  }
0x1e7: {  	v21 =	vld [tilespmem:s28+$0xFFFFFF00];
	v11 =	vmul.f32 v11, v15  }
0x1e8: {  	v15 =	vmul.f32 v18, v16;
	v16 =	vld [tilespmem:s28+$0xFFFFFF10];
	[tilespmem:s28+$0x1A0] =	vst v13  }
0x1e9: {  	v6 =	vmul.f32 v6, v19;
	v13 =	vld [tilespmem:s28+$0xFFFFFF80];
	[tilespmem:s28+$0x1B0] =	vst v11  }
0x1ea: {  	[tilespmem:s28+$0xFFFFFE00] =	vst v15;
	v8 =	vmul.f32 v8, v20;
	v11 =	vld [tilespmem:s23+$0x1A0]  }
0x1eb: {  	[tilespmem:s28+$0xFFFFFE10] =	vst v6;
	v5 =	vmul.f32 v5, v22;
	v6 =	vld [tilespmem:s28+$0x1C0]  }
0x1ec: {  	[tilespmem:s28+$0xFFFFFE80] =	vst v8;
	v8 =	vmul.f32 v10, v21;
	v10 =	vld [tilespmem:s28+$0x1D0]  }
0x1ed: {  	[tilespmem:s28+$0xFFFFFE90] =	vst v5;
	v3 =	vmul.f32 v3, v16;
	v5 =	vld [tilespmem:s28+$0xFFFFFF90]  }
0x1ee: {  	[tilespmem:s28+$0xFFFFFF00] =	vst v8;
	v7 =	vmul.f32 v7, v13;
	v8 =	vld [tilespmem:s28+$0x0]  }
0x1ef: {  	[tilespmem:s28+$0xFFFFFF10] =	vst v3;
	v3 =	vld [tilespmem:s28+$0x10];
	v13 =	vshll.u32 v11, $0x10  }
0x1f0: {  	v11 =	vand.u32 $0xFFFF0000, v11;
	[tilespmem:s28+$0xFFFFFF80] =	vst v7;
	v7 =	vld [tilespmem:s28+$0x80];
	v6 =	vmul.f32 v13, v6  }
0x1f1: {  	v13 =	vld [tilespmem:s28+$0x90];
	v10 =	vmul.f32 v11, v10  }
0x1f2: {  	v4 =	vmul.f32 v4, v5;
	v5 =	vld [tilespmem:s28+$0x100];
	[tilespmem:s28+$0x1C0] =	vst v6  }
0x1f3: {  	v6 =	vmul.f32 v12, v8;
	v8 =	vld [tilespmem:s28+$0x110];
	[tilespmem:s28+$0x1D0] =	vst v10  }
0x1f4: {  	[tilespmem:s28+$0xFFFFFF90] =	vst v4;
	v2 =	vmul.f32 v2, v3;
	v3 =	vld [tilespmem:s23+$0x1B0]  }
0x1f5: {  	[tilespmem:s28+$0x0] =	vst v6;
	v4 =	vmul.f32 v14, v7;
	v6 =	vld [tilespmem:s28+$0x1F0]  }
0x1f6: {  	v7 =	vld [tilespmem:s23+$0xFFFFFE10];
	[tilespmem:s28+$0x10] =	vst v2;
	v1 =	vmul.f32 v1, v13  }
0x1f7: {  	v2 =	vld [tilespmem:s23+$0xFFFFFE90];
	[tilespmem:s28+$0x80] =	vst v4;
	v4 =	vmul.f32 v17, v5  }
0x1f8: {  	v5 =	vld [tilespmem:s23+$0xFFFFFF10];
	[tilespmem:s28+$0x90] =	vst v1;
	v8 =	vmul.f32 v9, v8  }
0x1f9: {  	v9 =	vld [tilespmem:s23+$0xFFFFFF90];
	[tilespmem:s28+$0x100] =	vst v4;
	v1 =	vshll.u32 v3, $0x10;
	v3 =	vand.u32 $0xFFFF0000, v3  }
0x1fa: {  	v4 =	vld [tilespmem:s23+$0x10];
	[tilespmem:s28+$0x110] =	vst v8;
	v3 =	vmul.f32 v3, v6  }
0x1fb: {  	v6 =	vshll.u32 v7, $0x10;
	v7 =	vand.u32 $0xFFFF0000, v7;
	v8 =	vld [tilespmem:s23+$0x90]  }
0x1fc: {  	v10 =	vshll.u32 v2, $0x10;
	v2 =	vand.u32 $0xFFFF0000, v2;
	v11 =	vld [tilespmem:s23+$0x110];
	[tilespmem:s28+$0x1F0] =	vst v3  }
0x1fd: {  	v3 =	vld [tilespmem:s28+$0xFFFFFE20];
	v12 =	vshll.u32 v5, $0x10;
	v5 =	vand.u32 $0xFFFF0000, v5  }
0x1fe: {  	v13 =	vld [tilespmem:s28+$0xFFFFFE30];
	v14 =	vshll.u32 v9, $0x10;
	v9 =	vand.u32 $0xFFFF0000, v9  }
0x1ff: {  	v15 =	vld [tilespmem:s28+$0xFFFFFEA0];
	v16 =	vshll.u32 v4, $0x10;
	v4 =	vand.u32 $0xFFFF0000, v4  }
0x200: {  	v17 =	vld [tilespmem:s28+$0xFFFFFEB0];
	v18 =	vshll.u32 v8, $0x10;
	v8 =	vand.u32 $0xFFFF0000, v8  }
0x201: {  	v19 =	vld [tilespmem:s28+$0xFFFFFF20];
	v20 =	vshll.u32 v11, $0x10;
	v11 =	vand.u32 $0xFFFF0000, v11  }
0x202: {  	v3 =	vmul.f32 v6, v3;
	v6 =	vld [tilespmem:s28+$0xFFFFFF30]  }
0x203: {  	v7 =	vmul.f32 v7, v13;
	v13 =	vld [tilespmem:s28+$0xFFFFFFA0]  }
0x204: {  	[tilespmem:s28+$0xFFFFFE20] =	vst v3;
	v3 =	vmul.f32 v10, v15;
	v10 =	vld [tilespmem:s28+$0xFFFFFFB0]  }
0x205: {  	[tilespmem:s28+$0xFFFFFE30] =	vst v7;
	v2 =	vmul.f32 v2, v17;
	v7 =	vld [tilespmem:s28+$0x20]  }
0x206: {  	[tilespmem:s28+$0xFFFFFEA0] =	vst v3;
	v3 =	vmul.f32 v12, v19;
	v12 =	vld [tilespmem:s28+$0x30]  }
0x207: {  	[tilespmem:s28+$0xFFFFFEB0] =	vst v2;
	v2 =	vmul.f32 v5, v6;
	v5 =	vld [tilespmem:s28+$0xA0]  }
0x208: {  	[tilespmem:s28+$0xFFFFFF20] =	vst v3;
	v3 =	vmul.f32 v14, v13;
	v6 =	vld [tilespmem:s28+$0xB0]  }
0x209: {  	[tilespmem:s28+$0xFFFFFF30] =	vst v2;
	v2 =	vmul.f32 v9, v10;
	v9 =	vld [tilespmem:s28+$0x120]  }
0x20a: {  	[tilespmem:s28+$0xFFFFFFA0] =	vst v3;
	v3 =	vmul.f32 v16, v7;
	v7 =	vld [tilespmem:s28+$0x130]  }
0x20b: {  	v10 =	vld [tilespmem:s23+$0xFFFFFE20];
	[tilespmem:s28+$0xFFFFFFB0] =	vst v2;
	v2 =	vmul.f32 v4, v12  }
0x20c: {  	v4 =	vld [tilespmem:s23+$0xFFFFFEA0];
	[tilespmem:s28+$0x20] =	vst v3;
	v3 =	vmul.f32 v18, v5  }
0x20d: {  	v5 =	vld [tilespmem:s23+$0xFFFFFF20];
	[tilespmem:s28+$0x30] =	vst v2;
	v2 =	vmul.f32 v8, v6  }
0x20e: {  	v6 =	vld [tilespmem:s23+$0xFFFFFFA0];
	[tilespmem:s28+$0xA0] =	vst v3;
	v3 =	vmul.f32 v20, v9  }
0x20f: {  	v8 =	vld [tilespmem:s23+$0x20];
	[tilespmem:s28+$0xB0] =	vst v2;
	v2 =	vmul.f32 v11, v7  }
0x210: {  	v7 =	vshll.u32 v10, $0x10;
	v9 =	vand.u32 $0xFFFF0000, v10;
	v10 =	vld [tilespmem:s23+$0xA0];
	[tilespmem:s28+$0x120] =	vst v3  }
0x211: {  	v3 =	vld [tilespmem:s28+$0xFFFFFE40];
	v11 =	vshll.u32 v4, $0x10;
	v4 =	vand.u32 $0xFFFF0000, v4;
	[tilespmem:s28+$0x130] =	vst v2  }
0x212: {  	v2 =	vshll.u32 v5, $0x10;
	v5 =	vand.u32 $0xFFFF0000, v5;
	v12 =	vld [tilespmem:s23+$0x120]  }
0x213: {  	v13 =	vld [tilespmem:s28+$0xFFFFFE50];
	v14 =	vshll.u32 v6, $0x10;
	v6 =	vand.u32 $0xFFFF0000, v6  }
0x214: {  	v15 =	vld [tilespmem:s28+$0xFFFFFEC0];
	v16 =	vshll.u32 v8, $0x10;
	v8 =	vand.u32 $0xFFFF0000, v8  }
0x215: {  	v17 =	vld [tilespmem:s28+$0xFFFFFED0];
	v18 =	vshll.u32 v10, $0x10;
	v10 =	vand.u32 $0xFFFF0000, v10  }
0x216: {  	v3 =	vmul.f32 v7, v3;
	v7 =	vld [tilespmem:s28+$0xFFFFFF40]  }
0x217: {  	v19 =	vld [tilespmem:s28+$0xFFFFFF50];
	v20 =	vshll.u32 v12, $0x10;
	v12 =	vand.u32 $0xFFFF0000, v12  }
0x218: {  	[tilespmem:s28+$0xFFFFFE40] =	vst v3;
	v3 =	vmul.f32 v9, v13;
	v9 =	vld [tilespmem:s28+$0xFFFFFFC0]  }
0x219: {  	v11 =	vmul.f32 v11, v15;
	v13 =	vld [tilespmem:s28+$0xFFFFFFD0]  }
0x21a: {  	[tilespmem:s28+$0xFFFFFE50] =	vst v3;
	v3 =	vmul.f32 v4, v17;
	v4 =	vld [tilespmem:s28+$0x40]  }
0x21b: {  	[tilespmem:s28+$0xFFFFFEC0] =	vst v11;
	v2 =	vmul.f32 v2, v7;
	v7 =	vld [tilespmem:s28+$0x50]  }
0x21c: {  	[tilespmem:s28+$0xFFFFFED0] =	vst v3;
	v3 =	vmul.f32 v5, v19;
	v5 =	vld [tilespmem:s28+$0xC0]  }
0x21d: {  	[tilespmem:s28+$0xFFFFFF40] =	vst v2;
	v2 =	vmul.f32 v14, v9;
	v9 =	vld [tilespmem:s28+$0xD0]  }
0x21e: {  	[tilespmem:s28+$0xFFFFFF50] =	vst v3;
	v3 =	vmul.f32 v6, v13;
	v6 =	vld [tilespmem:s28+$0x140]  }
0x21f: {  	[tilespmem:s28+$0xFFFFFFC0] =	vst v2;
	v2 =	vmul.f32 v16, v4;
	v4 =	vld [tilespmem:s28+$0x150]  }
0x220: {  	v11 =	vld [tilespmem:s23+$0xFFFFFE30];
	[tilespmem:s28+$0xFFFFFFD0] =	vst v3;
	v3 =	vmul.f32 v8, v7  }
0x221: {  	v7 =	vld [tilespmem:s23+$0xFFFFFEB0];
	[tilespmem:s28+$0x40] =	vst v2;
	v2 =	vmul.f32 v18, v5  }
0x222: {  	v5 =	vld [tilespmem:s23+$0xFFFFFF30];
	[tilespmem:s28+$0x50] =	vst v3;
	v3 =	vmul.f32 v10, v9  }
0x223: {  	v8 =	vld [tilespmem:s23+$0xFFFFFFB0];
	[tilespmem:s28+$0xC0] =	vst v2;
	v2 =	vmul.f32 v20, v6  }
0x224: {  	v6 =	vld [tilespmem:s23+$0x30];
	[tilespmem:s28+$0xD0] =	vst v3;
	v3 =	vmul.f32 v12, v4  }
0x225: {  	v4 =	vshll.u32 v11, $0x10;
	v9 =	vand.u32 $0xFFFF0000, v11;
	v10 =	vld [tilespmem:s23+$0xB0];
	[tilespmem:s28+$0x140] =	vst v2  }
0x226: {  	v2 =	vld [tilespmem:s28+$0xFFFFFE60];
	v11 =	vshll.u32 v7, $0x10;
	v7 =	vand.u32 $0xFFFF0000, v7;
	[tilespmem:s28+$0x150] =	vst v3  }
0x227: {  	v12 =	vshll.u32 v5, $0x10;
	v13 =	vand.u32 $0xFFFF0000, v5;
	v14 =	vld [tilespmem:s23+$0x130]  }
0x228: {  	v15 =	vld [tilespmem:s28+$0xFFFFFE70];
	v16 =	vshll.u32 v8, $0x10;
	v8 =	vand.u32 $0xFFFF0000, v8  }
0x229: {  	v17 =	vld [tilespmem:s28+$0xFFFFFEE0];
	v18 =	vshll.u32 v6, $0x10;
	v19 =	vand.u32 $0xFFFF0000, v6  }
0x22a: {  	v6 =	vld [tilespmem:s28+$0xFFFFFEF0];
	v5 =	vshll.u32 v10, $0x10;
	v3 =	vand.u32 $0xFFFF0000, v10  }
0x22b: {  	v10 =	vmul.f32 v4, v2;
	v20 =	vld [tilespmem:s28+$0xFFFFFF60]  }
0x22c: {  	v21 =	vld [tilespmem:s28+$0xFFFFFF70];
	v4 =	vshll.u32 v14, $0x10;
	v2 =	vand.u32 $0xFFFF0000, v14  }
0x22d: {  	[tilespmem:s28+$0xFFFFFE60] =	vst v10;
	v9 =	vmul.f32 v9, v15;
	v10 =	vld [tilespmem:s28+$0xFFFFFFE0]  }
0x22e: {  	v11 =	vmul.f32 v11, v17;
	v14 =	vld [tilespmem:s28+$0xFFFFFFF0]  }
0x22f: {  	[tilespmem:s28+$0xFFFFFE70] =	vst v9;
	v6 =	vmul.f32 v7, v6;
	v9 =	vld [tilespmem:s28+$0x60]  }
0x230: {  	[tilespmem:s28+$0xFFFFFEE0] =	vst v11;
	v7 =	vmul.f32 v12, v20;
	v11 =	vld [tilespmem:s28+$0x70]  }
.Ltmp4:
0x231: {  	[tilespmem:s28+$0xFFFFFEF0] =	vst v6;
	v12 =	vmul.f32 v13, v21;
	v6 =	vld [tilespmem:s28+$0xE0];
	(pc) =	sbr.rel @p3 .LBB2_7-.Ltmp4, $4  }
0x232: {  	[tilespmem:s28+$0xFFFFFF60] =	vst v7;
	v10 =	vmul.f32 v16, v10;
	v7 =	vld [tilespmem:s28+$0xF0]  }
0x233: {  	[tilespmem:s28+$0xFFFFFF70] =	vst v12;
	v13 =	vmul.f32 v8, v14;
	v8 =	vld [tilespmem:s28+$0x160]  }
0x234: {  	[tilespmem:s28+$0xFFFFFFE0] =	vst v10;
	v12 =	vmul.f32 v18, v9;
	v9 =	vld [tilespmem:s28+$0x170]  }
0x235: {  	s23 =	sadd.s32 $0x400, s23;
	[tilespmem:s28+$0xFFFFFFF0] =	vst v13;
	v11 =	vmul.f32 v19, v11;
	v10 =	vld [tilespmem:s28+$0x1E0]  }
0x236: {  	[tilespmem:s26+$0x60] =	vst v12;
	v5 =	vmul.f32 v5, v6  }
0x237: {  	[tilespmem:s26+$0x70] =	vst v11;
	v3 =	vmul.f32 v3, v7  }
0x238: {  	[tilespmem:s26+$0xE0] =	vst v5;
	v4 =	vmul.f32 v4, v8  }
0x239: {  	[tilespmem:s26+$0xF0] =	vst v3;
	v2 =	vmul.f32 v2, v9  }
0x23a: {  	p3 =	sgt.u32 s31, $0x7A;
	[tilespmem:s26+$0x160] =	vst v4;
	v1 =	vmul.f32 v1, v10  }
0x23b: {  	s8 =	sadd.s32 @!p3 s12, s31;
	[tilespmem:s26+$0x170] =	vst v2  }
0x23c: {  	s30 =	sadd.s32 $0x1, s30;
	s8 =	sshll.u32 @!p3 s8, $0x5;
	[tilespmem:s26+$0x1E0] =	vst v1  }
0x23d: {  	[spmem:s1] =	stream.indirect.scatter.add.f32 [tilespmem:s13], [sflag:$0x6], $0x80, s25, s4, $0xb8;
	[tilespmem:$0x1F280] =	vst v63  }
0x23e: {  	s23 =	simm.s32 @!p3 $0x0;
	s8 =	sadd.s32 @!p3 s8, s22;
	s26 =	simm.s32 @!p3 $0x100  }
0x23f: {  	[tilespmem:s26], [sflag:$0x8] =	stream.linear.gather @!p3 [hbm4b:s8+s23], $0x100, $0x38;
	[tilespmem:$0x1F280] =	vst v63  }
0x240: {  	p3 =	sne.s32 s30, $0x3E  }
.Ltmp5:
0x241: {  	_ = 	snop;
	(pc) =	sbr.rel @p3 .LBB2_4-.Ltmp5, $1  }
0x242: {  	_ =	sdelay $0x3  }
0x243: {  	_ =	swait.ge [sflag:s15], $0x2800  }
0x244: {  	[sflag:s15] =	ssyncset.done $0x0  }
0x245: {  	[sflag:s15] =	ssyncadd.s32 $0xFFFFD800  }
0x246: {  	_ =	swait.ge [sflag:s16], $0x2800  }
0x247: {  	[sflag:s16] =	ssyncset.done $0x0  }
0x248: {  	s8 =	simm.s32 $0x5400;
	[sflag:s16] =	ssyncadd.s32 $0xFFFFD800  }
0x249: {  	s26 =	simm.s32 $0x400;
	v1 =	vld [tilespmem:s8+$0x180]  }
0x24a: {  	v2 =	vld [tilespmem:s26+$0x180]  }
0x24b: {  	v3 =	vld [tilespmem:s26+$0x190]  }
0x24c: {  	v4 =	vld [tilespmem:s8+$0xFFFFFE80]  }
0x24d: {  	v5 =	vld [tilespmem:s8+$0xFFFFFF00]  }
0x24e: {  	v6 =	vld [tilespmem:s8+$0xFFFFFF80]  }
0x24f: {  	v8 =	vld [tilespmem:s8+$0x0];
	v7 =	vshll.u32 v1, $0x10  }
0x250: {  	v9 =	vld [tilespmem:s26+$0x1A0];
	v1 =	vand.u32 $0xFFFF0000, v1;
	v2 =	vmul.f32 v7, v2  }
0x251: {  	v10 =	vld [tilespmem:s26+$0x1B0];
	v1 =	vmul.f32 v1, v3  }
0x252: {  	v11 =	vld [tilespmem:s26+$0xFFFFFE00];
	[tilespmem:s26+$0x180] =	vst v2  }
0x253: {  	v12 =	vld [tilespmem:s26+$0xFFFFFE10];
	[tilespmem:s26+$0x190] =	vst v1  }
0x254: {  	v1 =	vld [tilespmem:s8+$0x190]  }
0x255: {  	v13 =	vld [tilespmem:s26+$0xFFFFFE80]  }
0x256: {  	v15 =	vld [tilespmem:s26+$0xFFFFFE90]  }
0x257: {  	v16 =	vld [tilespmem:s26+$0xFFFFFF80]  }
0x258: {  	v2 =	vld [tilespmem:s8+$0xFFFFFE00]  }
0x259: {  	v63 =	vld [tilespmem:s26+$0xFFFFFFF0];
	v14 =	vshll.u32 v1, $0x10  }
0x25a: {  	v7 =	vld [tilespmem:s8+$0x80];
	v1 =	vand.u32 $0xFFFF0000, v1;
	v9 =	vmul.f32 v14, v9  }
0x25b: {  	v3 =	vld [tilespmem:s8+$0x100];
	v1 =	vmul.f32 v1, v10  }
0x25c: {  	v14 =	vld [tilespmem:s26+$0xFFFFFF00];
	[tilespmem:s26+$0x1A0] =	vst v9  }
0x25d: {  	v10 =	vld [tilespmem:s26+$0xFFFFFF10];
	v9 =	vshll.u32 v2, $0x10;
	[tilespmem:s26+$0x1B0] =	vst v1  }
0x25e: {  	v1 =	vand.u32 $0xFFFF0000, v2;
	v2 =	vmul.f32 v9, v11;
	v9 =	vld [tilespmem:s8+$0x1A0]  }
0x25f: {  	v11 =	vshll.u32 v4, $0x10;
	v1 =	vmul.f32 v1, v12;
	v12 =	vld [tilespmem:s26+$0x1C0]  }
0x260: {  	v4 =	vand.u32 $0xFFFF0000, v4;
	[tilespmem:s26+$0xFFFFFE00] =	vst v2;
	v2 =	vmul.f32 v11, v13;
	v11 =	vld [tilespmem:s26+$0x1D0]  }
0x261: {  	[tilespmem:s26+$0xFFFFFE10] =	vst v1;
	v1 =	vmul.f32 v4, v15;
	v4 =	vld [tilespmem:s26+$0xFFFFFF90]  }
0x262: {  	v13 =	vshll.u32 v5, $0x10;
	v15 =	vld [tilespmem:s26+$0xFFFFFF20]  }
0x263: {  	v5 =	vand.u32 $0xFFFF0000, v5;
	[tilespmem:s26+$0xFFFFFE80] =	vst v2;
	v2 =	vmul.f32 v13, v14;
	v13 =	vld [tilespmem:s26+$0x0]  }
0x264: {  	[tilespmem:s26+$0xFFFFFE90] =	vst v1;
	v1 =	vmul.f32 v5, v10;
	v5 =	vld [tilespmem:s26+$0x10]  }
0x265: {  	v14 =	vld [tilespmem:s26+$0x80];
	v10 =	vshll.u32 v9, $0x10  }
0x266: {  	[tilespmem:s26+$0xFFFFFF00] =	vst v2;
	v2 =	vand.u32 $0xFFFF0000, v9;
	v9 =	vmul.f32 v10, v12;
	v10 =	vshll.u32 v6, $0x10;
	v12 =	vld [tilespmem:s26+$0x90]  }
0x267: {  	[tilespmem:s26+$0xFFFFFF10] =	vst v1;
	v1 =	vmul.f32 v2, v11;
	v2 =	vand.u32 $0xFFFF0000, v6;
	v6 =	vmul.f32 v10, v16;
	v10 =	vld [tilespmem:s26+$0x100]  }
0x268: {  	v11 =	vld [tilespmem:s26+$0xFFFFFE30]  }
0x269: {  	[tilespmem:s26+$0x1C0] =	vst v9;
	v9 =	vshll.u32 v8, $0x10;
	v2 =	vmul.f32 v2, v4;
	v4 =	vld [tilespmem:s26+$0x110];
	v8 =	vand.u32 $0xFFFF0000, v8  }
0x26a: {  	[tilespmem:s26+$0x1D0] =	vst v1;
	v5 =	vmul.f32 v8, v5;
	v8 =	vld [tilespmem:s8+$0xFFFFFE10]  }
0x26b: {  	[tilespmem:s26+$0xFFFFFF80] =	vst v6;
	v6 =	vmul.f32 v9, v13;
	v13 =	vld [tilespmem:s26+$0xFFFFFEB0]  }
0x26c: {  	v1 =	vld [tilespmem:s8+$0x1B0];
	[tilespmem:s26+$0xFFFFFF90] =	vst v2  }
0x26d: {  	v9 =	vshll.u32 v7, $0x10;
	v7 =	vand.u32 $0xFFFF0000, v7;
	v2 =	vld [tilespmem:s26+$0x1F0];
	[tilespmem:s26+$0x0] =	vst v6  }
0x26e: {  	v6 =	vmul.f32 v9, v14;
	[tilespmem:s26+$0x10] =	vst v5;
	v5 =	vmul.f32 v7, v12;
	v7 =	vld [tilespmem:s8+$0xFFFFFE90]  }
0x26f: {  	v9 =	vshll.u32 v3, $0x10;
	v12 =	vld [tilespmem:s26+$0xFFFFFEA0]  }
0x270: {  	[tilespmem:s26+$0x80] =	vst v6;
	v6 =	vmul.f32 v9, v10;
	v9 =	vld [tilespmem:s8+$0xFFFFFF10]  }
0x271: {  	v3 =	vand.u32 $0xFFFF0000, v3;
	v10 =	vld [tilespmem:s26+$0xFFFFFE20]  }
0x272: {  	v3 =	vmul.f32 v3, v4;
	v4 =	vld [tilespmem:s8+$0xFFFFFF90]  }
0x273: {  	[tilespmem:s26+$0x90] =	vst v5;
	v5 =	vld [tilespmem:s8+$0x10]  }
0x274: {  	v14 =	vshll.u32 v8, $0x10;
	v8 =	vand.u32 $0xFFFF0000, v8;
	[tilespmem:s26+$0x110] =	vst v3;
	v3 =	vld [tilespmem:s8+$0x90]  }
0x275: {  	v8 =	vmul.f32 v8, v11;
	v11 =	vld [tilespmem:s26+$0xFFFFFFA0]  }
0x276: {  	[tilespmem:s26+$0x100] =	vst v6;
	v10 =	vmul.f32 v14, v10;
	v14 =	vld [tilespmem:s26+$0xFFFFFF30]  }
0x277: {  	v6 =	vld [tilespmem:s8+$0x110];
	v59 =	vshll.u32 v7, $0x10;
	[tilespmem:s26+$0xFFFFFE30] =	vst v8  }
0x278: {  	v7 =	vand.u32 $0xFFFF0000, v7;
	v8 =	vld [tilespmem:s26+$0x20];
	[tilespmem:s26+$0xFFFFFE20] =	vst v10;
	v10 =	vmul.f32 v59, v12  }
0x279: {  	v7 =	vmul.f32 v7, v13;
	v13 =	vld [tilespmem:s26+$0x30];
	v60 =	vshll.u32 v9, $0x10  }
0x27a: {  	v9 =	vand.u32 $0xFFFF0000, v9;
	v12 =	vld [tilespmem:s26+$0xFFFFFFB0];
	[tilespmem:s26+$0xFFFFFEA0] =	vst v10;
	v10 =	vmul.f32 v60, v15  }
0x27b: {  	[tilespmem:s26+$0xFFFFFEB0] =	vst v7;
	v15 =	vshll.u32 v4, $0x10;
	v7 =	vmul.f32 v9, v14;
	v9 =	vld [tilespmem:s26+$0xA0]  }
0x27c: {  	v14 =	vshll.u32 v5, $0x10;
	[tilespmem:s26+$0xFFFFFF20] =	vst v10;
	v10 =	vmul.f32 v15, v11;
	v11 =	vld [tilespmem:s26+$0xB0]  }
0x27d: {  	v8 =	vmul.f32 v14, v8;
	v14 =	vld [tilespmem:s8+$0xFFFFFE20]  }
0x27e: {  	v4 =	vand.u32 $0xFFFF0000, v4;
	v15 =	vld [tilespmem:s26+$0xFFFFFF40]  }
0x27f: {  	[tilespmem:s26+$0xFFFFFF30] =	vst v7;
	v4 =	vmul.f32 v4, v12;
	v7 =	vld [tilespmem:s26+$0x120]  }
0x280: {  	v5 =	vand.u32 $0xFFFF0000, v5;
	[tilespmem:s26+$0xFFFFFFA0] =	vst v10;
	v10 =	vld [tilespmem:s26+$0x130]  }
0x281: {  	v12 =	vshll.u32 v3, $0x10;
	[tilespmem:s26+$0xFFFFFFB0] =	vst v4;
	v4 =	vmul.f32 v5, v13;
	v5 =	vld [tilespmem:s8+$0xFFFFFEA0]  }
0x282: {  	[tilespmem:s26+$0x20] =	vst v8;
	v8 =	vmul.f32 v12, v9;
	v12 =	vld [tilespmem:s8+$0xFFFFFF20]  }
0x283: {  	v3 =	vand.u32 $0xFFFF0000, v3;
	v9 =	vshll.u32 v6, $0x10;
	[tilespmem:s26+$0x30] =	vst v4;
	v4 =	vand.u32 $0xFFFF0000, v6;
	v6 =	vld [tilespmem:s8+$0xFFFFFFA0]  }
0x284: {  	v3 =	vmul.f32 v3, v11;
	v11 =	vld [tilespmem:s26+$0xFFFFFED0];
	v7 =	vmul.f32 v9, v7  }
0x285: {  	[tilespmem:s26+$0xA0] =	vst v8;
	v8 =	vld [tilespmem:s8+$0x20]  }
0x286: {  	[tilespmem:s26+$0x120] =	vst v7;
	v7 =	vld [tilespmem:s26+$0xFFFFFE40]  }
0x287: {  	v9 =	vld [tilespmem:s26+$0xFFFFFE50];
	[tilespmem:s26+$0xB0] =	vst v3;
	v3 =	vmul.f32 v4, v10  }
0x288: {  	v10 =	vld [tilespmem:s26+$0xFFFFFEC0]  }
0x289: {  	v4 =	vld [tilespmem:s8+$0xA0];
	[tilespmem:s26+$0x130] =	vst v3  }
0x28a: {  	v13 =	vshll.u32 v14, $0x10;
	v61 =	vshll.u32 v5, $0x10;
	v5 =	vand.u32 $0xFFFF0000, v5;
	v3 =	vld [tilespmem:s8+$0x120]  }
0x28b: {  	v5 =	vmul.f32 v5, v11;
	v7 =	vmul.f32 v13, v7;
	v13 =	vld [tilespmem:s26+$0xFFFFFF50]  }
0x28c: {  	v14 =	vand.u32 $0xFFFF0000, v14;
	v62 =	vshll.u32 v12, $0x10;
	v11 =	vand.u32 $0xFFFF0000, v12;
	v12 =	vld [tilespmem:s26+$0x50]  }
0x28d: {  	v9 =	vmul.f32 v14, v9;
	v14 =	vld [tilespmem:s26+$0xFFFFFFC0];
	[tilespmem:s26+$0xFFFFFED0] =	vst v5  }
0x28e: {  	[tilespmem:s26+$0xFFFFFE40] =	vst v7;
	v7 =	vmul.f32 v61, v10;
	v10 =	vld [tilespmem:s26+$0xFFFFFFD0]  }
0x28f: {  	[tilespmem:s26+$0xFFFFFE50] =	vst v9;
	v9 =	vld [tilespmem:s26+$0x40]  }
0x290: {  	[tilespmem:s26+$0xFFFFFEC0] =	vst v7;
	v7 =	vmul.f32 v62, v15;
	v5 =	vmul.f32 v11, v13;
	v11 =	vld [tilespmem:s26+$0xC0]  }
0x291: {  	v15 =	vshll.u32 v6, $0x10;
	v13 =	vld [tilespmem:s26+$0xD0]  }
0x292: {  	v6 =	vand.u32 $0xFFFF0000, v6;
	[tilespmem:s26+$0xFFFFFF40] =	vst v7;
	v7 =	vmul.f32 v15, v14;
	v15 =	vld [tilespmem:s26+$0xFFFFFF60]  }
0x293: {  	v14 =	vshll.u32 v8, $0x10;
	[tilespmem:s26+$0xFFFFFF50] =	vst v5;
	v5 =	vmul.f32 v6, v10;
	v6 =	vld [tilespmem:s26+$0x140]  }
0x294: {  	[tilespmem:s26+$0xFFFFFFC0] =	vst v7;
	v7 =	vmul.f32 v14, v9;
	v9 =	vld [tilespmem:s26+$0x150]  }
0x295: {  	v8 =	vand.u32 $0xFFFF0000, v8;
	v14 =	vld [tilespmem:s8+$0xFFFFFE30]  }
0x296: {  	v10 =	vshll.u32 v4, $0x10;
	[tilespmem:s26+$0xFFFFFFD0] =	vst v5;
	v5 =	vmul.f32 v8, v12;
	v8 =	vld [tilespmem:s8+$0xFFFFFEB0]  }
0x297: {  	v4 =	vand.u32 $0xFFFF0000, v4;
	[tilespmem:s26+$0x40] =	vst v7;
	v7 =	vmul.f32 v10, v11;
	v10 =	vshll.u32 v3, $0x10;
	v11 =	vld [tilespmem:s8+$0xFFFFFF30]  }
0x298: {  	v4 =	vmul.f32 v4, v13;
	v3 =	vand.u32 $0xFFFF0000, v3;
	v13 =	vld [tilespmem:s26+$0xFFFFFEF0];
	v6 =	vmul.f32 v10, v6  }
0x299: {  	[tilespmem:s26+$0x50] =	vst v5;
	v5 =	vld [tilespmem:s8+$0xFFFFFFB0];
	v3 =	vmul.f32 v3, v9  }
0x29a: {  	[tilespmem:s26+$0x140] =	vst v6;
	v6 =	vld [tilespmem:s26+$0xFFFFFE60]  }
0x29b: {  	[tilespmem:s26+$0x150] =	vst v3;
	v3 =	vld [tilespmem:s26+$0xFFFFFE70]  }
0x29c: {  	[tilespmem:s26+$0xC0] =	vst v7;
	v7 =	vld [tilespmem:s26+$0xFFFFFEE0]  }
0x29d: {  	v10 =	vld [tilespmem:s8+$0x30];
	[tilespmem:s26+$0xD0] =	vst v4;
	v9 =	vand.u32 $0xFFFF0000, v1  }
0x29e: {  	v4 =	vld [tilespmem:s8+$0xB0];
	v2 =	vmul.f32 v9, v2;
	v9 =	vshll.u32 v14, $0x10  }
0x29f: {  	v14 =	vand.u32 $0xFFFF0000, v14;
	v6 =	vmul.f32 v9, v6;
	v9 =	vld [tilespmem:s26+$0xFFFFFF70]  }
0x2a0: {  	[tilespmem:s26+$0x1F0] =	vst v2;
	v2 =	vshll.u32 v8, $0x10;
	v3 =	vmul.f32 v14, v3;
	v14 =	vld [tilespmem:s26+$0xFFFFFFE0]  }
0x2a1: {  	v12 =	vld [tilespmem:s8+$0x130];
	v8 =	vand.u32 $0xFFFF0000, v8;
	v2 =	vmul.f32 v2, v7;
	[tilespmem:s26+$0xFFFFFE60] =	vst v6  }
0x2a2: {  	v6 =	vshll.u32 v11, $0x10;
	[tilespmem:s26+$0xFFFFFE70] =	vst v3;
	v3 =	vmul.f32 v8, v13;
	v13 =	vld [tilespmem:s26+$0x60]  }
0x2a3: {  	v7 =	vand.u32 $0xFFFF0000, v11;
	[tilespmem:s26+$0xFFFFFEE0] =	vst v2;
	v11 =	vld [tilespmem:s26+$0x70];
	v2 =	vmul.f32 v6, v15  }
0x2a4: {  	v8 =	vshll.u32 v5, $0x10;
	v6 =	vld [tilespmem:s26+$0xE0];
	v5 =	vand.u32 $0xFFFF0000, v5;
	[tilespmem:s26+$0xFFFFFEF0] =	vst v3;
	v3 =	vmul.f32 v7, v9  }
0x2a5: {  	v15 =	vmul.f32 v5, v63;
	v5 =	vshll.u32 v4, $0x10;
	[tilespmem:s26+$0xFFFFFF60] =	vst v2;
	v7 =	vld [tilespmem:s26+$0xF0];
	v2 =	vmul.f32 v8, v14  }
0x2a6: {  	v14 =	vshll.u32 v10, $0x10;
	v10 =	vand.u32 $0xFFFF0000, v10;
	v8 =	vld [tilespmem:s26+$0x160];
	[tilespmem:s26+$0xFFFFFF70] =	vst v3;
	v3 =	vand.u32 $0xFFFF0000, v4  }
0x2a7: {  	v9 =	vld [tilespmem:s26+$0x170];
	v4 =	vshll.u32 v12, $0x10;
	[tilespmem:s26+$0xFFFFFFE0] =	vst v2;
	v2 =	vand.u32 $0xFFFF0000, v12;
	v12 =	vmul.f32 v14, v13  }
0x2a8: {  	s23 =	simm.s32 $0x5800;
	s28 =	simm.s32 $0x400;
	v1 =	vshll.u32 v1, $0x10;
	s8 =	simm.s32 $0x0;
	[tilespmem:s26+$0xFFFFFFF0] =	vst v15;
	v11 =	vmul.f32 v10, v11;
	v10 =	vld [tilespmem:s26+$0x1E0]  }
.LBB2_10:
0x2a9: {  	v13 =	vld [tilespmem:s23+$0x180];
	[tilespmem:s26+$0x60] =	vst v12;
	v5 =	vmul.f32 v5, v6;
	s28 =	sadd.s32 $0x400, s28  }
0x2aa: {  	v6 =	vld [tilespmem:s28+$0x180];
	[tilespmem:s26+$0x70] =	vst v11;
	v3 =	vmul.f32 v3, v7  }
0x2ab: {  	v7 =	vld [tilespmem:s28+$0x190];
	[tilespmem:s26+$0xE0] =	vst v5;
	v4 =	vmul.f32 v4, v8  }
0x2ac: {  	s8 =	sadd.s32 $0x8, s8;
	v5 =	vld [tilespmem:s23+$0xFFFFFE80];
	[tilespmem:s26+$0xF0] =	vst v3;
	v2 =	vmul.f32 v2, v9  }
0x2ad: {  	p3 =	slt.u32 s8, $0x48;
	v3 =	vld [tilespmem:s23+$0xFFFFFF00];
	[tilespmem:s26+$0x160] =	vst v4;
	v1 =	vmul.f32 v1, v10  }
0x2ae: {  	v4 =	vld [tilespmem:s23+$0xFFFFFF80];
	v8 =	vshll.u32 v13, $0x10;
	[tilespmem:s26+$0x170] =	vst v2  }
0x2af: {  	v9 =	vand.u32 $0xFFFF0000, v13;
	v2 =	vld [tilespmem:s23+$0x0];
	v6 =	vmul.f32 v8, v6;
	[tilespmem:s26+$0x1E0] =	vst v1;
	s26 =	smov.u32 s28  }
0x2b0: {  	v1 =	vld [tilespmem:s23+$0x80];
	v7 =	vmul.f32 v9, v7  }
0x2b1: {  	v8 =	vshll.u32 v5, $0x10;
	v5 =	vand.u32 $0xFFFF0000, v5;
	v9 =	vld [tilespmem:s23+$0x100];
	[tilespmem:s28+$0x180] =	vst v6  }
0x2b2: {  	v6 =	vld [tilespmem:s23+$0xFFFFFE00];
	v10 =	vshll.u32 v3, $0x10;
	v3 =	vand.u32 $0xFFFF0000, v3;
	[tilespmem:s28+$0x190] =	vst v7  }
0x2b3: {  	v7 =	vshll.u32 v4, $0x10;
	v4 =	vand.u32 $0xFFFF0000, v4;
	v11 =	vld [tilespmem:s23+$0x190]  }
0x2b4: {  	v12 =	vshll.u32 v2, $0x10;
	v2 =	vand.u32 $0xFFFF0000, v2;
	v13 =	vld [tilespmem:s28+$0x1A0]  }
0x2b5: {  	v14 =	vshll.u32 v1, $0x10;
	v1 =	vand.u32 $0xFFFF0000, v1;
	v15 =	vld [tilespmem:s28+$0x1B0]  }
0x2b6: {  	v16 =	vld [tilespmem:s28+$0xFFFFFE00];
	v17 =	vshll.u32 v9, $0x10;
	v9 =	vand.u32 $0xFFFF0000, v9  }
0x2b7: {  	v18 =	vshll.u32 v6, $0x10;
	v6 =	vand.u32 $0xFFFF0000, v6;
	v19 =	vld [tilespmem:s28+$0xFFFFFE10]  }
0x2b8: {  	v20 =	vld [tilespmem:s28+$0xFFFFFE80];
	v21 =	vshll.u32 v11, $0x10  }
0x2b9: {  	v11 =	vand.u32 $0xFFFF0000, v11;
	v22 =	vld [tilespmem:s28+$0xFFFFFE90];
	v13 =	vmul.f32 v21, v13  }
0x2ba: {  	v21 =	vld [tilespmem:s28+$0xFFFFFF00];
	v11 =	vmul.f32 v11, v15  }
0x2bb: {  	v15 =	vmul.f32 v18, v16;
	v16 =	vld [tilespmem:s28+$0xFFFFFF10];
	[tilespmem:s28+$0x1A0] =	vst v13  }
0x2bc: {  	v6 =	vmul.f32 v6, v19;
	v13 =	vld [tilespmem:s28+$0xFFFFFF80];
	[tilespmem:s28+$0x1B0] =	vst v11  }
0x2bd: {  	[tilespmem:s28+$0xFFFFFE00] =	vst v15;
	v8 =	vmul.f32 v8, v20;
	v11 =	vld [tilespmem:s23+$0x1A0]  }
0x2be: {  	[tilespmem:s28+$0xFFFFFE10] =	vst v6;
	v5 =	vmul.f32 v5, v22;
	v6 =	vld [tilespmem:s28+$0x1C0]  }
0x2bf: {  	[tilespmem:s28+$0xFFFFFE80] =	vst v8;
	v8 =	vmul.f32 v10, v21;
	v10 =	vld [tilespmem:s28+$0x1D0]  }
0x2c0: {  	[tilespmem:s28+$0xFFFFFE90] =	vst v5;
	v3 =	vmul.f32 v3, v16;
	v5 =	vld [tilespmem:s28+$0xFFFFFF90]  }
0x2c1: {  	[tilespmem:s28+$0xFFFFFF00] =	vst v8;
	v7 =	vmul.f32 v7, v13;
	v8 =	vld [tilespmem:s28+$0x0]  }
0x2c2: {  	[tilespmem:s28+$0xFFFFFF10] =	vst v3;
	v3 =	vld [tilespmem:s28+$0x10];
	v13 =	vshll.u32 v11, $0x10  }
0x2c3: {  	v11 =	vand.u32 $0xFFFF0000, v11;
	[tilespmem:s28+$0xFFFFFF80] =	vst v7;
	v7 =	vld [tilespmem:s28+$0x80];
	v6 =	vmul.f32 v13, v6  }
0x2c4: {  	v13 =	vld [tilespmem:s28+$0x90];
	v10 =	vmul.f32 v11, v10  }
0x2c5: {  	v4 =	vmul.f32 v4, v5;
	v5 =	vld [tilespmem:s28+$0x100];
	[tilespmem:s28+$0x1C0] =	vst v6  }
0x2c6: {  	v6 =	vmul.f32 v12, v8;
	v8 =	vld [tilespmem:s28+$0x110];
	[tilespmem:s28+$0x1D0] =	vst v10  }
0x2c7: {  	[tilespmem:s28+$0xFFFFFF90] =	vst v4;
	v2 =	vmul.f32 v2, v3;
	v3 =	vld [tilespmem:s23+$0x1B0]  }
0x2c8: {  	[tilespmem:s28+$0x0] =	vst v6;
	v4 =	vmul.f32 v14, v7;
	v6 =	vld [tilespmem:s28+$0x1F0]  }
0x2c9: {  	v7 =	vld [tilespmem:s23+$0xFFFFFE10];
	[tilespmem:s28+$0x10] =	vst v2;
	v1 =	vmul.f32 v1, v13  }
0x2ca: {  	v2 =	vld [tilespmem:s23+$0xFFFFFE90];
	[tilespmem:s28+$0x80] =	vst v4;
	v4 =	vmul.f32 v17, v5  }
0x2cb: {  	v5 =	vld [tilespmem:s23+$0xFFFFFF10];
	[tilespmem:s28+$0x90] =	vst v1;
	v8 =	vmul.f32 v9, v8  }
0x2cc: {  	v9 =	vld [tilespmem:s23+$0xFFFFFF90];
	[tilespmem:s28+$0x100] =	vst v4;
	v1 =	vshll.u32 v3, $0x10;
	v3 =	vand.u32 $0xFFFF0000, v3  }
0x2cd: {  	v4 =	vld [tilespmem:s23+$0x10];
	[tilespmem:s28+$0x110] =	vst v8;
	v3 =	vmul.f32 v3, v6  }
0x2ce: {  	v6 =	vshll.u32 v7, $0x10;
	v7 =	vand.u32 $0xFFFF0000, v7;
	v8 =	vld [tilespmem:s23+$0x90]  }
0x2cf: {  	v10 =	vshll.u32 v2, $0x10;
	v2 =	vand.u32 $0xFFFF0000, v2;
	v11 =	vld [tilespmem:s23+$0x110];
	[tilespmem:s28+$0x1F0] =	vst v3  }
0x2d0: {  	v3 =	vld [tilespmem:s28+$0xFFFFFE20];
	v12 =	vshll.u32 v5, $0x10;
	v5 =	vand.u32 $0xFFFF0000, v5  }
0x2d1: {  	v13 =	vld [tilespmem:s28+$0xFFFFFE30];
	v14 =	vshll.u32 v9, $0x10;
	v9 =	vand.u32 $0xFFFF0000, v9  }
0x2d2: {  	v15 =	vld [tilespmem:s28+$0xFFFFFEA0];
	v16 =	vshll.u32 v4, $0x10;
	v4 =	vand.u32 $0xFFFF0000, v4  }
0x2d3: {  	v17 =	vld [tilespmem:s28+$0xFFFFFEB0];
	v18 =	vshll.u32 v8, $0x10;
	v8 =	vand.u32 $0xFFFF0000, v8  }
0x2d4: {  	v19 =	vld [tilespmem:s28+$0xFFFFFF20];
	v20 =	vshll.u32 v11, $0x10;
	v11 =	vand.u32 $0xFFFF0000, v11  }
0x2d5: {  	v3 =	vmul.f32 v6, v3;
	v6 =	vld [tilespmem:s28+$0xFFFFFF30]  }
0x2d6: {  	v7 =	vmul.f32 v7, v13;
	v13 =	vld [tilespmem:s28+$0xFFFFFFA0]  }
0x2d7: {  	[tilespmem:s28+$0xFFFFFE20] =	vst v3;
	v3 =	vmul.f32 v10, v15;
	v10 =	vld [tilespmem:s28+$0xFFFFFFB0]  }
0x2d8: {  	[tilespmem:s28+$0xFFFFFE30] =	vst v7;
	v2 =	vmul.f32 v2, v17;
	v7 =	vld [tilespmem:s28+$0x20]  }
0x2d9: {  	[tilespmem:s28+$0xFFFFFEA0] =	vst v3;
	v3 =	vmul.f32 v12, v19;
	v12 =	vld [tilespmem:s28+$0x30]  }
0x2da: {  	[tilespmem:s28+$0xFFFFFEB0] =	vst v2;
	v2 =	vmul.f32 v5, v6;
	v5 =	vld [tilespmem:s28+$0xA0]  }
0x2db: {  	[tilespmem:s28+$0xFFFFFF20] =	vst v3;
	v3 =	vmul.f32 v14, v13;
	v6 =	vld [tilespmem:s28+$0xB0]  }
0x2dc: {  	[tilespmem:s28+$0xFFFFFF30] =	vst v2;
	v2 =	vmul.f32 v9, v10;
	v9 =	vld [tilespmem:s28+$0x120]  }
0x2dd: {  	[tilespmem:s28+$0xFFFFFFA0] =	vst v3;
	v3 =	vmul.f32 v16, v7;
	v7 =	vld [tilespmem:s28+$0x130]  }
0x2de: {  	v10 =	vld [tilespmem:s23+$0xFFFFFE20];
	[tilespmem:s28+$0xFFFFFFB0] =	vst v2;
	v2 =	vmul.f32 v4, v12  }
0x2df: {  	v4 =	vld [tilespmem:s23+$0xFFFFFEA0];
	[tilespmem:s28+$0x20] =	vst v3;
	v3 =	vmul.f32 v18, v5  }
0x2e0: {  	v5 =	vld [tilespmem:s23+$0xFFFFFF20];
	[tilespmem:s28+$0x30] =	vst v2;
	v2 =	vmul.f32 v8, v6  }
0x2e1: {  	v6 =	vld [tilespmem:s23+$0xFFFFFFA0];
	[tilespmem:s28+$0xA0] =	vst v3;
	v3 =	vmul.f32 v20, v9  }
0x2e2: {  	v8 =	vld [tilespmem:s23+$0x20];
	[tilespmem:s28+$0xB0] =	vst v2;
	v2 =	vmul.f32 v11, v7  }
0x2e3: {  	v7 =	vshll.u32 v10, $0x10;
	v9 =	vand.u32 $0xFFFF0000, v10;
	v10 =	vld [tilespmem:s23+$0xA0];
	[tilespmem:s28+$0x120] =	vst v3  }
0x2e4: {  	v3 =	vld [tilespmem:s28+$0xFFFFFE40];
	v11 =	vshll.u32 v4, $0x10;
	v4 =	vand.u32 $0xFFFF0000, v4;
	[tilespmem:s28+$0x130] =	vst v2  }
0x2e5: {  	v2 =	vshll.u32 v5, $0x10;
	v5 =	vand.u32 $0xFFFF0000, v5;
	v12 =	vld [tilespmem:s23+$0x120]  }
0x2e6: {  	v13 =	vld [tilespmem:s28+$0xFFFFFE50];
	v14 =	vshll.u32 v6, $0x10;
	v6 =	vand.u32 $0xFFFF0000, v6  }
0x2e7: {  	v15 =	vld [tilespmem:s28+$0xFFFFFEC0];
	v16 =	vshll.u32 v8, $0x10;
	v8 =	vand.u32 $0xFFFF0000, v8  }
0x2e8: {  	v17 =	vld [tilespmem:s28+$0xFFFFFED0];
	v18 =	vshll.u32 v10, $0x10;
	v10 =	vand.u32 $0xFFFF0000, v10  }
0x2e9: {  	v3 =	vmul.f32 v7, v3;
	v7 =	vld [tilespmem:s28+$0xFFFFFF40]  }
0x2ea: {  	v19 =	vld [tilespmem:s28+$0xFFFFFF50];
	v20 =	vshll.u32 v12, $0x10;
	v12 =	vand.u32 $0xFFFF0000, v12  }
0x2eb: {  	[tilespmem:s28+$0xFFFFFE40] =	vst v3;
	v3 =	vmul.f32 v9, v13;
	v9 =	vld [tilespmem:s28+$0xFFFFFFC0]  }
0x2ec: {  	v11 =	vmul.f32 v11, v15;
	v13 =	vld [tilespmem:s28+$0xFFFFFFD0]  }
0x2ed: {  	[tilespmem:s28+$0xFFFFFE50] =	vst v3;
	v3 =	vmul.f32 v4, v17;
	v4 =	vld [tilespmem:s28+$0x40]  }
0x2ee: {  	[tilespmem:s28+$0xFFFFFEC0] =	vst v11;
	v2 =	vmul.f32 v2, v7;
	v7 =	vld [tilespmem:s28+$0x50]  }
0x2ef: {  	[tilespmem:s28+$0xFFFFFED0] =	vst v3;
	v3 =	vmul.f32 v5, v19;
	v5 =	vld [tilespmem:s28+$0xC0]  }
0x2f0: {  	[tilespmem:s28+$0xFFFFFF40] =	vst v2;
	v2 =	vmul.f32 v14, v9;
	v9 =	vld [tilespmem:s28+$0xD0]  }
0x2f1: {  	[tilespmem:s28+$0xFFFFFF50] =	vst v3;
	v3 =	vmul.f32 v6, v13;
	v6 =	vld [tilespmem:s28+$0x140]  }
0x2f2: {  	[tilespmem:s28+$0xFFFFFFC0] =	vst v2;
	v2 =	vmul.f32 v16, v4;
	v4 =	vld [tilespmem:s28+$0x150]  }
0x2f3: {  	v11 =	vld [tilespmem:s23+$0xFFFFFE30];
	[tilespmem:s28+$0xFFFFFFD0] =	vst v3;
	v3 =	vmul.f32 v8, v7  }
0x2f4: {  	v7 =	vld [tilespmem:s23+$0xFFFFFEB0];
	[tilespmem:s28+$0x40] =	vst v2;
	v2 =	vmul.f32 v18, v5  }
0x2f5: {  	v5 =	vld [tilespmem:s23+$0xFFFFFF30];
	[tilespmem:s28+$0x50] =	vst v3;
	v3 =	vmul.f32 v10, v9  }
0x2f6: {  	v8 =	vld [tilespmem:s23+$0xFFFFFFB0];
	[tilespmem:s28+$0xC0] =	vst v2;
	v2 =	vmul.f32 v20, v6  }
0x2f7: {  	v6 =	vld [tilespmem:s23+$0x30];
	[tilespmem:s28+$0xD0] =	vst v3;
	v3 =	vmul.f32 v12, v4  }
0x2f8: {  	v4 =	vshll.u32 v11, $0x10;
	v9 =	vand.u32 $0xFFFF0000, v11;
	v10 =	vld [tilespmem:s23+$0xB0];
	[tilespmem:s28+$0x140] =	vst v2  }
0x2f9: {  	v2 =	vld [tilespmem:s28+$0xFFFFFE60];
	v11 =	vshll.u32 v7, $0x10;
	v7 =	vand.u32 $0xFFFF0000, v7;
	[tilespmem:s28+$0x150] =	vst v3  }
0x2fa: {  	v12 =	vshll.u32 v5, $0x10;
	v13 =	vand.u32 $0xFFFF0000, v5;
	v14 =	vld [tilespmem:s23+$0x130]  }
0x2fb: {  	v15 =	vld [tilespmem:s28+$0xFFFFFE70];
	v16 =	vshll.u32 v8, $0x10;
	v8 =	vand.u32 $0xFFFF0000, v8  }
0x2fc: {  	v17 =	vld [tilespmem:s28+$0xFFFFFEE0];
	v18 =	vshll.u32 v6, $0x10;
	v19 =	vand.u32 $0xFFFF0000, v6  }
0x2fd: {  	v6 =	vld [tilespmem:s28+$0xFFFFFEF0];
	v5 =	vshll.u32 v10, $0x10;
	v3 =	vand.u32 $0xFFFF0000, v10  }
0x2fe: {  	v10 =	vmul.f32 v4, v2;
	v20 =	vld [tilespmem:s28+$0xFFFFFF60]  }
0x2ff: {  	v21 =	vld [tilespmem:s28+$0xFFFFFF70];
	v4 =	vshll.u32 v14, $0x10;
	v2 =	vand.u32 $0xFFFF0000, v14  }
0x300: {  	[tilespmem:s28+$0xFFFFFE60] =	vst v10;
	v9 =	vmul.f32 v9, v15;
	v10 =	vld [tilespmem:s28+$0xFFFFFFE0]  }
0x301: {  	v11 =	vmul.f32 v11, v17;
	v14 =	vld [tilespmem:s28+$0xFFFFFFF0]  }
0x302: {  	[tilespmem:s28+$0xFFFFFE70] =	vst v9;
	v6 =	vmul.f32 v7, v6;
	v9 =	vld [tilespmem:s28+$0x60]  }
0x303: {  	[tilespmem:s28+$0xFFFFFEE0] =	vst v11;
	v7 =	vmul.f32 v12, v20;
	v11 =	vld [tilespmem:s28+$0x70]  }
.Ltmp6:
0x304: {  	[tilespmem:s28+$0xFFFFFEF0] =	vst v6;
	v12 =	vmul.f32 v13, v21;
	v6 =	vld [tilespmem:s28+$0xE0];
	(pc) =	sbr.rel @p3 .LBB2_10-.Ltmp6, $4  }
0x305: {  	[tilespmem:s28+$0xFFFFFF60] =	vst v7;
	v10 =	vmul.f32 v16, v10;
	v7 =	vld [tilespmem:s28+$0xF0]  }
0x306: {  	[tilespmem:s28+$0xFFFFFF70] =	vst v12;
	v13 =	vmul.f32 v8, v14;
	v8 =	vld [tilespmem:s28+$0x160]  }
0x307: {  	[tilespmem:s28+$0xFFFFFFE0] =	vst v10;
	v12 =	vmul.f32 v18, v9;
	v9 =	vld [tilespmem:s28+$0x170]  }
0x308: {  	s23 =	sadd.s32 $0x400, s23;
	[tilespmem:s28+$0xFFFFFFF0] =	vst v13;
	v11 =	vmul.f32 v19, v11;
	v10 =	vld [tilespmem:s28+$0x1E0]  }
0x309: {  	[tilespmem:s26+$0x60] =	vst v12;
	v5 =	vmul.f32 v5, v6  }
0x30a: {  	[tilespmem:s26+$0x70] =	vst v11;
	v3 =	vmul.f32 v3, v7  }
0x30b: {  	[tilespmem:s26+$0xE0] =	vst v5;
	v4 =	vmul.f32 v4, v8  }
0x30c: {  	[tilespmem:s26+$0xF0] =	vst v3;
	v2 =	vmul.f32 v2, v9  }
0x30d: {  	[tilespmem:s26+$0x160] =	vst v4;
	v1 =	vmul.f32 v1, v10  }
0x30e: {  	[tilespmem:s26+$0x170] =	vst v2  }
0x30f: {  	s8 =	simm.s32 $0x6;
	[tilespmem:s26+$0x1E0] =	vst v1  }
0x310: {  	[spmem:s1] =	stream.indirect.scatter.add.f32 [tilespmem:s9], [sflag:$0x5], $0x80, s17, s4, $0xb8;
	[tilespmem:$0x1F280] =	vst v63  }
0x311: {  	_ =	swait.ge [sflag:s8], $0x2800  }
0x312: {  	[sflag:s8] =	ssyncset.done $0x0  }
0x313: {  	[sflag:s8] =	ssyncadd.s32 $0xFFFFD800  }
0x314: {  	_ =	swait.ge [sflag:s18], $0x2800  }
.Ltmp7:
0x315: {  	[sflag:s18] =	ssyncset.done $0x0;
	(pc) =	sbr.rel @!p1 .LBB2_12-.Ltmp7, $4  }
0x316: {  	[sflag:s18] =	ssyncadd.s32 $0xFFFFD800  }
0x317: {  	s31 =	stileid.u32;
	[bflag:$0x0] =	sbarrier.arrive $0xFFFF  }
0x318: {  	s26 =	sshll.u32 s31, $0x6;
	s28 =	rddreg [dreg:$0x5]  }
0x319: {  	s8 =	sor.u32 $0x1C0A, s26;
	s23 =	sshrl.u32 s28, $0x3  }
0x31a: {  	s8 =	sor.u32 $0x1C0A, s26;
	s30 =	rddreg [dreg:$0x12]  }
0x31b: {  	[hbm:s30], [sflag:s8] =	dma.local [spmem:s23], $0x2700  }
.Ltmp8:
0x31c: {  	_ = 	snop;
	(pc) =	sbr.rel @p0 .LBB2_15-.Ltmp8, $4  }
.Ltmp9:
0x31d: {  	s31 =	simm.s32 $0xA;
	(pc) =	sbr.rel @!p0 .LBB2_14-.Ltmp9, $4  }
0x31e: {  	_ =	swait.ge [sflag:s31], $0x2700  }
0x31f: {  	[sflag:s31] =	ssyncset.done $0x0;
	s23 =	rddreg [dreg:$0x4]  }
0x320: {  	s29 =	rddreg [dreg:$0x19];
	[sflag:s31] =	ssyncadd.s32 $0xFFFFD900  }
0x321: {  	_ = 	snop  }
.LBB2_12:
0x322: {  	s26 =	rddreg [dreg:$0x11]  }
0x323: {  	[hbm:s26], [sflag:s8] =	dma.local [spmem:s23], $0x2700  }
.Ltmp10:
0x324: {  	_ = 	snop;
	(pc) =	sbr.rel @!p2 .LBB2_15-.Ltmp10, $4  }
.Ltmp11:
0x325: {  	s31 =	simm.s32 $0xA;
	(pc) =	sbr.rel @p2 .LBB2_14-.Ltmp11, $4  }
0x326: {  	_ =	swait.ge [sflag:s31], $0x2700  }
0x327: {  	[sflag:s31] =	ssyncset.done $0x0;
	s23 =	rddreg [dreg:$0x3]  }
0x328: {  	s29 =	rddreg [dreg:$0x19];
	[sflag:s31] =	ssyncadd.s32 $0xFFFFD900  }
0x329: {  	_ = 	snop  }
.LBB2_16:
0x32a: {  	_ =	sfence.sel $0x180000  }
0x32b: {  	[bflag:$0x0] =	sbarrier.arrive $0xFFFF  }
0x32c: {  	_ =	strace $0x90000047  }
0x32d: {  	[bflag:$0x2] =	sbarrier.arrive $0xFFFF  }
0x32e: {  	s0 =	rddreg [dreg:$0x2]  }
0x32f: {  	s0 =	sadd.s32 @!p0 $0x100000, s0  }
0x330: {  	[sflag:s0] =	ssyncadd.tile.s32 @!p0 $0x1;
	_ =	shalt  }
.Lfunc_end2:
_tile_overlayer_lowered:
.L_overlay_start_2:
0x331: {  	(tag) =	ssettag $0x2  }
0x332: {  	s0 =	rddreg [dreg:$0x0];
	s2 =	stileid.u32  }
0x333: {  	s1 =	rddreg [dreg:$0x1];
	p0 =	sne.s32 s2, $0x0  }
0x334: {  	s3 =	rddreg [dreg:$0x2];
	[bflag:$0x3] =	sbarrier.arrive $0xFFFF;
	s2 =	simm.s32 @!p0 $0x1C0A  }
0x335: {  	[timem:s3], [sflag:s2] =	dma.local @!p0 [hbm:s0], s1  }
0x336: {  	s0 =	simm.s32 @!p0 $0xA  }
0x337: {  	_ =	swait.ge @!p0 [sflag:s0], s1  }
0x338: {  	s1 =	ssub.s32 @!p0 $0x0, s1;
	[sflag:s0] =	ssyncset.done @!p0 $0x0  }
0x339: {  	[sflag:s0] =	ssyncadd.s32 @!p0 s1  }
0x33a: {  	[bflag:$0x3] =	sbarrier.arrive $0xFFFF  }
0x33b: {  	_ =	shalt  }

// kernel: kernel.8.cloned.1.call-start
scs
__scs_entry_jumppad:
0x0: {  	(pc) =	sbr.rel $0x88, $3  }
0x1: {  	(tag) =	ssettag $0x0;
	lr =	simm.s32 $0x1  }
0x2: {  	[smem:$0x3F8C] =	sst lr;
	_ =	strace $0xD0000000  }
0x3: {  	_ = 	snop  }
0x4: {  	_ = 	snop  }
0x5: {  	_ = 	snop  }
0x6: {  	_ = 	snop  }
0x7: {  	_ = 	snop  }
__scs_overlays_trampoline_lowered:
0x8: {  	[smem:$0x3F9B] =	sst s0  }
0x9: {  	[smem:$0x3F9C] =	sst s1  }
0xa: {  	[smem:$0x3F9D] =	sst s2  }
0xb: {  	[smem:$0x3F9E] =	sst s3  }
0xc: {  	[smem:$0x3F9F] =	sst s4  }
0xd: {  	[smem:$0x3FA0] =	sst s5  }
0xe: {  	[smem:$0x3FA1] =	sst s6  }
0xf: {  	[smem:$0x3FA2] =	sst s7  }
0x10: {  	[smem:$0x3FA3] =	sst s8  }
0x11: {  	[smem:$0x3FA4] =	sst s9;
	s0 =	simm.s32 @!p0 $0x0  }
0x12: {  	s1 =	sld [smem:$0x3F8A];
	s0 =	simm.s32 @p0 $0x1  }
0x13: {  	[smem:$0x3FA5] =	sst s0;
	s0 =	simm.s32 @!p1 $0x0  }
0x14: {  	s2 =	sld [smem:$0x3F89];
	s0 =	simm.s32 @p1 $0x1  }
0x15: {  	[smem:$0x3FA6] =	sst s0;
	s0 =	simm.s32 @!p2 $0x0  }
0x16: {  	s3 =	sld [smem:$0x3FDB];
	s0 =	simm.s32 @p2 $0x1  }
0x17: {  	s4 =	simm.s32 $0x1BF5;
	[smem:$0x3FA8] =	sst s0  }
0x18: {  	s0 =	sld [smem:$0x3F8B];
	_ =	swait.ge [sflag:s4], $0x0  }
0x19: {  	s7 =	sld [smem:$0x3F8C]  }
0x1a: {  	s8 =	sadd.s32 $0xFFFFE003, lr  }
0x1b: {  	s9 =	sadd.s32 $0xFFFFFEF7, lr;
	s5 =	simm.s32 $0xFFFFFFFF;
	p2 =	slt.u32 s8, $0xFFFFF086  }
0x1c: {  	p1 =	slt.u32 s9, $0xF7A;
	s5 =	simm.s32 @!p2 $0x0  }
0x1d: {  	s5 =	simm.s32 @p1 $0x1;
	p0 =	seq.s32 s7, s2  }
0x1e: {  	s7 =	smul.u32 @!p0 $0xF7A, s2;
	p2 =	seq.s32 @!p0 s5, $0x0  }
0x1f: {  	s9 =	smul.u32 $0xF7A, s1;
	s8 =	simm.s32 @!p0 $0x1BF5;
	p2 =	por !p2, p0  }
0x20: {  	[sflag:s8] =	ssyncset.s32 @!p0 $0xFFFFF086;
	s6 =	sadd.s32 @!p0 s3, s7;
	s7 =	simm.s32 @!p0 $0x108  }
0x21: {  	s3 =	sadd.s32 s3, s9;
	s6 =	sadd.s32 @!p0 $0x88, s6;
	s7 =	simm.s32 @p2 $0x1082  }
0x22: {  	[simem:s7], [sflag:s8] =	dma.local @!p0 [hbm:s6], $0xF7A  }
0x23: {  	s9 =	sor.u32 $0xD0000000, s2;
	s6 =	simm.s32 $0x108;
	_ =	swait.ge @!p0 [sflag:s8], $0x0  }
0x24: {  	s3 =	sadd.s32 $0x88, s3;
	s6 =	simm.s32 @!p1 $0x1082;
	[sflag:s4] =	ssyncset.s32 $0xFFFFF086  }
0x25: {  	[simem:s6], [sflag:s4] =	dma.local [hbm:s3], $0xF7A  }
0x26: {  	[smem:$0x3F8C] =	sst s1;
	(tag) =	ssettag s2;
	_ =	strace s9  }
0x27: {  	s1 =	sld [smem:$0x3F9C]  }
0x28: {  	s2 =	sld [smem:$0x3F9D]  }
0x29: {  	s4 =	sld [smem:$0x3F9F]  }
0x2a: {  	p0 =	seq.s32 s5, $0x0;
	s5 =	sld [smem:$0x3FA0]  }
0x2b: {  	s6 =	sld [smem:$0x3FA1]  }
0x2c: {  	s7 =	sld [smem:$0x3FA2]  }
0x2d: {  	s3 =	simm.s32 $0x108;
	s8 =	sld [smem:$0x3FA3]  }
0x2e: {  	s3 =	simm.s32 @!p0 $0x1082;
	s9 =	sld [smem:$0x3FA4]  }
0x2f: {  	lr =	sadd.s32 s0, s3;
	s0 =	sld [smem:$0x3F9B]  }
0x30: {  	s3 =	sld [smem:$0x3F9E]  }
0x31: {  	[smem:$0x3FA7] =	sst s10  }
0x32: {  	s10 =	sld [smem:$0x3FA5];
	_ =	sdelay $0x3  }
0x33: {  	p0 =	seq.s32 s10, $0x1;
	s10 =	sld [smem:$0x3FA7];
	_ =	sdelay $0x3  }
0x34: {  	[smem:$0x3FA7] =	sst s10  }
0x35: {  	s10 =	sld [smem:$0x3FA6];
	_ =	sdelay $0x3  }
0x36: {  	p1 =	seq.s32 s10, $0x1;
	s10 =	sld [smem:$0x3FA7];
	_ =	sdelay $0x3  }
0x37: {  	[smem:$0x3FA7] =	sst s10  }
0x38: {  	s10 =	sld [smem:$0x3FA8]  }
0x39: {  	_ = 	snop;
	(pc) =	sbr.ind lr, $3  }
0x3a: {  	_ = 	snop  }
0x3b: {  	_ = 	snop  }
0x3c: {  	p2 =	seq.s32 s10, $0x1;
	s10 =	sld [smem:$0x3FA7]  }
0x3d: {  	_ =	shalt  }
0x3e: {  	_ =	shalt  }
0x3f: {  	_ =	shalt  }
0x40: {  	_ =	shalt  }
0x41: {  	_ =	shalt  }
0x42: {  	_ =	shalt  }
0x43: {  	_ =	shalt  }
0x44: {  	_ =	shalt  }
0x45: {  	_ =	shalt  }
0x46: {  	_ =	shalt  }
0x47: {  	_ =	shalt  }
0x48: {  	_ =	shalt  }
0x49: {  	_ =	shalt  }
0x4a: {  	_ =	shalt  }
0x4b: {  	_ =	shalt  }
0x4c: {  	_ =	shalt  }
0x4d: {  	_ =	shalt  }
0x4e: {  	_ =	shalt  }
0x4f: {  	_ =	shalt  }
0x50: {  	_ =	shalt  }
0x51: {  	_ =	shalt  }
0x52: {  	_ =	shalt  }
0x53: {  	_ =	shalt  }
0x54: {  	_ =	shalt  }
0x55: {  	_ =	shalt  }
0x56: {  	_ =	shalt  }
0x57: {  	_ =	shalt  }
0x58: {  	_ =	shalt  }
0x59: {  	_ =	shalt  }
0x5a: {  	_ =	shalt  }
0x5b: {  	_ =	shalt  }
0x5c: {  	_ =	shalt  }
0x5d: {  	_ =	shalt  }
0x5e: {  	_ =	shalt  }
0x5f: {  	_ =	shalt  }
0x60: {  	_ =	shalt  }
0x61: {  	_ =	shalt  }
0x62: {  	_ =	shalt  }
0x63: {  	_ =	shalt  }
0x64: {  	_ =	shalt  }
0x65: {  	_ =	shalt  }
0x66: {  	_ =	shalt  }
0x67: {  	_ =	shalt  }
0x68: {  	_ =	shalt  }
0x69: {  	_ =	shalt  }
0x6a: {  	_ =	shalt  }
0x6b: {  	_ =	shalt  }
0x6c: {  	_ =	shalt  }
0x6d: {  	_ =	shalt  }
0x6e: {  	_ =	shalt  }
0x6f: {  	_ =	shalt  }
0x70: {  	_ =	shalt  }
0x71: {  	_ =	shalt  }
0x72: {  	_ =	shalt  }
0x73: {  	_ =	shalt  }
0x74: {  	_ =	shalt  }
0x75: {  	_ =	shalt  }
0x76: {  	_ =	shalt  }
0x77: {  	_ =	shalt  }
0x78: {  	_ =	shalt  }
0x79: {  	_ =	shalt  }
0x7a: {  	_ =	shalt  }
0x7b: {  	_ =	shalt  }
0x7c: {  	_ =	shalt  }
0x7d: {  	_ =	shalt  }
0x7e: {  	_ =	shalt  }
0x7f: {  	_ =	shalt  }
0x80: {  	_ =	shalt  }
0x81: {  	_ =	shalt  }
0x82: {  	_ =	shalt  }
0x83: {  	_ =	shalt  }
0x84: {  	_ =	shalt  }
0x85: {  	_ =	shalt  }
0x86: {  	_ =	shalt  }
0x87: {  	_ =	shalt  }
.Lfunc_end0:
.L_simem_size_0:
called_computation_lowered:
.L_overlay_start_0:
0x88: {  	s2 =	sld [smem:$0x3FD9]  }
0x89: {  	s3 =	sld [smem:$0x3FFE];
	_ =	sdelay $0x1  }
0x8a: {  	s1 =	srdreg.scid  }
0x8b: {  	s0 =	sand.u32 $0x1, s1  }
0x8c: {  	s17 =	sshll.u32 s0, $0xA;
	s2 =	sadd.s32 s3, s2  }
0x8d: {  	s2 =	sadd.s32 s2, s17  }
0x8e: {  	[smem:$0x3FB3] =	sst s2  }
0x8f: {  	_ = 	snop  }
0x90: {  	s18 =	sld [smem:$0x3FD0];
	(tm) =	ssettm $0x1  }
0x91: {  	s19 =	sld [smem:$0x3FFB];
	_ =	sdelay $0x3  }
0x92: {  	_ =	strace s19  }
0x93: {  	s2 =	sld [smem:$0x3FFC];
	_ =	sdelay $0x3  }
0x94: {  	_ =	strace s2  }
0x95: {  	s2 =	sld [smem:$0x3FFD];
	_ =	sdelay $0x3  }
0x96: {  	_ =	strace s2  }
0x97: {  	_ =	strace $0x8FFFFFFF  }
0x98: {  	s20 =	sld [smem:$0x3FDB];
	_ =	sdelay $0x1  }
0x99: {  	s4 =	simm.s32 $_scs_section_size  }
0x9a: {  	s5 =	simm.s32 $_size__tile_overlayer_lowered;
	s6 =	simm.s32 $_tile_overlayer_lowered  }
0x9b: {  	s7 =	simm.s32 $0x1BFF;
	s21 =	sshll.u32 s6, $0x1;
	s4 =	sadd.s32 s4, s20  }
0x9c: {  	s22 =	simm.s32 $0x0;
	s5 =	sshll.u32 s5, $0x1;
	s6 =	sadd.s32 s21, s4  }
0x9d: {  	[timem:s22], [sflag:s7] =	dma.local [hbm:s6], s5  }
0x9e: {  	_ =	swait.ge [sflag:s7], s5  }
0x9f: {  	s5 =	ssub.s32 $0x0, s5;
	[sflag:s7] =	ssyncset.done $0x0  }
0xa0: {  	[sflag:s7] =	ssyncadd.s32 s5;
	_ =	sdelay $0x1  }
0xa1: {  	s23 =	simm.s32 $0x1B8B  }
0xa2: {  	_ =	swait.ge [sflag:s23], $0x1  }
0xa3: {  	[sflag:s23] =	ssyncset.done $0x0  }
0xa4: {  	[sflag:s23] =	ssyncadd.s32 $0xFFFFFFFF  }
0xa5: {  	s5 =	sld [smem:$0x0]  }
0xa6: {  	s6 =	sand.u32 $0xFFFFFFFE, s1  }
0xa7: {  	p0 =	sne.s32 s1, s6  }
0xa8: {  	s6 =	sshll.u32 @p0 s6, $0xE  }
0xa9: {  	s6 =	sadd.s32 @p0 $0x11B8D, s6;
	s7 =	sshll.u32 @p0 s5, $0x11  }
0xaa: {  	s6 =	sor.u32 @p0 s7, s6  }
0xab: {  	[sflag:s6] =	ssyncadd.remote.s32 @p0 $0x1;
	_ =	sdelay $0x1  }
0xac: {  	s6 =	simm.s32 @p0 $0x1B8D  }
0xad: {  	_ =	swait.eq @p0 [sflag:s6], $0x1  }
0xae: {  	[sflag:s6] =	ssyncadd.s32 @p0 $0xFFFFFFFF  }
0xaf: {  	s7 =	sshll.u32 @!p0 s1, $0xE  }
0xb0: {  	s7 =	sor.u32 @!p0 $0x4000, s7;
	s6 =	simm.s32 @!p0 $0x1B8D  }
0xb1: {  	s5 =	sshll.u32 @!p0 s5, $0x11;
	s7 =	sadd.s32 @!p0 $0x11B8D, s7;
	_ =	swait.eq @!p0 [sflag:s6], $0x1  }
0xb2: {  	s5 =	sor.u32 @!p0 s5, s7;
	[sflag:s6] =	ssyncadd.s32 @!p0 $0xFFFFFFFF  }
0xb3: {  	s25 =	simm.s32 $0x1B8E;
	s24 =	sld [smem:$0x3FFE];
	[sflag:s5] =	ssyncadd.remote.s32 @!p0 $0x1  }
0xb4: {  	s26 =	simm.s32 $execute0_lowered;
	[smem:$0x3FD2] =	sst s25  }
0xb5: {  	s6 =	sshll.u32 s26, $0x1;
	_ =	strace $0x80000049;
	[dreg:$0x1] =	wrdreg $0xFFFFFFFF  }
0xb6: {  	s28 =	simm.s32 $_size_execute0_lowered;
	s4 =	sadd.s32 s4, s6;
	[dreg:$0x0] =	wrdreg $0x0  }
0xb7: {  	s6 =	sshll.u32 s28, $0x1;
	[dreg:$0x2] =	wrdreg s4  }
0xb8: {  	[dreg:$0x3] =	wrdreg s6  }
0xb9: {  	[dreg:$0x4] =	wrdreg $0xC0  }
0xba: {  	_ =	task [dreg:s22], $0x5FFFF  }
0xbb: {  	[dreg:$0x1] =	wrdreg $0xFFFFFFFF  }
0xbc: {  	[dreg:$0x0] =	wrdreg $0x60  }
0xbd: {  	[dreg:$0x2] =	wrdreg s18  }
0xbe: {  	[dreg:$0x3] =	wrdreg s24  }
0xbf: {  	[dreg:$0x4] =	wrdreg $0xBA000  }
0xc0: {  	[dreg:$0x5] =	wrdreg $0x9  }
0xc1: {  	_ =	task.clear_ibuf [dreg:s22], $0x6FFFF;
	_ =	strace $0x90000049  }
0xc2: {  	s29 =	simm.s32 $0x9;
	_ =	strace $0x8000004B  }
0xc3: {  	_ =	swait.ge [sflag:s29], $0x1  }
0xc4: {  	[sflag:s29] =	ssyncadd.s32 $0xFFFFFFFF  }
0xc5: {  	_ =	strace $0x9000004B  }
0xc6: {  	_ =	sfence  }
0xc7: {  	s30 =	sld [smem:$0x0];
	_ =	sdelay $0x2  }
0xc8: {  	s31 =	sshll.u32 s1, $0xD;
	s1 =	sshrl.u32 s1, $0x2  }
0xc9: {  	s4 =	sand.u32 $0x4000, s31;
	s1 =	sadd.s32 s1, s30  }
0xca: {  	s0 =	sor.u32 s4, s0;
	s1 =	sshll.u32 s1, $0x11  }
0xcb: {  	s0 =	sor.u32 s1, s0  }
0xcc: {  	s0 =	sadd.s32 $0x8F2B, s0  }
0xcd: {  	[sflag:s0] =	ssyncadd.remote.s32 $0x1  }
0xce: {  	_ =	sfence.sel $0xFFFF  }
0xcf: {  	[dreg:$0x0] =	wrdreg $0xFFFFFFFF;
	(pc) =	sbr.abs _section_cstart, $3  }
0xd0: {  	[dreg:$0x1] =	wrdreg $0xFFFFFFFF  }
0xd1: {  	_ =	task.clear_ibuf [dreg:s22], $0x2FFFF;
	_ =	strace $0x9FFFFFFF  }
0xd2: {  	(tm) =	ssettm $0x7FFFFFFF  }
0xd3: {  	_ =	shalt  }
tec
execute0_lowered:
.L_overlay_start_1:
0x0: {  	(tag) =	ssettag $0x1  }
0x1: {  	s1 =	rddreg [dreg:$0x0]  }
0x2: {  	s0 =	rddreg [dreg:$0x1]  }
0x3: {  	s2 =	rddreg [dreg:$0x2]  }
0x4: {  	s3 =	simm.s32 $0x0;
	s13 =	stileid.u32;
	s4 =	srdreg.scid  }
0x5: {  	[smem:$0x7FF] =	sst s3;
	s5 =	sadd.s32 $0x57B200, s0;
	s6 =	smul.u32 $0x4E000, s13  }
0x6: {  	s29 =	simm.s32 $0x0;
	s7 =	sadd.s32 $0xA5D200, s0;
	s14 =	sadd.s32 $0xA7C600, s0  }
0x7: {  	s4 =	sand.u32 $0x1, s4;
	s15 =	sadd.s32 $0xAA3800, s0;
	s17 =	smul.u32 $0x2700, s13  }
0x8: {  	p0 =	sne.s32 s13, $0x0;
	p2 =	seq.s32 s13, $0x0;
	_ =	strace $0x8000004A  }
0x9: {  	s8 =	ssub.s32 $0x2, s4;
	[dreg:$0x4] =	wrdreg s14;
	s6 =	sshrl.u32 s6, $0x2  }
0xa: {  	s10 =	sshll.u32 s4, $0x4;
	[dreg:$0x5] =	wrdreg s15;
	s28 =	sadd.s32 s6, s2  }
0xb: {  	p1 =	seq.s32 s4, $0x1;
	s20 =	sadd.s32 $0x1800, s28;
	[dreg:$0x6] =	wrdreg s28  }
0xc: {  	s4 =	simm.s32 $0x50;
	s21 =	sadd.s32 $0x3000, s28;
	[dreg:$0x7] =	wrdreg s20  }
0xd: {  	s9 =	sshrl.u32 s8, $0x1;
	s22 =	sadd.s32 $0x4800, s28;
	[dreg:$0x8] =	wrdreg s21  }
0xe: {  	s19 =	sor.u32 s13, s10;
	s23 =	sadd.s32 $0x6000, s28;
	[dreg:$0x9] =	wrdreg s22  }
0xf: {  	s13 =	simm.s32 $0x2A00;
	s24 =	sadd.s32 $0x7800, s28;
	[dreg:$0xa] =	wrdreg s23  }
0x10: {  	s12 =	smul.u32 $0x7D, s19;
	s26 =	sadd.s32 $0x9000, s28;
	[dreg:$0xb] =	wrdreg s24  }
0x11: {  	s25 =	smul.u32 $0x7D00, s19;
	s30 =	sadd.s32 $0xA800, s28;
	[dreg:$0xc] =	wrdreg s26  }
0x12: {  	s31 =	smul.u32 $0xFA0, s19;
	s11 =	sadd.s32 $0xC000, s28;
	[dreg:$0xd] =	wrdreg s30  }
0x13: {  	s6 =	ssub.s32 s8, s9;
	s16 =	smul.u32 $0x27100, s19;
	[dreg:$0xe] =	wrdreg s11  }
0x14: {  	s9 =	sshrl.u32 s25, $0x3;
	s10 =	sadd.s32 s7, s31;
	s20 =	smul.u32 $0x2710, s19  }
0x15: {  	s18 =	sadd.s32 s5, s16;
	s22 =	sadd.s32 $0xA5D240, s0;
	[dreg:$0xf] =	wrdreg s10  }
0x16: {  	s19 =	sadd.s32 s14, s17;
	s21 =	sadd.s32 s15, s17;
	[dreg:$0x11] =	wrdreg s18  }
0x17: {  	s23 =	smax.u32 s6, $0x1;
	s24 =	sadd.s32 $0xD800, s28;
	[dreg:$0x12] =	wrdreg s19  }
0x18: {  	s25 =	sadd.s32 $0xF000, s28;
	s26 =	sadd.s32 $0x10800, s28;
	[dreg:$0x13] =	wrdreg s21  }
0x19: {  	s30 =	sadd.s32 $0x12000, s28;
	s31 =	sadd.s32 $0x138000, s2;
	[dreg:$0x14] =	wrdreg s23  }
0x1a: {  	s6 =	simm.s32 $0x100;
	s11 =	simm.s32 $0x8;
	[dreg:$0x15] =	wrdreg s24  }
0x1b: {  	s14 =	simm.s32 $0x7A00;
	s15 =	simm.s32 $0x1;
	[dreg:$0x16] =	wrdreg s25  }
0x1c: {  	s16 =	simm.s32 $0x3;
	s17 =	simm.s32 $0x80;
	[dreg:$0x17] =	wrdreg s26  }
.Ltmp0:
0x1d: {  	s7 =	sadd.s32 s7, s9;
	[dreg:$0x18] =	wrdreg s30;
	(pc) =	sbr.rel .LBB2_1-.Ltmp0, $4  }
0x1e: {  	[dreg:$0x19] =	wrdreg s31;
	s24 =	simm.s32 $0x9;
	s9 =	simm.s32 $0x200  }
0x1f: {  	s10 =	simm.s32 $0x5200;
	s18 =	simm.s32 $0x5;
	s19 =	simm.s32 $0x2  }
0x20: {  	s21 =	simm.s32 $0x4;
	s25 =	simm.s32 $0x180;
	s7 =	sadd.s32 $0x20, s7  }
0x21: {  	v0 =	vimm.f32 $0.0e+00;
	s0 =	sadd.s32 $0xA0, s20;
	[dreg:$0x10] =	wrdreg s7;
	s7 =	simm.s32 $0x7  }
.LBB2_14:
0x22: {  	s26 =	rddreg [dreg:$0x19]  }
0x23: {  	s23 =	sadd.s32 $0x27000, s23;
	s31 =	simm.s32 $0xA;
	s26 =	sshrl.u32 s26, $0x3  }
0x24: {  	[hbm:s23], [sflag:s8] =	dma.local [spmem:s26], $0x100  }
0x25: {  	_ =	swait.ge [sflag:s31], $0x100  }
0x26: {  	[sflag:s31] =	ssyncset.done $0x0  }
0x27: {  	[sflag:s31] =	ssyncadd.s32 $0xFFFFFF00  }
.LBB2_15:
0x28: {  	s29 =	sadd.s32 $0x1, s29;
	s8 =	rddreg [dreg:$0x14]  }
0x29: {  	p3 =	sne.s32 s29, s8  }
.Ltmp1:
0x2a: {  	_ = 	snop;
	(pc) =	sbr.rel @!p3 .LBB2_16-.Ltmp1, $1  }
0x2b: {  	_ =	sdelay $0x3  }
.LBB2_1:
0x2c: {  	[dreg:$0x1a] =	wrdreg s29;
	s8 =	simm.s32 $0x0;
	s23 =	simm.s32 $0x200  }
.LBB2_2:
0x2d: {  	p3 =	sne.s32 s23, $0x5E00;
	[tilespmem:s8+$0xA270] =	vst v0  }
0x2e: {  	[tilespmem:s8+$0xA200] =	vst v0  }
0x2f: {  	[tilespmem:s8+$0xA210] =	vst v0  }
.Ltmp2:
0x30: {  	[tilespmem:s8+$0xA220] =	vst v0;
	(pc) =	sbr.rel @p3 .LBB2_2-.Ltmp2, $4  }
0x31: {  	[tilespmem:s8+$0xA230] =	vst v0  }
0x32: {  	[tilespmem:s8+$0xA240] =	vst v0  }
0x33: {  	[tilespmem:s8+$0xA250] =	vst v0  }
0x34: {  	[tilespmem:s8+$0xA260] =	vst v0;
	s8 =	sshra.s32 s23, $0x2;
	s23 =	sadd.s32 $0x200, s23  }
0x35: {  	[tilespmem:s8+$0xA270] =	vst v0  }
0x36: {  	[tilespmem:s8+$0xA200] =	vst v0  }
0x37: {  	[tilespmem:s8+$0xA210] =	vst v0  }
0x38: {  	[tilespmem:s8+$0xA220] =	vst v0  }
0x39: {  	[tilespmem:s8+$0xA230] =	vst v0  }
0x3a: {  	[tilespmem:s8+$0xA240] =	vst v0  }
0x3b: {  	[tilespmem:s8+$0xA250] =	vst v0  }
0x3c: {  	[tilespmem:s8+$0xA260] =	vst v0;
	s23 =	simm.s32 $0xA200  }
0x3d: {  	[spmem:s28] =	stream.linear.scatter [tilespmem:s23], [sflag:$0x9], $0x1800, $0x38;
	[tilespmem:$0x1F280] =	vst v63  }
0x3e: {  	s28 =	rddreg [dreg:$0x7]  }
0x3f: {  	[spmem:s28] =	stream.linear.scatter [tilespmem:s23], [sflag:$0x9], $0x1800, $0x38;
	[tilespmem:$0x1F280] =	vst v63  }
0x40: {  	s29 =	rddreg [dreg:$0x8]  }
0x41: {  	[spmem:s29] =	stream.linear.scatter [tilespmem:s23], [sflag:$0x9], $0x1800, $0x38;
	[tilespmem:$0x1F280] =	vst v63  }
0x42: {  	s31 =	rddreg [dreg:$0x9]  }
0x43: {  	[spmem:s31] =	stream.linear.scatter [tilespmem:s23], [sflag:$0x9], $0x1800, $0x38;
	[tilespmem:$0x1F280] =	vst v63  }
0x44: {  	s26 =	rddreg [dreg:$0xa]  }
0x45: {  	[spmem:s26] =	stream.linear.scatter [tilespmem:s23], [sflag:$0x9], $0x1800, $0x38;
	[tilespmem:$0x1F280] =	vst v63  }
0x46: {  	s28 =	rddreg [dreg:$0xb]  }
0x47: {  	[spmem:s28] =	stream.linear.scatter [tilespmem:s23], [sflag:$0x9], $0x1800, $0x38;
	[tilespmem:$0x1F280] =	vst v63  }
0x48: {  	s29 =	rddreg [dreg:$0xc]  }
0x49: {  	[spmem:s29] =	stream.linear.scatter [tilespmem:s23], [sflag:$0x9], $0x1800, $0x38;
	[tilespmem:$0x1F280] =	vst v63  }
0x4a: {  	s31 =	rddreg [dreg:$0xd]  }
0x4b: {  	[spmem:s31] =	stream.linear.scatter [tilespmem:s23], [sflag:$0x9], $0x1800, $0x38;
	[tilespmem:$0x1F280] =	vst v63  }
0x4c: {  	s26 =	rddreg [dreg:$0xe]  }
0x4d: {  	[spmem:s26] =	stream.linear.scatter [tilespmem:s23], [sflag:$0x9], $0x1800, $0x38;
	[tilespmem:$0x1F280] =	vst v63  }
0x4e: {  	s28 =	rddreg [dreg:$0x15]  }
0x4f: {  	[spmem:s28] =	stream.linear.scatter [tilespmem:s23], [sflag:$0x9], $0x1800, $0x38;
	[tilespmem:$0x1F280] =	vst v63  }
0x50: {  	s29 =	rddreg [dreg:$0x16]  }
0x51: {  	[spmem:s29] =	stream.linear.scatter [tilespmem:s23], [sflag:$0x9], $0x1800, $0x38;
	[tilespmem:$0x1F280] =	vst v63  }
0x52: {  	s31 =	rddreg [dreg:$0x17]  }
0x53: {  	[spmem:s31] =	stream.linear.scatter [tilespmem:s23], [sflag:$0x9], $0x1800, $0x38;
	[tilespmem:$0x1F280] =	vst v63  }
0x54: {  	s26 =	rddreg [dreg:$0x18]  }
0x55: {  	[spmem:s26] =	stream.linear.scatter [tilespmem:s23], [sflag:$0x9], $0x1800, $0x38;
	[tilespmem:$0x1F280] =	vst v63  }
0x56: {  	s8 =	simm.s32 @!p0 $0xA200;
	s23 =	rddreg [dreg:$0x19]  }
0x57: {  	[spmem:s23] =	stream.linear.scatter @!p0 [tilespmem:s8], [sflag:$0x9], $0x800, $0x38;
	[tilespmem:$0x1F280] =	vst v63  }
0x58: {  	_ =	swait.ge [sflag:s24], $0x1800  }
0x59: {  	[sflag:s24] =	ssyncset.done $0x0  }
0x5a: {  	[sflag:s24] =	ssyncadd.s32 $0xFFFFE800  }
0x5b: {  	_ =	swait.ge [sflag:s24], $0x1800  }
0x5c: {  	[sflag:s24] =	ssyncset.done $0x0  }
0x5d: {  	[sflag:s24] =	ssyncadd.s32 $0xFFFFE800  }
0x5e: {  	_ =	swait.ge [sflag:s24], $0x1800  }
0x5f: {  	[sflag:s24] =	ssyncset.done $0x0  }
0x60: {  	[sflag:s24] =	ssyncadd.s32 $0xFFFFE800  }
0x61: {  	_ =	swait.ge [sflag:s24], $0x1800  }
0x62: {  	[sflag:s24] =	ssyncset.done $0x0  }
0x63: {  	[sflag:s24] =	ssyncadd.s32 $0xFFFFE800  }
0x64: {  	_ =	swait.ge [sflag:s24], $0x1800  }
0x65: {  	[sflag:s24] =	ssyncset.done $0x0  }
0x66: {  	[sflag:s24] =	ssyncadd.s32 $0xFFFFE800  }
0x67: {  	_ =	swait.ge [sflag:s24], $0x1800  }
0x68: {  	[sflag:s24] =	ssyncset.done $0x0  }
0x69: {  	[sflag:s24] =	ssyncadd.s32 $0xFFFFE800  }
0x6a: {  	_ =	swait.ge [sflag:s24], $0x1800  }
0x6b: {  	[sflag:s24] =	ssyncset.done $0x0  }
0x6c: {  	[sflag:s24] =	ssyncadd.s32 $0xFFFFE800  }
0x6d: {  	_ =	swait.ge [sflag:s24], $0x1800  }
0x6e: {  	[sflag:s24] =	ssyncset.done $0x0  }
0x6f: {  	[sflag:s24] =	ssyncadd.s32 $0xFFFFE800  }
0x70: {  	_ =	swait.ge [sflag:s24], $0x1800  }
0x71: {  	[sflag:s24] =	ssyncset.done $0x0  }
0x72: {  	[sflag:s24] =	ssyncadd.s32 $0xFFFFE800  }
0x73: {  	_ =	swait.ge [sflag:s24], $0x1800  }
0x74: {  	[sflag:s24] =	ssyncset.done $0x0  }
0x75: {  	[sflag:s24] =	ssyncadd.s32 $0xFFFFE800  }
0x76: {  	_ =	swait.ge [sflag:s24], $0x1800  }
0x77: {  	[sflag:s24] =	ssyncset.done $0x0  }
0x78: {  	[sflag:s24] =	ssyncadd.s32 $0xFFFFE800  }
0x79: {  	_ =	swait.ge [sflag:s24], $0x1800  }
0x7a: {  	[sflag:s24] =	ssyncset.done $0x0  }
0x7b: {  	[sflag:s24] =	ssyncadd.s32 $0xFFFFE800  }
0x7c: {  	_ =	swait.ge [sflag:s24], $0x1800  }
0x7d: {  	[sflag:s24] =	ssyncset.done $0x0  }
0x7e: {  	s8 =	simm.s32 @!p0 $0x9;
	[sflag:s24] =	ssyncadd.s32 $0xFFFFE800  }
0x7f: {  	_ =	swait.ge @!p0 [sflag:s8], $0x800  }
0x80: {  	[sflag:s8] =	ssyncset.done @!p0 $0x0  }
0x81: {  	[sflag:s8] =	ssyncadd.s32 @!p0 $0xFFFFF800  }
0x82: {  	[bflag:$0x0] =	sbarrier.arrive $0xFFFF  }
0x83: {  	s30 =	simm.s32 $0x0;
	s28 =	rddreg [dreg:$0xf]  }
0x84: {  	[tilespmem:s30], [sflag:$0x7] =	stream.linear.gather [hbm4b:s28+s30], $0x100, $0x38;
	[tilespmem:$0x1F280] =	vst v63  }
0x85: {  	s29 =	rddreg [dreg:$0x10]  }
0x86: {  	[tilespmem:s6], [sflag:$0x8] =	stream.linear.gather [hbm4b:s29+s30], $0x100, $0x38;
	[tilespmem:$0x1F280] =	vst v63  }
0x87: {  	_ =	swait.ge [sflag:s7], $0x100  }
0x88: {  	[sflag:s7] =	ssyncset.done $0x0  }
0x89: {  	[sflag:s7] =	ssyncadd.s32 $0xFFFFFF00  }
0x8a: {  	[tilespmem:s9], [sflag:$0x1] =	stream.indirect.gather [hbm4b:s1+s4], $0x80, s30, s4, $0xb8;
	[tilespmem:$0x1F280] =	vst v63  }
0x8b: {  	s31 =	rddreg [dreg:$0x11]  }
0x8c: {  	[tilespmem:s10], [sflag:$0x3] =	stream.linear.gather [hbm4b:s31+s30], $0x2800, $0x38;
	[tilespmem:$0x1F280] =	vst v63  }
.LBB2_4:
0x8d: {  	p3 =	seq.s32 s30, $0x0  }
0x8e: {  	s8 =	simm.s32 @!p3 $0x6  }
0x8f: {  	_ =	swait.ge @!p3 [sflag:s8], $0x2800  }
0x90: {  	s31 =	sshllo.u32 s30, $0x1;
	[sflag:s8] =	ssyncset.done @!p3 $0x0  }
0x91: {  	s26 =	smul.u32 $0x50, s31;
	[sflag:s8] =	ssyncadd.s32 @!p3 $0xFFFFD800  }
0x92: {  	_ =	swait.ge [sflag:s11], $0x100  }
0x93: {  	s8 =	sadd.s32 s20, s26;
	[sflag:s11] =	ssyncset.done $0x0  }
0x94: {  	s8 =	sshll.u32 s8, $0x4;
	[sflag:s11] =	ssyncadd.s32 $0xFFFFFF00  }
0x95: {  	[tilespmem:s13], [sflag:$0x2] =	stream.indirect.gather [hbm4b:s1+s4], $0x80, s6, s4, $0xb8;
	[tilespmem:$0x1F280] =	vst v63  }
0x96: {  	s8 =	sadd.s32 s5, s8  }
0x97: {  	[tilespmem:s14], [sflag:$0x4] =	stream.linear.gather [hbm4b:s8+s3], $0x2800, $0x38;
	[tilespmem:$0x1F280] =	vst v63  }
0x98: {  	_ =	swait.ge [sflag:s15], $0x2800  }
0x99: {  	[sflag:s15] =	ssyncset.done $0x0  }
0x9a: {  	[sflag:s15] =	ssyncadd.s32 $0xFFFFD800  }
0x9b: {  	_ =	swait.ge [sflag:s16], $0x2800  }
0x9c: {  	[sflag:s16] =	ssyncset.done $0x0  }
0x9d: {  	s23 =	simm.s32 $0x5400;
	[sflag:s16] =	ssyncadd.s32 $0xFFFFD800  }
0x9e: {  	s26 =	simm.s32 $0x400;
	v1 =	vld [tilespmem:s23+$0x180]  }
0x9f: {  	v2 =	vld [tilespmem:s26+$0x180]  }
0xa0: {  	v3 =	vld [tilespmem:s26+$0x190]  }
0xa1: {  	v4 =	vld [tilespmem:s23+$0xFFFFFE80]  }
0xa2: {  	v5 =	vld [tilespmem:s23+$0xFFFFFF00]  }
0xa3: {  	v6 =	vld [tilespmem:s23+$0xFFFFFF80]  }
0xa4: {  	v8 =	vld [tilespmem:s23+$0x0];
	v7 =	vshll.u32 v1, $0x10  }
0xa5: {  	v9 =	vld [tilespmem:s26+$0x1A0];
	v1 =	vand.u32 $0xFFFF0000, v1;
	v2 =	vmul.f32 v7, v2  }
0xa6: {  	v10 =	vld [tilespmem:s26+$0x1B0];
	v1 =	vmul.f32 v1, v3  }
0xa7: {  	v11 =	vld [tilespmem:s26+$0xFFFFFE00];
	[tilespmem:s26+$0x180] =	vst v2  }
0xa8: {  	v12 =	vld [tilespmem:s26+$0xFFFFFE10];
	[tilespmem:s26+$0x190] =	vst v1  }
0xa9: {  	v1 =	vld [tilespmem:s23+$0x190]  }
0xaa: {  	v13 =	vld [tilespmem:s26+$0xFFFFFE80]  }
0xab: {  	v15 =	vld [tilespmem:s26+$0xFFFFFE90]  }
0xac: {  	v16 =	vld [tilespmem:s26+$0xFFFFFF80]  }
0xad: {  	v2 =	vld [tilespmem:s23+$0xFFFFFE00]  }
0xae: {  	v63 =	vld [tilespmem:s26+$0xFFFFFFF0];
	v14 =	vshll.u32 v1, $0x10  }
0xaf: {  	v7 =	vld [tilespmem:s23+$0x80];
	v1 =	vand.u32 $0xFFFF0000, v1;
	v9 =	vmul.f32 v14, v9  }
0xb0: {  	v3 =	vld [tilespmem:s23+$0x100];
	v1 =	vmul.f32 v1, v10  }
0xb1: {  	v14 =	vld [tilespmem:s26+$0xFFFFFF00];
	[tilespmem:s26+$0x1A0] =	vst v9  }
0xb2: {  	v10 =	vld [tilespmem:s26+$0xFFFFFF10];
	v9 =	vshll.u32 v2, $0x10;
	[tilespmem:s26+$0x1B0] =	vst v1  }
0xb3: {  	v1 =	vand.u32 $0xFFFF0000, v2;
	v2 =	vmul.f32 v9, v11;
	v9 =	vld [tilespmem:s23+$0x1A0]  }
0xb4: {  	v11 =	vshll.u32 v4, $0x10;
	v1 =	vmul.f32 v1, v12;
	v12 =	vld [tilespmem:s26+$0x1C0]  }
0xb5: {  	v4 =	vand.u32 $0xFFFF0000, v4;
	[tilespmem:s26+$0xFFFFFE00] =	vst v2;
	v2 =	vmul.f32 v11, v13;
	v11 =	vld [tilespmem:s26+$0x1D0]  }
0xb6: {  	[tilespmem:s26+$0xFFFFFE10] =	vst v1;
	v1 =	vmul.f32 v4, v15;
	v4 =	vld [tilespmem:s26+$0xFFFFFF90]  }
0xb7: {  	v13 =	vshll.u32 v5, $0x10;
	v15 =	vld [tilespmem:s26+$0xFFFFFF20]  }
0xb8: {  	v5 =	vand.u32 $0xFFFF0000, v5;
	[tilespmem:s26+$0xFFFFFE80] =	vst v2;
	v2 =	vmul.f32 v13, v14;
	v13 =	vld [tilespmem:s26+$0x0]  }
0xb9: {  	[tilespmem:s26+$0xFFFFFE90] =	vst v1;
	v1 =	vmul.f32 v5, v10;
	v5 =	vld [tilespmem:s26+$0x10]  }
0xba: {  	v14 =	vld [tilespmem:s26+$0x80];
	v10 =	vshll.u32 v9, $0x10  }
0xbb: {  	[tilespmem:s26+$0xFFFFFF00] =	vst v2;
	v2 =	vand.u32 $0xFFFF0000, v9;
	v9 =	vmul.f32 v10, v12;
	v10 =	vshll.u32 v6, $0x10;
	v12 =	vld [tilespmem:s26+$0x90]  }
0xbc: {  	[tilespmem:s26+$0xFFFFFF10] =	vst v1;
	v1 =	vmul.f32 v2, v11;
	v2 =	vand.u32 $0xFFFF0000, v6;
	v6 =	vmul.f32 v10, v16;
	v10 =	vld [tilespmem:s26+$0x100]  }
0xbd: {  	v11 =	vld [tilespmem:s26+$0xFFFFFE30]  }
0xbe: {  	[tilespmem:s26+$0x1C0] =	vst v9;
	v9 =	vshll.u32 v8, $0x10;
	v2 =	vmul.f32 v2, v4;
	v4 =	vld [tilespmem:s26+$0x110];
	v8 =	vand.u32 $0xFFFF0000, v8  }
0xbf: {  	[tilespmem:s26+$0x1D0] =	vst v1;
	v5 =	vmul.f32 v8, v5;
	v8 =	vld [tilespmem:s23+$0xFFFFFE10]  }
0xc0: {  	[tilespmem:s26+$0xFFFFFF80] =	vst v6;
	v6 =	vmul.f32 v9, v13;
	v13 =	vld [tilespmem:s26+$0xFFFFFEB0]  }
0xc1: {  	v1 =	vld [tilespmem:s23+$0x1B0];
	[tilespmem:s26+$0xFFFFFF90] =	vst v2  }
0xc2: {  	v9 =	vshll.u32 v7, $0x10;
	v7 =	vand.u32 $0xFFFF0000, v7;
	v2 =	vld [tilespmem:s26+$0x1F0];
	[tilespmem:s26+$0x0] =	vst v6  }
0xc3: {  	v6 =	vmul.f32 v9, v14;
	[tilespmem:s26+$0x10] =	vst v5;
	v5 =	vmul.f32 v7, v12;
	v7 =	vld [tilespmem:s23+$0xFFFFFE90]  }
0xc4: {  	v9 =	vshll.u32 v3, $0x10;
	v12 =	vld [tilespmem:s26+$0xFFFFFEA0]  }
0xc5: {  	[tilespmem:s26+$0x80] =	vst v6;
	v6 =	vmul.f32 v9, v10;
	v9 =	vld [tilespmem:s23+$0xFFFFFF10]  }
0xc6: {  	v3 =	vand.u32 $0xFFFF0000, v3;
	v10 =	vld [tilespmem:s26+$0xFFFFFE20]  }
0xc7: {  	v3 =	vmul.f32 v3, v4;
	v4 =	vld [tilespmem:s23+$0xFFFFFF90]  }
0xc8: {  	[tilespmem:s26+$0x90] =	vst v5;
	v5 =	vld [tilespmem:s23+$0x10]  }
0xc9: {  	v14 =	vshll.u32 v8, $0x10;
	v8 =	vand.u32 $0xFFFF0000, v8;
	[tilespmem:s26+$0x110] =	vst v3;
	v3 =	vld [tilespmem:s23+$0x90]  }
0xca: {  	v8 =	vmul.f32 v8, v11;
	v11 =	vld [tilespmem:s26+$0xFFFFFFA0]  }
0xcb: {  	[tilespmem:s26+$0x100] =	vst v6;
	v10 =	vmul.f32 v14, v10;
	v14 =	vld [tilespmem:s26+$0xFFFFFF30]  }
0xcc: {  	v6 =	vld [tilespmem:s23+$0x110];
	v59 =	vshll.u32 v7, $0x10;
	[tilespmem:s26+$0xFFFFFE30] =	vst v8  }
0xcd: {  	v7 =	vand.u32 $0xFFFF0000, v7;
	v8 =	vld [tilespmem:s26+$0x20];
	[tilespmem:s26+$0xFFFFFE20] =	vst v10;
	v10 =	vmul.f32 v59, v12  }
0xce: {  	v7 =	vmul.f32 v7, v13;
	v13 =	vld [tilespmem:s26+$0x30];
	v60 =	vshll.u32 v9, $0x10  }
0xcf: {  	v9 =	vand.u32 $0xFFFF0000, v9;
	v12 =	vld [tilespmem:s26+$0xFFFFFFB0];
	[tilespmem:s26+$0xFFFFFEA0] =	vst v10;
	v10 =	vmul.f32 v60, v15  }
0xd0: {  	[tilespmem:s26+$0xFFFFFEB0] =	vst v7;
	v15 =	vshll.u32 v4, $0x10;
	v7 =	vmul.f32 v9, v14;
	v9 =	vld [tilespmem:s26+$0xA0]  }
0xd1: {  	v14 =	vshll.u32 v5, $0x10;
	[tilespmem:s26+$0xFFFFFF20] =	vst v10;
	v10 =	vmul.f32 v15, v11;
	v11 =	vld [tilespmem:s26+$0xB0]  }
0xd2: {  	v8 =	vmul.f32 v14, v8;
	v14 =	vld [tilespmem:s23+$0xFFFFFE20]  }
0xd3: {  	v4 =	vand.u32 $0xFFFF0000, v4;
	v15 =	vld [tilespmem:s26+$0xFFFFFF40]  }
0xd4: {  	[tilespmem:s26+$0xFFFFFF30] =	vst v7;
	v4 =	vmul.f32 v4, v12;
	v7 =	vld [tilespmem:s26+$0x120]  }
0xd5: {  	v5 =	vand.u32 $0xFFFF0000, v5;
	[tilespmem:s26+$0xFFFFFFA0] =	vst v10;
	v10 =	vld [tilespmem:s26+$0x130]  }
0xd6: {  	v12 =	vshll.u32 v3, $0x10;
	[tilespmem:s26+$0xFFFFFFB0] =	vst v4;
	v4 =	vmul.f32 v5, v13;
	v5 =	vld [tilespmem:s23+$0xFFFFFEA0]  }
0xd7: {  	[tilespmem:s26+$0x20] =	vst v8;
	v8 =	vmul.f32 v12, v9;
	v12 =	vld [tilespmem:s23+$0xFFFFFF20]  }
0xd8: {  	v3 =	vand.u32 $0xFFFF0000, v3;
	v9 =	vshll.u32 v6, $0x10;
	[tilespmem:s26+$0x30] =	vst v4;
	v4 =	vand.u32 $0xFFFF0000, v6;
	v6 =	vld [tilespmem:s23+$0xFFFFFFA0]  }
0xd9: {  	v3 =	vmul.f32 v3, v11;
	v11 =	vld [tilespmem:s26+$0xFFFFFED0];
	v7 =	vmul.f32 v9, v7  }
0xda: {  	[tilespmem:s26+$0xA0] =	vst v8;
	v8 =	vld [tilespmem:s23+$0x20]  }
0xdb: {  	[tilespmem:s26+$0x120] =	vst v7;
	v7 =	vld [tilespmem:s26+$0xFFFFFE40]  }
0xdc: {  	v9 =	vld [tilespmem:s26+$0xFFFFFE50];
	[tilespmem:s26+$0xB0] =	vst v3;
	v3 =	vmul.f32 v4, v10  }
0xdd: {  	v10 =	vld [tilespmem:s26+$0xFFFFFEC0]  }
0xde: {  	v4 =	vld [tilespmem:s23+$0xA0];
	[tilespmem:s26+$0x130] =	vst v3  }
0xdf: {  	v13 =	vshll.u32 v14, $0x10;
	v61 =	vshll.u32 v5, $0x10;
	v5 =	vand.u32 $0xFFFF0000, v5;
	v3 =	vld [tilespmem:s23+$0x120]  }
0xe0: {  	v5 =	vmul.f32 v5, v11;
	v7 =	vmul.f32 v13, v7;
	v13 =	vld [tilespmem:s26+$0xFFFFFF50]  }
0xe1: {  	v14 =	vand.u32 $0xFFFF0000, v14;
	v62 =	vshll.u32 v12, $0x10;
	v11 =	vand.u32 $0xFFFF0000, v12;
	v12 =	vld [tilespmem:s26+$0x50]  }
0xe2: {  	v9 =	vmul.f32 v14, v9;
	v14 =	vld [tilespmem:s26+$0xFFFFFFC0];
	[tilespmem:s26+$0xFFFFFED0] =	vst v5  }
0xe3: {  	[tilespmem:s26+$0xFFFFFE40] =	vst v7;
	v7 =	vmul.f32 v61, v10;
	v10 =	vld [tilespmem:s26+$0xFFFFFFD0]  }
0xe4: {  	[tilespmem:s26+$0xFFFFFE50] =	vst v9;
	v9 =	vld [tilespmem:s26+$0x40]  }
0xe5: {  	[tilespmem:s26+$0xFFFFFEC0] =	vst v7;
	v7 =	vmul.f32 v62, v15;
	v5 =	vmul.f32 v11, v13;
	v11 =	vld [tilespmem:s26+$0xC0]  }
0xe6: {  	v15 =	vshll.u32 v6, $0x10;
	v13 =	vld [tilespmem:s26+$0xD0]  }
0xe7: {  	v6 =	vand.u32 $0xFFFF0000, v6;
	[tilespmem:s26+$0xFFFFFF40] =	vst v7;
	v7 =	vmul.f32 v15, v14;
	v15 =	vld [tilespmem:s26+$0xFFFFFF60]  }
0xe8: {  	v14 =	vshll.u32 v8, $0x10;
	[tilespmem:s26+$0xFFFFFF50] =	vst v5;
	v5 =	vmul.f32 v6, v10;
	v6 =	vld [tilespmem:s26+$0x140]  }
0xe9: {  	[tilespmem:s26+$0xFFFFFFC0] =	vst v7;
	v7 =	vmul.f32 v14, v9;
	v9 =	vld [tilespmem:s26+$0x150]  }
0xea: {  	v8 =	vand.u32 $0xFFFF0000, v8;
	v14 =	vld [tilespmem:s23+$0xFFFFFE30]  }
0xeb: {  	v10 =	vshll.u32 v4, $0x10;
	[tilespmem:s26+$0xFFFFFFD0] =	vst v5;
	v5 =	vmul.f32 v8, v12;
	v8 =	vld [tilespmem:s23+$0xFFFFFEB0]  }
0xec: {  	v4 =	vand.u32 $0xFFFF0000, v4;
	[tilespmem:s26+$0x40] =	vst v7;
	v7 =	vmul.f32 v10, v11;
	v10 =	vshll.u32 v3, $0x10;
	v11 =	vld [tilespmem:s23+$0xFFFFFF30]  }
0xed: {  	v4 =	vmul.f32 v4, v13;
	v3 =	vand.u32 $0xFFFF0000, v3;
	v13 =	vld [tilespmem:s26+$0xFFFFFEF0];
	v6 =	vmul.f32 v10, v6  }
0xee: {  	[tilespmem:s26+$0x50] =	vst v5;
	v5 =	vld [tilespmem:s23+$0xFFFFFFB0];
	v3 =	vmul.f32 v3, v9  }
0xef: {  	[tilespmem:s26+$0x140] =	vst v6;
	v6 =	vld [tilespmem:s26+$0xFFFFFE60]  }
0xf0: {  	[tilespmem:s26+$0x150] =	vst v3;
	v3 =	vld [tilespmem:s26+$0xFFFFFE70]  }
0xf1: {  	[tilespmem:s26+$0xC0] =	vst v7;
	v7 =	vld [tilespmem:s26+$0xFFFFFEE0]  }
0xf2: {  	v10 =	vld [tilespmem:s23+$0x30];
	[tilespmem:s26+$0xD0] =	vst v4;
	v9 =	vand.u32 $0xFFFF0000, v1  }
0xf3: {  	v4 =	vld [tilespmem:s23+$0xB0];
	v2 =	vmul.f32 v9, v2;
	v9 =	vshll.u32 v14, $0x10  }
0xf4: {  	v14 =	vand.u32 $0xFFFF0000, v14;
	v6 =	vmul.f32 v9, v6;
	v9 =	vld [tilespmem:s26+$0xFFFFFF70]  }
0xf5: {  	[tilespmem:s26+$0x1F0] =	vst v2;
	v2 =	vshll.u32 v8, $0x10;
	v3 =	vmul.f32 v14, v3;
	v14 =	vld [tilespmem:s26+$0xFFFFFFE0]  }
0xf6: {  	v12 =	vld [tilespmem:s23+$0x130];
	v8 =	vand.u32 $0xFFFF0000, v8;
	v2 =	vmul.f32 v2, v7;
	[tilespmem:s26+$0xFFFFFE60] =	vst v6  }
0xf7: {  	v6 =	vshll.u32 v11, $0x10;
	[tilespmem:s26+$0xFFFFFE70] =	vst v3;
	v3 =	vmul.f32 v8, v13;
	v13 =	vld [tilespmem:s26+$0x60]  }
0xf8: {  	v7 =	vand.u32 $0xFFFF0000, v11;
	[tilespmem:s26+$0xFFFFFEE0] =	vst v2;
	v11 =	vld [tilespmem:s26+$0x70];
	v2 =	vmul.f32 v6, v15  }
0xf9: {  	v8 =	vshll.u32 v5, $0x10;
	v6 =	vld [tilespmem:s26+$0xE0];
	v5 =	vand.u32 $0xFFFF0000, v5;
	[tilespmem:s26+$0xFFFFFEF0] =	vst v3;
	v3 =	vmul.f32 v7, v9  }
0xfa: {  	v15 =	vmul.f32 v5, v63;
	v5 =	vshll.u32 v4, $0x10;
	[tilespmem:s26+$0xFFFFFF60] =	vst v2;
	v7 =	vld [tilespmem:s26+$0xF0];
	v2 =	vmul.f32 v8, v14  }
0xfb: {  	v14 =	vshll.u32 v10, $0x10;
	v10 =	vand.u32 $0xFFFF0000, v10;
	v8 =	vld [tilespmem:s26+$0x160];
	[tilespmem:s26+$0xFFFFFF70] =	vst v3;
	v3 =	vand.u32 $0xFFFF0000, v4  }
0xfc: {  	s28 =	sshll.u32 s30, $0x1;
	v9 =	vld [tilespmem:s26+$0x170];
	v4 =	vshll.u32 v12, $0x10;
	[tilespmem:s26+$0xFFFFFFE0] =	vst v2;
	v2 =	vand.u32 $0xFFFF0000, v12;
	v12 =	vmul.f32 v14, v13  }
0xfd: {  	s29 =	simm.s32 $0x400;
	s8 =	simm.s32 $0x0;
	v1 =	vshll.u32 v1, $0x10;
	s23 =	simm.s32 $0x5800;
	[tilespmem:s26+$0xFFFFFFF0] =	vst v15;
	v11 =	vmul.f32 v10, v11;
	v10 =	vld [tilespmem:s26+$0x1E0]  }
.LBB2_5:
0xfe: {  	v13 =	vld [tilespmem:s23+$0x180];
	[tilespmem:s26+$0x60] =	vst v12;
	v5 =	vmul.f32 v5, v6;
	s29 =	sadd.s32 $0x400, s29  }
0xff: {  	v6 =	vld [tilespmem:s29+$0x180];
	[tilespmem:s26+$0x70] =	vst v11;
	v3 =	vmul.f32 v3, v7  }
0x100: {  	v7 =	vld [tilespmem:s29+$0x190];
	[tilespmem:s26+$0xE0] =	vst v5;
	v4 =	vmul.f32 v4, v8  }
0x101: {  	s8 =	sadd.s32 $0x8, s8;
	v5 =	vld [tilespmem:s23+$0xFFFFFE80];
	[tilespmem:s26+$0xF0] =	vst v3;
	v2 =	vmul.f32 v2, v9  }
0x102: {  	p3 =	slt.u32 s8, $0x48;
	v3 =	vld [tilespmem:s23+$0xFFFFFF00];
	[tilespmem:s26+$0x160] =	vst v4;
	v1 =	vmul.f32 v1, v10  }
0x103: {  	v4 =	vld [tilespmem:s23+$0xFFFFFF80];
	v8 =	vshll.u32 v13, $0x10;
	[tilespmem:s26+$0x170] =	vst v2  }
0x104: {  	v9 =	vand.u32 $0xFFFF0000, v13;
	v2 =	vld [tilespmem:s23+$0x0];
	v6 =	vmul.f32 v8, v6;
	[tilespmem:s26+$0x1E0] =	vst v1;
	s26 =	smov.u32 s29  }
0x105: {  	v1 =	vld [tilespmem:s23+$0x80];
	v7 =	vmul.f32 v9, v7  }
0x106: {  	v8 =	vshll.u32 v5, $0x10;
	v5 =	vand.u32 $0xFFFF0000, v5;
	v9 =	vld [tilespmem:s23+$0x100];
	[tilespmem:s29+$0x180] =	vst v6  }
0x107: {  	v6 =	vld [tilespmem:s23+$0xFFFFFE00];
	v10 =	vshll.u32 v3, $0x10;
	v3 =	vand.u32 $0xFFFF0000, v3;
	[tilespmem:s29+$0x190] =	vst v7  }
0x108: {  	v7 =	vshll.u32 v4, $0x10;
	v4 =	vand.u32 $0xFFFF0000, v4;
	v11 =	vld [tilespmem:s23+$0x190]  }
0x109: {  	v12 =	vshll.u32 v2, $0x10;
	v2 =	vand.u32 $0xFFFF0000, v2;
	v13 =	vld [tilespmem:s29+$0x1A0]  }
0x10a: {  	v14 =	vshll.u32 v1, $0x10;
	v1 =	vand.u32 $0xFFFF0000, v1;
	v15 =	vld [tilespmem:s29+$0x1B0]  }
0x10b: {  	v16 =	vld [tilespmem:s29+$0xFFFFFE00];
	v17 =	vshll.u32 v9, $0x10;
	v9 =	vand.u32 $0xFFFF0000, v9  }
0x10c: {  	v18 =	vshll.u32 v6, $0x10;
	v6 =	vand.u32 $0xFFFF0000, v6;
	v19 =	vld [tilespmem:s29+$0xFFFFFE10]  }
0x10d: {  	v20 =	vld [tilespmem:s29+$0xFFFFFE80];
	v21 =	vshll.u32 v11, $0x10  }
0x10e: {  	v11 =	vand.u32 $0xFFFF0000, v11;
	v22 =	vld [tilespmem:s29+$0xFFFFFE90];
	v13 =	vmul.f32 v21, v13  }
0x10f: {  	v21 =	vld [tilespmem:s29+$0xFFFFFF00];
	v11 =	vmul.f32 v11, v15  }
0x110: {  	v15 =	vmul.f32 v18, v16;
	v16 =	vld [tilespmem:s29+$0xFFFFFF10];
	[tilespmem:s29+$0x1A0] =	vst v13  }
0x111: {  	v6 =	vmul.f32 v6, v19;
	v13 =	vld [tilespmem:s29+$0xFFFFFF80];
	[tilespmem:s29+$0x1B0] =	vst v11  }
0x112: {  	[tilespmem:s29+$0xFFFFFE00] =	vst v15;
	v8 =	vmul.f32 v8, v20;
	v11 =	vld [tilespmem:s23+$0x1A0]  }
0x113: {  	[tilespmem:s29+$0xFFFFFE10] =	vst v6;
	v5 =	vmul.f32 v5, v22;
	v6 =	vld [tilespmem:s29+$0x1C0]  }
0x114: {  	[tilespmem:s29+$0xFFFFFE80] =	vst v8;
	v8 =	vmul.f32 v10, v21;
	v10 =	vld [tilespmem:s29+$0x1D0]  }
0x115: {  	[tilespmem:s29+$0xFFFFFE90] =	vst v5;
	v3 =	vmul.f32 v3, v16;
	v5 =	vld [tilespmem:s29+$0xFFFFFF90]  }
0x116: {  	[tilespmem:s29+$0xFFFFFF00] =	vst v8;
	v7 =	vmul.f32 v7, v13;
	v8 =	vld [tilespmem:s29+$0x0]  }
0x117: {  	[tilespmem:s29+$0xFFFFFF10] =	vst v3;
	v3 =	vld [tilespmem:s29+$0x10];
	v13 =	vshll.u32 v11, $0x10  }
0x118: {  	v11 =	vand.u32 $0xFFFF0000, v11;
	[tilespmem:s29+$0xFFFFFF80] =	vst v7;
	v7 =	vld [tilespmem:s29+$0x80];
	v6 =	vmul.f32 v13, v6  }
0x119: {  	v13 =	vld [tilespmem:s29+$0x90];
	v10 =	vmul.f32 v11, v10  }
0x11a: {  	v4 =	vmul.f32 v4, v5;
	v5 =	vld [tilespmem:s29+$0x100];
	[tilespmem:s29+$0x1C0] =	vst v6  }
0x11b: {  	v6 =	vmul.f32 v12, v8;
	v8 =	vld [tilespmem:s29+$0x110];
	[tilespmem:s29+$0x1D0] =	vst v10  }
0x11c: {  	[tilespmem:s29+$0xFFFFFF90] =	vst v4;
	v2 =	vmul.f32 v2, v3;
	v3 =	vld [tilespmem:s23+$0x1B0]  }
0x11d: {  	[tilespmem:s29+$0x0] =	vst v6;
	v4 =	vmul.f32 v14, v7;
	v6 =	vld [tilespmem:s29+$0x1F0]  }
0x11e: {  	v7 =	vld [tilespmem:s23+$0xFFFFFE10];
	[tilespmem:s29+$0x10] =	vst v2;
	v1 =	vmul.f32 v1, v13  }
0x11f: {  	v2 =	vld [tilespmem:s23+$0xFFFFFE90];
	[tilespmem:s29+$0x80] =	vst v4;
	v4 =	vmul.f32 v17, v5  }
0x120: {  	v5 =	vld [tilespmem:s23+$0xFFFFFF10];
	[tilespmem:s29+$0x90] =	vst v1;
	v8 =	vmul.f32 v9, v8  }
0x121: {  	v9 =	vld [tilespmem:s23+$0xFFFFFF90];
	[tilespmem:s29+$0x100] =	vst v4;
	v1 =	vshll.u32 v3, $0x10;
	v3 =	vand.u32 $0xFFFF0000, v3  }
0x122: {  	v4 =	vld [tilespmem:s23+$0x10];
	[tilespmem:s29+$0x110] =	vst v8;
	v3 =	vmul.f32 v3, v6  }
0x123: {  	v6 =	vshll.u32 v7, $0x10;
	v7 =	vand.u32 $0xFFFF0000, v7;
	v8 =	vld [tilespmem:s23+$0x90]  }
0x124: {  	v10 =	vshll.u32 v2, $0x10;
	v2 =	vand.u32 $0xFFFF0000, v2;
	v11 =	vld [tilespmem:s23+$0x110];
	[tilespmem:s29+$0x1F0] =	vst v3  }
0x125: {  	v3 =	vld [tilespmem:s29+$0xFFFFFE20];
	v12 =	vshll.u32 v5, $0x10;
	v5 =	vand.u32 $0xFFFF0000, v5  }
0x126: {  	v13 =	vld [tilespmem:s29+$0xFFFFFE30];
	v14 =	vshll.u32 v9, $0x10;
	v9 =	vand.u32 $0xFFFF0000, v9  }
0x127: {  	v15 =	vld [tilespmem:s29+$0xFFFFFEA0];
	v16 =	vshll.u32 v4, $0x10;
	v4 =	vand.u32 $0xFFFF0000, v4  }
0x128: {  	v17 =	vld [tilespmem:s29+$0xFFFFFEB0];
	v18 =	vshll.u32 v8, $0x10;
	v8 =	vand.u32 $0xFFFF0000, v8  }
0x129: {  	v19 =	vld [tilespmem:s29+$0xFFFFFF20];
	v20 =	vshll.u32 v11, $0x10;
	v11 =	vand.u32 $0xFFFF0000, v11  }
0x12a: {  	v3 =	vmul.f32 v6, v3;
	v6 =	vld [tilespmem:s29+$0xFFFFFF30]  }
0x12b: {  	v7 =	vmul.f32 v7, v13;
	v13 =	vld [tilespmem:s29+$0xFFFFFFA0]  }
0x12c: {  	[tilespmem:s29+$0xFFFFFE20] =	vst v3;
	v3 =	vmul.f32 v10, v15;
	v10 =	vld [tilespmem:s29+$0xFFFFFFB0]  }
0x12d: {  	[tilespmem:s29+$0xFFFFFE30] =	vst v7;
	v2 =	vmul.f32 v2, v17;
	v7 =	vld [tilespmem:s29+$0x20]  }
0x12e: {  	[tilespmem:s29+$0xFFFFFEA0] =	vst v3;
	v3 =	vmul.f32 v12, v19;
	v12 =	vld [tilespmem:s29+$0x30]  }
0x12f: {  	[tilespmem:s29+$0xFFFFFEB0] =	vst v2;
	v2 =	vmul.f32 v5, v6;
	v5 =	vld [tilespmem:s29+$0xA0]  }
0x130: {  	[tilespmem:s29+$0xFFFFFF20] =	vst v3;
	v3 =	vmul.f32 v14, v13;
	v6 =	vld [tilespmem:s29+$0xB0]  }
0x131: {  	[tilespmem:s29+$0xFFFFFF30] =	vst v2;
	v2 =	vmul.f32 v9, v10;
	v9 =	vld [tilespmem:s29+$0x120]  }
0x132: {  	[tilespmem:s29+$0xFFFFFFA0] =	vst v3;
	v3 =	vmul.f32 v16, v7;
	v7 =	vld [tilespmem:s29+$0x130]  }
0x133: {  	v10 =	vld [tilespmem:s23+$0xFFFFFE20];
	[tilespmem:s29+$0xFFFFFFB0] =	vst v2;
	v2 =	vmul.f32 v4, v12  }
0x134: {  	v4 =	vld [tilespmem:s23+$0xFFFFFEA0];
	[tilespmem:s29+$0x20] =	vst v3;
	v3 =	vmul.f32 v18, v5  }
0x135: {  	v5 =	vld [tilespmem:s23+$0xFFFFFF20];
	[tilespmem:s29+$0x30] =	vst v2;
	v2 =	vmul.f32 v8, v6  }
0x136: {  	v6 =	vld [tilespmem:s23+$0xFFFFFFA0];
	[tilespmem:s29+$0xA0] =	vst v3;
	v3 =	vmul.f32 v20, v9  }
0x137: {  	v8 =	vld [tilespmem:s23+$0x20];
	[tilespmem:s29+$0xB0] =	vst v2;
	v2 =	vmul.f32 v11, v7  }
0x138: {  	v7 =	vshll.u32 v10, $0x10;
	v9 =	vand.u32 $0xFFFF0000, v10;
	v10 =	vld [tilespmem:s23+$0xA0];
	[tilespmem:s29+$0x120] =	vst v3  }
0x139: {  	v3 =	vld [tilespmem:s29+$0xFFFFFE40];
	v11 =	vshll.u32 v4, $0x10;
	v4 =	vand.u32 $0xFFFF0000, v4;
	[tilespmem:s29+$0x130] =	vst v2  }
0x13a: {  	v2 =	vshll.u32 v5, $0x10;
	v5 =	vand.u32 $0xFFFF0000, v5;
	v12 =	vld [tilespmem:s23+$0x120]  }
0x13b: {  	v13 =	vld [tilespmem:s29+$0xFFFFFE50];
	v14 =	vshll.u32 v6, $0x10;
	v6 =	vand.u32 $0xFFFF0000, v6  }
0x13c: {  	v15 =	vld [tilespmem:s29+$0xFFFFFEC0];
	v16 =	vshll.u32 v8, $0x10;
	v8 =	vand.u32 $0xFFFF0000, v8  }
0x13d: {  	v17 =	vld [tilespmem:s29+$0xFFFFFED0];
	v18 =	vshll.u32 v10, $0x10;
	v10 =	vand.u32 $0xFFFF0000, v10  }
0x13e: {  	v3 =	vmul.f32 v7, v3;
	v7 =	vld [tilespmem:s29+$0xFFFFFF40]  }
0x13f: {  	v19 =	vld [tilespmem:s29+$0xFFFFFF50];
	v20 =	vshll.u32 v12, $0x10;
	v12 =	vand.u32 $0xFFFF0000, v12  }
0x140: {  	[tilespmem:s29+$0xFFFFFE40] =	vst v3;
	v3 =	vmul.f32 v9, v13;
	v9 =	vld [tilespmem:s29+$0xFFFFFFC0]  }
0x141: {  	v11 =	vmul.f32 v11, v15;
	v13 =	vld [tilespmem:s29+$0xFFFFFFD0]  }
0x142: {  	[tilespmem:s29+$0xFFFFFE50] =	vst v3;
	v3 =	vmul.f32 v4, v17;
	v4 =	vld [tilespmem:s29+$0x40]  }
0x143: {  	[tilespmem:s29+$0xFFFFFEC0] =	vst v11;
	v2 =	vmul.f32 v2, v7;
	v7 =	vld [tilespmem:s29+$0x50]  }
0x144: {  	[tilespmem:s29+$0xFFFFFED0] =	vst v3;
	v3 =	vmul.f32 v5, v19;
	v5 =	vld [tilespmem:s29+$0xC0]  }
0x145: {  	[tilespmem:s29+$0xFFFFFF40] =	vst v2;
	v2 =	vmul.f32 v14, v9;
	v9 =	vld [tilespmem:s29+$0xD0]  }
0x146: {  	[tilespmem:s29+$0xFFFFFF50] =	vst v3;
	v3 =	vmul.f32 v6, v13;
	v6 =	vld [tilespmem:s29+$0x140]  }
0x147: {  	[tilespmem:s29+$0xFFFFFFC0] =	vst v2;
	v2 =	vmul.f32 v16, v4;
	v4 =	vld [tilespmem:s29+$0x150]  }
0x148: {  	v11 =	vld [tilespmem:s23+$0xFFFFFE30];
	[tilespmem:s29+$0xFFFFFFD0] =	vst v3;
	v3 =	vmul.f32 v8, v7  }
0x149: {  	v7 =	vld [tilespmem:s23+$0xFFFFFEB0];
	[tilespmem:s29+$0x40] =	vst v2;
	v2 =	vmul.f32 v18, v5  }
0x14a: {  	v5 =	vld [tilespmem:s23+$0xFFFFFF30];
	[tilespmem:s29+$0x50] =	vst v3;
	v3 =	vmul.f32 v10, v9  }
0x14b: {  	v8 =	vld [tilespmem:s23+$0xFFFFFFB0];
	[tilespmem:s29+$0xC0] =	vst v2;
	v2 =	vmul.f32 v20, v6  }
0x14c: {  	v6 =	vld [tilespmem:s23+$0x30];
	[tilespmem:s29+$0xD0] =	vst v3;
	v3 =	vmul.f32 v12, v4  }
0x14d: {  	v4 =	vshll.u32 v11, $0x10;
	v9 =	vand.u32 $0xFFFF0000, v11;
	v10 =	vld [tilespmem:s23+$0xB0];
	[tilespmem:s29+$0x140] =	vst v2  }
0x14e: {  	v2 =	vld [tilespmem:s29+$0xFFFFFE60];
	v11 =	vshll.u32 v7, $0x10;
	v7 =	vand.u32 $0xFFFF0000, v7;
	[tilespmem:s29+$0x150] =	vst v3  }
0x14f: {  	v12 =	vshll.u32 v5, $0x10;
	v13 =	vand.u32 $0xFFFF0000, v5;
	v14 =	vld [tilespmem:s23+$0x130]  }
0x150: {  	v15 =	vld [tilespmem:s29+$0xFFFFFE70];
	v16 =	vshll.u32 v8, $0x10;
	v8 =	vand.u32 $0xFFFF0000, v8  }
0x151: {  	v17 =	vld [tilespmem:s29+$0xFFFFFEE0];
	v18 =	vshll.u32 v6, $0x10;
	v19 =	vand.u32 $0xFFFF0000, v6  }
0x152: {  	v6 =	vld [tilespmem:s29+$0xFFFFFEF0];
	v5 =	vshll.u32 v10, $0x10;
	v3 =	vand.u32 $0xFFFF0000, v10  }
0x153: {  	v10 =	vmul.f32 v4, v2;
	v20 =	vld [tilespmem:s29+$0xFFFFFF60]  }
0x154: {  	v21 =	vld [tilespmem:s29+$0xFFFFFF70];
	v4 =	vshll.u32 v14, $0x10;
	v2 =	vand.u32 $0xFFFF0000, v14  }
0x155: {  	[tilespmem:s29+$0xFFFFFE60] =	vst v10;
	v9 =	vmul.f32 v9, v15;
	v10 =	vld [tilespmem:s29+$0xFFFFFFE0]  }
0x156: {  	v11 =	vmul.f32 v11, v17;
	v14 =	vld [tilespmem:s29+$0xFFFFFFF0]  }
0x157: {  	[tilespmem:s29+$0xFFFFFE70] =	vst v9;
	v6 =	vmul.f32 v7, v6;
	v9 =	vld [tilespmem:s29+$0x60]  }
0x158: {  	[tilespmem:s29+$0xFFFFFEE0] =	vst v11;
	v7 =	vmul.f32 v12, v20;
	v11 =	vld [tilespmem:s29+$0x70]  }
.Ltmp3:
0x159: {  	[tilespmem:s29+$0xFFFFFEF0] =	vst v6;
	v12 =	vmul.f32 v13, v21;
	v6 =	vld [tilespmem:s29+$0xE0];
	(pc) =	sbr.rel @p3 .LBB2_5-.Ltmp3, $4  }
0x15a: {  	[tilespmem:s29+$0xFFFFFF60] =	vst v7;
	v10 =	vmul.f32 v16, v10;
	v7 =	vld [tilespmem:s29+$0xF0]  }
0x15b: {  	[tilespmem:s29+$0xFFFFFF70] =	vst v12;
	v13 =	vmul.f32 v8, v14;
	v8 =	vld [tilespmem:s29+$0x160]  }
0x15c: {  	[tilespmem:s29+$0xFFFFFFE0] =	vst v10;
	v12 =	vmul.f32 v18, v9;
	v9 =	vld [tilespmem:s29+$0x170]  }
0x15d: {  	s23 =	sadd.s32 $0x400, s23;
	[tilespmem:s29+$0xFFFFFFF0] =	vst v13;
	v11 =	vmul.f32 v19, v11;
	v10 =	vld [tilespmem:s29+$0x1E0]  }
0x15e: {  	[tilespmem:s26+$0x60] =	vst v12;
	v5 =	vmul.f32 v5, v6  }
0x15f: {  	[tilespmem:s26+$0x70] =	vst v11;
	v3 =	vmul.f32 v3, v7  }
0x160: {  	[tilespmem:s26+$0xE0] =	vst v5;
	v4 =	vmul.f32 v4, v8  }
0x161: {  	[tilespmem:s26+$0xF0] =	vst v3;
	v2 =	vmul.f32 v2, v9  }
0x162: {  	[tilespmem:s26+$0x160] =	vst v4;
	v1 =	vmul.f32 v1, v10  }
0x163: {  	s8 =	sadd.s32 s12, s28;
	[tilespmem:s26+$0x170] =	vst v2  }
0x164: {  	s8 =	sshll.u32 s8, $0x5;
	[tilespmem:s26+$0x1E0] =	vst v1  }
0x165: {  	[spmem:s2] =	stream.indirect.scatter.add.f32 [tilespmem:s9], [sflag:$0x5], $0x80, s17, s4, $0xb8;
	[tilespmem:$0x1F280] =	vst v63  }
0x166: {  	s8 =	sadd.s32 s8, s22  }
0x167: {  	[tilespmem:s3], [sflag:$0x7] =	stream.linear.gather [hbm4b:s8+s3], $0x100, $0x38;
	[tilespmem:$0x1F280] =	vst v63  }
0x168: {  	_ =	swait.ge [sflag:s18], $0x2800  }
0x169: {  	[sflag:s18] =	ssyncset.done $0x0  }
0x16a: {  	s26 =	smul.u32 $0xA0, s30;
	[sflag:s18] =	ssyncadd.s32 $0xFFFFD800  }
0x16b: {  	_ =	swait.ge [sflag:s7], $0x100  }
0x16c: {  	s8 =	sadd.s32 s26, s0;
	[sflag:s7] =	ssyncset.done $0x0  }
0x16d: {  	s8 =	sshll.u32 s8, $0x4;
	[sflag:s7] =	ssyncadd.s32 $0xFFFFFF00  }
0x16e: {  	[tilespmem:s9], [sflag:$0x1] =	stream.indirect.gather [hbm4b:s1+s4], $0x80, s3, s4, $0xb8;
	[tilespmem:$0x1F280] =	vst v63  }
0x16f: {  	s8 =	sadd.s32 s5, s8  }
0x170: {  	[tilespmem:s10], [sflag:$0x3] =	stream.linear.gather [hbm4b:s8+s3], $0x2800, $0x38;
	[tilespmem:$0x1F280] =	vst v63  }
0x171: {  	_ =	swait.ge [sflag:s19], $0x2800  }
0x172: {  	[sflag:s19] =	ssyncset.done $0x0  }
0x173: {  	[sflag:s19] =	ssyncadd.s32 $0xFFFFD800  }
0x174: {  	_ =	swait.ge [sflag:s21], $0x2800  }
0x175: {  	[sflag:s21] =	ssyncset.done $0x0  }
0x176: {  	s29 =	simm.s32 $0x7C00;
	[sflag:s21] =	ssyncadd.s32 $0xFFFFD800  }
0x177: {  	s26 =	simm.s32 $0x2C00;
	v1 =	vld [tilespmem:s29+$0x180]  }
0x178: {  	v2 =	vld [tilespmem:s26+$0x180]  }
0x179: {  	v3 =	vld [tilespmem:s26+$0x190]  }
0x17a: {  	v4 =	vld [tilespmem:s29+$0xFFFFFE80]  }
0x17b: {  	v5 =	vld [tilespmem:s29+$0xFFFFFF00]  }
0x17c: {  	v6 =	vld [tilespmem:s29+$0xFFFFFF80]  }
0x17d: {  	v8 =	vld [tilespmem:s29+$0x0];
	v7 =	vshll.u32 v1, $0x10  }
0x17e: {  	v9 =	vld [tilespmem:s26+$0x1A0];
	v1 =	vand.u32 $0xFFFF0000, v1;
	v2 =	vmul.f32 v7, v2  }
0x17f: {  	v10 =	vld [tilespmem:s26+$0x1B0];
	v1 =	vmul.f32 v1, v3  }
0x180: {  	v11 =	vld [tilespmem:s26+$0xFFFFFE00];
	[tilespmem:s26+$0x180] =	vst v2  }
0x181: {  	v12 =	vld [tilespmem:s26+$0xFFFFFE10];
	[tilespmem:s26+$0x190] =	vst v1  }
0x182: {  	v1 =	vld [tilespmem:s29+$0x190]  }
0x183: {  	v13 =	vld [tilespmem:s26+$0xFFFFFE80]  }
0x184: {  	v15 =	vld [tilespmem:s26+$0xFFFFFE90]  }
0x185: {  	v16 =	vld [tilespmem:s26+$0xFFFFFF80]  }
0x186: {  	v2 =	vld [tilespmem:s29+$0xFFFFFE00]  }
0x187: {  	v63 =	vld [tilespmem:s26+$0xFFFFFFF0];
	v14 =	vshll.u32 v1, $0x10  }
0x188: {  	v7 =	vld [tilespmem:s29+$0x80];
	v1 =	vand.u32 $0xFFFF0000, v1;
	v9 =	vmul.f32 v14, v9  }
0x189: {  	v3 =	vld [tilespmem:s29+$0x100];
	v1 =	vmul.f32 v1, v10  }
0x18a: {  	v14 =	vld [tilespmem:s26+$0xFFFFFF00];
	[tilespmem:s26+$0x1A0] =	vst v9  }
0x18b: {  	v10 =	vld [tilespmem:s26+$0xFFFFFF10];
	v9 =	vshll.u32 v2, $0x10;
	[tilespmem:s26+$0x1B0] =	vst v1  }
0x18c: {  	v1 =	vand.u32 $0xFFFF0000, v2;
	v2 =	vmul.f32 v9, v11;
	v9 =	vld [tilespmem:s29+$0x1A0]  }
0x18d: {  	v11 =	vshll.u32 v4, $0x10;
	v1 =	vmul.f32 v1, v12;
	v12 =	vld [tilespmem:s26+$0x1C0]  }
0x18e: {  	v4 =	vand.u32 $0xFFFF0000, v4;
	[tilespmem:s26+$0xFFFFFE00] =	vst v2;
	v2 =	vmul.f32 v11, v13;
	v11 =	vld [tilespmem:s26+$0x1D0]  }
0x18f: {  	[tilespmem:s26+$0xFFFFFE10] =	vst v1;
	v1 =	vmul.f32 v4, v15;
	v4 =	vld [tilespmem:s26+$0xFFFFFF90]  }
0x190: {  	v13 =	vshll.u32 v5, $0x10;
	v15 =	vld [tilespmem:s26+$0xFFFFFF20]  }
0x191: {  	v5 =	vand.u32 $0xFFFF0000, v5;
	[tilespmem:s26+$0xFFFFFE80] =	vst v2;
	v2 =	vmul.f32 v13, v14;
	v13 =	vld [tilespmem:s26+$0x0]  }
0x192: {  	[tilespmem:s26+$0xFFFFFE90] =	vst v1;
	v1 =	vmul.f32 v5, v10;
	v5 =	vld [tilespmem:s26+$0x10]  }
0x193: {  	v14 =	vld [tilespmem:s26+$0x80];
	v10 =	vshll.u32 v9, $0x10  }
0x194: {  	[tilespmem:s26+$0xFFFFFF00] =	vst v2;
	v2 =	vand.u32 $0xFFFF0000, v9;
	v9 =	vmul.f32 v10, v12;
	v10 =	vshll.u32 v6, $0x10;
	v12 =	vld [tilespmem:s26+$0x90]  }
0x195: {  	[tilespmem:s26+$0xFFFFFF10] =	vst v1;
	v1 =	vmul.f32 v2, v11;
	v2 =	vand.u32 $0xFFFF0000, v6;
	v6 =	vmul.f32 v10, v16;
	v10 =	vld [tilespmem:s26+$0x100]  }
0x196: {  	v11 =	vld [tilespmem:s26+$0xFFFFFE30]  }
0x197: {  	[tilespmem:s26+$0x1C0] =	vst v9;
	v9 =	vshll.u32 v8, $0x10;
	v2 =	vmul.f32 v2, v4;
	v4 =	vld [tilespmem:s26+$0x110];
	v8 =	vand.u32 $0xFFFF0000, v8  }
0x198: {  	[tilespmem:s26+$0x1D0] =	vst v1;
	v5 =	vmul.f32 v8, v5;
	v8 =	vld [tilespmem:s29+$0xFFFFFE10]  }
0x199: {  	[tilespmem:s26+$0xFFFFFF80] =	vst v6;
	v6 =	vmul.f32 v9, v13;
	v13 =	vld [tilespmem:s26+$0xFFFFFEB0]  }
0x19a: {  	v1 =	vld [tilespmem:s29+$0x1B0];
	[tilespmem:s26+$0xFFFFFF90] =	vst v2  }
0x19b: {  	v9 =	vshll.u32 v7, $0x10;
	v7 =	vand.u32 $0xFFFF0000, v7;
	v2 =	vld [tilespmem:s26+$0x1F0];
	[tilespmem:s26+$0x0] =	vst v6  }
0x19c: {  	v6 =	vmul.f32 v9, v14;
	[tilespmem:s26+$0x10] =	vst v5;
	v5 =	vmul.f32 v7, v12;
	v7 =	vld [tilespmem:s29+$0xFFFFFE90]  }
0x19d: {  	v9 =	vshll.u32 v3, $0x10;
	v12 =	vld [tilespmem:s26+$0xFFFFFEA0]  }
0x19e: {  	[tilespmem:s26+$0x80] =	vst v6;
	v6 =	vmul.f32 v9, v10;
	v9 =	vld [tilespmem:s29+$0xFFFFFF10]  }
0x19f: {  	v3 =	vand.u32 $0xFFFF0000, v3;
	v10 =	vld [tilespmem:s26+$0xFFFFFE20]  }
0x1a0: {  	v3 =	vmul.f32 v3, v4;
	v4 =	vld [tilespmem:s29+$0xFFFFFF90]  }
0x1a1: {  	[tilespmem:s26+$0x90] =	vst v5;
	v5 =	vld [tilespmem:s29+$0x10]  }
0x1a2: {  	v14 =	vshll.u32 v8, $0x10;
	v8 =	vand.u32 $0xFFFF0000, v8;
	[tilespmem:s26+$0x110] =	vst v3;
	v3 =	vld [tilespmem:s29+$0x90]  }
0x1a3: {  	v8 =	vmul.f32 v8, v11;
	v11 =	vld [tilespmem:s26+$0xFFFFFFA0]  }
0x1a4: {  	[tilespmem:s26+$0x100] =	vst v6;
	v10 =	vmul.f32 v14, v10;
	v14 =	vld [tilespmem:s26+$0xFFFFFF30]  }
0x1a5: {  	v6 =	vld [tilespmem:s29+$0x110];
	v59 =	vshll.u32 v7, $0x10;
	[tilespmem:s26+$0xFFFFFE30] =	vst v8  }
0x1a6: {  	v7 =	vand.u32 $0xFFFF0000, v7;
	v8 =	vld [tilespmem:s26+$0x20];
	[tilespmem:s26+$0xFFFFFE20] =	vst v10;
	v10 =	vmul.f32 v59, v12  }
0x1a7: {  	v7 =	vmul.f32 v7, v13;
	v13 =	vld [tilespmem:s26+$0x30];
	v60 =	vshll.u32 v9, $0x10  }
0x1a8: {  	v9 =	vand.u32 $0xFFFF0000, v9;
	v12 =	vld [tilespmem:s26+$0xFFFFFFB0];
	[tilespmem:s26+$0xFFFFFEA0] =	vst v10;
	v10 =	vmul.f32 v60, v15  }
0x1a9: {  	[tilespmem:s26+$0xFFFFFEB0] =	vst v7;
	v15 =	vshll.u32 v4, $0x10;
	v7 =	vmul.f32 v9, v14;
	v9 =	vld [tilespmem:s26+$0xA0]  }
0x1aa: {  	v14 =	vshll.u32 v5, $0x10;
	[tilespmem:s26+$0xFFFFFF20] =	vst v10;
	v10 =	vmul.f32 v15, v11;
	v11 =	vld [tilespmem:s26+$0xB0]  }
0x1ab: {  	v8 =	vmul.f32 v14, v8;
	v14 =	vld [tilespmem:s29+$0xFFFFFE20]  }
0x1ac: {  	v4 =	vand.u32 $0xFFFF0000, v4;
	v15 =	vld [tilespmem:s26+$0xFFFFFF40]  }
0x1ad: {  	[tilespmem:s26+$0xFFFFFF30] =	vst v7;
	v4 =	vmul.f32 v4, v12;
	v7 =	vld [tilespmem:s26+$0x120]  }
0x1ae: {  	v5 =	vand.u32 $0xFFFF0000, v5;
	[tilespmem:s26+$0xFFFFFFA0] =	vst v10;
	v10 =	vld [tilespmem:s26+$0x130]  }
0x1af: {  	v12 =	vshll.u32 v3, $0x10;
	[tilespmem:s26+$0xFFFFFFB0] =	vst v4;
	v4 =	vmul.f32 v5, v13;
	v5 =	vld [tilespmem:s29+$0xFFFFFEA0]  }
0x1b0: {  	[tilespmem:s26+$0x20] =	vst v8;
	v8 =	vmul.f32 v12, v9;
	v12 =	vld [tilespmem:s29+$0xFFFFFF20]  }
0x1b1: {  	v3 =	vand.u32 $0xFFFF0000, v3;
	v9 =	vshll.u32 v6, $0x10;
	[tilespmem:s26+$0x30] =	vst v4;
	v4 =	vand.u32 $0xFFFF0000, v6;
	v6 =	vld [tilespmem:s29+$0xFFFFFFA0]  }
0x1b2: {  	v3 =	vmul.f32 v3, v11;
	v11 =	vld [tilespmem:s26+$0xFFFFFED0];
	v7 =	vmul.f32 v9, v7  }
0x1b3: {  	[tilespmem:s26+$0xA0] =	vst v8;
	v8 =	vld [tilespmem:s29+$0x20]  }
0x1b4: {  	[tilespmem:s26+$0x120] =	vst v7;
	v7 =	vld [tilespmem:s26+$0xFFFFFE40]  }
0x1b5: {  	v9 =	vld [tilespmem:s26+$0xFFFFFE50];
	[tilespmem:s26+$0xB0] =	vst v3;
	v3 =	vmul.f32 v4, v10  }
0x1b6: {  	v10 =	vld [tilespmem:s26+$0xFFFFFEC0]  }
0x1b7: {  	v4 =	vld [tilespmem:s29+$0xA0];
	[tilespmem:s26+$0x130] =	vst v3  }
0x1b8: {  	v13 =	vshll.u32 v14, $0x10;
	v61 =	vshll.u32 v5, $0x10;
	v5 =	vand.u32 $0xFFFF0000, v5;
	v3 =	vld [tilespmem:s29+$0x120]  }
0x1b9: {  	v5 =	vmul.f32 v5, v11;
	v7 =	vmul.f32 v13, v7;
	v13 =	vld [tilespmem:s26+$0xFFFFFF50]  }
0x1ba: {  	v14 =	vand.u32 $0xFFFF0000, v14;
	v62 =	vshll.u32 v12, $0x10;
	v11 =	vand.u32 $0xFFFF0000, v12;
	v12 =	vld [tilespmem:s26+$0x50]  }
0x1bb: {  	v9 =	vmul.f32 v14, v9;
	v14 =	vld [tilespmem:s26+$0xFFFFFFC0];
	[tilespmem:s26+$0xFFFFFED0] =	vst v5  }
0x1bc: {  	[tilespmem:s26+$0xFFFFFE40] =	vst v7;
	v7 =	vmul.f32 v61, v10;
	v10 =	vld [tilespmem:s26+$0xFFFFFFD0]  }
0x1bd: {  	[tilespmem:s26+$0xFFFFFE50] =	vst v9;
	v9 =	vld [tilespmem:s26+$0x40]  }
0x1be: {  	[tilespmem:s26+$0xFFFFFEC0] =	vst v7;
	v7 =	vmul.f32 v62, v15;
	v5 =	vmul.f32 v11, v13;
	v11 =	vld [tilespmem:s26+$0xC0]  }
0x1bf: {  	v15 =	vshll.u32 v6, $0x10;
	v13 =	vld [tilespmem:s26+$0xD0]  }
0x1c0: {  	v6 =	vand.u32 $0xFFFF0000, v6;
	[tilespmem:s26+$0xFFFFFF40] =	vst v7;
	v7 =	vmul.f32 v15, v14;
	v15 =	vld [tilespmem:s26+$0xFFFFFF60]  }
0x1c1: {  	v14 =	vshll.u32 v8, $0x10;
	[tilespmem:s26+$0xFFFFFF50] =	vst v5;
	v5 =	vmul.f32 v6, v10;
	v6 =	vld [tilespmem:s26+$0x140]  }
0x1c2: {  	[tilespmem:s26+$0xFFFFFFC0] =	vst v7;
	v7 =	vmul.f32 v14, v9;
	v9 =	vld [tilespmem:s26+$0x150]  }
0x1c3: {  	v8 =	vand.u32 $0xFFFF0000, v8;
	v14 =	vld [tilespmem:s29+$0xFFFFFE30]  }
0x1c4: {  	v10 =	vshll.u32 v4, $0x10;
	[tilespmem:s26+$0xFFFFFFD0] =	vst v5;
	v5 =	vmul.f32 v8, v12;
	v8 =	vld [tilespmem:s29+$0xFFFFFEB0]  }
0x1c5: {  	v4 =	vand.u32 $0xFFFF0000, v4;
	[tilespmem:s26+$0x40] =	vst v7;
	v7 =	vmul.f32 v10, v11;
	v10 =	vshll.u32 v3, $0x10;
	v11 =	vld [tilespmem:s29+$0xFFFFFF30]  }
0x1c6: {  	v4 =	vmul.f32 v4, v13;
	v3 =	vand.u32 $0xFFFF0000, v3;
	v13 =	vld [tilespmem:s26+$0xFFFFFEF0];
	v6 =	vmul.f32 v10, v6  }
0x1c7: {  	[tilespmem:s26+$0x50] =	vst v5;
	v5 =	vld [tilespmem:s29+$0xFFFFFFB0];
	v3 =	vmul.f32 v3, v9  }
0x1c8: {  	[tilespmem:s26+$0x140] =	vst v6;
	v6 =	vld [tilespmem:s26+$0xFFFFFE60]  }
0x1c9: {  	[tilespmem:s26+$0x150] =	vst v3;
	v3 =	vld [tilespmem:s26+$0xFFFFFE70]  }
0x1ca: {  	[tilespmem:s26+$0xC0] =	vst v7;
	v7 =	vld [tilespmem:s26+$0xFFFFFEE0]  }
0x1cb: {  	v10 =	vld [tilespmem:s29+$0x30];
	[tilespmem:s26+$0xD0] =	vst v4;
	v9 =	vand.u32 $0xFFFF0000, v1  }
0x1cc: {  	v4 =	vld [tilespmem:s29+$0xB0];
	v2 =	vmul.f32 v9, v2;
	v9 =	vshll.u32 v14, $0x10  }
0x1cd: {  	v14 =	vand.u32 $0xFFFF0000, v14;
	v6 =	vmul.f32 v9, v6;
	v9 =	vld [tilespmem:s26+$0xFFFFFF70]  }
0x1ce: {  	[tilespmem:s26+$0x1F0] =	vst v2;
	v2 =	vshll.u32 v8, $0x10;
	v3 =	vmul.f32 v14, v3;
	v14 =	vld [tilespmem:s26+$0xFFFFFFE0]  }
0x1cf: {  	v12 =	vld [tilespmem:s29+$0x130];
	v8 =	vand.u32 $0xFFFF0000, v8;
	v2 =	vmul.f32 v2, v7;
	[tilespmem:s26+$0xFFFFFE60] =	vst v6  }
0x1d0: {  	v6 =	vshll.u32 v11, $0x10;
	[tilespmem:s26+$0xFFFFFE70] =	vst v3;
	v3 =	vmul.f32 v8, v13;
	v13 =	vld [tilespmem:s26+$0x60]  }
0x1d1: {  	v7 =	vand.u32 $0xFFFF0000, v11;
	[tilespmem:s26+$0xFFFFFEE0] =	vst v2;
	v11 =	vld [tilespmem:s26+$0x70];
	v2 =	vmul.f32 v6, v15  }
0x1d2: {  	v8 =	vshll.u32 v5, $0x10;
	v6 =	vld [tilespmem:s26+$0xE0];
	v5 =	vand.u32 $0xFFFF0000, v5;
	[tilespmem:s26+$0xFFFFFEF0] =	vst v3;
	v3 =	vmul.f32 v7, v9  }
0x1d3: {  	v15 =	vmul.f32 v5, v63;
	v5 =	vshll.u32 v4, $0x10;
	[tilespmem:s26+$0xFFFFFF60] =	vst v2;
	v7 =	vld [tilespmem:s26+$0xF0];
	v2 =	vmul.f32 v8, v14  }
0x1d4: {  	v14 =	vshll.u32 v10, $0x10;
	v10 =	vand.u32 $0xFFFF0000, v10;
	v8 =	vld [tilespmem:s26+$0x160];
	[tilespmem:s26+$0xFFFFFF70] =	vst v3;
	v3 =	vand.u32 $0xFFFF0000, v4  }
0x1d5: {  	v9 =	vld [tilespmem:s26+$0x170];
	v4 =	vshll.u32 v12, $0x10;
	[tilespmem:s26+$0xFFFFFFE0] =	vst v2;
	v2 =	vand.u32 $0xFFFF0000, v12;
	v12 =	vmul.f32 v14, v13  }
0x1d6: {  	s23 =	simm.s32 $0x8000;
	s28 =	simm.s32 $0x2C00;
	s8 =	simm.s32 $0x0;
	v1 =	vshll.u32 v1, $0x10;
	[tilespmem:s26+$0xFFFFFFF0] =	vst v15;
	v11 =	vmul.f32 v10, v11;
	v10 =	vld [tilespmem:s26+$0x1E0]  }
.LBB2_7:
0x1d7: {  	v13 =	vld [tilespmem:s23+$0x180];
	[tilespmem:s26+$0x60] =	vst v12;
	v5 =	vmul.f32 v5, v6;
	s28 =	sadd.s32 $0x400, s28  }
0x1d8: {  	v6 =	vld [tilespmem:s28+$0x180];
	[tilespmem:s26+$0x70] =	vst v11;
	v3 =	vmul.f32 v3, v7  }
0x1d9: {  	v7 =	vld [tilespmem:s28+$0x190];
	[tilespmem:s26+$0xE0] =	vst v5;
	v4 =	vmul.f32 v4, v8  }
0x1da: {  	s8 =	sadd.s32 $0x8, s8;
	v5 =	vld [tilespmem:s23+$0xFFFFFE80];
	[tilespmem:s26+$0xF0] =	vst v3;
	v2 =	vmul.f32 v2, v9  }
0x1db: {  	p3 =	slt.u32 s8, $0x48;
	v3 =	vld [tilespmem:s23+$0xFFFFFF00];
	[tilespmem:s26+$0x160] =	vst v4;
	v1 =	vmul.f32 v1, v10  }
0x1dc: {  	v4 =	vld [tilespmem:s23+$0xFFFFFF80];
	v8 =	vshll.u32 v13, $0x10;
	[tilespmem:s26+$0x170] =	vst v2  }
0x1dd: {  	v9 =	vand.u32 $0xFFFF0000, v13;
	v2 =	vld [tilespmem:s23+$0x0];
	v6 =	vmul.f32 v8, v6;
	[tilespmem:s26+$0x1E0] =	vst v1;
	s26 =	smov.u32 s28  }
0x1de: {  	v1 =	vld [tilespmem:s23+$0x80];
	v7 =	vmul.f32 v9, v7  }
0x1df: {  	v8 =	vshll.u32 v5, $0x10;
	v5 =	vand.u32 $0xFFFF0000, v5;
	v9 =	vld [tilespmem:s23+$0x100];
	[tilespmem:s28+$0x180] =	vst v6  }
0x1e0: {  	v6 =	vld [tilespmem:s23+$0xFFFFFE00];
	v10 =	vshll.u32 v3, $0x10;
	v3 =	vand.u32 $0xFFFF0000, v3;
	[tilespmem:s28+$0x190] =	vst v7  }
0x1e1: {  	v7 =	vshll.u32 v4, $0x10;
	v4 =	vand.u32 $0xFFFF0000, v4;
	v11 =	vld [tilespmem:s23+$0x190]  }
0x1e2: {  	v12 =	vshll.u32 v2, $0x10;
	v2 =	vand.u32 $0xFFFF0000, v2;
	v13 =	vld [tilespmem:s28+$0x1A0]  }
0x1e3: {  	v14 =	vshll.u32 v1, $0x10;
	v1 =	vand.u32 $0xFFFF0000, v1;
	v15 =	vld [tilespmem:s28+$0x1B0]  }
0x1e4: {  	v16 =	vld [tilespmem:s28+$0xFFFFFE00];
	v17 =	vshll.u32 v9, $0x10;
	v9 =	vand.u32 $0xFFFF0000, v9  }
0x1e5: {  	v18 =	vshll.u32 v6, $0x10;
	v6 =	vand.u32 $0xFFFF0000, v6;
	v19 =	vld [tilespmem:s28+$0xFFFFFE10]  }
0x1e6: {  	v20 =	vld [tilespmem:s28+$0xFFFFFE80];
	v21 =	vshll.u32 v11, $0x10  }
0x1e7: {  	v11 =	vand.u32 $0xFFFF0000, v11;
	v22 =	vld [tilespmem:s28+$0xFFFFFE90];
	v13 =	vmul.f32 v21, v13  }
0x1e8: {  	v21 =	vld [tilespmem:s28+$0xFFFFFF00];
	v11 =	vmul.f32 v11, v15  }
0x1e9: {  	v15 =	vmul.f32 v18, v16;
	v16 =	vld [tilespmem:s28+$0xFFFFFF10];
	[tilespmem:s28+$0x1A0] =	vst v13  }
0x1ea: {  	v6 =	vmul.f32 v6, v19;
	v13 =	vld [tilespmem:s28+$0xFFFFFF80];
	[tilespmem:s28+$0x1B0] =	vst v11  }
0x1eb: {  	[tilespmem:s28+$0xFFFFFE00] =	vst v15;
	v8 =	vmul.f32 v8, v20;
	v11 =	vld [tilespmem:s23+$0x1A0]  }
0x1ec: {  	[tilespmem:s28+$0xFFFFFE10] =	vst v6;
	v5 =	vmul.f32 v5, v22;
	v6 =	vld [tilespmem:s28+$0x1C0]  }
0x1ed: {  	[tilespmem:s28+$0xFFFFFE80] =	vst v8;
	v8 =	vmul.f32 v10, v21;
	v10 =	vld [tilespmem:s28+$0x1D0]  }
0x1ee: {  	[tilespmem:s28+$0xFFFFFE90] =	vst v5;
	v3 =	vmul.f32 v3, v16;
	v5 =	vld [tilespmem:s28+$0xFFFFFF90]  }
0x1ef: {  	[tilespmem:s28+$0xFFFFFF00] =	vst v8;
	v7 =	vmul.f32 v7, v13;
	v8 =	vld [tilespmem:s28+$0x0]  }
0x1f0: {  	[tilespmem:s28+$0xFFFFFF10] =	vst v3;
	v3 =	vld [tilespmem:s28+$0x10];
	v13 =	vshll.u32 v11, $0x10  }
0x1f1: {  	v11 =	vand.u32 $0xFFFF0000, v11;
	[tilespmem:s28+$0xFFFFFF80] =	vst v7;
	v7 =	vld [tilespmem:s28+$0x80];
	v6 =	vmul.f32 v13, v6  }
0x1f2: {  	v13 =	vld [tilespmem:s28+$0x90];
	v10 =	vmul.f32 v11, v10  }
0x1f3: {  	v4 =	vmul.f32 v4, v5;
	v5 =	vld [tilespmem:s28+$0x100];
	[tilespmem:s28+$0x1C0] =	vst v6  }
0x1f4: {  	v6 =	vmul.f32 v12, v8;
	v8 =	vld [tilespmem:s28+$0x110];
	[tilespmem:s28+$0x1D0] =	vst v10  }
0x1f5: {  	[tilespmem:s28+$0xFFFFFF90] =	vst v4;
	v2 =	vmul.f32 v2, v3;
	v3 =	vld [tilespmem:s23+$0x1B0]  }
0x1f6: {  	[tilespmem:s28+$0x0] =	vst v6;
	v4 =	vmul.f32 v14, v7;
	v6 =	vld [tilespmem:s28+$0x1F0]  }
0x1f7: {  	v7 =	vld [tilespmem:s23+$0xFFFFFE10];
	[tilespmem:s28+$0x10] =	vst v2;
	v1 =	vmul.f32 v1, v13  }
0x1f8: {  	v2 =	vld [tilespmem:s23+$0xFFFFFE90];
	[tilespmem:s28+$0x80] =	vst v4;
	v4 =	vmul.f32 v17, v5  }
0x1f9: {  	v5 =	vld [tilespmem:s23+$0xFFFFFF10];
	[tilespmem:s28+$0x90] =	vst v1;
	v8 =	vmul.f32 v9, v8  }
0x1fa: {  	v9 =	vld [tilespmem:s23+$0xFFFFFF90];
	[tilespmem:s28+$0x100] =	vst v4;
	v1 =	vshll.u32 v3, $0x10;
	v3 =	vand.u32 $0xFFFF0000, v3  }
0x1fb: {  	v4 =	vld [tilespmem:s23+$0x10];
	[tilespmem:s28+$0x110] =	vst v8;
	v3 =	vmul.f32 v3, v6  }
0x1fc: {  	v6 =	vshll.u32 v7, $0x10;
	v7 =	vand.u32 $0xFFFF0000, v7;
	v8 =	vld [tilespmem:s23+$0x90]  }
0x1fd: {  	v10 =	vshll.u32 v2, $0x10;
	v2 =	vand.u32 $0xFFFF0000, v2;
	v11 =	vld [tilespmem:s23+$0x110];
	[tilespmem:s28+$0x1F0] =	vst v3  }
0x1fe: {  	v3 =	vld [tilespmem:s28+$0xFFFFFE20];
	v12 =	vshll.u32 v5, $0x10;
	v5 =	vand.u32 $0xFFFF0000, v5  }
0x1ff: {  	v13 =	vld [tilespmem:s28+$0xFFFFFE30];
	v14 =	vshll.u32 v9, $0x10;
	v9 =	vand.u32 $0xFFFF0000, v9  }
0x200: {  	v15 =	vld [tilespmem:s28+$0xFFFFFEA0];
	v16 =	vshll.u32 v4, $0x10;
	v4 =	vand.u32 $0xFFFF0000, v4  }
0x201: {  	v17 =	vld [tilespmem:s28+$0xFFFFFEB0];
	v18 =	vshll.u32 v8, $0x10;
	v8 =	vand.u32 $0xFFFF0000, v8  }
0x202: {  	v19 =	vld [tilespmem:s28+$0xFFFFFF20];
	v20 =	vshll.u32 v11, $0x10;
	v11 =	vand.u32 $0xFFFF0000, v11  }
0x203: {  	v3 =	vmul.f32 v6, v3;
	v6 =	vld [tilespmem:s28+$0xFFFFFF30]  }
0x204: {  	v7 =	vmul.f32 v7, v13;
	v13 =	vld [tilespmem:s28+$0xFFFFFFA0]  }
0x205: {  	[tilespmem:s28+$0xFFFFFE20] =	vst v3;
	v3 =	vmul.f32 v10, v15;
	v10 =	vld [tilespmem:s28+$0xFFFFFFB0]  }
0x206: {  	[tilespmem:s28+$0xFFFFFE30] =	vst v7;
	v2 =	vmul.f32 v2, v17;
	v7 =	vld [tilespmem:s28+$0x20]  }
0x207: {  	[tilespmem:s28+$0xFFFFFEA0] =	vst v3;
	v3 =	vmul.f32 v12, v19;
	v12 =	vld [tilespmem:s28+$0x30]  }
0x208: {  	[tilespmem:s28+$0xFFFFFEB0] =	vst v2;
	v2 =	vmul.f32 v5, v6;
	v5 =	vld [tilespmem:s28+$0xA0]  }
0x209: {  	[tilespmem:s28+$0xFFFFFF20] =	vst v3;
	v3 =	vmul.f32 v14, v13;
	v6 =	vld [tilespmem:s28+$0xB0]  }
0x20a: {  	[tilespmem:s28+$0xFFFFFF30] =	vst v2;
	v2 =	vmul.f32 v9, v10;
	v9 =	vld [tilespmem:s28+$0x120]  }
0x20b: {  	[tilespmem:s28+$0xFFFFFFA0] =	vst v3;
	v3 =	vmul.f32 v16, v7;
	v7 =	vld [tilespmem:s28+$0x130]  }
0x20c: {  	v10 =	vld [tilespmem:s23+$0xFFFFFE20];
	[tilespmem:s28+$0xFFFFFFB0] =	vst v2;
	v2 =	vmul.f32 v4, v12  }
0x20d: {  	v4 =	vld [tilespmem:s23+$0xFFFFFEA0];
	[tilespmem:s28+$0x20] =	vst v3;
	v3 =	vmul.f32 v18, v5  }
0x20e: {  	v5 =	vld [tilespmem:s23+$0xFFFFFF20];
	[tilespmem:s28+$0x30] =	vst v2;
	v2 =	vmul.f32 v8, v6  }
0x20f: {  	v6 =	vld [tilespmem:s23+$0xFFFFFFA0];
	[tilespmem:s28+$0xA0] =	vst v3;
	v3 =	vmul.f32 v20, v9  }
0x210: {  	v8 =	vld [tilespmem:s23+$0x20];
	[tilespmem:s28+$0xB0] =	vst v2;
	v2 =	vmul.f32 v11, v7  }
0x211: {  	v7 =	vshll.u32 v10, $0x10;
	v9 =	vand.u32 $0xFFFF0000, v10;
	v10 =	vld [tilespmem:s23+$0xA0];
	[tilespmem:s28+$0x120] =	vst v3  }
0x212: {  	v3 =	vld [tilespmem:s28+$0xFFFFFE40];
	v11 =	vshll.u32 v4, $0x10;
	v4 =	vand.u32 $0xFFFF0000, v4;
	[tilespmem:s28+$0x130] =	vst v2  }
0x213: {  	v2 =	vshll.u32 v5, $0x10;
	v5 =	vand.u32 $0xFFFF0000, v5;
	v12 =	vld [tilespmem:s23+$0x120]  }
0x214: {  	v13 =	vld [tilespmem:s28+$0xFFFFFE50];
	v14 =	vshll.u32 v6, $0x10;
	v6 =	vand.u32 $0xFFFF0000, v6  }
0x215: {  	v15 =	vld [tilespmem:s28+$0xFFFFFEC0];
	v16 =	vshll.u32 v8, $0x10;
	v8 =	vand.u32 $0xFFFF0000, v8  }
0x216: {  	v17 =	vld [tilespmem:s28+$0xFFFFFED0];
	v18 =	vshll.u32 v10, $0x10;
	v10 =	vand.u32 $0xFFFF0000, v10  }
0x217: {  	v3 =	vmul.f32 v7, v3;
	v7 =	vld [tilespmem:s28+$0xFFFFFF40]  }
0x218: {  	v19 =	vld [tilespmem:s28+$0xFFFFFF50];
	v20 =	vshll.u32 v12, $0x10;
	v12 =	vand.u32 $0xFFFF0000, v12  }
0x219: {  	[tilespmem:s28+$0xFFFFFE40] =	vst v3;
	v3 =	vmul.f32 v9, v13;
	v9 =	vld [tilespmem:s28+$0xFFFFFFC0]  }
0x21a: {  	v11 =	vmul.f32 v11, v15;
	v13 =	vld [tilespmem:s28+$0xFFFFFFD0]  }
0x21b: {  	[tilespmem:s28+$0xFFFFFE50] =	vst v3;
	v3 =	vmul.f32 v4, v17;
	v4 =	vld [tilespmem:s28+$0x40]  }
0x21c: {  	[tilespmem:s28+$0xFFFFFEC0] =	vst v11;
	v2 =	vmul.f32 v2, v7;
	v7 =	vld [tilespmem:s28+$0x50]  }
0x21d: {  	[tilespmem:s28+$0xFFFFFED0] =	vst v3;
	v3 =	vmul.f32 v5, v19;
	v5 =	vld [tilespmem:s28+$0xC0]  }
0x21e: {  	[tilespmem:s28+$0xFFFFFF40] =	vst v2;
	v2 =	vmul.f32 v14, v9;
	v9 =	vld [tilespmem:s28+$0xD0]  }
0x21f: {  	[tilespmem:s28+$0xFFFFFF50] =	vst v3;
	v3 =	vmul.f32 v6, v13;
	v6 =	vld [tilespmem:s28+$0x140]  }
0x220: {  	[tilespmem:s28+$0xFFFFFFC0] =	vst v2;
	v2 =	vmul.f32 v16, v4;
	v4 =	vld [tilespmem:s28+$0x150]  }
0x221: {  	v11 =	vld [tilespmem:s23+$0xFFFFFE30];
	[tilespmem:s28+$0xFFFFFFD0] =	vst v3;
	v3 =	vmul.f32 v8, v7  }
0x222: {  	v7 =	vld [tilespmem:s23+$0xFFFFFEB0];
	[tilespmem:s28+$0x40] =	vst v2;
	v2 =	vmul.f32 v18, v5  }
0x223: {  	v5 =	vld [tilespmem:s23+$0xFFFFFF30];
	[tilespmem:s28+$0x50] =	vst v3;
	v3 =	vmul.f32 v10, v9  }
0x224: {  	v8 =	vld [tilespmem:s23+$0xFFFFFFB0];
	[tilespmem:s28+$0xC0] =	vst v2;
	v2 =	vmul.f32 v20, v6  }
0x225: {  	v6 =	vld [tilespmem:s23+$0x30];
	[tilespmem:s28+$0xD0] =	vst v3;
	v3 =	vmul.f32 v12, v4  }
0x226: {  	v4 =	vshll.u32 v11, $0x10;
	v9 =	vand.u32 $0xFFFF0000, v11;
	v10 =	vld [tilespmem:s23+$0xB0];
	[tilespmem:s28+$0x140] =	vst v2  }
0x227: {  	v2 =	vld [tilespmem:s28+$0xFFFFFE60];
	v11 =	vshll.u32 v7, $0x10;
	v7 =	vand.u32 $0xFFFF0000, v7;
	[tilespmem:s28+$0x150] =	vst v3  }
0x228: {  	v12 =	vshll.u32 v5, $0x10;
	v13 =	vand.u32 $0xFFFF0000, v5;
	v14 =	vld [tilespmem:s23+$0x130]  }
0x229: {  	v15 =	vld [tilespmem:s28+$0xFFFFFE70];
	v16 =	vshll.u32 v8, $0x10;
	v8 =	vand.u32 $0xFFFF0000, v8  }
0x22a: {  	v17 =	vld [tilespmem:s28+$0xFFFFFEE0];
	v18 =	vshll.u32 v6, $0x10;
	v19 =	vand.u32 $0xFFFF0000, v6  }
0x22b: {  	v6 =	vld [tilespmem:s28+$0xFFFFFEF0];
	v5 =	vshll.u32 v10, $0x10;
	v3 =	vand.u32 $0xFFFF0000, v10  }
0x22c: {  	v10 =	vmul.f32 v4, v2;
	v20 =	vld [tilespmem:s28+$0xFFFFFF60]  }
0x22d: {  	v21 =	vld [tilespmem:s28+$0xFFFFFF70];
	v4 =	vshll.u32 v14, $0x10;
	v2 =	vand.u32 $0xFFFF0000, v14  }
0x22e: {  	[tilespmem:s28+$0xFFFFFE60] =	vst v10;
	v9 =	vmul.f32 v9, v15;
	v10 =	vld [tilespmem:s28+$0xFFFFFFE0]  }
0x22f: {  	v11 =	vmul.f32 v11, v17;
	v14 =	vld [tilespmem:s28+$0xFFFFFFF0]  }
0x230: {  	[tilespmem:s28+$0xFFFFFE70] =	vst v9;
	v6 =	vmul.f32 v7, v6;
	v9 =	vld [tilespmem:s28+$0x60]  }
0x231: {  	[tilespmem:s28+$0xFFFFFEE0] =	vst v11;
	v7 =	vmul.f32 v12, v20;
	v11 =	vld [tilespmem:s28+$0x70]  }
.Ltmp4:
0x232: {  	[tilespmem:s28+$0xFFFFFEF0] =	vst v6;
	v12 =	vmul.f32 v13, v21;
	v6 =	vld [tilespmem:s28+$0xE0];
	(pc) =	sbr.rel @p3 .LBB2_7-.Ltmp4, $4  }
0x233: {  	[tilespmem:s28+$0xFFFFFF60] =	vst v7;
	v10 =	vmul.f32 v16, v10;
	v7 =	vld [tilespmem:s28+$0xF0]  }
0x234: {  	[tilespmem:s28+$0xFFFFFF70] =	vst v12;
	v13 =	vmul.f32 v8, v14;
	v8 =	vld [tilespmem:s28+$0x160]  }
0x235: {  	[tilespmem:s28+$0xFFFFFFE0] =	vst v10;
	v12 =	vmul.f32 v18, v9;
	v9 =	vld [tilespmem:s28+$0x170]  }
0x236: {  	s23 =	sadd.s32 $0x400, s23;
	[tilespmem:s28+$0xFFFFFFF0] =	vst v13;
	v11 =	vmul.f32 v19, v11;
	v10 =	vld [tilespmem:s28+$0x1E0]  }
0x237: {  	[tilespmem:s26+$0x60] =	vst v12;
	v5 =	vmul.f32 v5, v6  }
0x238: {  	[tilespmem:s26+$0x70] =	vst v11;
	v3 =	vmul.f32 v3, v7  }
0x239: {  	[tilespmem:s26+$0xE0] =	vst v5;
	v4 =	vmul.f32 v4, v8  }
0x23a: {  	[tilespmem:s26+$0xF0] =	vst v3;
	v2 =	vmul.f32 v2, v9  }
0x23b: {  	p3 =	sgt.u32 s31, $0x7A;
	[tilespmem:s26+$0x160] =	vst v4;
	v1 =	vmul.f32 v1, v10  }
0x23c: {  	s8 =	sadd.s32 @!p3 s12, s31;
	[tilespmem:s26+$0x170] =	vst v2  }
0x23d: {  	s30 =	sadd.s32 $0x1, s30;
	s8 =	sshll.u32 @!p3 s8, $0x5;
	[tilespmem:s26+$0x1E0] =	vst v1  }
0x23e: {  	[spmem:s2] =	stream.indirect.scatter.add.f32 [tilespmem:s13], [sflag:$0x6], $0x80, s25, s4, $0xb8;
	[tilespmem:$0x1F280] =	vst v63  }
0x23f: {  	s23 =	simm.s32 @!p3 $0x0;
	s8 =	sadd.s32 @!p3 s8, s22;
	s26 =	simm.s32 @!p3 $0x100  }
0x240: {  	[tilespmem:s26], [sflag:$0x8] =	stream.linear.gather @!p3 [hbm4b:s8+s23], $0x100, $0x38;
	[tilespmem:$0x1F280] =	vst v63  }
0x241: {  	p3 =	sne.s32 s30, $0x3E  }
.Ltmp5:
0x242: {  	_ = 	snop;
	(pc) =	sbr.rel @p3 .LBB2_4-.Ltmp5, $1  }
0x243: {  	_ =	sdelay $0x3  }
0x244: {  	_ =	swait.ge [sflag:s15], $0x2800  }
0x245: {  	[sflag:s15] =	ssyncset.done $0x0  }
0x246: {  	[sflag:s15] =	ssyncadd.s32 $0xFFFFD800  }
0x247: {  	_ =	swait.ge [sflag:s16], $0x2800  }
0x248: {  	[sflag:s16] =	ssyncset.done $0x0  }
0x249: {  	s8 =	simm.s32 $0x5400;
	[sflag:s16] =	ssyncadd.s32 $0xFFFFD800  }
0x24a: {  	s26 =	simm.s32 $0x400;
	v1 =	vld [tilespmem:s8+$0x180]  }
0x24b: {  	v2 =	vld [tilespmem:s26+$0x180]  }
0x24c: {  	v3 =	vld [tilespmem:s26+$0x190]  }
0x24d: {  	v4 =	vld [tilespmem:s8+$0xFFFFFE80]  }
0x24e: {  	v5 =	vld [tilespmem:s8+$0xFFFFFF00]  }
0x24f: {  	v6 =	vld [tilespmem:s8+$0xFFFFFF80]  }
0x250: {  	v8 =	vld [tilespmem:s8+$0x0];
	v7 =	vshll.u32 v1, $0x10  }
0x251: {  	v9 =	vld [tilespmem:s26+$0x1A0];
	v1 =	vand.u32 $0xFFFF0000, v1;
	v2 =	vmul.f32 v7, v2  }
0x252: {  	v10 =	vld [tilespmem:s26+$0x1B0];
	v1 =	vmul.f32 v1, v3  }
0x253: {  	v11 =	vld [tilespmem:s26+$0xFFFFFE00];
	[tilespmem:s26+$0x180] =	vst v2  }
0x254: {  	v12 =	vld [tilespmem:s26+$0xFFFFFE10];
	[tilespmem:s26+$0x190] =	vst v1  }
0x255: {  	v1 =	vld [tilespmem:s8+$0x190]  }
0x256: {  	v13 =	vld [tilespmem:s26+$0xFFFFFE80]  }
0x257: {  	v15 =	vld [tilespmem:s26+$0xFFFFFE90]  }
0x258: {  	v16 =	vld [tilespmem:s26+$0xFFFFFF80]  }
0x259: {  	v2 =	vld [tilespmem:s8+$0xFFFFFE00]  }
0x25a: {  	v63 =	vld [tilespmem:s26+$0xFFFFFFF0];
	v14 =	vshll.u32 v1, $0x10  }
0x25b: {  	v7 =	vld [tilespmem:s8+$0x80];
	v1 =	vand.u32 $0xFFFF0000, v1;
	v9 =	vmul.f32 v14, v9  }
0x25c: {  	v3 =	vld [tilespmem:s8+$0x100];
	v1 =	vmul.f32 v1, v10  }
0x25d: {  	v14 =	vld [tilespmem:s26+$0xFFFFFF00];
	[tilespmem:s26+$0x1A0] =	vst v9  }
0x25e: {  	v10 =	vld [tilespmem:s26+$0xFFFFFF10];
	v9 =	vshll.u32 v2, $0x10;
	[tilespmem:s26+$0x1B0] =	vst v1  }
0x25f: {  	v1 =	vand.u32 $0xFFFF0000, v2;
	v2 =	vmul.f32 v9, v11;
	v9 =	vld [tilespmem:s8+$0x1A0]  }
0x260: {  	v11 =	vshll.u32 v4, $0x10;
	v1 =	vmul.f32 v1, v12;
	v12 =	vld [tilespmem:s26+$0x1C0]  }
0x261: {  	v4 =	vand.u32 $0xFFFF0000, v4;
	[tilespmem:s26+$0xFFFFFE00] =	vst v2;
	v2 =	vmul.f32 v11, v13;
	v11 =	vld [tilespmem:s26+$0x1D0]  }
0x262: {  	[tilespmem:s26+$0xFFFFFE10] =	vst v1;
	v1 =	vmul.f32 v4, v15;
	v4 =	vld [tilespmem:s26+$0xFFFFFF90]  }
0x263: {  	v13 =	vshll.u32 v5, $0x10;
	v15 =	vld [tilespmem:s26+$0xFFFFFF20]  }
0x264: {  	v5 =	vand.u32 $0xFFFF0000, v5;
	[tilespmem:s26+$0xFFFFFE80] =	vst v2;
	v2 =	vmul.f32 v13, v14;
	v13 =	vld [tilespmem:s26+$0x0]  }
0x265: {  	[tilespmem:s26+$0xFFFFFE90] =	vst v1;
	v1 =	vmul.f32 v5, v10;
	v5 =	vld [tilespmem:s26+$0x10]  }
0x266: {  	v14 =	vld [tilespmem:s26+$0x80];
	v10 =	vshll.u32 v9, $0x10  }
0x267: {  	[tilespmem:s26+$0xFFFFFF00] =	vst v2;
	v2 =	vand.u32 $0xFFFF0000, v9;
	v9 =	vmul.f32 v10, v12;
	v10 =	vshll.u32 v6, $0x10;
	v12 =	vld [tilespmem:s26+$0x90]  }
0x268: {  	[tilespmem:s26+$0xFFFFFF10] =	vst v1;
	v1 =	vmul.f32 v2, v11;
	v2 =	vand.u32 $0xFFFF0000, v6;
	v6 =	vmul.f32 v10, v16;
	v10 =	vld [tilespmem:s26+$0x100]  }
0x269: {  	v11 =	vld [tilespmem:s26+$0xFFFFFE30]  }
0x26a: {  	[tilespmem:s26+$0x1C0] =	vst v9;
	v9 =	vshll.u32 v8, $0x10;
	v2 =	vmul.f32 v2, v4;
	v4 =	vld [tilespmem:s26+$0x110];
	v8 =	vand.u32 $0xFFFF0000, v8  }
0x26b: {  	[tilespmem:s26+$0x1D0] =	vst v1;
	v5 =	vmul.f32 v8, v5;
	v8 =	vld [tilespmem:s8+$0xFFFFFE10]  }
0x26c: {  	[tilespmem:s26+$0xFFFFFF80] =	vst v6;
	v6 =	vmul.f32 v9, v13;
	v13 =	vld [tilespmem:s26+$0xFFFFFEB0]  }
0x26d: {  	v1 =	vld [tilespmem:s8+$0x1B0];
	[tilespmem:s26+$0xFFFFFF90] =	vst v2  }
0x26e: {  	v9 =	vshll.u32 v7, $0x10;
	v7 =	vand.u32 $0xFFFF0000, v7;
	v2 =	vld [tilespmem:s26+$0x1F0];
	[tilespmem:s26+$0x0] =	vst v6  }
0x26f: {  	v6 =	vmul.f32 v9, v14;
	[tilespmem:s26+$0x10] =	vst v5;
	v5 =	vmul.f32 v7, v12;
	v7 =	vld [tilespmem:s8+$0xFFFFFE90]  }
0x270: {  	v9 =	vshll.u32 v3, $0x10;
	v12 =	vld [tilespmem:s26+$0xFFFFFEA0]  }
0x271: {  	[tilespmem:s26+$0x80] =	vst v6;
	v6 =	vmul.f32 v9, v10;
	v9 =	vld [tilespmem:s8+$0xFFFFFF10]  }
0x272: {  	v3 =	vand.u32 $0xFFFF0000, v3;
	v10 =	vld [tilespmem:s26+$0xFFFFFE20]  }
0x273: {  	v3 =	vmul.f32 v3, v4;
	v4 =	vld [tilespmem:s8+$0xFFFFFF90]  }
0x274: {  	[tilespmem:s26+$0x90] =	vst v5;
	v5 =	vld [tilespmem:s8+$0x10]  }
0x275: {  	v14 =	vshll.u32 v8, $0x10;
	v8 =	vand.u32 $0xFFFF0000, v8;
	[tilespmem:s26+$0x110] =	vst v3;
	v3 =	vld [tilespmem:s8+$0x90]  }
0x276: {  	v8 =	vmul.f32 v8, v11;
	v11 =	vld [tilespmem:s26+$0xFFFFFFA0]  }
0x277: {  	[tilespmem:s26+$0x100] =	vst v6;
	v10 =	vmul.f32 v14, v10;
	v14 =	vld [tilespmem:s26+$0xFFFFFF30]  }
0x278: {  	v6 =	vld [tilespmem:s8+$0x110];
	v59 =	vshll.u32 v7, $0x10;
	[tilespmem:s26+$0xFFFFFE30] =	vst v8  }
0x279: {  	v7 =	vand.u32 $0xFFFF0000, v7;
	v8 =	vld [tilespmem:s26+$0x20];
	[tilespmem:s26+$0xFFFFFE20] =	vst v10;
	v10 =	vmul.f32 v59, v12  }
0x27a: {  	v7 =	vmul.f32 v7, v13;
	v13 =	vld [tilespmem:s26+$0x30];
	v60 =	vshll.u32 v9, $0x10  }
0x27b: {  	v9 =	vand.u32 $0xFFFF0000, v9;
	v12 =	vld [tilespmem:s26+$0xFFFFFFB0];
	[tilespmem:s26+$0xFFFFFEA0] =	vst v10;
	v10 =	vmul.f32 v60, v15  }
0x27c: {  	[tilespmem:s26+$0xFFFFFEB0] =	vst v7;
	v15 =	vshll.u32 v4, $0x10;
	v7 =	vmul.f32 v9, v14;
	v9 =	vld [tilespmem:s26+$0xA0]  }
0x27d: {  	v14 =	vshll.u32 v5, $0x10;
	[tilespmem:s26+$0xFFFFFF20] =	vst v10;
	v10 =	vmul.f32 v15, v11;
	v11 =	vld [tilespmem:s26+$0xB0]  }
0x27e: {  	v8 =	vmul.f32 v14, v8;
	v14 =	vld [tilespmem:s8+$0xFFFFFE20]  }
0x27f: {  	v4 =	vand.u32 $0xFFFF0000, v4;
	v15 =	vld [tilespmem:s26+$0xFFFFFF40]  }
0x280: {  	[tilespmem:s26+$0xFFFFFF30] =	vst v7;
	v4 =	vmul.f32 v4, v12;
	v7 =	vld [tilespmem:s26+$0x120]  }
0x281: {  	v5 =	vand.u32 $0xFFFF0000, v5;
	[tilespmem:s26+$0xFFFFFFA0] =	vst v10;
	v10 =	vld [tilespmem:s26+$0x130]  }
0x282: {  	v12 =	vshll.u32 v3, $0x10;
	[tilespmem:s26+$0xFFFFFFB0] =	vst v4;
	v4 =	vmul.f32 v5, v13;
	v5 =	vld [tilespmem:s8+$0xFFFFFEA0]  }
0x283: {  	[tilespmem:s26+$0x20] =	vst v8;
	v8 =	vmul.f32 v12, v9;
	v12 =	vld [tilespmem:s8+$0xFFFFFF20]  }
0x284: {  	v3 =	vand.u32 $0xFFFF0000, v3;
	v9 =	vshll.u32 v6, $0x10;
	[tilespmem:s26+$0x30] =	vst v4;
	v4 =	vand.u32 $0xFFFF0000, v6;
	v6 =	vld [tilespmem:s8+$0xFFFFFFA0]  }
0x285: {  	v3 =	vmul.f32 v3, v11;
	v11 =	vld [tilespmem:s26+$0xFFFFFED0];
	v7 =	vmul.f32 v9, v7  }
0x286: {  	[tilespmem:s26+$0xA0] =	vst v8;
	v8 =	vld [tilespmem:s8+$0x20]  }
0x287: {  	[tilespmem:s26+$0x120] =	vst v7;
	v7 =	vld [tilespmem:s26+$0xFFFFFE40]  }
0x288: {  	v9 =	vld [tilespmem:s26+$0xFFFFFE50];
	[tilespmem:s26+$0xB0] =	vst v3;
	v3 =	vmul.f32 v4, v10  }
0x289: {  	v10 =	vld [tilespmem:s26+$0xFFFFFEC0]  }
0x28a: {  	v4 =	vld [tilespmem:s8+$0xA0];
	[tilespmem:s26+$0x130] =	vst v3  }
0x28b: {  	v13 =	vshll.u32 v14, $0x10;
	v61 =	vshll.u32 v5, $0x10;
	v5 =	vand.u32 $0xFFFF0000, v5;
	v3 =	vld [tilespmem:s8+$0x120]  }
0x28c: {  	v5 =	vmul.f32 v5, v11;
	v7 =	vmul.f32 v13, v7;
	v13 =	vld [tilespmem:s26+$0xFFFFFF50]  }
0x28d: {  	v14 =	vand.u32 $0xFFFF0000, v14;
	v62 =	vshll.u32 v12, $0x10;
	v11 =	vand.u32 $0xFFFF0000, v12;
	v12 =	vld [tilespmem:s26+$0x50]  }
0x28e: {  	v9 =	vmul.f32 v14, v9;
	v14 =	vld [tilespmem:s26+$0xFFFFFFC0];
	[tilespmem:s26+$0xFFFFFED0] =	vst v5  }
0x28f: {  	[tilespmem:s26+$0xFFFFFE40] =	vst v7;
	v7 =	vmul.f32 v61, v10;
	v10 =	vld [tilespmem:s26+$0xFFFFFFD0]  }
0x290: {  	[tilespmem:s26+$0xFFFFFE50] =	vst v9;
	v9 =	vld [tilespmem:s26+$0x40]  }
0x291: {  	[tilespmem:s26+$0xFFFFFEC0] =	vst v7;
	v7 =	vmul.f32 v62, v15;
	v5 =	vmul.f32 v11, v13;
	v11 =	vld [tilespmem:s26+$0xC0]  }
0x292: {  	v15 =	vshll.u32 v6, $0x10;
	v13 =	vld [tilespmem:s26+$0xD0]  }
0x293: {  	v6 =	vand.u32 $0xFFFF0000, v6;
	[tilespmem:s26+$0xFFFFFF40] =	vst v7;
	v7 =	vmul.f32 v15, v14;
	v15 =	vld [tilespmem:s26+$0xFFFFFF60]  }
0x294: {  	v14 =	vshll.u32 v8, $0x10;
	[tilespmem:s26+$0xFFFFFF50] =	vst v5;
	v5 =	vmul.f32 v6, v10;
	v6 =	vld [tilespmem:s26+$0x140]  }
0x295: {  	[tilespmem:s26+$0xFFFFFFC0] =	vst v7;
	v7 =	vmul.f32 v14, v9;
	v9 =	vld [tilespmem:s26+$0x150]  }
0x296: {  	v8 =	vand.u32 $0xFFFF0000, v8;
	v14 =	vld [tilespmem:s8+$0xFFFFFE30]  }
0x297: {  	v10 =	vshll.u32 v4, $0x10;
	[tilespmem:s26+$0xFFFFFFD0] =	vst v5;
	v5 =	vmul.f32 v8, v12;
	v8 =	vld [tilespmem:s8+$0xFFFFFEB0]  }
0x298: {  	v4 =	vand.u32 $0xFFFF0000, v4;
	[tilespmem:s26+$0x40] =	vst v7;
	v7 =	vmul.f32 v10, v11;
	v10 =	vshll.u32 v3, $0x10;
	v11 =	vld [tilespmem:s8+$0xFFFFFF30]  }
0x299: {  	v4 =	vmul.f32 v4, v13;
	v3 =	vand.u32 $0xFFFF0000, v3;
	v13 =	vld [tilespmem:s26+$0xFFFFFEF0];
	v6 =	vmul.f32 v10, v6  }
0x29a: {  	[tilespmem:s26+$0x50] =	vst v5;
	v5 =	vld [tilespmem:s8+$0xFFFFFFB0];
	v3 =	vmul.f32 v3, v9  }
0x29b: {  	[tilespmem:s26+$0x140] =	vst v6;
	v6 =	vld [tilespmem:s26+$0xFFFFFE60]  }
0x29c: {  	[tilespmem:s26+$0x150] =	vst v3;
	v3 =	vld [tilespmem:s26+$0xFFFFFE70]  }
0x29d: {  	[tilespmem:s26+$0xC0] =	vst v7;
	v7 =	vld [tilespmem:s26+$0xFFFFFEE0]  }
0x29e: {  	v10 =	vld [tilespmem:s8+$0x30];
	[tilespmem:s26+$0xD0] =	vst v4;
	v9 =	vand.u32 $0xFFFF0000, v1  }
0x29f: {  	v4 =	vld [tilespmem:s8+$0xB0];
	v2 =	vmul.f32 v9, v2;
	v9 =	vshll.u32 v14, $0x10  }
0x2a0: {  	v14 =	vand.u32 $0xFFFF0000, v14;
	v6 =	vmul.f32 v9, v6;
	v9 =	vld [tilespmem:s26+$0xFFFFFF70]  }
0x2a1: {  	[tilespmem:s26+$0x1F0] =	vst v2;
	v2 =	vshll.u32 v8, $0x10;
	v3 =	vmul.f32 v14, v3;
	v14 =	vld [tilespmem:s26+$0xFFFFFFE0]  }
0x2a2: {  	v12 =	vld [tilespmem:s8+$0x130];
	v8 =	vand.u32 $0xFFFF0000, v8;
	v2 =	vmul.f32 v2, v7;
	[tilespmem:s26+$0xFFFFFE60] =	vst v6  }
0x2a3: {  	v6 =	vshll.u32 v11, $0x10;
	[tilespmem:s26+$0xFFFFFE70] =	vst v3;
	v3 =	vmul.f32 v8, v13;
	v13 =	vld [tilespmem:s26+$0x60]  }
0x2a4: {  	v7 =	vand.u32 $0xFFFF0000, v11;
	[tilespmem:s26+$0xFFFFFEE0] =	vst v2;
	v11 =	vld [tilespmem:s26+$0x70];
	v2 =	vmul.f32 v6, v15  }
0x2a5: {  	v8 =	vshll.u32 v5, $0x10;
	v6 =	vld [tilespmem:s26+$0xE0];
	v5 =	vand.u32 $0xFFFF0000, v5;
	[tilespmem:s26+$0xFFFFFEF0] =	vst v3;
	v3 =	vmul.f32 v7, v9  }
0x2a6: {  	v15 =	vmul.f32 v5, v63;
	v5 =	vshll.u32 v4, $0x10;
	[tilespmem:s26+$0xFFFFFF60] =	vst v2;
	v7 =	vld [tilespmem:s26+$0xF0];
	v2 =	vmul.f32 v8, v14  }
0x2a7: {  	v14 =	vshll.u32 v10, $0x10;
	v10 =	vand.u32 $0xFFFF0000, v10;
	v8 =	vld [tilespmem:s26+$0x160];
	[tilespmem:s26+$0xFFFFFF70] =	vst v3;
	v3 =	vand.u32 $0xFFFF0000, v4  }
0x2a8: {  	v9 =	vld [tilespmem:s26+$0x170];
	v4 =	vshll.u32 v12, $0x10;
	[tilespmem:s26+$0xFFFFFFE0] =	vst v2;
	v2 =	vand.u32 $0xFFFF0000, v12;
	v12 =	vmul.f32 v14, v13  }
0x2a9: {  	s23 =	simm.s32 $0x5800;
	s28 =	simm.s32 $0x400;
	v1 =	vshll.u32 v1, $0x10;
	s8 =	simm.s32 $0x0;
	[tilespmem:s26+$0xFFFFFFF0] =	vst v15;
	v11 =	vmul.f32 v10, v11;
	v10 =	vld [tilespmem:s26+$0x1E0]  }
.LBB2_10:
0x2aa: {  	v13 =	vld [tilespmem:s23+$0x180];
	[tilespmem:s26+$0x60] =	vst v12;
	v5 =	vmul.f32 v5, v6;
	s28 =	sadd.s32 $0x400, s28  }
0x2ab: {  	v6 =	vld [tilespmem:s28+$0x180];
	[tilespmem:s26+$0x70] =	vst v11;
	v3 =	vmul.f32 v3, v7  }
0x2ac: {  	v7 =	vld [tilespmem:s28+$0x190];
	[tilespmem:s26+$0xE0] =	vst v5;
	v4 =	vmul.f32 v4, v8  }
0x2ad: {  	s8 =	sadd.s32 $0x8, s8;
	v5 =	vld [tilespmem:s23+$0xFFFFFE80];
	[tilespmem:s26+$0xF0] =	vst v3;
	v2 =	vmul.f32 v2, v9  }
0x2ae: {  	p3 =	slt.u32 s8, $0x48;
	v3 =	vld [tilespmem:s23+$0xFFFFFF00];
	[tilespmem:s26+$0x160] =	vst v4;
	v1 =	vmul.f32 v1, v10  }
0x2af: {  	v4 =	vld [tilespmem:s23+$0xFFFFFF80];
	v8 =	vshll.u32 v13, $0x10;
	[tilespmem:s26+$0x170] =	vst v2  }
0x2b0: {  	v9 =	vand.u32 $0xFFFF0000, v13;
	v2 =	vld [tilespmem:s23+$0x0];
	v6 =	vmul.f32 v8, v6;
	[tilespmem:s26+$0x1E0] =	vst v1;
	s26 =	smov.u32 s28  }
0x2b1: {  	v1 =	vld [tilespmem:s23+$0x80];
	v7 =	vmul.f32 v9, v7  }
0x2b2: {  	v8 =	vshll.u32 v5, $0x10;
	v5 =	vand.u32 $0xFFFF0000, v5;
	v9 =	vld [tilespmem:s23+$0x100];
	[tilespmem:s28+$0x180] =	vst v6  }
0x2b3: {  	v6 =	vld [tilespmem:s23+$0xFFFFFE00];
	v10 =	vshll.u32 v3, $0x10;
	v3 =	vand.u32 $0xFFFF0000, v3;
	[tilespmem:s28+$0x190] =	vst v7  }
0x2b4: {  	v7 =	vshll.u32 v4, $0x10;
	v4 =	vand.u32 $0xFFFF0000, v4;
	v11 =	vld [tilespmem:s23+$0x190]  }
0x2b5: {  	v12 =	vshll.u32 v2, $0x10;
	v2 =	vand.u32 $0xFFFF0000, v2;
	v13 =	vld [tilespmem:s28+$0x1A0]  }
0x2b6: {  	v14 =	vshll.u32 v1, $0x10;
	v1 =	vand.u32 $0xFFFF0000, v1;
	v15 =	vld [tilespmem:s28+$0x1B0]  }
0x2b7: {  	v16 =	vld [tilespmem:s28+$0xFFFFFE00];
	v17 =	vshll.u32 v9, $0x10;
	v9 =	vand.u32 $0xFFFF0000, v9  }
0x2b8: {  	v18 =	vshll.u32 v6, $0x10;
	v6 =	vand.u32 $0xFFFF0000, v6;
	v19 =	vld [tilespmem:s28+$0xFFFFFE10]  }
0x2b9: {  	v20 =	vld [tilespmem:s28+$0xFFFFFE80];
	v21 =	vshll.u32 v11, $0x10  }
0x2ba: {  	v11 =	vand.u32 $0xFFFF0000, v11;
	v22 =	vld [tilespmem:s28+$0xFFFFFE90];
	v13 =	vmul.f32 v21, v13  }
0x2bb: {  	v21 =	vld [tilespmem:s28+$0xFFFFFF00];
	v11 =	vmul.f32 v11, v15  }
0x2bc: {  	v15 =	vmul.f32 v18, v16;
	v16 =	vld [tilespmem:s28+$0xFFFFFF10];
	[tilespmem:s28+$0x1A0] =	vst v13  }
0x2bd: {  	v6 =	vmul.f32 v6, v19;
	v13 =	vld [tilespmem:s28+$0xFFFFFF80];
	[tilespmem:s28+$0x1B0] =	vst v11  }
0x2be: {  	[tilespmem:s28+$0xFFFFFE00] =	vst v15;
	v8 =	vmul.f32 v8, v20;
	v11 =	vld [tilespmem:s23+$0x1A0]  }
0x2bf: {  	[tilespmem:s28+$0xFFFFFE10] =	vst v6;
	v5 =	vmul.f32 v5, v22;
	v6 =	vld [tilespmem:s28+$0x1C0]  }
0x2c0: {  	[tilespmem:s28+$0xFFFFFE80] =	vst v8;
	v8 =	vmul.f32 v10, v21;
	v10 =	vld [tilespmem:s28+$0x1D0]  }
0x2c1: {  	[tilespmem:s28+$0xFFFFFE90] =	vst v5;
	v3 =	vmul.f32 v3, v16;
	v5 =	vld [tilespmem:s28+$0xFFFFFF90]  }
0x2c2: {  	[tilespmem:s28+$0xFFFFFF00] =	vst v8;
	v7 =	vmul.f32 v7, v13;
	v8 =	vld [tilespmem:s28+$0x0]  }
0x2c3: {  	[tilespmem:s28+$0xFFFFFF10] =	vst v3;
	v3 =	vld [tilespmem:s28+$0x10];
	v13 =	vshll.u32 v11, $0x10  }
0x2c4: {  	v11 =	vand.u32 $0xFFFF0000, v11;
	[tilespmem:s28+$0xFFFFFF80] =	vst v7;
	v7 =	vld [tilespmem:s28+$0x80];
	v6 =	vmul.f32 v13, v6  }
0x2c5: {  	v13 =	vld [tilespmem:s28+$0x90];
	v10 =	vmul.f32 v11, v10  }
0x2c6: {  	v4 =	vmul.f32 v4, v5;
	v5 =	vld [tilespmem:s28+$0x100];
	[tilespmem:s28+$0x1C0] =	vst v6  }
0x2c7: {  	v6 =	vmul.f32 v12, v8;
	v8 =	vld [tilespmem:s28+$0x110];
	[tilespmem:s28+$0x1D0] =	vst v10  }
0x2c8: {  	[tilespmem:s28+$0xFFFFFF90] =	vst v4;
	v2 =	vmul.f32 v2, v3;
	v3 =	vld [tilespmem:s23+$0x1B0]  }
0x2c9: {  	[tilespmem:s28+$0x0] =	vst v6;
	v4 =	vmul.f32 v14, v7;
	v6 =	vld [tilespmem:s28+$0x1F0]  }
0x2ca: {  	v7 =	vld [tilespmem:s23+$0xFFFFFE10];
	[tilespmem:s28+$0x10] =	vst v2;
	v1 =	vmul.f32 v1, v13  }
0x2cb: {  	v2 =	vld [tilespmem:s23+$0xFFFFFE90];
	[tilespmem:s28+$0x80] =	vst v4;
	v4 =	vmul.f32 v17, v5  }
0x2cc: {  	v5 =	vld [tilespmem:s23+$0xFFFFFF10];
	[tilespmem:s28+$0x90] =	vst v1;
	v8 =	vmul.f32 v9, v8  }
0x2cd: {  	v9 =	vld [tilespmem:s23+$0xFFFFFF90];
	[tilespmem:s28+$0x100] =	vst v4;
	v1 =	vshll.u32 v3, $0x10;
	v3 =	vand.u32 $0xFFFF0000, v3  }
0x2ce: {  	v4 =	vld [tilespmem:s23+$0x10];
	[tilespmem:s28+$0x110] =	vst v8;
	v3 =	vmul.f32 v3, v6  }
0x2cf: {  	v6 =	vshll.u32 v7, $0x10;
	v7 =	vand.u32 $0xFFFF0000, v7;
	v8 =	vld [tilespmem:s23+$0x90]  }
0x2d0: {  	v10 =	vshll.u32 v2, $0x10;
	v2 =	vand.u32 $0xFFFF0000, v2;
	v11 =	vld [tilespmem:s23+$0x110];
	[tilespmem:s28+$0x1F0] =	vst v3  }
0x2d1: {  	v3 =	vld [tilespmem:s28+$0xFFFFFE20];
	v12 =	vshll.u32 v5, $0x10;
	v5 =	vand.u32 $0xFFFF0000, v5  }
0x2d2: {  	v13 =	vld [tilespmem:s28+$0xFFFFFE30];
	v14 =	vshll.u32 v9, $0x10;
	v9 =	vand.u32 $0xFFFF0000, v9  }
0x2d3: {  	v15 =	vld [tilespmem:s28+$0xFFFFFEA0];
	v16 =	vshll.u32 v4, $0x10;
	v4 =	vand.u32 $0xFFFF0000, v4  }
0x2d4: {  	v17 =	vld [tilespmem:s28+$0xFFFFFEB0];
	v18 =	vshll.u32 v8, $0x10;
	v8 =	vand.u32 $0xFFFF0000, v8  }
0x2d5: {  	v19 =	vld [tilespmem:s28+$0xFFFFFF20];
	v20 =	vshll.u32 v11, $0x10;
	v11 =	vand.u32 $0xFFFF0000, v11  }
0x2d6: {  	v3 =	vmul.f32 v6, v3;
	v6 =	vld [tilespmem:s28+$0xFFFFFF30]  }
0x2d7: {  	v7 =	vmul.f32 v7, v13;
	v13 =	vld [tilespmem:s28+$0xFFFFFFA0]  }
0x2d8: {  	[tilespmem:s28+$0xFFFFFE20] =	vst v3;
	v3 =	vmul.f32 v10, v15;
	v10 =	vld [tilespmem:s28+$0xFFFFFFB0]  }
0x2d9: {  	[tilespmem:s28+$0xFFFFFE30] =	vst v7;
	v2 =	vmul.f32 v2, v17;
	v7 =	vld [tilespmem:s28+$0x20]  }
0x2da: {  	[tilespmem:s28+$0xFFFFFEA0] =	vst v3;
	v3 =	vmul.f32 v12, v19;
	v12 =	vld [tilespmem:s28+$0x30]  }
0x2db: {  	[tilespmem:s28+$0xFFFFFEB0] =	vst v2;
	v2 =	vmul.f32 v5, v6;
	v5 =	vld [tilespmem:s28+$0xA0]  }
0x2dc: {  	[tilespmem:s28+$0xFFFFFF20] =	vst v3;
	v3 =	vmul.f32 v14, v13;
	v6 =	vld [tilespmem:s28+$0xB0]  }
0x2dd: {  	[tilespmem:s28+$0xFFFFFF30] =	vst v2;
	v2 =	vmul.f32 v9, v10;
	v9 =	vld [tilespmem:s28+$0x120]  }
0x2de: {  	[tilespmem:s28+$0xFFFFFFA0] =	vst v3;
	v3 =	vmul.f32 v16, v7;
	v7 =	vld [tilespmem:s28+$0x130]  }
0x2df: {  	v10 =	vld [tilespmem:s23+$0xFFFFFE20];
	[tilespmem:s28+$0xFFFFFFB0] =	vst v2;
	v2 =	vmul.f32 v4, v12  }
0x2e0: {  	v4 =	vld [tilespmem:s23+$0xFFFFFEA0];
	[tilespmem:s28+$0x20] =	vst v3;
	v3 =	vmul.f32 v18, v5  }
0x2e1: {  	v5 =	vld [tilespmem:s23+$0xFFFFFF20];
	[tilespmem:s28+$0x30] =	vst v2;
	v2 =	vmul.f32 v8, v6  }
0x2e2: {  	v6 =	vld [tilespmem:s23+$0xFFFFFFA0];
	[tilespmem:s28+$0xA0] =	vst v3;
	v3 =	vmul.f32 v20, v9  }
0x2e3: {  	v8 =	vld [tilespmem:s23+$0x20];
	[tilespmem:s28+$0xB0] =	vst v2;
	v2 =	vmul.f32 v11, v7  }
0x2e4: {  	v7 =	vshll.u32 v10, $0x10;
	v9 =	vand.u32 $0xFFFF0000, v10;
	v10 =	vld [tilespmem:s23+$0xA0];
	[tilespmem:s28+$0x120] =	vst v3  }
0x2e5: {  	v3 =	vld [tilespmem:s28+$0xFFFFFE40];
	v11 =	vshll.u32 v4, $0x10;
	v4 =	vand.u32 $0xFFFF0000, v4;
	[tilespmem:s28+$0x130] =	vst v2  }
0x2e6: {  	v2 =	vshll.u32 v5, $0x10;
	v5 =	vand.u32 $0xFFFF0000, v5;
	v12 =	vld [tilespmem:s23+$0x120]  }
0x2e7: {  	v13 =	vld [tilespmem:s28+$0xFFFFFE50];
	v14 =	vshll.u32 v6, $0x10;
	v6 =	vand.u32 $0xFFFF0000, v6  }
0x2e8: {  	v15 =	vld [tilespmem:s28+$0xFFFFFEC0];
	v16 =	vshll.u32 v8, $0x10;
	v8 =	vand.u32 $0xFFFF0000, v8  }
0x2e9: {  	v17 =	vld [tilespmem:s28+$0xFFFFFED0];
	v18 =	vshll.u32 v10, $0x10;
	v10 =	vand.u32 $0xFFFF0000, v10  }
0x2ea: {  	v3 =	vmul.f32 v7, v3;
	v7 =	vld [tilespmem:s28+$0xFFFFFF40]  }
0x2eb: {  	v19 =	vld [tilespmem:s28+$0xFFFFFF50];
	v20 =	vshll.u32 v12, $0x10;
	v12 =	vand.u32 $0xFFFF0000, v12  }
0x2ec: {  	[tilespmem:s28+$0xFFFFFE40] =	vst v3;
	v3 =	vmul.f32 v9, v13;
	v9 =	vld [tilespmem:s28+$0xFFFFFFC0]  }
0x2ed: {  	v11 =	vmul.f32 v11, v15;
	v13 =	vld [tilespmem:s28+$0xFFFFFFD0]  }
0x2ee: {  	[tilespmem:s28+$0xFFFFFE50] =	vst v3;
	v3 =	vmul.f32 v4, v17;
	v4 =	vld [tilespmem:s28+$0x40]  }
0x2ef: {  	[tilespmem:s28+$0xFFFFFEC0] =	vst v11;
	v2 =	vmul.f32 v2, v7;
	v7 =	vld [tilespmem:s28+$0x50]  }
0x2f0: {  	[tilespmem:s28+$0xFFFFFED0] =	vst v3;
	v3 =	vmul.f32 v5, v19;
	v5 =	vld [tilespmem:s28+$0xC0]  }
0x2f1: {  	[tilespmem:s28+$0xFFFFFF40] =	vst v2;
	v2 =	vmul.f32 v14, v9;
	v9 =	vld [tilespmem:s28+$0xD0]  }
0x2f2: {  	[tilespmem:s28+$0xFFFFFF50] =	vst v3;
	v3 =	vmul.f32 v6, v13;
	v6 =	vld [tilespmem:s28+$0x140]  }
0x2f3: {  	[tilespmem:s28+$0xFFFFFFC0] =	vst v2;
	v2 =	vmul.f32 v16, v4;
	v4 =	vld [tilespmem:s28+$0x150]  }
0x2f4: {  	v11 =	vld [tilespmem:s23+$0xFFFFFE30];
	[tilespmem:s28+$0xFFFFFFD0] =	vst v3;
	v3 =	vmul.f32 v8, v7  }
0x2f5: {  	v7 =	vld [tilespmem:s23+$0xFFFFFEB0];
	[tilespmem:s28+$0x40] =	vst v2;
	v2 =	vmul.f32 v18, v5  }
0x2f6: {  	v5 =	vld [tilespmem:s23+$0xFFFFFF30];
	[tilespmem:s28+$0x50] =	vst v3;
	v3 =	vmul.f32 v10, v9  }
0x2f7: {  	v8 =	vld [tilespmem:s23+$0xFFFFFFB0];
	[tilespmem:s28+$0xC0] =	vst v2;
	v2 =	vmul.f32 v20, v6  }
0x2f8: {  	v6 =	vld [tilespmem:s23+$0x30];
	[tilespmem:s28+$0xD0] =	vst v3;
	v3 =	vmul.f32 v12, v4  }
0x2f9: {  	v4 =	vshll.u32 v11, $0x10;
	v9 =	vand.u32 $0xFFFF0000, v11;
	v10 =	vld [tilespmem:s23+$0xB0];
	[tilespmem:s28+$0x140] =	vst v2  }
0x2fa: {  	v2 =	vld [tilespmem:s28+$0xFFFFFE60];
	v11 =	vshll.u32 v7, $0x10;
	v7 =	vand.u32 $0xFFFF0000, v7;
	[tilespmem:s28+$0x150] =	vst v3  }
0x2fb: {  	v12 =	vshll.u32 v5, $0x10;
	v13 =	vand.u32 $0xFFFF0000, v5;
	v14 =	vld [tilespmem:s23+$0x130]  }
0x2fc: {  	v15 =	vld [tilespmem:s28+$0xFFFFFE70];
	v16 =	vshll.u32 v8, $0x10;
	v8 =	vand.u32 $0xFFFF0000, v8  }
0x2fd: {  	v17 =	vld [tilespmem:s28+$0xFFFFFEE0];
	v18 =	vshll.u32 v6, $0x10;
	v19 =	vand.u32 $0xFFFF0000, v6  }
0x2fe: {  	v6 =	vld [tilespmem:s28+$0xFFFFFEF0];
	v5 =	vshll.u32 v10, $0x10;
	v3 =	vand.u32 $0xFFFF0000, v10  }
0x2ff: {  	v10 =	vmul.f32 v4, v2;
	v20 =	vld [tilespmem:s28+$0xFFFFFF60]  }
0x300: {  	v21 =	vld [tilespmem:s28+$0xFFFFFF70];
	v4 =	vshll.u32 v14, $0x10;
	v2 =	vand.u32 $0xFFFF0000, v14  }
0x301: {  	[tilespmem:s28+$0xFFFFFE60] =	vst v10;
	v9 =	vmul.f32 v9, v15;
	v10 =	vld [tilespmem:s28+$0xFFFFFFE0]  }
0x302: {  	v11 =	vmul.f32 v11, v17;
	v14 =	vld [tilespmem:s28+$0xFFFFFFF0]  }
0x303: {  	[tilespmem:s28+$0xFFFFFE70] =	vst v9;
	v6 =	vmul.f32 v7, v6;
	v9 =	vld [tilespmem:s28+$0x60]  }
0x304: {  	[tilespmem:s28+$0xFFFFFEE0] =	vst v11;
	v7 =	vmul.f32 v12, v20;
	v11 =	vld [tilespmem:s28+$0x70]  }
.Ltmp6:
0x305: {  	[tilespmem:s28+$0xFFFFFEF0] =	vst v6;
	v12 =	vmul.f32 v13, v21;
	v6 =	vld [tilespmem:s28+$0xE0];
	(pc) =	sbr.rel @p3 .LBB2_10-.Ltmp6, $4  }
0x306: {  	[tilespmem:s28+$0xFFFFFF60] =	vst v7;
	v10 =	vmul.f32 v16, v10;
	v7 =	vld [tilespmem:s28+$0xF0]  }
0x307: {  	[tilespmem:s28+$0xFFFFFF70] =	vst v12;
	v13 =	vmul.f32 v8, v14;
	v8 =	vld [tilespmem:s28+$0x160]  }
0x308: {  	[tilespmem:s28+$0xFFFFFFE0] =	vst v10;
	v12 =	vmul.f32 v18, v9;
	v9 =	vld [tilespmem:s28+$0x170]  }
0x309: {  	s23 =	sadd.s32 $0x400, s23;
	[tilespmem:s28+$0xFFFFFFF0] =	vst v13;
	v11 =	vmul.f32 v19, v11;
	v10 =	vld [tilespmem:s28+$0x1E0]  }
0x30a: {  	[tilespmem:s26+$0x60] =	vst v12;
	v5 =	vmul.f32 v5, v6  }
0x30b: {  	[tilespmem:s26+$0x70] =	vst v11;
	v3 =	vmul.f32 v3, v7  }
0x30c: {  	[tilespmem:s26+$0xE0] =	vst v5;
	v4 =	vmul.f32 v4, v8  }
0x30d: {  	[tilespmem:s26+$0xF0] =	vst v3;
	v2 =	vmul.f32 v2, v9  }
0x30e: {  	[tilespmem:s26+$0x160] =	vst v4;
	v1 =	vmul.f32 v1, v10  }
0x30f: {  	[tilespmem:s26+$0x170] =	vst v2  }
0x310: {  	s8 =	simm.s32 $0x6;
	[tilespmem:s26+$0x1E0] =	vst v1  }
0x311: {  	[spmem:s2] =	stream.indirect.scatter.add.f32 [tilespmem:s9], [sflag:$0x5], $0x80, s17, s4, $0xb8;
	[tilespmem:$0x1F280] =	vst v63  }
0x312: {  	_ =	swait.ge [sflag:s8], $0x2800  }
0x313: {  	[sflag:s8] =	ssyncset.done $0x0  }
0x314: {  	[sflag:s8] =	ssyncadd.s32 $0xFFFFD800  }
0x315: {  	_ =	swait.ge [sflag:s18], $0x2800  }
.Ltmp7:
0x316: {  	[sflag:s18] =	ssyncset.done $0x0;
	(pc) =	sbr.rel @!p1 .LBB2_12-.Ltmp7, $4  }
0x317: {  	[sflag:s18] =	ssyncadd.s32 $0xFFFFD800  }
0x318: {  	s31 =	stileid.u32;
	[bflag:$0x0] =	sbarrier.arrive $0xFFFF  }
0x319: {  	s26 =	sshll.u32 s31, $0x6;
	s28 =	rddreg [dreg:$0x6]  }
0x31a: {  	s8 =	sor.u32 $0x1C0A, s26;
	s23 =	sshrl.u32 s28, $0x3  }
0x31b: {  	s8 =	sor.u32 $0x1C0A, s26;
	s30 =	rddreg [dreg:$0x13]  }
0x31c: {  	[hbm:s30], [sflag:s8] =	dma.local [spmem:s23], $0x2700  }
.Ltmp8:
0x31d: {  	_ = 	snop;
	(pc) =	sbr.rel @p0 .LBB2_15-.Ltmp8, $4  }
.Ltmp9:
0x31e: {  	s31 =	simm.s32 $0xA;
	(pc) =	sbr.rel @!p0 .LBB2_14-.Ltmp9, $4  }
0x31f: {  	_ =	swait.ge [sflag:s31], $0x2700  }
0x320: {  	[sflag:s31] =	ssyncset.done $0x0;
	s23 =	rddreg [dreg:$0x5]  }
0x321: {  	s29 =	rddreg [dreg:$0x1a];
	[sflag:s31] =	ssyncadd.s32 $0xFFFFD900  }
0x322: {  	_ = 	snop  }
.LBB2_12:
0x323: {  	s26 =	rddreg [dreg:$0x12]  }
0x324: {  	[hbm:s26], [sflag:s8] =	dma.local [spmem:s23], $0x2700  }
.Ltmp10:
0x325: {  	_ = 	snop;
	(pc) =	sbr.rel @!p2 .LBB2_15-.Ltmp10, $4  }
.Ltmp11:
0x326: {  	s31 =	simm.s32 $0xA;
	(pc) =	sbr.rel @p2 .LBB2_14-.Ltmp11, $4  }
0x327: {  	_ =	swait.ge [sflag:s31], $0x2700  }
0x328: {  	[sflag:s31] =	ssyncset.done $0x0;
	s23 =	rddreg [dreg:$0x4]  }
0x329: {  	s29 =	rddreg [dreg:$0x1a];
	[sflag:s31] =	ssyncadd.s32 $0xFFFFD900  }
0x32a: {  	_ = 	snop  }
.LBB2_16:
0x32b: {  	_ =	sfence.sel $0x180000  }
0x32c: {  	[bflag:$0x0] =	sbarrier.arrive $0xFFFF  }
0x32d: {  	_ =	strace $0x9000004A  }
0x32e: {  	[bflag:$0x2] =	sbarrier.arrive $0xFFFF  }
0x32f: {  	s0 =	rddreg [dreg:$0x3]  }
0x330: {  	s0 =	sadd.s32 @!p0 $0x100000, s0  }
0x331: {  	[sflag:s0] =	ssyncadd.tile.s32 @!p0 $0x1;
	_ =	shalt  }
.Lfunc_end2:
_tile_overlayer_lowered:
.L_overlay_start_2:
0x332: {  	(tag) =	ssettag $0x2  }
0x333: {  	s0 =	rddreg [dreg:$0x0];
	s2 =	stileid.u32  }
0x334: {  	s1 =	rddreg [dreg:$0x1];
	p0 =	sne.s32 s2, $0x0  }
0x335: {  	s3 =	rddreg [dreg:$0x2];
	[bflag:$0x3] =	sbarrier.arrive $0xFFFF;
	s2 =	simm.s32 @!p0 $0x1C0A  }
0x336: {  	[timem:s3], [sflag:s2] =	dma.local @!p0 [hbm:s0], s1  }
0x337: {  	s0 =	simm.s32 @!p0 $0xA  }
0x338: {  	_ =	swait.ge @!p0 [sflag:s0], s1  }
0x339: {  	s1 =	ssub.s32 @!p0 $0x0, s1;
	[sflag:s0] =	ssyncset.done @!p0 $0x0  }
0x33a: {  	[sflag:s0] =	ssyncadd.s32 @!p0 s1  }
0x33b: {  	[bflag:$0x3] =	sbarrier.arrive $0xFFFF  }
0x33c: {  	_ =	shalt  }

</sc_bundles>
